<compile_context>
chip_gen: v7x
topology: tpu7x:2x2x1
jax: 0.10.2.dev20260603
libtpu: 0.0.44.dev20260713+nightly
codegen_flags: <defaults>
</compile_context>

<pallas_src>
import functools

import jax
import jax.numpy as jnp
from jax import lax
from jax.experimental import pallas as pl
from jax.experimental.pallas import tpu as pltpu
from jax.experimental.pallas import tpu_sc as plsc

_CH = 125


@functools.lru_cache(maxsize=None)
def _make_deg(Nn, E):
    per_tile = E // 32
    nch = per_tile // _CH
    mesh = plsc.VectorSubcoreMesh(core_axis_name="c", subcore_axis_name="s")

    @functools.partial(
        pl.kernel,
        out_type=jax.ShapeDtypeStruct((2, Nn), jnp.float32),
        mesh=mesh,
        scratch_types=[
            pltpu.VMEM((nch, _CH), jnp.int32),
            pltpu.VMEM((128,), jnp.float32),
            pltpu.VMEM((Nn,), jnp.float32),
            pltpu.VMEM_SHARED((Nn,), jnp.float32),
        ],
    )
    def degk(dst_hbm, out_hbm, dst_v, ones_v, dvmem, dacc):
        c = lax.axis_index("c")
        s = lax.axis_index("s")
        b = c * 16 + s
        pltpu.sync_copy(dst_hbm.at[b], dst_v)
        ov = jnp.ones((16,), jnp.float32)
        for k in range(8):
            ones_v[pl.ds(k * 16, 16)] = ov

        @pl.when(s == 0)
        def _init():
            zv = jnp.zeros((16,), jnp.float32)

            def z(i, carry):
                dvmem[pl.ds(i * 16, 16)] = zv
                return carry

            lax.fori_loop(0, Nn // 16, z, 0)
            pltpu.sync_copy(dvmem, dacc)

        plsc.subcore_barrier()

        def step(j, carry):
            pltpu.sync_copy(ones_v.at[pl.ds(0, _CH)], dacc.at[dst_v.at[j]], add=True)
            return carry

        lax.fori_loop(0, nch, step, 0)
        plsc.subcore_barrier()

        @pl.when(s == 0)
        def _export():
            pltpu.sync_copy(dacc, dvmem)
            pltpu.sync_copy(dvmem, out_hbm.at[c])

    return degk


@functools.lru_cache(maxsize=None)
def _make_edge_sum(Nn, D, nch):
    BLK = 16
    nblk = nch // BLK
    rows_per_tile = Nn // 16
    nz = rows_per_tile // _CH
    mesh = plsc.VectorSubcoreMesh(core_axis_name="c", subcore_axis_name="s")

    @functools.partial(
        pl.kernel,
        out_type=jax.ShapeDtypeStruct((2, Nn, D), jnp.float32),
        mesh=mesh,
        scratch_types=[
            pltpu.VMEM((BLK, _CH), jnp.int32),
            pltpu.VMEM((BLK, _CH), jnp.int32),
            pltpu.VMEM((_CH, D), jnp.float32),
            pltpu.VMEM((_CH, D), jnp.float32),
            pltpu.VMEM_SHARED((Nn, D), jnp.float32),
            pltpu.SemaphoreType.DMA,
            pltpu.SemaphoreType.DMA,
        ],
    )
    def edge_sum(g_hbm, src_hbm, dst_hbm, out_hbm, src_v, dst_v, rows0, rows1,
                 acc, sem0, sem1):
        c = lax.axis_index("c")
        s = lax.axis_index("s")

        zv = jnp.zeros((16,), jnp.float32)

        def zrow(i, carry):
            for k in range(D // 16):
                rows0[i, pl.ds(k * 16, 16)] = zv
            return carry

        lax.fori_loop(0, _CH, zrow, 0)

        def zcp(t, carry):
            pltpu.sync_copy(rows0, acc.at[pl.ds(s * rows_per_tile + t * _CH, _CH)])
            return carry

        lax.fori_loop(0, nz, zcp, 0)
        plsc.subcore_barrier()

        def blk_body(bi, carry):
            pltpu.sync_copy(src_hbm.at[c, s, pl.ds(bi * BLK, BLK)], src_v)
            pltpu.sync_copy(dst_hbm.at[s, pl.ds(bi * BLK, BLK)], dst_v)
            pltpu.async_copy(g_hbm.at[src_v.at[0]], rows0, sem0)
            pltpu.async_copy(g_hbm.at[src_v.at[1]], rows1, sem1)

            def step(i, carry2):
                j = 2 * i
                pltpu.make_async_copy(g_hbm.at[src_v.at[j]], rows0, sem0).wait()
                pltpu.sync_copy(rows0, acc.at[dst_v.at[j]], add=True)

                @pl.when(j + 2 < BLK)
                def _():
                    pltpu.async_copy(g_hbm.at[src_v.at[j + 2]], rows0, sem0)

                pltpu.make_async_copy(g_hbm.at[src_v.at[j + 1]], rows1, sem1).wait()
                pltpu.sync_copy(rows1, acc.at[dst_v.at[j + 1]], add=True)

                @pl.when(j + 3 < BLK)
                def _():
                    pltpu.async_copy(g_hbm.at[src_v.at[j + 3]], rows1, sem1)

                return carry2

            lax.fori_loop(0, BLK // 2, step, 0)
            return carry

        lax.fori_loop(0, nblk, blk_body, 0)
        plsc.subcore_barrier()

        base = s * 624

        def exp_chunk(off, sz):
            pltpu.sync_copy(acc.at[pl.ds(base + off, sz)],
                            rows0.at[pl.ds(0, sz)])
            pltpu.sync_copy(rows0.at[pl.ds(0, sz)],
                            out_hbm.at[c, pl.ds(base + off, sz)])

        for off in (0, 120, 240, 360, 480):
            exp_chunk(off, 120)

        @pl.when(s < 15)
        def _tail24():
            exp_chunk(600, 24)

        @pl.when(s == 15)
        def _tail40():
            exp_chunk(600, 40)

    return edge_sum


def _tc_pre(X2, degp3, W1):
    B, Nn, D = X2.shape
    BN = 1000
    NB = Nn // BN

    def body(x_ref, dp_ref, w_ref, o_ref):
        dp = dp_ref[...]
        dinv = lax.rsqrt(dp[0] + dp[1] + 1.0)
        h = jnp.dot(x_ref[0], w_ref[...], preferred_element_type=jnp.float32)
        o_ref[0] = h * dinv

    return pl.pallas_call(
        body,
        grid=(B, NB),
        in_specs=[
            pl.BlockSpec((1, BN, D), lambda c, i: (c, i, 0)),
            pl.BlockSpec((2, BN, 1), lambda c, i: (0, i, 0)),
            pl.BlockSpec((D, D), lambda c, i: (0, 0)),
        ],
        out_specs=pl.BlockSpec((1, BN, D), lambda c, i: (c, i, 0)),
        out_shape=jax.ShapeDtypeStruct((B, Nn, D), jnp.float32),
    )(X2, degp3, W1)


def _tc_mid(S1, g1, degp3, W2, b1r):
    B, Nn, D = S1.shape
    BN = 1000
    NB = Nn // BN

    def body(s_ref, g_ref, dp_ref, w_ref, b_ref, o_ref):
        dp = dp_ref[...]
        dinv = lax.rsqrt(dp[0] + dp[1] + 1.0)
        t = jnp.maximum((s_ref[0] + g_ref[0]) * dinv + b_ref[...], 0.0)
        h = jnp.dot(t, w_ref[...], preferred_element_type=jnp.float32)
        o_ref[0] = h * dinv

    return pl.pallas_call(
        body,
        grid=(B, NB),
        in_specs=[
            pl.BlockSpec((1, BN, D), lambda c, i: (c, i, 0)),
            pl.BlockSpec((1, BN, D), lambda c, i: (c, i, 0)),
            pl.BlockSpec((2, BN, 1), lambda c, i: (0, i, 0)),
            pl.BlockSpec((D, D), lambda c, i: (0, 0)),
            pl.BlockSpec((1, D), lambda c, i: (0, 0)),
        ],
        out_specs=pl.BlockSpec((1, BN, D), lambda c, i: (c, i, 0)),
        out_shape=jax.ShapeDtypeStruct((B, Nn, D), jnp.float32),
    )(S1, g1, degp3, W2, b1r)


def _tc_readout(S2, g2, degp3, b2r, Bw0T, Bbr):
    B, Nn, D = S2.shape

    def body(s_ref, g_ref, dp_ref, b_ref, bwt_ref, bb_ref, pos_ref, neg_ref):
        dp = dp_ref[...]
        dinv = lax.rsqrt(dp[0] + dp[1] + 1.0)
        bias = b_ref[...]
        Ha = (s_ref[0] + g_ref[0]) * dinv + bias
        Hb = (s_ref[1] + g_ref[1]) * dinv + bias
        m = jnp.mean(Ha, axis=0, keepdims=True)
        srow = jax.nn.sigmoid(m)
        vrow = jnp.dot(srow, bwt_ref[...], preferred_element_type=jnp.float32)
        bb = bb_ref[...]
        vb = vrow.astype(jnp.bfloat16).astype(jnp.float32)
        Hab = Ha.astype(jnp.bfloat16).astype(jnp.float32)
        Hbb = Hb.astype(jnp.bfloat16).astype(jnp.float32)
        pos_ref[...] = jnp.sum(Hab * vb, axis=1, keepdims=True) + bb
        neg_ref[...] = jnp.sum(Hbb * vb, axis=1, keepdims=True) + bb

    return pl.pallas_call(
        body,
        out_shape=(jax.ShapeDtypeStruct((Nn, 1), jnp.float32),
                   jax.ShapeDtypeStruct((Nn, 1), jnp.float32)),
    )(S2, g2, degp3, b2r, Bw0T, Bbr)


@functools.lru_cache(maxsize=None)
def _get_perm(Nn):
    return jax.random.permutation(jax.random.key(42), Nn)


def kernel(x, edge_index, W1, b1, W2, b2, Bw, Bb):
    Nn, D = x.shape
    E = edge_index.shape[1]

    perm = _get_perm(Nn)
    X2 = jnp.stack([x, x[perm]])

    src = edge_index[0]
    dst = edge_index[1]
    nch = E // 16 // _CH
    srcr = src.reshape(16, nch, _CH)
    SRC2 = jnp.stack([srcr, srcr + Nn])
    DSTP = dst.reshape(16, nch, _CH)
    DSTD = dst.reshape(32, E // 32 // _CH, _CH)

    degp = _make_deg(Nn, E)(DSTD)
    degp3 = degp[:, :, None]

    edge_sum = _make_edge_sum(Nn, D, nch)

    g1 = _tc_pre(X2, degp3, W1)
    S1 = edge_sum(g1.reshape(2 * Nn, D), SRC2, DSTP)
    g2 = _tc_mid(S1, g1, degp3, W2, b1.reshape(1, D))
    S2 = edge_sum(g2.reshape(2 * Nn, D), SRC2, DSTP)
    pos, neg = _tc_readout(S2, g2, degp3, b2.reshape(1, D), Bw[0].T,
                           Bb.reshape(1, 1))
    return pos, neg

# --- scband reference (transcript-rebuilt; emitter-appended) ---
"""Pipeline reference for scband-dgi-25546465477092 (READ-ONLY COPY).

The authoritative reference and input builder live on the scoring server;
editing this copy changes nothing except your own understanding.
"""

import jax, jax.numpy as jnp
import numpy as np

N = 10000
E = 320000
D_IN = 128
D_H = 128
D_OUT = 128


def setup_inputs(seed: int = 0) -> dict:
    key = jax.random.key(seed)
    ks = jax.random.split(key, 10)
    x = jax.random.normal(ks[0], (N, D_IN), dtype=jnp.float32)
    edge_index = jax.random.randint(ks[1], (2, E), 0, N, dtype=jnp.int32)
    W1 = jax.random.normal(ks[2], (D_IN, D_H), dtype=jnp.float32) / np.sqrt(D_IN)
    b1 = jnp.zeros((D_H,), dtype=jnp.float32)
    W2 = jax.random.normal(ks[3], (D_H, D_OUT), dtype=jnp.float32) / np.sqrt(D_H)
    b2 = jnp.zeros((D_OUT,), dtype=jnp.float32)
    Bw = jax.random.normal(ks[4], (1, D_OUT, D_OUT), dtype=jnp.float32) / np.sqrt(D_OUT)
    Bb = jnp.zeros((1,), dtype=jnp.float32)
    return {"x": x, "edge_index": edge_index, "W1": W1, "b1": b1, "W2": W2, "b2": b2, "Bw": Bw, "Bb": Bb}


def _gcn(xx, src, dst, norm, W, b):
    h = xx @ W
    msg = h[src] * norm[:, None]
    out = jnp.zeros((N, W.shape[1]), dtype=h.dtype).at[dst].add(msg)
    return out + b


def reference(x, edge_index, W1, b1, W2, b2, Bw, Bb):
    # GCN normalization with self-loops (symmetric)
    loops = jnp.arange(N, dtype=edge_index.dtype)
    src = jnp.concatenate([edge_index[0], loops])
    dst = jnp.concatenate([edge_index[1], loops])
    deg = jnp.zeros((N,), dtype=jnp.float32).at[dst].add(1.0)
    dinv = jnp.where(deg > 0, jax.lax.rsqrt(deg), 0.0)
    norm = dinv[src] * dinv[dst]

    def encode(xx):
        h = jax.nn.relu(_gcn(xx, src, dst, norm, W1, b1))
        return _gcn(h, src, dst, norm, W2, b2)

    H = encode(x)
    s = jax.nn.sigmoid(jnp.mean(H, axis=0))
    # Bilinear disc with fixed second arg s: score = H @ (Bw[0] @ s) + Bb
    v = Bw[0] @ s
    pos = (H @ v)[:, None] + Bb
    perm = jax.random.permutation(jax.random.key(42), N)
    Hc = encode(x[perm])
    neg = (Hc @ v)[:, None] + Bb
    return pos, neg

if __name__ == "__main__":
    import jax
    _d = setup_inputs()
    print(jax.jit(kernel)(*tuple(_d.values())))

</pallas_src>

<mosaic_0001>
#map = affine_map<(d0, d1) -> (0, 0)>
#map1 = affine_map<(d0, d1) -> (0, 0, 0, 0)>
#map2 = affine_map<(d0, d1) -> (0, 0, 0)>
module attributes {stable_mosaic.version = 14 : i64} {
  func.func @edge_sum(%arg0: i32, %arg1: i32, %arg2: memref<20000x128xf32, #tpu.memory_space<hbm>>, %arg3: memref<2x16x160x125xi32, #tpu.memory_space<hbm>>, %arg4: memref<16x160x125xi32, #tpu.memory_space<hbm>>, %arg5: memref<2x10000x128xf32, #tpu.memory_space<hbm>>, %arg6: memref<16x125xi32, #tpu.memory_space<vmem>>, %arg7: memref<16x125xi32, #tpu.memory_space<vmem>>, %arg8: memref<125x128xf32, #tpu.memory_space<vmem>>, %arg9: memref<125x128xf32, #tpu.memory_space<vmem>>, %arg10: memref<10000x128xf32, #tpu.memory_space<vmem_shared>>, %arg11: memref<!tpu.dma_semaphore, #tpu.memory_space<semaphore_mem>>, %arg12: memref<!tpu.dma_semaphore, #tpu.memory_space<semaphore_mem>>) attributes {dimension_semantics = [#tpu.dimension_semantics<core_parallel>, #tpu.dimension_semantics<subcore_parallel>], iteration_bounds = array<i64: 2, 16>, scalar_prefetch = 0 : i64, scratch_operands = 7 : i64, tpu.core_type = #tpu.core_type<sc_vector_subcore>, window_params = [{transform_indices = #map}, {transform_indices = #map1}, {transform_indices = #map2}, {transform_indices = #map2}]} {
    %broadcast_in_dim3A = arith.constant 0.000000e+00 : f32
    %broadcast_in_dim3A_0 = vector.broadcast %broadcast_in_dim3A : f32 to vector<16xf32>
    %scan3A = arith.constant 0 : i32
    %scan3A_1 = arith.constant 0 : i32
    %scan3A_2 = arith.constant 125 : i32
    %scan3A_3 = arith.addi %scan3A_1, %scan3A_2 : i32
    %scan3A_4 = arith.constant 1 : i32
    scf.for %scan3A_45 = %scan3A_1 to %scan3A_3 step %scan3A_4  : i32 {
      %swap3A = arith.index_cast %scan3A_45 : i32 to index
      %swap3A_46 = arith.constant 0 : index
      %swap3A_47 = tpu.vector_load %arg8[%swap3A, %swap3A_46] {strides = array<i32>} : memref<125x128xf32, #tpu.memory_space<vmem>>, vector<1x16xf32>,
      %swap3A_48 = vector.shape_cast %swap3A_47 : vector<1x16xf32> to vector<16xf32>
      %swap3A_49 = vector.shape_cast %broadcast_in_dim3A_0 : vector<16xf32> to vector<1x16xf32>
      tpu.vector_store %arg8[%swap3A, %swap3A_46], %swap3A_49 {strides = array<i32>} : memref<125x128xf32, #tpu.memory_space<vmem>>, vector<1x16xf32>,
      %swap3A_50 = arith.index_cast %scan3A_45 : i32 to index
      %swap3A_51 = arith.constant 16 : index
      %swap3A_52 = tpu.vector_load %arg8[%swap3A_50, %swap3A_51] {strides = array<i32>} : memref<125x128xf32, #tpu.memory_space<vmem>>, vector<1x16xf32>,
      %swap3A_53 = vector.shape_cast %swap3A_52 : vector<1x16xf32> to vector<16xf32>
      %swap3A_54 = vector.shape_cast %broadcast_in_dim3A_0 : vector<16xf32> to vector<1x16xf32>
      tpu.vector_store %arg8[%swap3A_50, %swap3A_51], %swap3A_54 {strides = array<i32>} : memref<125x128xf32, #tpu.memory_space<vmem>>, vector<1x16xf32>,
      %swap3A_55 = arith.index_cast %scan3A_45 : i32 to index
      %swap3A_56 = arith.constant 32 : index
      %swap3A_57 = tpu.vector_load %arg8[%swap3A_55, %swap3A_56] {strides = array<i32>} : memref<125x128xf32, #tpu.memory_space<vmem>>, vector<1x16xf32>,
      %swap3A_58 = vector.shape_cast %swap3A_57 : vector<1x16xf32> to vector<16xf32>
      %swap3A_59 = vector.shape_cast %broadcast_in_dim3A_0 : vector<16xf32> to vector<1x16xf32>
      tpu.vector_store %arg8[%swap3A_55, %swap3A_56], %swap3A_59 {strides = array<i32>} : memref<125x128xf32, #tpu.memory_space<vmem>>, vector<1x16xf32>,
      %swap3A_60 = arith.index_cast %scan3A_45 : i32 to index
      %swap3A_61 = arith.constant 48 : index
      %swap3A_62 = tpu.vector_load %arg8[%swap3A_60, %swap3A_61] {strides = array<i32>} : memref<125x128xf32, #tpu.memory_space<vmem>>, vector<1x16xf32>,
      %swap3A_63 = vector.shape_cast %swap3A_62 : vector<1x16xf32> to vector<16xf32>
      %swap3A_64 = vector.shape_cast %broadcast_in_dim3A_0 : vector<16xf32> to vector<1x16xf32>
      tpu.vector_store %arg8[%swap3A_60, %swap3A_61], %swap3A_64 {strides = array<i32>} : memref<125x128xf32, #tpu.memory_space<vmem>>, vector<1x16xf32>,
      %swap3A_65 = arith.index_cast %scan3A_45 : i32 to index
      %swap3A_66 = arith.constant 64 : index
      %swap3A_67 = tpu.vector_load %arg8[%swap3A_65, %swap3A_66] {strides = array<i32>} : memref<125x128xf32, #tpu.memory_space<vmem>>, vector<1x16xf32>,
      %swap3A_68 = vector.shape_cast %swap3A_67 : vector<1x16xf32> to vector<16xf32>
      %swap3A_69 = vector.shape_cast %broadcast_in_dim3A_0 : vector<16xf32> to vector<1x16xf32>
      tpu.vector_store %arg8[%swap3A_65, %swap3A_66], %swap3A_69 {strides = array<i32>} : memref<125x128xf32, #tpu.memory_space<vmem>>, vector<1x16xf32>,
      %swap3A_70 = arith.index_cast %scan3A_45 : i32 to index
      %swap3A_71 = arith.constant 80 : index
      %swap3A_72 = tpu.vector_load %arg8[%swap3A_70, %swap3A_71] {strides = array<i32>} : memref<125x128xf32, #tpu.memory_space<vmem>>, vector<1x16xf32>,
      %swap3A_73 = vector.shape_cast %swap3A_72 : vector<1x16xf32> to vector<16xf32>
      %swap3A_74 = vector.shape_cast %broadcast_in_dim3A_0 : vector<16xf32> to vector<1x16xf32>
      tpu.vector_store %arg8[%swap3A_70, %swap3A_71], %swap3A_74 {strides = array<i32>} : memref<125x128xf32, #tpu.memory_space<vmem>>, vector<1x16xf32>,
      %swap3A_75 = arith.index_cast %scan3A_45 : i32 to index
      %swap3A_76 = arith.constant 96 : index
      %swap3A_77 = tpu.vector_load %arg8[%swap3A_75, %swap3A_76] {strides = array<i32>} : memref<125x128xf32, #tpu.memory_space<vmem>>, vector<1x16xf32>,
      %swap3A_78 = vector.shape_cast %swap3A_77 : vector<1x16xf32> to vector<16xf32>
      %swap3A_79 = vector.shape_cast %broadcast_in_dim3A_0 : vector<16xf32> to vector<1x16xf32>
      tpu.vector_store %arg8[%swap3A_75, %swap3A_76], %swap3A_79 {strides = array<i32>} : memref<125x128xf32, #tpu.memory_space<vmem>>, vector<1x16xf32>,
      %swap3A_80 = arith.index_cast %scan3A_45 : i32 to index
      %swap3A_81 = arith.constant 112 : index
      %swap3A_82 = tpu.vector_load %arg8[%swap3A_80, %swap3A_81] {strides = array<i32>} : memref<125x128xf32, #tpu.memory_space<vmem>>, vector<1x16xf32>,
      %swap3A_83 = vector.shape_cast %swap3A_82 : vector<1x16xf32> to vector<16xf32>
      %swap3A_84 = vector.shape_cast %broadcast_in_dim3A_0 : vector<16xf32> to vector<1x16xf32>
      tpu.vector_store %arg8[%swap3A_80, %swap3A_81], %swap3A_84 {strides = array<i32>} : memref<125x128xf32, #tpu.memory_space<vmem>>, vector<1x16xf32>,
    }
    %scan3A_5 = arith.constant 125 : i32
    %scan3A_6 = arith.constant 0 : i32
    %scan3A_7 = arith.constant 0 : i32
    %scan3A_8 = arith.constant 5 : i32
    %scan3A_9 = arith.addi %scan3A_7, %scan3A_8 : i32
    %scan3A_10 = arith.constant 1 : i32
    scf.for %scan3A_45 = %scan3A_7 to %scan3A_9 step %scan3A_10  : i32 {
      %mul3A_46 = arith.constant 625 : i32
      %mul3A_47 = arith.muli %arg1, %mul3A_46 : i32
      %mul3A_48 = arith.constant 125 : i32
      %mul3A_49 = arith.muli %scan3A_45, %mul3A_48 : i32
      %add3A_50 = arith.addi %mul3A_47, %mul3A_49 : i32
      "tpu.region"() ({
        %run_scoped3A = tpu.sem_alloc : memref<!tpu.dma_semaphore, #tpu.memory_space<semaphore_mem>>
        %dma_start3A = arith.constant 0 : i32
        %dma_start3A_51 = tpu.memref_slice %arg10[%add3A_50, %dma_start3A] : memref<10000x128xf32, #tpu.memory_space<vmem_shared>> -> memref<125x128xf32, #tpu.memory_space<vmem_shared>>
        %dma_start3A_52 = arith.constant 0 : i32
        %dma_start3A_53 = tpu.memref_slice %arg10[%add3A_50, %dma_start3A_52] : memref<10000x128xf32, #tpu.memory_space<vmem_shared>> -> memref<125x128xf32, #tpu.memory_space<vmem_shared>>
        tpu.enqueue_dma source(%arg8 : memref<125x128xf32, #tpu.memory_space<vmem>>) target(%dma_start3A_53 : memref<125x128xf32, #tpu.memory_space<vmem_shared>>) target_semaphore(%run_scoped3A : memref<!tpu.dma_semaphore, #tpu.memory_space<semaphore_mem>>)
        %dma_wait3A = arith.constant 0 : i32
        %dma_wait3A_54 = tpu.memref_slice %arg10[%add3A_50, %dma_wait3A] : memref<10000x128xf32, #tpu.memory_space<vmem_shared>> -> memref<125x128xf32, #tpu.memory_space<vmem_shared>>
        %dma_wait3A_55 = arith.constant 0 : i32
        %dma_wait3A_56 = tpu.memref_slice %arg10[%add3A_50, %dma_wait3A_55] : memref<10000x128xf32, #tpu.memory_space<vmem_shared>> -> memref<125x128xf32, #tpu.memory_space<vmem_shared>>
        tpu.wait_dma2 semaphore(%run_scoped3A : memref<!tpu.dma_semaphore, #tpu.memory_space<semaphore_mem>>) src(%arg8 : memref<125x128xf32, #tpu.memory_space<vmem>>) dst(%dma_wait3A_56 : memref<125x128xf32, #tpu.memory_space<vmem_shared>>)
        tpu.yield
      }) : () -> ()
    }
    %scan3A_11 = arith.constant 5 : i32
    %barrier3A = arith.constant 0 : index
    tpu.barrier barrier_id(%barrier3A)
    %scan3A_12 = arith.constant 0 : i32
    %scan3A_13 = arith.constant 0 : i32
    %scan3A_14 = arith.constant 10 : i32
    %scan3A_15 = arith.addi %scan3A_13, %scan3A_14 : i32
    %scan3A_16 = arith.constant 1 : i32
    scf.for %scan3A_45 = %scan3A_13 to %scan3A_15 step %scan3A_16  : i32 {
      %mul3A_46 = arith.constant 16 : i32
      %mul3A_47 = arith.muli %scan3A_45, %mul3A_46 : i32
      "tpu.region"() ({
        %run_scoped3A = tpu.sem_alloc : memref<!tpu.dma_semaphore, #tpu.memory_space<semaphore_mem>>
        %dma_start3A_69 = arith.constant 0 : i32
        %dma_start3A_70 = tpu.memref_slice %arg3[%arg0, %arg1, %mul3A_47, %dma_start3A_69] : memref<2x16x160x125xi32, #tpu.memory_space<hbm>> -> memref<1x1x16x125xi32, #tpu.memory_space<hbm>>
        %dma_start3A_71 = tpu.memref_squeeze %dma_start3A_70 : memref<1x1x16x125xi32, #tpu.memory_space<hbm>> -> memref<16x125xi32, #tpu.memory_space<hbm>>
        %dma_start3A_72 = arith.constant 0 : i32
        %dma_start3A_73 = tpu.memref_slice %arg3[%arg0, %arg1, %mul3A_47, %dma_start3A_72] : memref<2x16x160x125xi32, #tpu.memory_space<hbm>> -> memref<1x1x16x125xi32, #tpu.memory_space<hbm>>
        %dma_start3A_74 = tpu.memref_squeeze %dma_start3A_73 : memref<1x1x16x125xi32, #tpu.memory_space<hbm>> -> memref<16x125xi32, #tpu.memory_space<hbm>>
        tpu.enqueue_dma source(%dma_start3A_74 : memref<16x125xi32, #tpu.memory_space<hbm>>) target(%arg6 : memref<16x125xi32, #tpu.memory_space<vmem>>) target_semaphore(%run_scoped3A : memref<!tpu.dma_semaphore, #tpu.memory_space<semaphore_mem>>)
        %dma_wait3A = arith.constant 0 : i32
        %dma_wait3A_75 = tpu.memref_slice %arg3[%arg0, %arg1, %mul3A_47, %dma_wait3A] : memref<2x16x160x125xi32, #tpu.memory_space<hbm>> -> memref<1x1x16x125xi32, #tpu.memory_space<hbm>>
        %dma_wait3A_76 = tpu.memref_squeeze %dma_wait3A_75 : memref<1x1x16x125xi32, #tpu.memory_space<hbm>> -> memref<16x125xi32, #tpu.memory_space<hbm>>
        %dma_wait3A_77 = arith.constant 0 : i32
        %dma_wait3A_78 = tpu.memref_slice %arg3[%arg0, %arg1, %mul3A_47, %dma_wait3A_77] : memref<2x16x160x125xi32, #tpu.memory_space<hbm>> -> memref<1x1x16x125xi32, #tpu.memory_space<hbm>>
        %dma_wait3A_79 = tpu.memref_squeeze %dma_wait3A_78 : memref<1x1x16x125xi32, #tpu.memory_space<hbm>> -> memref<16x125xi32, #tpu.memory_space<hbm>>
        tpu.wait_dma2 semaphore(%run_scoped3A : memref<!tpu.dma_semaphore, #tpu.memory_space<semaphore_mem>>) src(%dma_wait3A_79 : memref<16x125xi32, #tpu.memory_space<hbm>>) dst(%arg6 : memref<16x125xi32, #tpu.memory_space<vmem>>)
        tpu.yield
      }) : () -> ()
      %mul3A_48 = arith.constant 16 : i32
      %mul3A_49 = arith.muli %scan3A_45, %mul3A_48 : i32
      "tpu.region"() ({
        %run_scoped3A = tpu.sem_alloc : memref<!tpu.dma_semaphore, #tpu.memory_space<semaphore_mem>>
        %dma_start3A_69 = arith.constant 0 : i32
        %dma_start3A_70 = tpu.memref_slice %arg4[%arg1, %mul3A_49, %dma_start3A_69] : memref<16x160x125xi32, #tpu.memory_space<hbm>> -> memref<1x16x125xi32, #tpu.memory_space<hbm>>
        %dma_start3A_71 = tpu.memref_squeeze %dma_start3A_70 : memref<1x16x125xi32, #tpu.memory_space<hbm>> -> memref<16x125xi32, #tpu.memory_space<hbm>>
        %dma_start3A_72 = arith.constant 0 : i32
        %dma_start3A_73 = tpu.memref_slice %arg4[%arg1, %mul3A_49, %dma_start3A_72] : memref<16x160x125xi32, #tpu.memory_space<hbm>> -> memref<1x16x125xi32, #tpu.memory_space<hbm>>
        %dma_start3A_74 = tpu.memref_squeeze %dma_start3A_73 : memref<1x16x125xi32, #tpu.memory_space<hbm>> -> memref<16x125xi32, #tpu.memory_space<hbm>>
        tpu.enqueue_dma source(%dma_start3A_74 : memref<16x125xi32, #tpu.memory_space<hbm>>) target(%arg7 : memref<16x125xi32, #tpu.memory_space<vmem>>) target_semaphore(%run_scoped3A : memref<!tpu.dma_semaphore, #tpu.memory_space<semaphore_mem>>)
        %dma_wait3A = arith.constant 0 : i32
        %dma_wait3A_75 = tpu.memref_slice %arg4[%arg1, %mul3A_49, %dma_wait3A] : memref<16x160x125xi32, #tpu.memory_space<hbm>> -> memref<1x16x125xi32, #tpu.memory_space<hbm>>
        %dma_wait3A_76 = tpu.memref_squeeze %dma_wait3A_75 : memref<1x16x125xi32, #tpu.memory_space<hbm>> -> memref<16x125xi32, #tpu.memory_space<hbm>>
        %dma_wait3A_77 = arith.constant 0 : i32
        %dma_wait3A_78 = tpu.memref_slice %arg4[%arg1, %mul3A_49, %dma_wait3A_77] : memref<16x160x125xi32, #tpu.memory_space<hbm>> -> memref<1x16x125xi32, #tpu.memory_space<hbm>>
        %dma_wait3A_79 = tpu.memref_squeeze %dma_wait3A_78 : memref<1x16x125xi32, #tpu.memory_space<hbm>> -> memref<16x125xi32, #tpu.memory_space<hbm>>
        tpu.wait_dma2 semaphore(%run_scoped3A : memref<!tpu.dma_semaphore, #tpu.memory_space<semaphore_mem>>) src(%dma_wait3A_79 : memref<16x125xi32, #tpu.memory_space<hbm>>) dst(%arg7 : memref<16x125xi32, #tpu.memory_space<vmem>>)
        tpu.yield
      }) : () -> ()
      %dma_start3A = arith.constant 0 : i32
      %dma_start3A_50 = arith.constant 0 : i32
      %dma_start3A_51 = tpu.memref_slice %arg6[%dma_start3A, %dma_start3A_50] : memref<16x125xi32, #tpu.memory_space<vmem>> -> memref<1x125xi32, #tpu.memory_space<vmem>>
      %dma_start3A_52 = tpu.memref_squeeze %dma_start3A_51 : memref<1x125xi32, #tpu.memory_space<vmem>> -> memref<125xi32, #tpu.memory_space<vmem>>
      %dma_start3A_53 = arith.constant 0 : i32
      %dma_start3A_54 = arith.constant 0 : i32
      %dma_start3A_55 = tpu.memref_slice %arg2[%dma_start3A_53, %dma_start3A_54] : memref<20000x128xf32, #tpu.memory_space<hbm>> -> memref<20000x128xf32, #tpu.memory_space<hbm>>
      tpu.enqueue_indirect_dma source(%dma_start3A_55 : memref<20000x128xf32, #tpu.memory_space<hbm>>) target(%arg8 : memref<125x128xf32, #tpu.memory_space<vmem>>) offsets(%dma_start3A_52 : memref<125xi32, #tpu.memory_space<vmem>>) semaphore(%arg11 : memref<!tpu.dma_semaphore, #tpu.memory_space<semaphore_mem>>)
      %dma_start3A_56 = arith.constant 1 : i32
      %dma_start3A_57 = arith.constant 0 : i32
      %dma_start3A_58 = tpu.memref_slice %arg6[%dma_start3A_56, %dma_start3A_57] : memref<16x125xi32, #tpu.memory_space<vmem>> -> memref<1x125xi32, #tpu.memory_space<vmem>>
      %dma_start3A_59 = tpu.memref_squeeze %dma_start3A_58 : memref<1x125xi32, #tpu.memory_space<vmem>> -> memref<125xi32, #tpu.memory_space<vmem>>
      %dma_start3A_60 = arith.constant 0 : i32
      %dma_start3A_61 = arith.constant 0 : i32
      %dma_start3A_62 = tpu.memref_slice %arg2[%dma_start3A_60, %dma_start3A_61] : memref<20000x128xf32, #tpu.memory_space<hbm>> -> memref<20000x128xf32, #tpu.memory_space<hbm>>
      tpu.enqueue_indirect_dma source(%dma_start3A_62 : memref<20000x128xf32, #tpu.memory_space<hbm>>) target(%arg9 : memref<125x128xf32, #tpu.memory_space<vmem>>) offsets(%dma_start3A_59 : memref<125xi32, #tpu.memory_space<vmem>>) semaphore(%arg12 : memref<!tpu.dma_semaphore, #tpu.memory_space<semaphore_mem>>)
      %scan3A_63 = arith.constant 0 : i32
      %scan3A_64 = arith.constant 0 : i32
      %scan3A_65 = arith.constant 8 : i32
      %scan3A_66 = arith.addi %scan3A_64, %scan3A_65 : i32
      %scan3A_67 = arith.constant 1 : i32
      scf.for %scan3A_69 = %scan3A_64 to %scan3A_66 step %scan3A_67  : i32 {
        %mul3A_70 = arith.constant 2 : i32
        %mul3A_71 = arith.muli %mul3A_70, %scan3A_69 : i32
        %dma_wait3A = arith.constant 0 : i32
        %dma_wait3A_72 = tpu.memref_slice %arg6[%mul3A_71, %dma_wait3A] : memref<16x125xi32, #tpu.memory_space<vmem>> -> memref<1x125xi32, #tpu.memory_space<vmem>>
        %dma_wait3A_73 = tpu.memref_squeeze %dma_wait3A_72 : memref<1x125xi32, #tpu.memory_space<vmem>> -> memref<125xi32, #tpu.memory_space<vmem>>
        %dma_wait3A_74 = arith.constant 0 : i32
        %dma_wait3A_75 = arith.constant 0 : i32
        %dma_wait3A_76 = tpu.memref_slice %arg2[%dma_wait3A_74, %dma_wait3A_75] : memref<20000x128xf32, #tpu.memory_space<hbm>> -> memref<20000x128xf32, #tpu.memory_space<hbm>>
        tpu.wait_indirect_dma semaphore(%arg11 : memref<!tpu.dma_semaphore, #tpu.memory_space<semaphore_mem>>) src(%dma_wait3A_76 : memref<20000x128xf32, #tpu.memory_space<hbm>>) dst(%arg8 : memref<125x128xf32, #tpu.memory_space<vmem>>)
        "tpu.region"() ({
          %run_scoped3A = tpu.sem_alloc : memref<!tpu.dma_semaphore, #tpu.memory_space<semaphore_mem>>
          %dma_start3A_101 = arith.constant 0 : i32
          %dma_start3A_102 = tpu.memref_slice %arg7[%mul3A_71, %dma_start3A_101] : memref<16x125xi32, #tpu.memory_space<vmem>> -> memref<1x125xi32, #tpu.memory_space<vmem>>
          %dma_start3A_103 = tpu.memref_squeeze %dma_start3A_102 : memref<1x125xi32, #tpu.memory_space<vmem>> -> memref<125xi32, #tpu.memory_space<vmem>>
          %dma_start3A_104 = arith.constant 0 : i32
          %dma_start3A_105 = arith.constant 0 : i32
          %dma_start3A_106 = tpu.memref_slice %arg10[%dma_start3A_104, %dma_start3A_105] : memref<10000x128xf32, #tpu.memory_space<vmem_shared>> -> memref<10000x128xf32, #tpu.memory_space<vmem_shared>>
          tpu.enqueue_indirect_dma source(%arg8 : memref<125x128xf32, #tpu.memory_space<vmem>>) target(%dma_start3A_106 : memref<10000x128xf32, #tpu.memory_space<vmem_shared>>) offsets(%dma_start3A_103 : memref<125xi32, #tpu.memory_space<vmem>>) semaphore(%run_scoped3A : memref<!tpu.dma_semaphore, #tpu.memory_space<semaphore_mem>>) {add = true}
          %dma_wait3A_107 = arith.constant 0 : i32
          %dma_wait3A_108 = tpu.memref_slice %arg7[%mul3A_71, %dma_wait3A_107] : memref<16x125xi32, #tpu.memory_space<vmem>> -> memref<1x125xi32, #tpu.memory_space<vmem>>
          %dma_wait3A_109 = tpu.memref_squeeze %dma_wait3A_108 : memref<1x125xi32, #tpu.memory_space<vmem>> -> memref<125xi32, #tpu.memory_space<vmem>>
          %dma_wait3A_110 = arith.constant 0 : i32
          %dma_wait3A_111 = arith.constant 0 : i32
          %dma_wait3A_112 = tpu.memref_slice %arg10[%dma_wait3A_110, %dma_wait3A_111] : memref<10000x128xf32, #tpu.memory_space<vmem_shared>> -> memref<10000x128xf32, #tpu.memory_space<vmem_shared>>
          tpu.wait_indirect_dma semaphore(%run_scoped3A : memref<!tpu.dma_semaphore, #tpu.memory_space<semaphore_mem>>) src(%arg8 : memref<125x128xf32, #tpu.memory_space<vmem>>) dst(%dma_wait3A_112 : memref<10000x128xf32, #tpu.memory_space<vmem_shared>>)
          tpu.yield
        }) : () -> ()
        %add3A_77 = arith.constant 2 : i32
        %add3A_78 = arith.addi %mul3A_71, %add3A_77 : i32
        %lt3A_79 = arith.constant 16 : i32
        %lt3A_80 = arith.cmpi slt, %add3A_78, %lt3A_79 : i32
        %convert_element_type3A_81 = arith.extui %lt3A_80 : i1 to i32
        %cond3A_82 = arith.constant 0 : i32
        %cond3A_83 = arith.cmpi ne, %convert_element_type3A_81, %cond3A_82 : i32
        scf.if %cond3A_83 {
          %add3A_101 = arith.constant 2 : i32
          %add3A_102 = arith.addi %mul3A_71, %add3A_101 : i32
          %dma_start3A_103 = arith.constant 0 : i32
          %dma_start3A_104 = tpu.memref_slice %arg6[%add3A_102, %dma_start3A_103] : memref<16x125xi32, #tpu.memory_space<vmem>> -> memref<1x125xi32, #tpu.memory_space<vmem>>
          %dma_start3A_105 = tpu.memref_squeeze %dma_start3A_104 : memref<1x125xi32, #tpu.memory_space<vmem>> -> memref<125xi32, #tpu.memory_space<vmem>>
          %dma_start3A_106 = arith.constant 0 : i32
          %dma_start3A_107 = arith.constant 0 : i32
          %dma_start3A_108 = tpu.memref_slice %arg2[%dma_start3A_106, %dma_start3A_107] : memref<20000x128xf32, #tpu.memory_space<hbm>> -> memref<20000x128xf32, #tpu.memory_space<hbm>>
          tpu.enqueue_indirect_dma source(%dma_start3A_108 : memref<20000x128xf32, #tpu.memory_space<hbm>>) target(%arg8 : memref<125x128xf32, #tpu.memory_space<vmem>>) offsets(%dma_start3A_105 : memref<125xi32, #tpu.memory_space<vmem>>) semaphore(%arg11 : memref<!tpu.dma_semaphore, #tpu.memory_space<semaphore_mem>>)
        } else {
        }
        %add3A_84 = arith.constant 1 : i32
        %add3A_85 = arith.addi %mul3A_71, %add3A_84 : i32
        %dma_wait3A_86 = arith.constant 0 : i32
        %dma_wait3A_87 = tpu.memref_slice %arg6[%add3A_85, %dma_wait3A_86] : memref<16x125xi32, #tpu.memory_space<vmem>> -> memref<1x125xi32, #tpu.memory_space<vmem>>
        %dma_wait3A_88 = tpu.memref_squeeze %dma_wait3A_87 : memref<1x125xi32, #tpu.memory_space<vmem>> -> memref<125xi32, #tpu.memory_space<vmem>>
        %dma_wait3A_89 = arith.constant 0 : i32
        %dma_wait3A_90 = arith.constant 0 : i32
        %dma_wait3A_91 = tpu.memref_slice %arg2[%dma_wait3A_89, %dma_wait3A_90] : memref<20000x128xf32, #tpu.memory_space<hbm>> -> memref<20000x128xf32, #tpu.memory_space<hbm>>
        tpu.wait_indirect_dma semaphore(%arg12 : memref<!tpu.dma_semaphore, #tpu.memory_space<semaphore_mem>>) src(%dma_wait3A_91 : memref<20000x128xf32, #tpu.memory_space<hbm>>) dst(%arg9 : memref<125x128xf32, #tpu.memory_space<vmem>>)
        %add3A_92 = arith.constant 1 : i32
        %add3A_93 = arith.addi %mul3A_71, %add3A_92 : i32
        "tpu.region"() ({
          %run_scoped3A = tpu.sem_alloc : memref<!tpu.dma_semaphore, #tpu.memory_space<semaphore_mem>>
          %dma_start3A_101 = arith.constant 0 : i32
          %dma_start3A_102 = tpu.memref_slice %arg7[%add3A_93, %dma_start3A_101] : memref<16x125xi32, #tpu.memory_space<vmem>> -> memref<1x125xi32, #tpu.memory_space<vmem>>
          %dma_start3A_103 = tpu.memref_squeeze %dma_start3A_102 : memref<1x125xi32, #tpu.memory_space<vmem>> -> memref<125xi32, #tpu.memory_space<vmem>>
          %dma_start3A_104 = arith.constant 0 : i32
          %dma_start3A_105 = arith.constant 0 : i32
          %dma_start3A_106 = tpu.memref_slice %arg10[%dma_start3A_104, %dma_start3A_105] : memref<10000x128xf32, #tpu.memory_space<vmem_shared>> -> memref<10000x128xf32, #tpu.memory_space<vmem_shared>>
          tpu.enqueue_indirect_dma source(%arg9 : memref<125x128xf32, #tpu.memory_space<vmem>>) target(%dma_start3A_106 : memref<10000x128xf32, #tpu.memory_space<vmem_shared>>) offsets(%dma_start3A_103 : memref<125xi32, #tpu.memory_space<vmem>>) semaphore(%run_scoped3A : memref<!tpu.dma_semaphore, #tpu.memory_space<semaphore_mem>>) {add = true}
          %dma_wait3A_107 = arith.constant 0 : i32
          %dma_wait3A_108 = tpu.memref_slice %arg7[%add3A_93, %dma_wait3A_107] : memref<16x125xi32, #tpu.memory_space<vmem>> -> memref<1x125xi32, #tpu.memory_space<vmem>>
          %dma_wait3A_109 = tpu.memref_squeeze %dma_wait3A_108 : memref<1x125xi32, #tpu.memory_space<vmem>> -> memref<125xi32, #tpu.memory_space<vmem>>
          %dma_wait3A_110 = arith.constant 0 : i32
          %dma_wait3A_111 = arith.constant 0 : i32
          %dma_wait3A_112 = tpu.memref_slice %arg10[%dma_wait3A_110, %dma_wait3A_111] : memref<10000x128xf32, #tpu.memory_space<vmem_shared>> -> memref<10000x128xf32, #tpu.memory_space<vmem_shared>>
          tpu.wait_indirect_dma semaphore(%run_scoped3A : memref<!tpu.dma_semaphore, #tpu.memory_space<semaphore_mem>>) src(%arg9 : memref<125x128xf32, #tpu.memory_space<vmem>>) dst(%dma_wait3A_112 : memref<10000x128xf32, #tpu.memory_space<vmem_shared>>)
          tpu.yield
        }) : () -> ()
        %add3A_94 = arith.constant 3 : i32
        %add3A_95 = arith.addi %mul3A_71, %add3A_94 : i32
        %lt3A_96 = arith.constant 16 : i32
        %lt3A_97 = arith.cmpi slt, %add3A_95, %lt3A_96 : i32
        %convert_element_type3A_98 = arith.extui %lt3A_97 : i1 to i32
        %cond3A_99 = arith.constant 0 : i32
        %cond3A_100 = arith.cmpi ne, %convert_element_type3A_98, %cond3A_99 : i32
        scf.if %cond3A_100 {
          %add3A_101 = arith.constant 3 : i32
          %add3A_102 = arith.addi %mul3A_71, %add3A_101 : i32
          %dma_start3A_103 = arith.constant 0 : i32
          %dma_start3A_104 = tpu.memref_slice %arg6[%add3A_102, %dma_start3A_103] : memref<16x125xi32, #tpu.memory_space<vmem>> -> memref<1x125xi32, #tpu.memory_space<vmem>>
          %dma_start3A_105 = tpu.memref_squeeze %dma_start3A_104 : memref<1x125xi32, #tpu.memory_space<vmem>> -> memref<125xi32, #tpu.memory_space<vmem>>
          %dma_start3A_106 = arith.constant 0 : i32
          %dma_start3A_107 = arith.constant 0 : i32
          %dma_start3A_108 = tpu.memref_slice %arg2[%dma_start3A_106, %dma_start3A_107] : memref<20000x128xf32, #tpu.memory_space<hbm>> -> memref<20000x128xf32, #tpu.memory_space<hbm>>
          tpu.enqueue_indirect_dma source(%dma_start3A_108 : memref<20000x128xf32, #tpu.memory_space<hbm>>) target(%arg9 : memref<125x128xf32, #tpu.memory_space<vmem>>) offsets(%dma_start3A_105 : memref<125xi32, #tpu.memory_space<vmem>>) semaphore(%arg12 : memref<!tpu.dma_semaphore, #tpu.memory_space<semaphore_mem>>)
        } else {
        }
      }
      %scan3A_68 = arith.constant 8 : i32
    }
    %scan3A_17 = arith.constant 10 : i32
    %barrier3A_18 = arith.constant 0 : index
    tpu.barrier barrier_id(%barrier3A_18)
    %mul3A = arith.constant 624 : i32
    %mul3A_19 = arith.muli %arg1, %mul3A : i32
    %add3A = arith.constant 0 : i32
    %add3A_20 = arith.addi %mul3A_19, %add3A : i32
    "tpu.region"() ({
      %run_scoped3A = tpu.sem_alloc : memref<!tpu.dma_semaphore, #tpu.memory_space<semaphore_mem>>
      %dma_start3A = arith.constant 0 : i32
      %dma_start3A_45 = arith.constant 0 : i32
      %dma_start3A_46 = tpu.memref_slice %arg8[%dma_start3A, %dma_start3A_45] : memref<125x128xf32, #tpu.memory_space<vmem>> -> memref<120x128xf32, #tpu.memory_space<vmem>>
      %dma_start3A_47 = arith.constant 0 : i32
      %dma_start3A_48 = tpu.memref_slice %arg10[%add3A_20, %dma_start3A_47] : memref<10000x128xf32, #tpu.memory_space<vmem_shared>> -> memref<120x128xf32, #tpu.memory_space<vmem_shared>>
      %dma_start3A_49 = arith.constant 0 : i32
      %dma_start3A_50 = arith.constant 0 : i32
      %dma_start3A_51 = tpu.memref_slice %arg8[%dma_start3A_49, %dma_start3A_50] : memref<125x128xf32, #tpu.memory_space<vmem>> -> memref<120x128xf32, #tpu.memory_space<vmem>>
      %dma_start3A_52 = arith.constant 0 : i32
      %dma_start3A_53 = tpu.memref_slice %arg10[%add3A_20, %dma_start3A_52] : memref<10000x128xf32, #tpu.memory_space<vmem_shared>> -> memref<120x128xf32, #tpu.memory_space<vmem_shared>>
      tpu.enqueue_dma source(%dma_start3A_53 : memref<120x128xf32, #tpu.memory_space<vmem_shared>>) target(%dma_start3A_51 : memref<120x128xf32, #tpu.memory_space<vmem>>) target_semaphore(%run_scoped3A : memref<!tpu.dma_semaphore, #tpu.memory_space<semaphore_mem>>)
      %dma_wait3A = arith.constant 0 : i32
      %dma_wait3A_54 = arith.constant 0 : i32
      %dma_wait3A_55 = tpu.memref_slice %arg8[%dma_wait3A, %dma_wait3A_54] : memref<125x128xf32, #tpu.memory_space<vmem>> -> memref<120x128xf32, #tpu.memory_space<vmem>>
      %dma_wait3A_56 = arith.constant 0 : i32
      %dma_wait3A_57 = tpu.memref_slice %arg10[%add3A_20, %dma_wait3A_56] : memref<10000x128xf32, #tpu.memory_space<vmem_shared>> -> memref<120x128xf32, #tpu.memory_space<vmem_shared>>
      %dma_wait3A_58 = arith.constant 0 : i32
      %dma_wait3A_59 = arith.constant 0 : i32
      %dma_wait3A_60 = tpu.memref_slice %arg8[%dma_wait3A_58, %dma_wait3A_59] : memref<125x128xf32, #tpu.memory_space<vmem>> -> memref<120x128xf32, #tpu.memory_space<vmem>>
      %dma_wait3A_61 = arith.constant 0 : i32
      %dma_wait3A_62 = tpu.memref_slice %arg10[%add3A_20, %dma_wait3A_61] : memref<10000x128xf32, #tpu.memory_space<vmem_shared>> -> memref<120x128xf32, #tpu.memory_space<vmem_shared>>
      tpu.wait_dma2 semaphore(%run_scoped3A : memref<!tpu.dma_semaphore, #tpu.memory_space<semaphore_mem>>) src(%dma_wait3A_62 : memref<120x128xf32, #tpu.memory_space<vmem_shared>>) dst(%dma_wait3A_60 : memref<120x128xf32, #tpu.memory_space<vmem>>)
      tpu.yield
    }) : () -> ()
    %add3A_21 = arith.constant 0 : i32
    %add3A_22 = arith.addi %mul3A_19, %add3A_21 : i32
    "tpu.region"() ({
      %run_scoped3A = tpu.sem_alloc : memref<!tpu.dma_semaphore, #tpu.memory_space<semaphore_mem>>
      %dma_start3A = arith.constant 0 : i32
      %dma_start3A_45 = arith.constant 0 : i32
      %dma_start3A_46 = tpu.memref_slice %arg8[%dma_start3A, %dma_start3A_45] : memref<125x128xf32, #tpu.memory_space<vmem>> -> memref<120x128xf32, #tpu.memory_space<vmem>>
      %dma_start3A_47 = arith.constant 0 : i32
      %dma_start3A_48 = tpu.memref_slice %arg5[%arg0, %add3A_22, %dma_start3A_47] : memref<2x10000x128xf32, #tpu.memory_space<hbm>> -> memref<1x120x128xf32, #tpu.memory_space<hbm>>
      %dma_start3A_49 = tpu.memref_squeeze %dma_start3A_48 : memref<1x120x128xf32, #tpu.memory_space<hbm>> -> memref<120x128xf32, #tpu.memory_space<hbm>>
      %dma_start3A_50 = arith.constant 0 : i32
      %dma_start3A_51 = tpu.memref_slice %arg5[%arg0, %add3A_22, %dma_start3A_50] : memref<2x10000x128xf32, #tpu.memory_space<hbm>> -> memref<1x120x128xf32, #tpu.memory_space<hbm>>
      %dma_start3A_52 = tpu.memref_squeeze %dma_start3A_51 : memref<1x120x128xf32, #tpu.memory_space<hbm>> -> memref<120x128xf32, #tpu.memory_space<hbm>>
      %dma_start3A_53 = arith.constant 0 : i32
      %dma_start3A_54 = arith.constant 0 : i32
      %dma_start3A_55 = tpu.memref_slice %arg8[%dma_start3A_53, %dma_start3A_54] : memref<125x128xf32, #tpu.memory_space<vmem>> -> memref<120x128xf32, #tpu.memory_space<vmem>>
      tpu.enqueue_dma source(%dma_start3A_55 : memref<120x128xf32, #tpu.memory_space<vmem>>) target(%dma_start3A_52 : memref<120x128xf32, #tpu.memory_space<hbm>>) target_semaphore(%run_scoped3A : memref<!tpu.dma_semaphore, #tpu.memory_space<semaphore_mem>>)
      %dma_wait3A = arith.constant 0 : i32
      %dma_wait3A_56 = arith.constant 0 : i32
      %dma_wait3A_57 = tpu.memref_slice %arg8[%dma_wait3A, %dma_wait3A_56] : memref<125x128xf32, #tpu.memory_space<vmem>> -> memref<120x128xf32, #tpu.memory_space<vmem>>
      %dma_wait3A_58 = arith.constant 0 : i32
      %dma_wait3A_59 = tpu.memref_slice %arg5[%arg0, %add3A_22, %dma_wait3A_58] : memref<2x10000x128xf32, #tpu.memory_space<hbm>> -> memref<1x120x128xf32, #tpu.memory_space<hbm>>
      %dma_wait3A_60 = tpu.memref_squeeze %dma_wait3A_59 : memref<1x120x128xf32, #tpu.memory_space<hbm>> -> memref<120x128xf32, #tpu.memory_space<hbm>>
      %dma_wait3A_61 = arith.constant 0 : i32
      %dma_wait3A_62 = tpu.memref_slice %arg5[%arg0, %add3A_22, %dma_wait3A_61] : memref<2x10000x128xf32, #tpu.memory_space<hbm>> -> memref<1x120x128xf32, #tpu.memory_space<hbm>>
      %dma_wait3A_63 = tpu.memref_squeeze %dma_wait3A_62 : memref<1x120x128xf32, #tpu.memory_space<hbm>> -> memref<120x128xf32, #tpu.memory_space<hbm>>
      %dma_wait3A_64 = arith.constant 0 : i32
      %dma_wait3A_65 = arith.constant 0 : i32
      %dma_wait3A_66 = tpu.memref_slice %arg8[%dma_wait3A_64, %dma_wait3A_65] : memref<125x128xf32, #tpu.memory_space<vmem>> -> memref<120x128xf32, #tpu.memory_space<vmem>>
      tpu.wait_dma2 semaphore(%run_scoped3A : memref<!tpu.dma_semaphore, #tpu.memory_space<semaphore_mem>>) src(%dma_wait3A_66 : memref<120x128xf32, #tpu.memory_space<vmem>>) dst(%dma_wait3A_63 : memref<120x128xf32, #tpu.memory_space<hbm>>)
      tpu.yield
    }) : () -> ()
    %add3A_23 = arith.constant 120 : i32
    %add3A_24 = arith.addi %mul3A_19, %add3A_23 : i32
    "tpu.region"() ({
      %run_scoped3A = tpu.sem_alloc : memref<!tpu.dma_semaphore, #tpu.memory_space<semaphore_mem>>
      %dma_start3A = arith.constant 0 : i32
      %dma_start3A_45 = arith.constant 0 : i32
      %dma_start3A_46 = tpu.memref_slice %arg8[%dma_start3A, %dma_start3A_45] : memref<125x128xf32, #tpu.memory_space<vmem>> -> memref<120x128xf32, #tpu.memory_space<vmem>>
      %dma_start3A_47 = arith.constant 0 : i32
      %dma_start3A_48 = tpu.memref_slice %arg10[%add3A_24, %dma_start3A_47] : memref<10000x128xf32, #tpu.memory_space<vmem_shared>> -> memref<120x128xf32, #tpu.memory_space<vmem_shared>>
      %dma_start3A_49 = arith.constant 0 : i32
      %dma_start3A_50 = arith.constant 0 : i32
      %dma_start3A_51 = tpu.memref_slice %arg8[%dma_start3A_49, %dma_start3A_50] : memref<125x128xf32, #tpu.memory_space<vmem>> -> memref<120x128xf32, #tpu.memory_space<vmem>>
      %dma_start3A_52 = arith.constant 0 : i32
      %dma_start3A_53 = tpu.memref_slice %arg10[%add3A_24, %dma_start3A_52] : memref<10000x128xf32, #tpu.memory_space<vmem_shared>> -> memref<120x128xf32, #tpu.memory_space<vmem_shared>>
      tpu.enqueue_dma source(%dma_start3A_53 : memref<120x128xf32, #tpu.memory_space<vmem_shared>>) target(%dma_start3A_51 : memref<120x128xf32, #tpu.memory_space<vmem>>) target_semaphore(%run_scoped3A : memref<!tpu.dma_semaphore, #tpu.memory_space<semaphore_mem>>)
      %dma_wait3A = arith.constant 0 : i32
      %dma_wait3A_54 = arith.constant 0 : i32
      %dma_wait3A_55 = tpu.memref_slice %arg8[%dma_wait3A, %dma_wait3A_54] : memref<125x128xf32, #tpu.memory_space<vmem>> -> memref<120x128xf32, #tpu.memory_space<vmem>>
      %dma_wait3A_56 = arith.constant 0 : i32
      %dma_wait3A_57 = tpu.memref_slice %arg10[%add3A_24, %dma_wait3A_56] : memref<10000x128xf32, #tpu.memory_space<vmem_shared>> -> memref<120x128xf32, #tpu.memory_space<vmem_shared>>
      %dma_wait3A_58 = arith.constant 0 : i32
      %dma_wait3A_59 = arith.constant 0 : i32
      %dma_wait3A_60 = tpu.memref_slice %arg8[%dma_wait3A_58, %dma_wait3A_59] : memref<125x128xf32, #tpu.memory_space<vmem>> -> memref<120x128xf32, #tpu.memory_space<vmem>>
      %dma_wait3A_61 = arith.constant 0 : i32
      %dma_wait3A_62 = tpu.memref_slice %arg10[%add3A_24, %dma_wait3A_61] : memref<10000x128xf32, #tpu.memory_space<vmem_shared>> -> memref<120x128xf32, #tpu.memory_space<vmem_shared>>
      tpu.wait_dma2 semaphore(%run_scoped3A : memref<!tpu.dma_semaphore, #tpu.memory_space<semaphore_mem>>) src(%dma_wait3A_62 : memref<120x128xf32, #tpu.memory_space<vmem_shared>>) dst(%dma_wait3A_60 : memref<120x128xf32, #tpu.memory_space<vmem>>)
      tpu.yield
    }) : () -> ()
    %add3A_25 = arith.constant 120 : i32
    %add3A_26 = arith.addi %mul3A_19, %add3A_25 : i32
    "tpu.region"() ({
      %run_scoped3A = tpu.sem_alloc : memref<!tpu.dma_semaphore, #tpu.memory_space<semaphore_mem>>
      %dma_start3A = arith.constant 0 : i32
      %dma_start3A_45 = arith.constant 0 : i32
      %dma_start3A_46 = tpu.memref_slice %arg8[%dma_start3A, %dma_start3A_45] : memref<125x128xf32, #tpu.memory_space<vmem>> -> memref<120x128xf32, #tpu.memory_space<vmem>>
      %dma_start3A_47 = arith.constant 0 : i32
      %dma_start3A_48 = tpu.memref_slice %arg5[%arg0, %add3A_26, %dma_start3A_47] : memref<2x10000x128xf32, #tpu.memory_space<hbm>> -> memref<1x120x128xf32, #tpu.memory_space<hbm>>
      %dma_start3A_49 = tpu.memref_squeeze %dma_start3A_48 : memref<1x120x128xf32, #tpu.memory_space<hbm>> -> memref<120x128xf32, #tpu.memory_space<hbm>>
      %dma_start3A_50 = arith.constant 0 : i32
      %dma_start3A_51 = tpu.memref_slice %arg5[%arg0, %add3A_26, %dma_start3A_50] : memref<2x10000x128xf32, #tpu.memory_space<hbm>> -> memref<1x120x128xf32, #tpu.memory_space<hbm>>
      %dma_start3A_52 = tpu.memref_squeeze %dma_start3A_51 : memref<1x120x128xf32, #tpu.memory_space<hbm>> -> memref<120x128xf32, #tpu.memory_space<hbm>>
      %dma_start3A_53 = arith.constant 0 : i32
      %dma_start3A_54 = arith.constant 0 : i32
      %dma_start3A_55 = tpu.memref_slice %arg8[%dma_start3A_53, %dma_start3A_54] : memref<125x128xf32, #tpu.memory_space<vmem>> -> memref<120x128xf32, #tpu.memory_space<vmem>>
      tpu.enqueue_dma source(%dma_start3A_55 : memref<120x128xf32, #tpu.memory_space<vmem>>) target(%dma_start3A_52 : memref<120x128xf32, #tpu.memory_space<hbm>>) target_semaphore(%run_scoped3A : memref<!tpu.dma_semaphore, #tpu.memory_space<semaphore_mem>>)
      %dma_wait3A = arith.constant 0 : i32
      %dma_wait3A_56 = arith.constant 0 : i32
      %dma_wait3A_57 = tpu.memref_slice %arg8[%dma_wait3A, %dma_wait3A_56] : memref<125x128xf32, #tpu.memory_space<vmem>> -> memref<120x128xf32, #tpu.memory_space<vmem>>
      %dma_wait3A_58 = arith.constant 0 : i32
      %dma_wait3A_59 = tpu.memref_slice %arg5[%arg0, %add3A_26, %dma_wait3A_58] : memref<2x10000x128xf32, #tpu.memory_space<hbm>> -> memref<1x120x128xf32, #tpu.memory_space<hbm>>
      %dma_wait3A_60 = tpu.memref_squeeze %dma_wait3A_59 : memref<1x120x128xf32, #tpu.memory_space<hbm>> -> memref<120x128xf32, #tpu.memory_space<hbm>>
      %dma_wait3A_61 = arith.constant 0 : i32
      %dma_wait3A_62 = tpu.memref_slice %arg5[%arg0, %add3A_26, %dma_wait3A_61] : memref<2x10000x128xf32, #tpu.memory_space<hbm>> -> memref<1x120x128xf32, #tpu.memory_space<hbm>>
      %dma_wait3A_63 = tpu.memref_squeeze %dma_wait3A_62 : memref<1x120x128xf32, #tpu.memory_space<hbm>> -> memref<120x128xf32, #tpu.memory_space<hbm>>
      %dma_wait3A_64 = arith.constant 0 : i32
      %dma_wait3A_65 = arith.constant 0 : i32
      %dma_wait3A_66 = tpu.memref_slice %arg8[%dma_wait3A_64, %dma_wait3A_65] : memref<125x128xf32, #tpu.memory_space<vmem>> -> memref<120x128xf32, #tpu.memory_space<vmem>>
      tpu.wait_dma2 semaphore(%run_scoped3A : memref<!tpu.dma_semaphore, #tpu.memory_space<semaphore_mem>>) src(%dma_wait3A_66 : memref<120x128xf32, #tpu.memory_space<vmem>>) dst(%dma_wait3A_63 : memref<120x128xf32, #tpu.memory_space<hbm>>)
      tpu.yield
    }) : () -> ()
    %add3A_27 = arith.constant 240 : i32
    %add3A_28 = arith.addi %mul3A_19, %add3A_27 : i32
    "tpu.region"() ({
      %run_scoped3A = tpu.sem_alloc : memref<!tpu.dma_semaphore, #tpu.memory_space<semaphore_mem>>
      %dma_start3A = arith.constant 0 : i32
      %dma_start3A_45 = arith.constant 0 : i32
      %dma_start3A_46 = tpu.memref_slice %arg8[%dma_start3A, %dma_start3A_45] : memref<125x128xf32, #tpu.memory_space<vmem>> -> memref<120x128xf32, #tpu.memory_space<vmem>>
      %dma_start3A_47 = arith.constant 0 : i32
      %dma_start3A_48 = tpu.memref_slice %arg10[%add3A_28, %dma_start3A_47] : memref<10000x128xf32, #tpu.memory_space<vmem_shared>> -> memref<120x128xf32, #tpu.memory_space<vmem_shared>>
      %dma_start3A_49 = arith.constant 0 : i32
      %dma_start3A_50 = arith.constant 0 : i32
      %dma_start3A_51 = tpu.memref_slice %arg8[%dma_start3A_49, %dma_start3A_50] : memref<125x128xf32, #tpu.memory_space<vmem>> -> memref<120x128xf32, #tpu.memory_space<vmem>>
      %dma_start3A_52 = arith.constant 0 : i32
      %dma_start3A_53 = tpu.memref_slice %arg10[%add3A_28, %dma_start3A_52] : memref<10000x128xf32, #tpu.memory_space<vmem_shared>> -> memref<120x128xf32, #tpu.memory_space<vmem_shared>>
      tpu.enqueue_dma source(%dma_start3A_53 : memref<120x128xf32, #tpu.memory_space<vmem_shared>>) target(%dma_start3A_51 : memref<120x128xf32, #tpu.memory_space<vmem>>) target_semaphore(%run_scoped3A : memref<!tpu.dma_semaphore, #tpu.memory_space<semaphore_mem>>)
      %dma_wait3A = arith.constant 0 : i32
      %dma_wait3A_54 = arith.constant 0 : i32
      %dma_wait3A_55 = tpu.memref_slice %arg8[%dma_wait3A, %dma_wait3A_54] : memref<125x128xf32, #tpu.memory_space<vmem>> -> memref<120x128xf32, #tpu.memory_space<vmem>>
      %dma_wait3A_56 = arith.constant 0 : i32
      %dma_wait3A_57 = tpu.memref_slice %arg10[%add3A_28, %dma_wait3A_56] : memref<10000x128xf32, #tpu.memory_space<vmem_shared>> -> memref<120x128xf32, #tpu.memory_space<vmem_shared>>
      %dma_wait3A_58 = arith.constant 0 : i32
      %dma_wait3A_59 = arith.constant 0 : i32
      %dma_wait3A_60 = tpu.memref_slice %arg8[%dma_wait3A_58, %dma_wait3A_59] : memref<125x128xf32, #tpu.memory_space<vmem>> -> memref<120x128xf32, #tpu.memory_space<vmem>>
      %dma_wait3A_61 = arith.constant 0 : i32
      %dma_wait3A_62 = tpu.memref_slice %arg10[%add3A_28, %dma_wait3A_61] : memref<10000x128xf32, #tpu.memory_space<vmem_shared>> -> memref<120x128xf32, #tpu.memory_space<vmem_shared>>
      tpu.wait_dma2 semaphore(%run_scoped3A : memref<!tpu.dma_semaphore, #tpu.memory_space<semaphore_mem>>) src(%dma_wait3A_62 : memref<120x128xf32, #tpu.memory_space<vmem_shared>>) dst(%dma_wait3A_60 : memref<120x128xf32, #tpu.memory_space<vmem>>)
      tpu.yield
    }) : () -> ()
    %add3A_29 = arith.constant 240 : i32
    %add3A_30 = arith.addi %mul3A_19, %add3A_29 : i32
    "tpu.region"() ({
      %run_scoped3A = tpu.sem_alloc : memref<!tpu.dma_semaphore, #tpu.memory_space<semaphore_mem>>
      %dma_start3A = arith.constant 0 : i32
      %dma_start3A_45 = arith.constant 0 : i32
      %dma_start3A_46 = tpu.memref_slice %arg8[%dma_start3A, %dma_start3A_45] : memref<125x128xf32, #tpu.memory_space<vmem>> -> memref<120x128xf32, #tpu.memory_space<vmem>>
      %dma_start3A_47 = arith.constant 0 : i32
      %dma_start3A_48 = tpu.memref_slice %arg5[%arg0, %add3A_30, %dma_start3A_47] : memref<2x10000x128xf32, #tpu.memory_space<hbm>> -> memref<1x120x128xf32, #tpu.memory_space<hbm>>
      %dma_start3A_49 = tpu.memref_squeeze %dma_start3A_48 : memref<1x120x128xf32, #tpu.memory_space<hbm>> -> memref<120x128xf32, #tpu.memory_space<hbm>>
      %dma_start3A_50 = arith.constant 0 : i32
      %dma_start3A_51 = tpu.memref_slice %arg5[%arg0, %add3A_30, %dma_start3A_50] : memref<2x10000x128xf32, #tpu.memory_space<hbm>> -> memref<1x120x128xf32, #tpu.memory_space<hbm>>
      %dma_start3A_52 = tpu.memref_squeeze %dma_start3A_51 : memref<1x120x128xf32, #tpu.memory_space<hbm>> -> memref<120x128xf32, #tpu.memory_space<hbm>>
      %dma_start3A_53 = arith.constant 0 : i32
      %dma_start3A_54 = arith.constant 0 : i32
      %dma_start3A_55 = tpu.memref_slice %arg8[%dma_start3A_53, %dma_start3A_54] : memref<125x128xf32, #tpu.memory_space<vmem>> -> memref<120x128xf32, #tpu.memory_space<vmem>>
      tpu.enqueue_dma source(%dma_start3A_55 : memref<120x128xf32, #tpu.memory_space<vmem>>) target(%dma_start3A_52 : memref<120x128xf32, #tpu.memory_space<hbm>>) target_semaphore(%run_scoped3A : memref<!tpu.dma_semaphore, #tpu.memory_space<semaphore_mem>>)
      %dma_wait3A = arith.constant 0 : i32
      %dma_wait3A_56 = arith.constant 0 : i32
      %dma_wait3A_57 = tpu.memref_slice %arg8[%dma_wait3A, %dma_wait3A_56] : memref<125x128xf32, #tpu.memory_space<vmem>> -> memref<120x128xf32, #tpu.memory_space<vmem>>
      %dma_wait3A_58 = arith.constant 0 : i32
      %dma_wait3A_59 = tpu.memref_slice %arg5[%arg0, %add3A_30, %dma_wait3A_58] : memref<2x10000x128xf32, #tpu.memory_space<hbm>> -> memref<1x120x128xf32, #tpu.memory_space<hbm>>
      %dma_wait3A_60 = tpu.memref_squeeze %dma_wait3A_59 : memref<1x120x128xf32, #tpu.memory_space<hbm>> -> memref<120x128xf32, #tpu.memory_space<hbm>>
      %dma_wait3A_61 = arith.constant 0 : i32
      %dma_wait3A_62 = tpu.memref_slice %arg5[%arg0, %add3A_30, %dma_wait3A_61] : memref<2x10000x128xf32, #tpu.memory_space<hbm>> -> memref<1x120x128xf32, #tpu.memory_space<hbm>>
      %dma_wait3A_63 = tpu.memref_squeeze %dma_wait3A_62 : memref<1x120x128xf32, #tpu.memory_space<hbm>> -> memref<120x128xf32, #tpu.memory_space<hbm>>
      %dma_wait3A_64 = arith.constant 0 : i32
      %dma_wait3A_65 = arith.constant 0 : i32
      %dma_wait3A_66 = tpu.memref_slice %arg8[%dma_wait3A_64, %dma_wait3A_65] : memref<125x128xf32, #tpu.memory_space<vmem>> -> memref<120x128xf32, #tpu.memory_space<vmem>>
      tpu.wait_dma2 semaphore(%run_scoped3A : memref<!tpu.dma_semaphore, #tpu.memory_space<semaphore_mem>>) src(%dma_wait3A_66 : memref<120x128xf32, #tpu.memory_space<vmem>>) dst(%dma_wait3A_63 : memref<120x128xf32, #tpu.memory_space<hbm>>)
      tpu.yield
    }) : () -> ()
    %add3A_31 = arith.constant 360 : i32
    %add3A_32 = arith.addi %mul3A_19, %add3A_31 : i32
    "tpu.region"() ({
      %run_scoped3A = tpu.sem_alloc : memref<!tpu.dma_semaphore, #tpu.memory_space<semaphore_mem>>
      %dma_start3A = arith.constant 0 : i32
      %dma_start3A_45 = arith.constant 0 : i32
      %dma_start3A_46 = tpu.memref_slice %arg8[%dma_start3A, %dma_start3A_45] : memref<125x128xf32, #tpu.memory_space<vmem>> -> memref<120x128xf32, #tpu.memory_space<vmem>>
      %dma_start3A_47 = arith.constant 0 : i32
      %dma_start3A_48 = tpu.memref_slice %arg10[%add3A_32, %dma_start3A_47] : memref<10000x128xf32, #tpu.memory_space<vmem_shared>> -> memref<120x128xf32, #tpu.memory_space<vmem_shared>>
      %dma_start3A_49 = arith.constant 0 : i32
      %dma_start3A_50 = arith.constant 0 : i32
      %dma_start3A_51 = tpu.memref_slice %arg8[%dma_start3A_49, %dma_start3A_50] : memref<125x128xf32, #tpu.memory_space<vmem>> -> memref<120x128xf32, #tpu.memory_space<vmem>>
      %dma_start3A_52 = arith.constant 0 : i32
      %dma_start3A_53 = tpu.memref_slice %arg10[%add3A_32, %dma_start3A_52] : memref<10000x128xf32, #tpu.memory_space<vmem_shared>> -> memref<120x128xf32, #tpu.memory_space<vmem_shared>>
      tpu.enqueue_dma source(%dma_start3A_53 : memref<120x128xf32, #tpu.memory_space<vmem_shared>>) target(%dma_start3A_51 : memref<120x128xf32, #tpu.memory_space<vmem>>) target_semaphore(%run_scoped3A : memref<!tpu.dma_semaphore, #tpu.memory_space<semaphore_mem>>)
      %dma_wait3A = arith.constant 0 : i32
      %dma_wait3A_54 = arith.constant 0 : i32
      %dma_wait3A_55 = tpu.memref_slice %arg8[%dma_wait3A, %dma_wait3A_54] : memref<125x128xf32, #tpu.memory_space<vmem>> -> memref<120x128xf32, #tpu.memory_space<vmem>>
      %dma_wait3A_56 = arith.constant 0 : i32
      %dma_wait3A_57 = tpu.memref_slice %arg10[%add3A_32, %dma_wait3A_56] : memref<10000x128xf32, #tpu.memory_space<vmem_shared>> -> memref<120x128xf32, #tpu.memory_space<vmem_shared>>
      %dma_wait3A_58 = arith.constant 0 : i32
      %dma_wait3A_59 = arith.constant 0 : i32
      %dma_wait3A_60 = tpu.memref_slice %arg8[%dma_wait3A_58, %dma_wait3A_59] : memref<125x128xf32, #tpu.memory_space<vmem>> -> memref<120x128xf32, #tpu.memory_space<vmem>>
      %dma_wait3A_61 = arith.constant 0 : i32
      %dma_wait3A_62 = tpu.memref_slice %arg10[%add3A_32, %dma_wait3A_61] : memref<10000x128xf32, #tpu.memory_space<vmem_shared>> -> memref<120x128xf32, #tpu.memory_space<vmem_shared>>
      tpu.wait_dma2 semaphore(%run_scoped3A : memref<!tpu.dma_semaphore, #tpu.memory_space<semaphore_mem>>) src(%dma_wait3A_62 : memref<120x128xf32, #tpu.memory_space<vmem_shared>>) dst(%dma_wait3A_60 : memref<120x128xf32, #tpu.memory_space<vmem>>)
      tpu.yield
    }) : () -> ()
    %add3A_33 = arith.constant 360 : i32
    %add3A_34 = arith.addi %mul3A_19, %add3A_33 : i32
    "tpu.region"() ({
      %run_scoped3A = tpu.sem_alloc : memref<!tpu.dma_semaphore, #tpu.memory_space<semaphore_mem>>
      %dma_start3A = arith.constant 0 : i32
      %dma_start3A_45 = arith.constant 0 : i32
      %dma_start3A_46 = tpu.memref_slice %arg8[%dma_start3A, %dma_start3A_45] : memref<125x128xf32, #tpu.memory_space<vmem>> -> memref<120x128xf32, #tpu.memory_space<vmem>>
      %dma_start3A_47 = arith.constant 0 : i32
      %dma_start3A_48 = tpu.memref_slice %arg5[%arg0, %add3A_34, %dma_start3A_47] : memref<2x10000x128xf32, #tpu.memory_space<hbm>> -> memref<1x120x128xf32, #tpu.memory_space<hbm>>
      %dma_start3A_49 = tpu.memref_squeeze %dma_start3A_48 : memref<1x120x128xf32, #tpu.memory_space<hbm>> -> memref<120x128xf32, #tpu.memory_space<hbm>>
      %dma_start3A_50 = arith.constant 0 : i32
      %dma_start3A_51 = tpu.memref_slice %arg5[%arg0, %add3A_34, %dma_start3A_50] : memref<2x10000x128xf32, #tpu.memory_space<hbm>> -> memref<1x120x128xf32, #tpu.memory_space<hbm>>
      %dma_start3A_52 = tpu.memref_squeeze %dma_start3A_51 : memref<1x120x128xf32, #tpu.memory_space<hbm>> -> memref<120x128xf32, #tpu.memory_space<hbm>>
      %dma_start3A_53 = arith.constant 0 : i32
      %dma_start3A_54 = arith.constant 0 : i32
      %dma_start3A_55 = tpu.memref_slice %arg8[%dma_start3A_53, %dma_start3A_54] : memref<125x128xf32, #tpu.memory_space<vmem>> -> memref<120x128xf32, #tpu.memory_space<vmem>>
      tpu.enqueue_dma source(%dma_start3A_55 : memref<120x128xf32, #tpu.memory_space<vmem>>) target(%dma_start3A_52 : memref<120x128xf32, #tpu.memory_space<hbm>>) target_semaphore(%run_scoped3A : memref<!tpu.dma_semaphore, #tpu.memory_space<semaphore_mem>>)
      %dma_wait3A = arith.constant 0 : i32
      %dma_wait3A_56 = arith.constant 0 : i32
      %dma_wait3A_57 = tpu.memref_slice %arg8[%dma_wait3A, %dma_wait3A_56] : memref<125x128xf32, #tpu.memory_space<vmem>> -> memref<120x128xf32, #tpu.memory_space<vmem>>
      %dma_wait3A_58 = arith.constant 0 : i32
      %dma_wait3A_59 = tpu.memref_slice %arg5[%arg0, %add3A_34, %dma_wait3A_58] : memref<2x10000x128xf32, #tpu.memory_space<hbm>> -> memref<1x120x128xf32, #tpu.memory_space<hbm>>
      %dma_wait3A_60 = tpu.memref_squeeze %dma_wait3A_59 : memref<1x120x128xf32, #tpu.memory_space<hbm>> -> memref<120x128xf32, #tpu.memory_space<hbm>>
      %dma_wait3A_61 = arith.constant 0 : i32
      %dma_wait3A_62 = tpu.memref_slice %arg5[%arg0, %add3A_34, %dma_wait3A_61] : memref<2x10000x128xf32, #tpu.memory_space<hbm>> -> memref<1x120x128xf32, #tpu.memory_space<hbm>>
      %dma_wait3A_63 = tpu.memref_squeeze %dma_wait3A_62 : memref<1x120x128xf32, #tpu.memory_space<hbm>> -> memref<120x128xf32, #tpu.memory_space<hbm>>
      %dma_wait3A_64 = arith.constant 0 : i32
      %dma_wait3A_65 = arith.constant 0 : i32
      %dma_wait3A_66 = tpu.memref_slice %arg8[%dma_wait3A_64, %dma_wait3A_65] : memref<125x128xf32, #tpu.memory_space<vmem>> -> memref<120x128xf32, #tpu.memory_space<vmem>>
      tpu.wait_dma2 semaphore(%run_scoped3A : memref<!tpu.dma_semaphore, #tpu.memory_space<semaphore_mem>>) src(%dma_wait3A_66 : memref<120x128xf32, #tpu.memory_space<vmem>>) dst(%dma_wait3A_63 : memref<120x128xf32, #tpu.memory_space<hbm>>)
      tpu.yield
    }) : () -> ()
    %add3A_35 = arith.constant 480 : i32
    %add3A_36 = arith.addi %mul3A_19, %add3A_35 : i32
    "tpu.region"() ({
      %run_scoped3A = tpu.sem_alloc : memref<!tpu.dma_semaphore, #tpu.memory_space<semaphore_mem>>
      %dma_start3A = arith.constant 0 : i32
      %dma_start3A_45 = arith.constant 0 : i32
      %dma_start3A_46 = tpu.memref_slice %arg8[%dma_start3A, %dma_start3A_45] : memref<125x128xf32, #tpu.memory_space<vmem>> -> memref<120x128xf32, #tpu.memory_space<vmem>>
      %dma_start3A_47 = arith.constant 0 : i32
      %dma_start3A_48 = tpu.memref_slice %arg10[%add3A_36, %dma_start3A_47] : memref<10000x128xf32, #tpu.memory_space<vmem_shared>> -> memref<120x128xf32, #tpu.memory_space<vmem_shared>>
      %dma_start3A_49 = arith.constant 0 : i32
      %dma_start3A_50 = arith.constant 0 : i32
      %dma_start3A_51 = tpu.memref_slice %arg8[%dma_start3A_49, %dma_start3A_50] : memref<125x128xf32, #tpu.memory_space<vmem>> -> memref<120x128xf32, #tpu.memory_space<vmem>>
      %dma_start3A_52 = arith.constant 0 : i32
      %dma_start3A_53 = tpu.memref_slice %arg10[%add3A_36, %dma_start3A_52] : memref<10000x128xf32, #tpu.memory_space<vmem_shared>> -> memref<120x128xf32, #tpu.memory_space<vmem_shared>>
      tpu.enqueue_dma source(%dma_start3A_53 : memref<120x128xf32, #tpu.memory_space<vmem_shared>>) target(%dma_start3A_51 : memref<120x128xf32, #tpu.memory_space<vmem>>) target_semaphore(%run_scoped3A : memref<!tpu.dma_semaphore, #tpu.memory_space<semaphore_mem>>)
      %dma_wait3A = arith.constant 0 : i32
      %dma_wait3A_54 = arith.constant 0 : i32
      %dma_wait3A_55 = tpu.memref_slice %arg8[%dma_wait3A, %dma_wait3A_54] : memref<125x128xf32, #tpu.memory_space<vmem>> -> memref<120x128xf32, #tpu.memory_space<vmem>>
      %dma_wait3A_56 = arith.constant 0 : i32
      %dma_wait3A_57 = tpu.memref_slice %arg10[%add3A_36, %dma_wait3A_56] : memref<10000x128xf32, #tpu.memory_space<vmem_shared>> -> memref<120x128xf32, #tpu.memory_space<vmem_shared>>
      %dma_wait3A_58 = arith.constant 0 : i32
      %dma_wait3A_59 = arith.constant 0 : i32
      %dma_wait3A_60 = tpu.memref_slice %arg8[%dma_wait3A_58, %dma_wait3A_59] : memref<125x128xf32, #tpu.memory_space<vmem>> -> memref<120x128xf32, #tpu.memory_space<vmem>>
      %dma_wait3A_61 = arith.constant 0 : i32
      %dma_wait3A_62 = tpu.memref_slice %arg10[%add3A_36, %dma_wait3A_61] : memref<10000x128xf32, #tpu.memory_space<vmem_shared>> -> memref<120x128xf32, #tpu.memory_space<vmem_shared>>
      tpu.wait_dma2 semaphore(%run_scoped3A : memref<!tpu.dma_semaphore, #tpu.memory_space<semaphore_mem>>) src(%dma_wait3A_62 : memref<120x128xf32, #tpu.memory_space<vmem_shared>>) dst(%dma_wait3A_60 : memref<120x128xf32, #tpu.memory_space<vmem>>)
      tpu.yield
    }) : () -> ()
    %add3A_37 = arith.constant 480 : i32
    %add3A_38 = arith.addi %mul3A_19, %add3A_37 : i32
    "tpu.region"() ({
      %run_scoped3A = tpu.sem_alloc : memref<!tpu.dma_semaphore, #tpu.memory_space<semaphore_mem>>
      %dma_start3A = arith.constant 0 : i32
      %dma_start3A_45 = arith.constant 0 : i32
      %dma_start3A_46 = tpu.memref_slice %arg8[%dma_start3A, %dma_start3A_45] : memref<125x128xf32, #tpu.memory_space<vmem>> -> memref<120x128xf32, #tpu.memory_space<vmem>>
      %dma_start3A_47 = arith.constant 0 : i32
      %dma_start3A_48 = tpu.memref_slice %arg5[%arg0, %add3A_38, %dma_start3A_47] : memref<2x10000x128xf32, #tpu.memory_space<hbm>> -> memref<1x120x128xf32, #tpu.memory_space<hbm>>
      %dma_start3A_49 = tpu.memref_squeeze %dma_start3A_48 : memref<1x120x128xf32, #tpu.memory_space<hbm>> -> memref<120x128xf32, #tpu.memory_space<hbm>>
      %dma_start3A_50 = arith.constant 0 : i32
      %dma_start3A_51 = tpu.memref_slice %arg5[%arg0, %add3A_38, %dma_start3A_50] : memref<2x10000x128xf32, #tpu.memory_space<hbm>> -> memref<1x120x128xf32, #tpu.memory_space<hbm>>
      %dma_start3A_52 = tpu.memref_squeeze %dma_start3A_51 : memref<1x120x128xf32, #tpu.memory_space<hbm>> -> memref<120x128xf32, #tpu.memory_space<hbm>>
      %dma_start3A_53 = arith.constant 0 : i32
      %dma_start3A_54 = arith.constant 0 : i32
      %dma_start3A_55 = tpu.memref_slice %arg8[%dma_start3A_53, %dma_start3A_54] : memref<125x128xf32, #tpu.memory_space<vmem>> -> memref<120x128xf32, #tpu.memory_space<vmem>>
      tpu.enqueue_dma source(%dma_start3A_55 : memref<120x128xf32, #tpu.memory_space<vmem>>) target(%dma_start3A_52 : memref<120x128xf32, #tpu.memory_space<hbm>>) target_semaphore(%run_scoped3A : memref<!tpu.dma_semaphore, #tpu.memory_space<semaphore_mem>>)
      %dma_wait3A = arith.constant 0 : i32
      %dma_wait3A_56 = arith.constant 0 : i32
      %dma_wait3A_57 = tpu.memref_slice %arg8[%dma_wait3A, %dma_wait3A_56] : memref<125x128xf32, #tpu.memory_space<vmem>> -> memref<120x128xf32, #tpu.memory_space<vmem>>
      %dma_wait3A_58 = arith.constant 0 : i32
      %dma_wait3A_59 = tpu.memref_slice %arg5[%arg0, %add3A_38, %dma_wait3A_58] : memref<2x10000x128xf32, #tpu.memory_space<hbm>> -> memref<1x120x128xf32, #tpu.memory_space<hbm>>
      %dma_wait3A_60 = tpu.memref_squeeze %dma_wait3A_59 : memref<1x120x128xf32, #tpu.memory_space<hbm>> -> memref<120x128xf32, #tpu.memory_space<hbm>>
      %dma_wait3A_61 = arith.constant 0 : i32
      %dma_wait3A_62 = tpu.memref_slice %arg5[%arg0, %add3A_38, %dma_wait3A_61] : memref<2x10000x128xf32, #tpu.memory_space<hbm>> -> memref<1x120x128xf32, #tpu.memory_space<hbm>>
      %dma_wait3A_63 = tpu.memref_squeeze %dma_wait3A_62 : memref<1x120x128xf32, #tpu.memory_space<hbm>> -> memref<120x128xf32, #tpu.memory_space<hbm>>
      %dma_wait3A_64 = arith.constant 0 : i32
      %dma_wait3A_65 = arith.constant 0 : i32
      %dma_wait3A_66 = tpu.memref_slice %arg8[%dma_wait3A_64, %dma_wait3A_65] : memref<125x128xf32, #tpu.memory_space<vmem>> -> memref<120x128xf32, #tpu.memory_space<vmem>>
      tpu.wait_dma2 semaphore(%run_scoped3A : memref<!tpu.dma_semaphore, #tpu.memory_space<semaphore_mem>>) src(%dma_wait3A_66 : memref<120x128xf32, #tpu.memory_space<vmem>>) dst(%dma_wait3A_63 : memref<120x128xf32, #tpu.memory_space<hbm>>)
      tpu.yield
    }) : () -> ()
    %lt3A = arith.constant 15 : i32
    %lt3A_39 = arith.cmpi slt, %arg1, %lt3A : i32
    %convert_element_type3A = arith.extui %lt3A_39 : i1 to i32
    %cond3A = arith.constant 0 : i32
    %cond3A_40 = arith.cmpi ne, %convert_element_type3A, %cond3A : i32
    scf.if %cond3A_40 {
      %add3A_45 = arith.constant 600 : i32
      %add3A_46 = arith.addi %mul3A_19, %add3A_45 : i32
      "tpu.region"() ({
        %run_scoped3A = tpu.sem_alloc : memref<!tpu.dma_semaphore, #tpu.memory_space<semaphore_mem>>
        %dma_start3A = arith.constant 0 : i32
        %dma_start3A_49 = arith.constant 0 : i32
        %dma_start3A_50 = tpu.memref_slice %arg8[%dma_start3A, %dma_start3A_49] : memref<125x128xf32, #tpu.memory_space<vmem>> -> memref<24x128xf32, #tpu.memory_space<vmem>>
        %dma_start3A_51 = arith.constant 0 : i32
        %dma_start3A_52 = tpu.memref_slice %arg10[%add3A_46, %dma_start3A_51] : memref<10000x128xf32, #tpu.memory_space<vmem_shared>> -> memref<24x128xf32, #tpu.memory_space<vmem_shared>>
        %dma_start3A_53 = arith.constant 0 : i32
        %dma_start3A_54 = arith.constant 0 : i32
        %dma_start3A_55 = tpu.memref_slice %arg8[%dma_start3A_53, %dma_start3A_54] : memref<125x128xf32, #tpu.memory_space<vmem>> -> memref<24x128xf32, #tpu.memory_space<vmem>>
        %dma_start3A_56 = arith.constant 0 : i32
        %dma_start3A_57 = tpu.memref_slice %arg10[%add3A_46, %dma_start3A_56] : memref<10000x128xf32, #tpu.memory_space<vmem_shared>> -> memref<24x128xf32, #tpu.memory_space<vmem_shared>>
        tpu.enqueue_dma source(%dma_start3A_57 : memref<24x128xf32, #tpu.memory_space<vmem_shared>>) target(%dma_start3A_55 : memref<24x128xf32, #tpu.memory_space<vmem>>) target_semaphore(%run_scoped3A : memref<!tpu.dma_semaphore, #tpu.memory_space<semaphore_mem>>)
        %dma_wait3A = arith.constant 0 : i32
        %dma_wait3A_58 = arith.constant 0 : i32
        %dma_wait3A_59 = tpu.memref_slice %arg8[%dma_wait3A, %dma_wait3A_58] : memref<125x128xf32, #tpu.memory_space<vmem>> -> memref<24x128xf32, #tpu.memory_space<vmem>>
        %dma_wait3A_60 = arith.constant 0 : i32
        %dma_wait3A_61 = tpu.memref_slice %arg10[%add3A_46, %dma_wait3A_60] : memref<10000x128xf32, #tpu.memory_space<vmem_shared>> -> memref<24x128xf32, #tpu.memory_space<vmem_shared>>
        %dma_wait3A_62 = arith.constant 0 : i32
        %dma_wait3A_63 = arith.constant 0 : i32
        %dma_wait3A_64 = tpu.memref_slice %arg8[%dma_wait3A_62, %dma_wait3A_63] : memref<125x128xf32, #tpu.memory_space<vmem>> -> memref<24x128xf32, #tpu.memory_space<vmem>>
        %dma_wait3A_65 = arith.constant 0 : i32
        %dma_wait3A_66 = tpu.memref_slice %arg10[%add3A_46, %dma_wait3A_65] : memref<10000x128xf32, #tpu.memory_space<vmem_shared>> -> memref<24x128xf32, #tpu.memory_space<vmem_shared>>
        tpu.wait_dma2 semaphore(%run_scoped3A : memref<!tpu.dma_semaphore, #tpu.memory_space<semaphore_mem>>) src(%dma_wait3A_66 : memref<24x128xf32, #tpu.memory_space<vmem_shared>>) dst(%dma_wait3A_64 : memref<24x128xf32, #tpu.memory_space<vmem>>)
        tpu.yield
      }) : () -> ()
      %add3A_47 = arith.constant 600 : i32
      %add3A_48 = arith.addi %mul3A_19, %add3A_47 : i32
      "tpu.region"() ({
        %run_scoped3A = tpu.sem_alloc : memref<!tpu.dma_semaphore, #tpu.memory_space<semaphore_mem>>
        %dma_start3A = arith.constant 0 : i32
        %dma_start3A_49 = arith.constant 0 : i32
        %dma_start3A_50 = tpu.memref_slice %arg8[%dma_start3A, %dma_start3A_49] : memref<125x128xf32, #tpu.memory_space<vmem>> -> memref<24x128xf32, #tpu.memory_space<vmem>>
        %dma_start3A_51 = arith.constant 0 : i32
        %dma_start3A_52 = tpu.memref_slice %arg5[%arg0, %add3A_48, %dma_start3A_51] : memref<2x10000x128xf32, #tpu.memory_space<hbm>> -> memref<1x24x128xf32, #tpu.memory_space<hbm>>
        %dma_start3A_53 = tpu.memref_squeeze %dma_start3A_52 : memref<1x24x128xf32, #tpu.memory_space<hbm>> -> memref<24x128xf32, #tpu.memory_space<hbm>>
        %dma_start3A_54 = arith.constant 0 : i32
        %dma_start3A_55 = tpu.memref_slice %arg5[%arg0, %add3A_48, %dma_start3A_54] : memref<2x10000x128xf32, #tpu.memory_space<hbm>> -> memref<1x24x128xf32, #tpu.memory_space<hbm>>
        %dma_start3A_56 = tpu.memref_squeeze %dma_start3A_55 : memref<1x24x128xf32, #tpu.memory_space<hbm>> -> memref<24x128xf32, #tpu.memory_space<hbm>>
        %dma_start3A_57 = arith.constant 0 : i32
        %dma_start3A_58 = arith.constant 0 : i32
        %dma_start3A_59 = tpu.memref_slice %arg8[%dma_start3A_57, %dma_start3A_58] : memref<125x128xf32, #tpu.memory_space<vmem>> -> memref<24x128xf32, #tpu.memory_space<vmem>>
        tpu.enqueue_dma source(%dma_start3A_59 : memref<24x128xf32, #tpu.memory_space<vmem>>) target(%dma_start3A_56 : memref<24x128xf32, #tpu.memory_space<hbm>>) target_semaphore(%run_scoped3A : memref<!tpu.dma_semaphore, #tpu.memory_space<semaphore_mem>>)
        %dma_wait3A = arith.constant 0 : i32
        %dma_wait3A_60 = arith.constant 0 : i32
        %dma_wait3A_61 = tpu.memref_slice %arg8[%dma_wait3A, %dma_wait3A_60] : memref<125x128xf32, #tpu.memory_space<vmem>> -> memref<24x128xf32, #tpu.memory_space<vmem>>
        %dma_wait3A_62 = arith.constant 0 : i32
        %dma_wait3A_63 = tpu.memref_slice %arg5[%arg0, %add3A_48, %dma_wait3A_62] : memref<2x10000x128xf32, #tpu.memory_space<hbm>> -> memref<1x24x128xf32, #tpu.memory_space<hbm>>
        %dma_wait3A_64 = tpu.memref_squeeze %dma_wait3A_63 : memref<1x24x128xf32, #tpu.memory_space<hbm>> -> memref<24x128xf32, #tpu.memory_space<hbm>>
        %dma_wait3A_65 = arith.constant 0 : i32
        %dma_wait3A_66 = tpu.memref_slice %arg5[%arg0, %add3A_48, %dma_wait3A_65] : memref<2x10000x128xf32, #tpu.memory_space<hbm>> -> memref<1x24x128xf32, #tpu.memory_space<hbm>>
        %dma_wait3A_67 = tpu.memref_squeeze %dma_wait3A_66 : memref<1x24x128xf32, #tpu.memory_space<hbm>> -> memref<24x128xf32, #tpu.memory_space<hbm>>
        %dma_wait3A_68 = arith.constant 0 : i32
        %dma_wait3A_69 = arith.constant 0 : i32
        %dma_wait3A_70 = tpu.memref_slice %arg8[%dma_wait3A_68, %dma_wait3A_69] : memref<125x128xf32, #tpu.memory_space<vmem>> -> memref<24x128xf32, #tpu.memory_space<vmem>>
        tpu.wait_dma2 semaphore(%run_scoped3A : memref<!tpu.dma_semaphore, #tpu.memory_space<semaphore_mem>>) src(%dma_wait3A_70 : memref<24x128xf32, #tpu.memory_space<vmem>>) dst(%dma_wait3A_67 : memref<24x128xf32, #tpu.memory_space<hbm>>)
        tpu.yield
      }) : () -> ()
    } else {
    }
    %eq3A = arith.constant 15 : i32
    %eq3A_41 = arith.cmpi eq, %arg1, %eq3A : i32
    %convert_element_type3A_42 = arith.extui %eq3A_41 : i1 to i32
    %cond3A_43 = arith.constant 0 : i32
    %cond3A_44 = arith.cmpi ne, %convert_element_type3A_42, %cond3A_43 : i32
    scf.if %cond3A_44 {
      %add3A_45 = arith.constant 600 : i32
      %add3A_46 = arith.addi %mul3A_19, %add3A_45 : i32
      "tpu.region"() ({
        %run_scoped3A = tpu.sem_alloc : memref<!tpu.dma_semaphore, #tpu.memory_space<semaphore_mem>>
        %dma_start3A = arith.constant 0 : i32
        %dma_start3A_49 = arith.constant 0 : i32
        %dma_start3A_50 = tpu.memref_slice %arg8[%dma_start3A, %dma_start3A_49] : memref<125x128xf32, #tpu.memory_space<vmem>> -> memref<40x128xf32, #tpu.memory_space<vmem>>
        %dma_start3A_51 = arith.constant 0 : i32
        %dma_start3A_52 = tpu.memref_slice %arg10[%add3A_46, %dma_start3A_51] : memref<10000x128xf32, #tpu.memory_space<vmem_shared>> -> memref<40x128xf32, #tpu.memory_space<vmem_shared>>
        %dma_start3A_53 = arith.constant 0 : i32
        %dma_start3A_54 = arith.constant 0 : i32
        %dma_start3A_55 = tpu.memref_slice %arg8[%dma_start3A_53, %dma_start3A_54] : memref<125x128xf32, #tpu.memory_space<vmem>> -> memref<40x128xf32, #tpu.memory_space<vmem>>
        %dma_start3A_56 = arith.constant 0 : i32
        %dma_start3A_57 = tpu.memref_slice %arg10[%add3A_46, %dma_start3A_56] : memref<10000x128xf32, #tpu.memory_space<vmem_shared>> -> memref<40x128xf32, #tpu.memory_space<vmem_shared>>
        tpu.enqueue_dma source(%dma_start3A_57 : memref<40x128xf32, #tpu.memory_space<vmem_shared>>) target(%dma_start3A_55 : memref<40x128xf32, #tpu.memory_space<vmem>>) target_semaphore(%run_scoped3A : memref<!tpu.dma_semaphore, #tpu.memory_space<semaphore_mem>>)
        %dma_wait3A = arith.constant 0 : i32
        %dma_wait3A_58 = arith.constant 0 : i32
        %dma_wait3A_59 = tpu.memref_slice %arg8[%dma_wait3A, %dma_wait3A_58] : memref<125x128xf32, #tpu.memory_space<vmem>> -> memref<40x128xf32, #tpu.memory_space<vmem>>
        %dma_wait3A_60 = arith.constant 0 : i32
        %dma_wait3A_61 = tpu.memref_slice %arg10[%add3A_46, %dma_wait3A_60] : memref<10000x128xf32, #tpu.memory_space<vmem_shared>> -> memref<40x128xf32, #tpu.memory_space<vmem_shared>>
        %dma_wait3A_62 = arith.constant 0 : i32
        %dma_wait3A_63 = arith.constant 0 : i32
        %dma_wait3A_64 = tpu.memref_slice %arg8[%dma_wait3A_62, %dma_wait3A_63] : memref<125x128xf32, #tpu.memory_space<vmem>> -> memref<40x128xf32, #tpu.memory_space<vmem>>
        %dma_wait3A_65 = arith.constant 0 : i32
        %dma_wait3A_66 = tpu.memref_slice %arg10[%add3A_46, %dma_wait3A_65] : memref<10000x128xf32, #tpu.memory_space<vmem_shared>> -> memref<40x128xf32, #tpu.memory_space<vmem_shared>>
        tpu.wait_dma2 semaphore(%run_scoped3A : memref<!tpu.dma_semaphore, #tpu.memory_space<semaphore_mem>>) src(%dma_wait3A_66 : memref<40x128xf32, #tpu.memory_space<vmem_shared>>) dst(%dma_wait3A_64 : memref<40x128xf32, #tpu.memory_space<vmem>>)
        tpu.yield
      }) : () -> ()
      %add3A_47 = arith.constant 600 : i32
      %add3A_48 = arith.addi %mul3A_19, %add3A_47 : i32
      "tpu.region"() ({
        %run_scoped3A = tpu.sem_alloc : memref<!tpu.dma_semaphore, #tpu.memory_space<semaphore_mem>>
        %dma_start3A = arith.constant 0 : i32
        %dma_start3A_49 = arith.constant 0 : i32
        %dma_start3A_50 = tpu.memref_slice %arg8[%dma_start3A, %dma_start3A_49] : memref<125x128xf32, #tpu.memory_space<vmem>> -> memref<40x128xf32, #tpu.memory_space<vmem>>
        %dma_start3A_51 = arith.constant 0 : i32
        %dma_start3A_52 = tpu.memref_slice %arg5[%arg0, %add3A_48, %dma_start3A_51] : memref<2x10000x128xf32, #tpu.memory_space<hbm>> -> memref<1x40x128xf32, #tpu.memory_space<hbm>>
        %dma_start3A_53 = tpu.memref_squeeze %dma_start3A_52 : memref<1x40x128xf32, #tpu.memory_space<hbm>> -> memref<40x128xf32, #tpu.memory_space<hbm>>
        %dma_start3A_54 = arith.constant 0 : i32
        %dma_start3A_55 = tpu.memref_slice %arg5[%arg0, %add3A_48, %dma_start3A_54] : memref<2x10000x128xf32, #tpu.memory_space<hbm>> -> memref<1x40x128xf32, #tpu.memory_space<hbm>>
        %dma_start3A_56 = tpu.memref_squeeze %dma_start3A_55 : memref<1x40x128xf32, #tpu.memory_space<hbm>> -> memref<40x128xf32, #tpu.memory_space<hbm>>
        %dma_start3A_57 = arith.constant 0 : i32
        %dma_start3A_58 = arith.constant 0 : i32
        %dma_start3A_59 = tpu.memref_slice %arg8[%dma_start3A_57, %dma_start3A_58] : memref<125x128xf32, #tpu.memory_space<vmem>> -> memref<40x128xf32, #tpu.memory_space<vmem>>
        tpu.enqueue_dma source(%dma_start3A_59 : memref<40x128xf32, #tpu.memory_space<vmem>>) target(%dma_start3A_56 : memref<40x128xf32, #tpu.memory_space<hbm>>) target_semaphore(%run_scoped3A : memref<!tpu.dma_semaphore, #tpu.memory_space<semaphore_mem>>)
        %dma_wait3A = arith.constant 0 : i32
        %dma_wait3A_60 = arith.constant 0 : i32
        %dma_wait3A_61 = tpu.memref_slice %arg8[%dma_wait3A, %dma_wait3A_60] : memref<125x128xf32, #tpu.memory_space<vmem>> -> memref<40x128xf32, #tpu.memory_space<vmem>>
        %dma_wait3A_62 = arith.constant 0 : i32
        %dma_wait3A_63 = tpu.memref_slice %arg5[%arg0, %add3A_48, %dma_wait3A_62] : memref<2x10000x128xf32, #tpu.memory_space<hbm>> -> memref<1x40x128xf32, #tpu.memory_space<hbm>>
        %dma_wait3A_64 = tpu.memref_squeeze %dma_wait3A_63 : memref<1x40x128xf32, #tpu.memory_space<hbm>> -> memref<40x128xf32, #tpu.memory_space<hbm>>
        %dma_wait3A_65 = arith.constant 0 : i32
        %dma_wait3A_66 = tpu.memref_slice %arg5[%arg0, %add3A_48, %dma_wait3A_65] : memref<2x10000x128xf32, #tpu.memory_space<hbm>> -> memref<1x40x128xf32, #tpu.memory_space<hbm>>
        %dma_wait3A_67 = tpu.memref_squeeze %dma_wait3A_66 : memref<1x40x128xf32, #tpu.memory_space<hbm>> -> memref<40x128xf32, #tpu.memory_space<hbm>>
        %dma_wait3A_68 = arith.constant 0 : i32
        %dma_wait3A_69 = arith.constant 0 : i32
        %dma_wait3A_70 = tpu.memref_slice %arg8[%dma_wait3A_68, %dma_wait3A_69] : memref<125x128xf32, #tpu.memory_space<vmem>> -> memref<40x128xf32, #tpu.memory_space<vmem>>
        tpu.wait_dma2 semaphore(%run_scoped3A : memref<!tpu.dma_semaphore, #tpu.memory_space<semaphore_mem>>) src(%dma_wait3A_70 : memref<40x128xf32, #tpu.memory_space<vmem>>) dst(%dma_wait3A_67 : memref<40x128xf32, #tpu.memory_space<hbm>>)
        tpu.yield
      }) : () -> ()
    } else {
    }
    return
  }
}

#map = affine_map<(d0, d1) -> (0, 0)>
#map1 = affine_map<(d0, d1) -> (0, 0, 0, 0)>
#map2 = affine_map<(d0, d1) -> (0, 0, 0)>
module attributes {stable_mosaic.version = 14 : i64} {
  func.func @edge_sum(%arg0: i32, %arg1: i32, %arg2: memref<20000x128xf32, #tpu.memory_space<hbm>>, %arg3: memref<2x16x160x125xi32, #tpu.memory_space<hbm>>, %arg4: memref<16x160x125xi32, #tpu.memory_space<hbm>>, %arg5: memref<2x10000x128xf32, #tpu.memory_space<hbm>>, %arg6: memref<16x125xi32, #tpu.memory_space<vmem>>, %arg7: memref<16x125xi32, #tpu.memory_space<vmem>>, %arg8: memref<125x128xf32, #tpu.memory_space<vmem>>, %arg9: memref<125x128xf32, #tpu.memory_space<vmem>>, %arg10: memref<10000x128xf32, #tpu.memory_space<vmem_shared>>, %arg11: memref<!tpu.dma_semaphore, #tpu.memory_space<semaphore_mem>>, %arg12: memref<!tpu.dma_semaphore, #tpu.memory_space<semaphore_mem>>) attributes {dimension_semantics = [#tpu.dimension_semantics<core_parallel>, #tpu.dimension_semantics<subcore_parallel>], iteration_bounds = array<i64: 2, 16>, scalar_prefetch = 0 : i64, scratch_operands = 7 : i64, tpu.core_type = #tpu.core_type<sc_vector_subcore>, window_params = [{transform_indices = #map}, {transform_indices = #map1}, {transform_indices = #map2}, {transform_indices = #map2}]} {
    %broadcast_in_dim3A = arith.constant 0.000000e+00 : f32
    %broadcast_in_dim3A_0 = vector.broadcast %broadcast_in_dim3A : f32 to vector<16xf32>
    %scan3A = arith.constant 0 : i32
    %scan3A_1 = arith.constant 0 : i32
    %scan3A_2 = arith.constant 125 : i32
    %scan3A_3 = arith.addi %scan3A_1, %scan3A_2 : i32
    %scan3A_4 = arith.constant 1 : i32
    scf.for %scan3A_45 = %scan3A_1 to %scan3A_3 step %scan3A_4  : i32 {
      %swap3A = arith.index_cast %scan3A_45 : i32 to index
      %swap3A_46 = arith.constant 0 : index
      %swap3A_47 = tpu.vector_load %arg8[%swap3A, %swap3A_46] {strides = array<i32>} : memref<125x128xf32, #tpu.memory_space<vmem>>, vector<1x16xf32>,
      %swap3A_48 = vector.shape_cast %swap3A_47 : vector<1x16xf32> to vector<16xf32>
      %swap3A_49 = vector.shape_cast %broadcast_in_dim3A_0 : vector<16xf32> to vector<1x16xf32>
      tpu.vector_store %arg8[%swap3A, %swap3A_46], %swap3A_49 {strides = array<i32>} : memref<125x128xf32, #tpu.memory_space<vmem>>, vector<1x16xf32>,
      %swap3A_50 = arith.index_cast %scan3A_45 : i32 to index
      %swap3A_51 = arith.constant 16 : index
      %swap3A_52 = tpu.vector_load %arg8[%swap3A_50, %swap3A_51] {strides = array<i32>} : memref<125x128xf32, #tpu.memory_space<vmem>>, vector<1x16xf32>,
      %swap3A_53 = vector.shape_cast %swap3A_52 : vector<1x16xf32> to vector<16xf32>
      %swap3A_54 = vector.shape_cast %broadcast_in_dim3A_0 : vector<16xf32> to vector<1x16xf32>
      tpu.vector_store %arg8[%swap3A_50, %swap3A_51], %swap3A_54 {strides = array<i32>} : memref<125x128xf32, #tpu.memory_space<vmem>>, vector<1x16xf32>,
      %swap3A_55 = arith.index_cast %scan3A_45 : i32 to index
      %swap3A_56 = arith.constant 32 : index
      %swap3A_57 = tpu.vector_load %arg8[%swap3A_55, %swap3A_56] {strides = array<i32>} : memref<125x128xf32, #tpu.memory_space<vmem>>, vector<1x16xf32>,
      %swap3A_58 = vector.shape_cast %swap3A_57 : vector<1x16xf32> to vector<16xf32>
      %swap3A_59 = vector.shape_cast %broadcast_in_dim3A_0 : vector<16xf32> to vector<1x16xf32>
      tpu.vector_store %arg8[%swap3A_55, %swap3A_56], %swap3A_59 {strides = array<i32>} : memref<125x128xf32, #tpu.memory_space<vmem>>, vector<1x16xf32>,
      %swap3A_60 = arith.index_cast %scan3A_45 : i32 to index
      %swap3A_61 = arith.constant 48 : index
      %swap3A_62 = tpu.vector_load %arg8[%swap3A_60, %swap3A_61] {strides = array<i32>} : memref<125x128xf32, #tpu.memory_space<vmem>>, vector<1x16xf32>,
      %swap3A_63 = vector.shape_cast %swap3A_62 : vector<1x16xf32> to vector<16xf32>
      %swap3A_64 = vector.shape_cast %broadcast_in_dim3A_0 : vector<16xf32> to vector<1x16xf32>
      tpu.vector_store %arg8[%swap3A_60, %swap3A_61], %swap3A_64 {strides = array<i32>} : memref<125x128xf32, #tpu.memory_space<vmem>>, vector<1x16xf32>,
      %swap3A_65 = arith.index_cast %scan3A_45 : i32 to index
      %swap3A_66 = arith.constant 64 : index
      %swap3A_67 = tpu.vector_load %arg8[%swap3A_65, %swap3A_66] {strides = array<i32>} : memref<125x128xf32, #tpu.memory_space<vmem>>, vector<1x16xf32>,
      %swap3A_68 = vector.shape_cast %swap3A_67 : vector<1x16xf32> to vector<16xf32>
      %swap3A_69 = vector.shape_cast %broadcast_in_dim3A_0 : vector<16xf32> to vector<1x16xf32>
      tpu.vector_store %arg8[%swap3A_65, %swap3A_66], %swap3A_69 {strides = array<i32>} : memref<125x128xf32, #tpu.memory_space<vmem>>, vector<1x16xf32>,
      %swap3A_70 = arith.index_cast %scan3A_45 : i32 to index
      %swap3A_71 = arith.constant 80 : index
      %swap3A_72 = tpu.vector_load %arg8[%swap3A_70, %swap3A_71] {strides = array<i32>} : memref<125x128xf32, #tpu.memory_space<vmem>>, vector<1x16xf32>,
      %swap3A_73 = vector.shape_cast %swap3A_72 : vector<1x16xf32> to vector<16xf32>
      %swap3A_74 = vector.shape_cast %broadcast_in_dim3A_0 : vector<16xf32> to vector<1x16xf32>
      tpu.vector_store %arg8[%swap3A_70, %swap3A_71], %swap3A_74 {strides = array<i32>} : memref<125x128xf32, #tpu.memory_space<vmem>>, vector<1x16xf32>,
      %swap3A_75 = arith.index_cast %scan3A_45 : i32 to index
      %swap3A_76 = arith.constant 96 : index
      %swap3A_77 = tpu.vector_load %arg8[%swap3A_75, %swap3A_76] {strides = array<i32>} : memref<125x128xf32, #tpu.memory_space<vmem>>, vector<1x16xf32>,
      %swap3A_78 = vector.shape_cast %swap3A_77 : vector<1x16xf32> to vector<16xf32>
      %swap3A_79 = vector.shape_cast %broadcast_in_dim3A_0 : vector<16xf32> to vector<1x16xf32>
      tpu.vector_store %arg8[%swap3A_75, %swap3A_76], %swap3A_79 {strides = array<i32>} : memref<125x128xf32, #tpu.memory_space<vmem>>, vector<1x16xf32>,
      %swap3A_80 = arith.index_cast %scan3A_45 : i32 to index
      %swap3A_81 = arith.constant 112 : index
      %swap3A_82 = tpu.vector_load %arg8[%swap3A_80, %swap3A_81] {strides = array<i32>} : memref<125x128xf32, #tpu.memory_space<vmem>>, vector<1x16xf32>,
      %swap3A_83 = vector.shape_cast %swap3A_82 : vector<1x16xf32> to vector<16xf32>
      %swap3A_84 = vector.shape_cast %broadcast_in_dim3A_0 : vector<16xf32> to vector<1x16xf32>
      tpu.vector_store %arg8[%swap3A_80, %swap3A_81], %swap3A_84 {strides = array<i32>} : memref<125x128xf32, #tpu.memory_space<vmem>>, vector<1x16xf32>,
    }
    %scan3A_5 = arith.constant 125 : i32
    %scan3A_6 = arith.constant 0 : i32
    %scan3A_7 = arith.constant 0 : i32
    %scan3A_8 = arith.constant 5 : i32
    %scan3A_9 = arith.addi %scan3A_7, %scan3A_8 : i32
    %scan3A_10 = arith.constant 1 : i32
    scf.for %scan3A_45 = %scan3A_7 to %scan3A_9 step %scan3A_10  : i32 {
      %mul3A_46 = arith.constant 625 : i32
      %mul3A_47 = arith.muli %arg1, %mul3A_46 : i32
      %mul3A_48 = arith.constant 125 : i32
      %mul3A_49 = arith.muli %scan3A_45, %mul3A_48 : i32
      %add3A_50 = arith.addi %mul3A_47, %mul3A_49 : i32
      "tpu.region"() ({
        %run_scoped3A = tpu.sem_alloc : memref<!tpu.dma_semaphore, #tpu.memory_space<semaphore_mem>>
        %dma_start3A = arith.constant 0 : i32
        %dma_start3A_51 = tpu.memref_slice %arg10[%add3A_50, %dma_start3A] : memref<10000x128xf32, #tpu.memory_space<vmem_shared>> -> memref<125x128xf32, #tpu.memory_space<vmem_shared>>
        %dma_start3A_52 = arith.constant 0 : i32
        %dma_start3A_53 = tpu.memref_slice %arg10[%add3A_50, %dma_start3A_52] : memref<10000x128xf32, #tpu.memory_space<vmem_shared>> -> memref<125x128xf32, #tpu.memory_space<vmem_shared>>
        tpu.enqueue_dma source(%arg8 : memref<125x128xf32, #tpu.memory_space<vmem>>) target(%dma_start3A_53 : memref<125x128xf32, #tpu.memory_space<vmem_shared>>) target_semaphore(%run_scoped3A : memref<!tpu.dma_semaphore, #tpu.memory_space<semaphore_mem>>)
        %dma_wait3A = arith.constant 0 : i32
        %dma_wait3A_54 = tpu.memref_slice %arg10[%add3A_50, %dma_wait3A] : memref<10000x128xf32, #tpu.memory_space<vmem_shared>> -> memref<125x128xf32, #tpu.memory_space<vmem_shared>>
        %dma_wait3A_55 = arith.constant 0 : i32
        %dma_wait3A_56 = tpu.memref_slice %arg10[%add3A_50, %dma_wait3A_55] : memref<10000x128xf32, #tpu.memory_space<vmem_shared>> -> memref<125x128xf32, #tpu.memory_space<vmem_shared>>
        tpu.wait_dma2 semaphore(%run_scoped3A : memref<!tpu.dma_semaphore, #tpu.memory_space<semaphore_mem>>) src(%arg8 : memref<125x128xf32, #tpu.memory_space<vmem>>) dst(%dma_wait3A_56 : memref<125x128xf32, #tpu.memory_space<vmem_shared>>)
        tpu.yield
      }) : () -> ()
    }
    %scan3A_11 = arith.constant 5 : i32
    %barrier3A = arith.constant 0 : index
    tpu.barrier barrier_id(%barrier3A)
    %scan3A_12 = arith.constant 0 : i32
    %scan3A_13 = arith.constant 0 : i32
    %scan3A_14 = arith.constant 10 : i32
    %scan3A_15 = arith.addi %scan3A_13, %scan3A_14 : i32
    %scan3A_16 = arith.constant 1 : i32
    scf.for %scan3A_45 = %scan3A_13 to %scan3A_15 step %scan3A_16  : i32 {
      %mul3A_46 = arith.constant 16 : i32
      %mul3A_47 = arith.muli %scan3A_45, %mul3A_46 : i32
      "tpu.region"() ({
        %run_scoped3A = tpu.sem_alloc : memref<!tpu.dma_semaphore, #tpu.memory_space<semaphore_mem>>
        %dma_start3A_69 = arith.constant 0 : i32
        %dma_start3A_70 = tpu.memref_slice %arg3[%arg0, %arg1, %mul3A_47, %dma_start3A_69] : memref<2x16x160x125xi32, #tpu.memory_space<hbm>> -> memref<1x1x16x125xi32, #tpu.memory_space<hbm>>
        %dma_start3A_71 = tpu.memref_squeeze %dma_start3A_70 : memref<1x1x16x125xi32, #tpu.memory_space<hbm>> -> memref<16x125xi32, #tpu.memory_space<hbm>>
        %dma_start3A_72 = arith.constant 0 : i32
        %dma_start3A_73 = tpu.memref_slice %arg3[%arg0, %arg1, %mul3A_47, %dma_start3A_72] : memref<2x16x160x125xi32, #tpu.memory_space<hbm>> -> memref<1x1x16x125xi32, #tpu.memory_space<hbm>>
        %dma_start3A_74 = tpu.memref_squeeze %dma_start3A_73 : memref<1x1x16x125xi32, #tpu.memory_space<hbm>> -> memref<16x125xi32, #tpu.memory_space<hbm>>
        tpu.enqueue_dma source(%dma_start3A_74 : memref<16x125xi32, #tpu.memory_space<hbm>>) target(%arg6 : memref<16x125xi32, #tpu.memory_space<vmem>>) target_semaphore(%run_scoped3A : memref<!tpu.dma_semaphore, #tpu.memory_space<semaphore_mem>>)
        %dma_wait3A = arith.constant 0 : i32
        %dma_wait3A_75 = tpu.memref_slice %arg3[%arg0, %arg1, %mul3A_47, %dma_wait3A] : memref<2x16x160x125xi32, #tpu.memory_space<hbm>> -> memref<1x1x16x125xi32, #tpu.memory_space<hbm>>
        %dma_wait3A_76 = tpu.memref_squeeze %dma_wait3A_75 : memref<1x1x16x125xi32, #tpu.memory_space<hbm>> -> memref<16x125xi32, #tpu.memory_space<hbm>>
        %dma_wait3A_77 = arith.constant 0 : i32
        %dma_wait3A_78 = tpu.memref_slice %arg3[%arg0, %arg1, %mul3A_47, %dma_wait3A_77] : memref<2x16x160x125xi32, #tpu.memory_space<hbm>> -> memref<1x1x16x125xi32, #tpu.memory_space<hbm>>
        %dma_wait3A_79 = tpu.memref_squeeze %dma_wait3A_78 : memref<1x1x16x125xi32, #tpu.memory_space<hbm>> -> memref<16x125xi32, #tpu.memory_space<hbm>>
        tpu.wait_dma2 semaphore(%run_scoped3A : memref<!tpu.dma_semaphore, #tpu.memory_space<semaphore_mem>>) src(%dma_wait3A_79 : memref<16x125xi32, #tpu.memory_space<hbm>>) dst(%arg6 : memref<16x125xi32, #tpu.memory_space<vmem>>)
        tpu.yield
      }) : () -> ()
      %mul3A_48 = arith.constant 16 : i32
      %mul3A_49 = arith.muli %scan3A_45, %mul3A_48 : i32
      "tpu.region"() ({
        %run_scoped3A = tpu.sem_alloc : memref<!tpu.dma_semaphore, #tpu.memory_space<semaphore_mem>>
        %dma_start3A_69 = arith.constant 0 : i32
        %dma_start3A_70 = tpu.memref_slice %arg4[%arg1, %mul3A_49, %dma_start3A_69] : memref<16x160x125xi32, #tpu.memory_space<hbm>> -> memref<1x16x125xi32, #tpu.memory_space<hbm>>
        %dma_start3A_71 = tpu.memref_squeeze %dma_start3A_70 : memref<1x16x125xi32, #tpu.memory_space<hbm>> -> memref<16x125xi32, #tpu.memory_space<hbm>>
        %dma_start3A_72 = arith.constant 0 : i32
        %dma_start3A_73 = tpu.memref_slice %arg4[%arg1, %mul3A_49, %dma_start3A_72] : memref<16x160x125xi32, #tpu.memory_space<hbm>> -> memref<1x16x125xi32, #tpu.memory_space<hbm>>
        %dma_start3A_74 = tpu.memref_squeeze %dma_start3A_73 : memref<1x16x125xi32, #tpu.memory_space<hbm>> -> memref<16x125xi32, #tpu.memory_space<hbm>>
        tpu.enqueue_dma source(%dma_start3A_74 : memref<16x125xi32, #tpu.memory_space<hbm>>) target(%arg7 : memref<16x125xi32, #tpu.memory_space<vmem>>) target_semaphore(%run_scoped3A : memref<!tpu.dma_semaphore, #tpu.memory_space<semaphore_mem>>)
        %dma_wait3A = arith.constant 0 : i32
        %dma_wait3A_75 = tpu.memref_slice %arg4[%arg1, %mul3A_49, %dma_wait3A] : memref<16x160x125xi32, #tpu.memory_space<hbm>> -> memref<1x16x125xi32, #tpu.memory_space<hbm>>
        %dma_wait3A_76 = tpu.memref_squeeze %dma_wait3A_75 : memref<1x16x125xi32, #tpu.memory_space<hbm>> -> memref<16x125xi32, #tpu.memory_space<hbm>>
        %dma_wait3A_77 = arith.constant 0 : i32
        %dma_wait3A_78 = tpu.memref_slice %arg4[%arg1, %mul3A_49, %dma_wait3A_77] : memref<16x160x125xi32, #tpu.memory_space<hbm>> -> memref<1x16x125xi32, #tpu.memory_space<hbm>>
        %dma_wait3A_79 = tpu.memref_squeeze %dma_wait3A_78 : memref<1x16x125xi32, #tpu.memory_space<hbm>> -> memref<16x125xi32, #tpu.memory_space<hbm>>
        tpu.wait_dma2 semaphore(%run_scoped3A : memref<!tpu.dma_semaphore, #tpu.memory_space<semaphore_mem>>) src(%dma_wait3A_79 : memref<16x125xi32, #tpu.memory_space<hbm>>) dst(%arg7 : memref<16x125xi32, #tpu.memory_space<vmem>>)
        tpu.yield
      }) : () -> ()
      %dma_start3A = arith.constant 0 : i32
      %dma_start3A_50 = arith.constant 0 : i32
      %dma_start3A_51 = tpu.memref_slice %arg6[%dma_start3A, %dma_start3A_50] : memref<16x125xi32, #tpu.memory_space<vmem>> -> memref<1x125xi32, #tpu.memory_space<vmem>>
      %dma_start3A_52 = tpu.memref_squeeze %dma_start3A_51 : memref<1x125xi32, #tpu.memory_space<vmem>> -> memref<125xi32, #tpu.memory_space<vmem>>
      %dma_start3A_53 = arith.constant 0 : i32
      %dma_start3A_54 = arith.constant 0 : i32
      %dma_start3A_55 = tpu.memref_slice %arg2[%dma_start3A_53, %dma_start3A_54] : memref<20000x128xf32, #tpu.memory_space<hbm>> -> memref<20000x128xf32, #tpu.memory_space<hbm>>
      tpu.enqueue_indirect_dma source(%dma_start3A_55 : memref<20000x128xf32, #tpu.memory_space<hbm>>) target(%arg8 : memref<125x128xf32, #tpu.memory_space<vmem>>) offsets(%dma_start3A_52 : memref<125xi32, #tpu.memory_space<vmem>>) semaphore(%arg11 : memref<!tpu.dma_semaphore, #tpu.memory_space<semaphore_mem>>)
      %dma_start3A_56 = arith.constant 1 : i32
      %dma_start3A_57 = arith.constant 0 : i32
      %dma_start3A_58 = tpu.memref_slice %arg6[%dma_start3A_56, %dma_start3A_57] : memref<16x125xi32, #tpu.memory_space<vmem>> -> memref<1x125xi32, #tpu.memory_space<vmem>>
      %dma_start3A_59 = tpu.memref_squeeze %dma_start3A_58 : memref<1x125xi32, #tpu.memory_space<vmem>> -> memref<125xi32, #tpu.memory_space<vmem>>
      %dma_start3A_60 = arith.constant 0 : i32
      %dma_start3A_61 = arith.constant 0 : i32
      %dma_start3A_62 = tpu.memref_slice %arg2[%dma_start3A_60, %dma_start3A_61] : memref<20000x128xf32, #tpu.memory_space<hbm>> -> memref<20000x128xf32, #tpu.memory_space<hbm>>
      tpu.enqueue_indirect_dma source(%dma_start3A_62 : memref<20000x128xf32, #tpu.memory_space<hbm>>) target(%arg9 : memref<125x128xf32, #tpu.memory_space<vmem>>) offsets(%dma_start3A_59 : memref<125xi32, #tpu.memory_space<vmem>>) semaphore(%arg12 : memref<!tpu.dma_semaphore, #tpu.memory_space<semaphore_mem>>)
      %scan3A_63 = arith.constant 0 : i32
      %scan3A_64 = arith.constant 0 : i32
      %scan3A_65 = arith.constant 8 : i32
      %scan3A_66 = arith.addi %scan3A_64, %scan3A_65 : i32
      %scan3A_67 = arith.constant 1 : i32
      scf.for %scan3A_69 = %scan3A_64 to %scan3A_66 step %scan3A_67  : i32 {
        %mul3A_70 = arith.constant 2 : i32
        %mul3A_71 = arith.muli %mul3A_70, %scan3A_69 : i32
        %dma_wait3A = arith.constant 0 : i32
        %dma_wait3A_72 = tpu.memref_slice %arg6[%mul3A_71, %dma_wait3A] : memref<16x125xi32, #tpu.memory_space<vmem>> -> memref<1x125xi32, #tpu.memory_space<vmem>>
        %dma_wait3A_73 = tpu.memref_squeeze %dma_wait3A_72 : memref<1x125xi32, #tpu.memory_space<vmem>> -> memref<125xi32, #tpu.memory_space<vmem>>
        %dma_wait3A_74 = arith.constant 0 : i32
        %dma_wait3A_75 = arith.constant 0 : i32
        %dma_wait3A_76 = tpu.memref_slice %arg2[%dma_wait3A_74, %dma_wait3A_75] : memref<20000x128xf32, #tpu.memory_space<hbm>> -> memref<20000x128xf32, #tpu.memory_space<hbm>>
        tpu.wait_indirect_dma semaphore(%arg11 : memref<!tpu.dma_semaphore, #tpu.memory_space<semaphore_mem>>) src(%dma_wait3A_76 : memref<20000x128xf32, #tpu.memory_space<hbm>>) dst(%arg8 : memref<125x128xf32, #tpu.memory_space<vmem>>)
        "tpu.region"() ({
          %run_scoped3A = tpu.sem_alloc : memref<!tpu.dma_semaphore, #tpu.memory_space<semaphore_mem>>
          %dma_start3A_101 = arith.constant 0 : i32
          %dma_start3A_102 = tpu.memref_slice %arg7[%mul3A_71, %dma_start3A_101] : memref<16x125xi32, #tpu.memory_space<vmem>> -> memref<1x125xi32, #tpu.memory_space<vmem>>
          %dma_start3A_103 = tpu.memref_squeeze %dma_start3A_102 : memref<1x125xi32, #tpu.memory_space<vmem>> -> memref<125xi32, #tpu.memory_space<vmem>>
          %dma_start3A_104 = arith.constant 0 : i32
          %dma_start3A_105 = arith.constant 0 : i32
          %dma_start3A_106 = tpu.memref_slice %arg10[%dma_start3A_104, %dma_start3A_105] : memref<10000x128xf32, #tpu.memory_space<vmem_shared>> -> memref<10000x128xf32, #tpu.memory_space<vmem_shared>>
          tpu.enqueue_indirect_dma source(%arg8 : memref<125x128xf32, #tpu.memory_space<vmem>>) target(%dma_start3A_106 : memref<10000x128xf32, #tpu.memory_space<vmem_shared>>) offsets(%dma_start3A_103 : memref<125xi32, #tpu.memory_space<vmem>>) semaphore(%run_scoped3A : memref<!tpu.dma_semaphore, #tpu.memory_space<semaphore_mem>>) {add = true}
          %dma_wait3A_107 = arith.constant 0 : i32
          %dma_wait3A_108 = tpu.memref_slice %arg7[%mul3A_71, %dma_wait3A_107] : memref<16x125xi32, #tpu.memory_space<vmem>> -> memref<1x125xi32, #tpu.memory_space<vmem>>
          %dma_wait3A_109 = tpu.memref_squeeze %dma_wait3A_108 : memref<1x125xi32, #tpu.memory_space<vmem>> -> memref<125xi32, #tpu.memory_space<vmem>>
          %dma_wait3A_110 = arith.constant 0 : i32
          %dma_wait3A_111 = arith.constant 0 : i32
          %dma_wait3A_112 = tpu.memref_slice %arg10[%dma_wait3A_110, %dma_wait3A_111] : memref<10000x128xf32, #tpu.memory_space<vmem_shared>> -> memref<10000x128xf32, #tpu.memory_space<vmem_shared>>
          tpu.wait_indirect_dma semaphore(%run_scoped3A : memref<!tpu.dma_semaphore, #tpu.memory_space<semaphore_mem>>) src(%arg8 : memref<125x128xf32, #tpu.memory_space<vmem>>) dst(%dma_wait3A_112 : memref<10000x128xf32, #tpu.memory_space<vmem_shared>>)
          tpu.yield
        }) : () -> ()
        %add3A_77 = arith.constant 2 : i32
        %add3A_78 = arith.addi %mul3A_71, %add3A_77 : i32
        %lt3A_79 = arith.constant 16 : i32
        %lt3A_80 = arith.cmpi slt, %add3A_78, %lt3A_79 : i32
        %convert_element_type3A_81 = arith.extui %lt3A_80 : i1 to i32
        %cond3A_82 = arith.constant 0 : i32
        %cond3A_83 = arith.cmpi ne, %convert_element_type3A_81, %cond3A_82 : i32
        scf.if %cond3A_83 {
          %add3A_101 = arith.constant 2 : i32
          %add3A_102 = arith.addi %mul3A_71, %add3A_101 : i32
          %dma_start3A_103 = arith.constant 0 : i32
          %dma_start3A_104 = tpu.memref_slice %arg6[%add3A_102, %dma_start3A_103] : memref<16x125xi32, #tpu.memory_space<vmem>> -> memref<1x125xi32, #tpu.memory_space<vmem>>
          %dma_start3A_105 = tpu.memref_squeeze %dma_start3A_104 : memref<1x125xi32, #tpu.memory_space<vmem>> -> memref<125xi32, #tpu.memory_space<vmem>>
          %dma_start3A_106 = arith.constant 0 : i32
          %dma_start3A_107 = arith.constant 0 : i32
          %dma_start3A_108 = tpu.memref_slice %arg2[%dma_start3A_106, %dma_start3A_107] : memref<20000x128xf32, #tpu.memory_space<hbm>> -> memref<20000x128xf32, #tpu.memory_space<hbm>>
          tpu.enqueue_indirect_dma source(%dma_start3A_108 : memref<20000x128xf32, #tpu.memory_space<hbm>>) target(%arg8 : memref<125x128xf32, #tpu.memory_space<vmem>>) offsets(%dma_start3A_105 : memref<125xi32, #tpu.memory_space<vmem>>) semaphore(%arg11 : memref<!tpu.dma_semaphore, #tpu.memory_space<semaphore_mem>>)
        } else {
        }
        %add3A_84 = arith.constant 1 : i32
        %add3A_85 = arith.addi %mul3A_71, %add3A_84 : i32
        %dma_wait3A_86 = arith.constant 0 : i32
        %dma_wait3A_87 = tpu.memref_slice %arg6[%add3A_85, %dma_wait3A_86] : memref<16x125xi32, #tpu.memory_space<vmem>> -> memref<1x125xi32, #tpu.memory_space<vmem>>
        %dma_wait3A_88 = tpu.memref_squeeze %dma_wait3A_87 : memref<1x125xi32, #tpu.memory_space<vmem>> -> memref<125xi32, #tpu.memory_space<vmem>>
        %dma_wait3A_89 = arith.constant 0 : i32
        %dma_wait3A_90 = arith.constant 0 : i32
        %dma_wait3A_91 = tpu.memref_slice %arg2[%dma_wait3A_89, %dma_wait3A_90] : memref<20000x128xf32, #tpu.memory_space<hbm>> -> memref<20000x128xf32, #tpu.memory_space<hbm>>
        tpu.wait_indirect_dma semaphore(%arg12 : memref<!tpu.dma_semaphore, #tpu.memory_space<semaphore_mem>>) src(%dma_wait3A_91 : memref<20000x128xf32, #tpu.memory_space<hbm>>) dst(%arg9 : memref<125x128xf32, #tpu.memory_space<vmem>>)
        %add3A_92 = arith.constant 1 : i32
        %add3A_93 = arith.addi %mul3A_71, %add3A_92 : i32
        "tpu.region"() ({
          %run_scoped3A = tpu.sem_alloc : memref<!tpu.dma_semaphore, #tpu.memory_space<semaphore_mem>>
          %dma_start3A_101 = arith.constant 0 : i32
          %dma_start3A_102 = tpu.memref_slice %arg7[%add3A_93, %dma_start3A_101] : memref<16x125xi32, #tpu.memory_space<vmem>> -> memref<1x125xi32, #tpu.memory_space<vmem>>
          %dma_start3A_103 = tpu.memref_squeeze %dma_start3A_102 : memref<1x125xi32, #tpu.memory_space<vmem>> -> memref<125xi32, #tpu.memory_space<vmem>>
          %dma_start3A_104 = arith.constant 0 : i32
          %dma_start3A_105 = arith.constant 0 : i32
          %dma_start3A_106 = tpu.memref_slice %arg10[%dma_start3A_104, %dma_start3A_105] : memref<10000x128xf32, #tpu.memory_space<vmem_shared>> -> memref<10000x128xf32, #tpu.memory_space<vmem_shared>>
          tpu.enqueue_indirect_dma source(%arg9 : memref<125x128xf32, #tpu.memory_space<vmem>>) target(%dma_start3A_106 : memref<10000x128xf32, #tpu.memory_space<vmem_shared>>) offsets(%dma_start3A_103 : memref<125xi32, #tpu.memory_space<vmem>>) semaphore(%run_scoped3A : memref<!tpu.dma_semaphore, #tpu.memory_space<semaphore_mem>>) {add = true}
          %dma_wait3A_107 = arith.constant 0 : i32
          %dma_wait3A_108 = tpu.memref_slice %arg7[%add3A_93, %dma_wait3A_107] : memref<16x125xi32, #tpu.memory_space<vmem>> -> memref<1x125xi32, #tpu.memory_space<vmem>>
          %dma_wait3A_109 = tpu.memref_squeeze %dma_wait3A_108 : memref<1x125xi32, #tpu.memory_space<vmem>> -> memref<125xi32, #tpu.memory_space<vmem>>
          %dma_wait3A_110 = arith.constant 0 : i32
          %dma_wait3A_111 = arith.constant 0 : i32
          %dma_wait3A_112 = tpu.memref_slice %arg10[%dma_wait3A_110, %dma_wait3A_111] : memref<10000x128xf32, #tpu.memory_space<vmem_shared>> -> memref<10000x128xf32, #tpu.memory_space<vmem_shared>>
          tpu.wait_indirect_dma semaphore(%run_scoped3A : memref<!tpu.dma_semaphore, #tpu.memory_space<semaphore_mem>>) src(%arg9 : memref<125x128xf32, #tpu.memory_space<vmem>>) dst(%dma_wait3A_112 : memref<10000x128xf32, #tpu.memory_space<vmem_shared>>)
          tpu.yield
        }) : () -> ()
        %add3A_94 = arith.constant 3 : i32
        %add3A_95 = arith.addi %mul3A_71, %add3A_94 : i32
        %lt3A_96 = arith.constant 16 : i32
        %lt3A_97 = arith.cmpi slt, %add3A_95, %lt3A_96 : i32
        %convert_element_type3A_98 = arith.extui %lt3A_97 : i1 to i32
        %cond3A_99 = arith.constant 0 : i32
        %cond3A_100 = arith.cmpi ne, %convert_element_type3A_98, %cond3A_99 : i32
        scf.if %cond3A_100 {
          %add3A_101 = arith.constant 3 : i32
          %add3A_102 = arith.addi %mul3A_71, %add3A_101 : i32
          %dma_start3A_103 = arith.constant 0 : i32
          %dma_start3A_104 = tpu.memref_slice %arg6[%add3A_102, %dma_start3A_103] : memref<16x125xi32, #tpu.memory_space<vmem>> -> memref<1x125xi32, #tpu.memory_space<vmem>>
          %dma_start3A_105 = tpu.memref_squeeze %dma_start3A_104 : memref<1x125xi32, #tpu.memory_space<vmem>> -> memref<125xi32, #tpu.memory_space<vmem>>
          %dma_start3A_106 = arith.constant 0 : i32
          %dma_start3A_107 = arith.constant 0 : i32
          %dma_start3A_108 = tpu.memref_slice %arg2[%dma_start3A_106, %dma_start3A_107] : memref<20000x128xf32, #tpu.memory_space<hbm>> -> memref<20000x128xf32, #tpu.memory_space<hbm>>
          tpu.enqueue_indirect_dma source(%dma_start3A_108 : memref<20000x128xf32, #tpu.memory_space<hbm>>) target(%arg9 : memref<125x128xf32, #tpu.memory_space<vmem>>) offsets(%dma_start3A_105 : memref<125xi32, #tpu.memory_space<vmem>>) semaphore(%arg12 : memref<!tpu.dma_semaphore, #tpu.memory_space<semaphore_mem>>)
        } else {
        }
      }
      %scan3A_68 = arith.constant 8 : i32
    }
    %scan3A_17 = arith.constant 10 : i32
    %barrier3A_18 = arith.constant 0 : index
    tpu.barrier barrier_id(%barrier3A_18)
    %mul3A = arith.constant 624 : i32
    %mul3A_19 = arith.muli %arg1, %mul3A : i32
    %add3A = arith.constant 0 : i32
    %add3A_20 = arith.addi %mul3A_19, %add3A : i32
    "tpu.region"() ({
      %run_scoped3A = tpu.sem_alloc : memref<!tpu.dma_semaphore, #tpu.memory_space<semaphore_mem>>
      %dma_start3A = arith.constant 0 : i32
      %dma_start3A_45 = arith.constant 0 : i32
      %dma_start3A_46 = tpu.memref_slice %arg8[%dma_start3A, %dma_start3A_45] : memref<125x128xf32, #tpu.memory_space<vmem>> -> memref<120x128xf32, #tpu.memory_space<vmem>>
      %dma_start3A_47 = arith.constant 0 : i32
      %dma_start3A_48 = tpu.memref_slice %arg10[%add3A_20, %dma_start3A_47] : memref<10000x128xf32, #tpu.memory_space<vmem_shared>> -> memref<120x128xf32, #tpu.memory_space<vmem_shared>>
      %dma_start3A_49 = arith.constant 0 : i32
      %dma_start3A_50 = arith.constant 0 : i32
      %dma_start3A_51 = tpu.memref_slice %arg8[%dma_start3A_49, %dma_start3A_50] : memref<125x128xf32, #tpu.memory_space<vmem>> -> memref<120x128xf32, #tpu.memory_space<vmem>>
      %dma_start3A_52 = arith.constant 0 : i32
      %dma_start3A_53 = tpu.memref_slice %arg10[%add3A_20, %dma_start3A_52] : memref<10000x128xf32, #tpu.memory_space<vmem_shared>> -> memref<120x128xf32, #tpu.memory_space<vmem_shared>>
      tpu.enqueue_dma source(%dma_start3A_53 : memref<120x128xf32, #tpu.memory_space<vmem_shared>>) target(%dma_start3A_51 : memref<120x128xf32, #tpu.memory_space<vmem>>) target_semaphore(%run_scoped3A : memref<!tpu.dma_semaphore, #tpu.memory_space<semaphore_mem>>)
      %dma_wait3A = arith.constant 0 : i32
      %dma_wait3A_54 = arith.constant 0 : i32
      %dma_wait3A_55 = tpu.memref_slice %arg8[%dma_wait3A, %dma_wait3A_54] : memref<125x128xf32, #tpu.memory_space<vmem>> -> memref<120x128xf32, #tpu.memory_space<vmem>>
      %dma_wait3A_56 = arith.constant 0 : i32
      %dma_wait3A_57 = tpu.memref_slice %arg10[%add3A_20, %dma_wait3A_56] : memref<10000x128xf32, #tpu.memory_space<vmem_shared>> -> memref<120x128xf32, #tpu.memory_space<vmem_shared>>
      %dma_wait3A_58 = arith.constant 0 : i32
      %dma_wait3A_59 = arith.constant 0 : i32
      %dma_wait3A_60 = tpu.memref_slice %arg8[%dma_wait3A_58, %dma_wait3A_59] : memref<125x128xf32, #tpu.memory_space<vmem>> -> memref<120x128xf32, #tpu.memory_space<vmem>>
      %dma_wait3A_61 = arith.constant 0 : i32
      %dma_wait3A_62 = tpu.memref_slice %arg10[%add3A_20, %dma_wait3A_61] : memref<10000x128xf32, #tpu.memory_space<vmem_shared>> -> memref<120x128xf32, #tpu.memory_space<vmem_shared>>
      tpu.wait_dma2 semaphore(%run_scoped3A : memref<!tpu.dma_semaphore, #tpu.memory_space<semaphore_mem>>) src(%dma_wait3A_62 : memref<120x128xf32, #tpu.memory_space<vmem_shared>>) dst(%dma_wait3A_60 : memref<120x128xf32, #tpu.memory_space<vmem>>)
      tpu.yield
    }) : () -> ()
    %add3A_21 = arith.constant 0 : i32
    %add3A_22 = arith.addi %mul3A_19, %add3A_21 : i32
    "tpu.region"() ({
      %run_scoped3A = tpu.sem_alloc : memref<!tpu.dma_semaphore, #tpu.memory_space<semaphore_mem>>
      %dma_start3A = arith.constant 0 : i32
      %dma_start3A_45 = arith.constant 0 : i32
      %dma_start3A_46 = tpu.memref_slice %arg8[%dma_start3A, %dma_start3A_45] : memref<125x128xf32, #tpu.memory_space<vmem>> -> memref<120x128xf32, #tpu.memory_space<vmem>>
      %dma_start3A_47 = arith.constant 0 : i32
      %dma_start3A_48 = tpu.memref_slice %arg5[%arg0, %add3A_22, %dma_start3A_47] : memref<2x10000x128xf32, #tpu.memory_space<hbm>> -> memref<1x120x128xf32, #tpu.memory_space<hbm>>
      %dma_start3A_49 = tpu.memref_squeeze %dma_start3A_48 : memref<1x120x128xf32, #tpu.memory_space<hbm>> -> memref<120x128xf32, #tpu.memory_space<hbm>>
      %dma_start3A_50 = arith.constant 0 : i32
      %dma_start3A_51 = tpu.memref_slice %arg5[%arg0, %add3A_22, %dma_start3A_50] : memref<2x10000x128xf32, #tpu.memory_space<hbm>> -> memref<1x120x128xf32, #tpu.memory_space<hbm>>
      %dma_start3A_52 = tpu.memref_squeeze %dma_start3A_51 : memref<1x120x128xf32, #tpu.memory_space<hbm>> -> memref<120x128xf32, #tpu.memory_space<hbm>>
      %dma_start3A_53 = arith.constant 0 : i32
      %dma_start3A_54 = arith.constant 0 : i32
      %dma_start3A_55 = tpu.memref_slice %arg8[%dma_start3A_53, %dma_start3A_54] : memref<125x128xf32, #tpu.memory_space<vmem>> -> memref<120x128xf32, #tpu.memory_space<vmem>>
      tpu.enqueue_dma source(%dma_start3A_55 : memref<120x128xf32, #tpu.memory_space<vmem>>) target(%dma_start3A_52 : memref<120x128xf32, #tpu.memory_space<hbm>>) target_semaphore(%run_scoped3A : memref<!tpu.dma_semaphore, #tpu.memory_space<semaphore_mem>>)
      %dma_wait3A = arith.constant 0 : i32
      %dma_wait3A_56 = arith.constant 0 : i32
      %dma_wait3A_57 = tpu.memref_slice %arg8[%dma_wait3A, %dma_wait3A_56] : memref<125x128xf32, #tpu.memory_space<vmem>> -> memref<120x128xf32, #tpu.memory_space<vmem>>
      %dma_wait3A_58 = arith.constant 0 : i32
      %dma_wait3A_59 = tpu.memref_slice %arg5[%arg0, %add3A_22, %dma_wait3A_58] : memref<2x10000x128xf32, #tpu.memory_space<hbm>> -> memref<1x120x128xf32, #tpu.memory_space<hbm>>
      %dma_wait3A_60 = tpu.memref_squeeze %dma_wait3A_59 : memref<1x120x128xf32, #tpu.memory_space<hbm>> -> memref<120x128xf32, #tpu.memory_space<hbm>>
      %dma_wait3A_61 = arith.constant 0 : i32
      %dma_wait3A_62 = tpu.memref_slice %arg5[%arg0, %add3A_22, %dma_wait3A_61] : memref<2x10000x128xf32, #tpu.memory_space<hbm>> -> memref<1x120x128xf32, #tpu.memory_space<hbm>>
      %dma_wait3A_63 = tpu.memref_squeeze %dma_wait3A_62 : memref<1x120x128xf32, #tpu.memory_space<hbm>> -> memref<120x128xf32, #tpu.memory_space<hbm>>
      %dma_wait3A_64 = arith.constant 0 : i32
      %dma_wait3A_65 = arith.constant 0 : i32
      %dma_wait3A_66 = tpu.memref_slice %arg8[%dma_wait3A_64, %dma_wait3A_65] : memref<125x128xf32, #tpu.memory_space<vmem>> -> memref<120x128xf32, #tpu.memory_space<vmem>>
      tpu.wait_dma2 semaphore(%run_scoped3A : memref<!tpu.dma_semaphore, #tpu.memory_space<semaphore_mem>>) src(%dma_wait3A_66 : memref<120x128xf32, #tpu.memory_space<vmem>>) dst(%dma_wait3A_63 : memref<120x128xf32, #tpu.memory_space<hbm>>)
      tpu.yield
    }) : () -> ()
    %add3A_23 = arith.constant 120 : i32
    %add3A_24 = arith.addi %mul3A_19, %add3A_23 : i32
    "tpu.region"() ({
      %run_scoped3A = tpu.sem_alloc : memref<!tpu.dma_semaphore, #tpu.memory_space<semaphore_mem>>
      %dma_start3A = arith.constant 0 : i32
      %dma_start3A_45 = arith.constant 0 : i32
      %dma_start3A_46 = tpu.memref_slice %arg8[%dma_start3A, %dma_start3A_45] : memref<125x128xf32, #tpu.memory_space<vmem>> -> memref<120x128xf32, #tpu.memory_space<vmem>>
      %dma_start3A_47 = arith.constant 0 : i32
      %dma_start3A_48 = tpu.memref_slice %arg10[%add3A_24, %dma_start3A_47] : memref<10000x128xf32, #tpu.memory_space<vmem_shared>> -> memref<120x128xf32, #tpu.memory_space<vmem_shared>>
      %dma_start3A_49 = arith.constant 0 : i32
      %dma_start3A_50 = arith.constant 0 : i32
      %dma_start3A_51 = tpu.memref_slice %arg8[%dma_start3A_49, %dma_start3A_50] : memref<125x128xf32, #tpu.memory_space<vmem>> -> memref<120x128xf32, #tpu.memory_space<vmem>>
      %dma_start3A_52 = arith.constant 0 : i32
      %dma_start3A_53 = tpu.memref_slice %arg10[%add3A_24, %dma_start3A_52] : memref<10000x128xf32, #tpu.memory_space<vmem_shared>> -> memref<120x128xf32, #tpu.memory_space<vmem_shared>>
      tpu.enqueue_dma source(%dma_start3A_53 : memref<120x128xf32, #tpu.memory_space<vmem_shared>>) target(%dma_start3A_51 : memref<120x128xf32, #tpu.memory_space<vmem>>) target_semaphore(%run_scoped3A : memref<!tpu.dma_semaphore, #tpu.memory_space<semaphore_mem>>)
      %dma_wait3A = arith.constant 0 : i32
      %dma_wait3A_54 = arith.constant 0 : i32
      %dma_wait3A_55 = tpu.memref_slice %arg8[%dma_wait3A, %dma_wait3A_54] : memref<125x128xf32, #tpu.memory_space<vmem>> -> memref<120x128xf32, #tpu.memory_space<vmem>>
      %dma_wait3A_56 = arith.constant 0 : i32
      %dma_wait3A_57 = tpu.memref_slice %arg10[%add3A_24, %dma_wait3A_56] : memref<10000x128xf32, #tpu.memory_space<vmem_shared>> -> memref<120x128xf32, #tpu.memory_space<vmem_shared>>
      %dma_wait3A_58 = arith.constant 0 : i32
      %dma_wait3A_59 = arith.constant 0 : i32
      %dma_wait3A_60 = tpu.memref_slice %arg8[%dma_wait3A_58, %dma_wait3A_59] : memref<125x128xf32, #tpu.memory_space<vmem>> -> memref<120x128xf32, #tpu.memory_space<vmem>>
      %dma_wait3A_61 = arith.constant 0 : i32
      %dma_wait3A_62 = tpu.memref_slice %arg10[%add3A_24, %dma_wait3A_61] : memref<10000x128xf32, #tpu.memory_space<vmem_shared>> -> memref<120x128xf32, #tpu.memory_space<vmem_shared>>
      tpu.wait_dma2 semaphore(%run_scoped3A : memref<!tpu.dma_semaphore, #tpu.memory_space<semaphore_mem>>) src(%dma_wait3A_62 : memref<120x128xf32, #tpu.memory_space<vmem_shared>>) dst(%dma_wait3A_60 : memref<120x128xf32, #tpu.memory_space<vmem>>)
      tpu.yield
    }) : () -> ()
    %add3A_25 = arith.constant 120 : i32
    %add3A_26 = arith.addi %mul3A_19, %add3A_25 : i32
    "tpu.region"() ({
      %run_scoped3A = tpu.sem_alloc : memref<!tpu.dma_semaphore, #tpu.memory_space<semaphore_mem>>
      %dma_start3A = arith.constant 0 : i32
      %dma_start3A_45 = arith.constant 0 : i32
      %dma_start3A_46 = tpu.memref_slice %arg8[%dma_start3A, %dma_start3A_45] : memref<125x128xf32, #tpu.memory_space<vmem>> -> memref<120x128xf32, #tpu.memory_space<vmem>>
      %dma_start3A_47 = arith.constant 0 : i32
      %dma_start3A_48 = tpu.memref_slice %arg5[%arg0, %add3A_26, %dma_start3A_47] : memref<2x10000x128xf32, #tpu.memory_space<hbm>> -> memref<1x120x128xf32, #tpu.memory_space<hbm>>
      %dma_start3A_49 = tpu.memref_squeeze %dma_start3A_48 : memref<1x120x128xf32, #tpu.memory_space<hbm>> -> memref<120x128xf32, #tpu.memory_space<hbm>>
      %dma_start3A_50 = arith.constant 0 : i32
      %dma_start3A_51 = tpu.memref_slice %arg5[%arg0, %add3A_26, %dma_start3A_50] : memref<2x10000x128xf32, #tpu.memory_space<hbm>> -> memref<1x120x128xf32, #tpu.memory_space<hbm>>
      %dma_start3A_52 = tpu.memref_squeeze %dma_start3A_51 : memref<1x120x128xf32, #tpu.memory_space<hbm>> -> memref<120x128xf32, #tpu.memory_space<hbm>>
      %dma_start3A_53 = arith.constant 0 : i32
      %dma_start3A_54 = arith.constant 0 : i32
      %dma_start3A_55 = tpu.memref_slice %arg8[%dma_start3A_53, %dma_start3A_54] : memref<125x128xf32, #tpu.memory_space<vmem>> -> memref<120x128xf32, #tpu.memory_space<vmem>>
      tpu.enqueue_dma source(%dma_start3A_55 : memref<120x128xf32, #tpu.memory_space<vmem>>) target(%dma_start3A_52 : memref<120x128xf32, #tpu.memory_space<hbm>>) target_semaphore(%run_scoped3A : memref<!tpu.dma_semaphore, #tpu.memory_space<semaphore_mem>>)
      %dma_wait3A = arith.constant 0 : i32
      %dma_wait3A_56 = arith.constant 0 : i32
      %dma_wait3A_57 = tpu.memref_slice %arg8[%dma_wait3A, %dma_wait3A_56] : memref<125x128xf32, #tpu.memory_space<vmem>> -> memref<120x128xf32, #tpu.memory_space<vmem>>
      %dma_wait3A_58 = arith.constant 0 : i32
      %dma_wait3A_59 = tpu.memref_slice %arg5[%arg0, %add3A_26, %dma_wait3A_58] : memref<2x10000x128xf32, #tpu.memory_space<hbm>> -> memref<1x120x128xf32, #tpu.memory_space<hbm>>
      %dma_wait3A_60 = tpu.memref_squeeze %dma_wait3A_59 : memref<1x120x128xf32, #tpu.memory_space<hbm>> -> memref<120x128xf32, #tpu.memory_space<hbm>>
      %dma_wait3A_61 = arith.constant 0 : i32
      %dma_wait3A_62 = tpu.memref_slice %arg5[%arg0, %add3A_26, %dma_wait3A_61] : memref<2x10000x128xf32, #tpu.memory_space<hbm>> -> memref<1x120x128xf32, #tpu.memory_space<hbm>>
      %dma_wait3A_63 = tpu.memref_squeeze %dma_wait3A_62 : memref<1x120x128xf32, #tpu.memory_space<hbm>> -> memref<120x128xf32, #tpu.memory_space<hbm>>
      %dma_wait3A_64 = arith.constant 0 : i32
      %dma_wait3A_65 = arith.constant 0 : i32
      %dma_wait3A_66 = tpu.memref_slice %arg8[%dma_wait3A_64, %dma_wait3A_65] : memref<125x128xf32, #tpu.memory_space<vmem>> -> memref<120x128xf32, #tpu.memory_space<vmem>>
      tpu.wait_dma2 semaphore(%run_scoped3A : memref<!tpu.dma_semaphore, #tpu.memory_space<semaphore_mem>>) src(%dma_wait3A_66 : memref<120x128xf32, #tpu.memory_space<vmem>>) dst(%dma_wait3A_63 : memref<120x128xf32, #tpu.memory_space<hbm>>)
      tpu.yield
    }) : () -> ()
    %add3A_27 = arith.constant 240 : i32
    %add3A_28 = arith.addi %mul3A_19, %add3A_27 : i32
    "tpu.region"() ({
      %run_scoped3A = tpu.sem_alloc : memref<!tpu.dma_semaphore, #tpu.memory_space<semaphore_mem>>
      %dma_start3A = arith.constant 0 : i32
      %dma_start3A_45 = arith.constant 0 : i32
      %dma_start3A_46 = tpu.memref_slice %arg8[%dma_start3A, %dma_start3A_45] : memref<125x128xf32, #tpu.memory_space<vmem>> -> memref<120x128xf32, #tpu.memory_space<vmem>>
      %dma_start3A_47 = arith.constant 0 : i32
      %dma_start3A_48 = tpu.memref_slice %arg10[%add3A_28, %dma_start3A_47] : memref<10000x128xf32, #tpu.memory_space<vmem_shared>> -> memref<120x128xf32, #tpu.memory_space<vmem_shared>>
      %dma_start3A_49 = arith.constant 0 : i32
      %dma_start3A_50 = arith.constant 0 : i32
      %dma_start3A_51 = tpu.memref_slice %arg8[%dma_start3A_49, %dma_start3A_50] : memref<125x128xf32, #tpu.memory_space<vmem>> -> memref<120x128xf32, #tpu.memory_space<vmem>>
      %dma_start3A_52 = arith.constant 0 : i32
      %dma_start3A_53 = tpu.memref_slice %arg10[%add3A_28, %dma_start3A_52] : memref<10000x128xf32, #tpu.memory_space<vmem_shared>> -> memref<120x128xf32, #tpu.memory_space<vmem_shared>>
      tpu.enqueue_dma source(%dma_start3A_53 : memref<120x128xf32, #tpu.memory_space<vmem_shared>>) target(%dma_start3A_51 : memref<120x128xf32, #tpu.memory_space<vmem>>) target_semaphore(%run_scoped3A : memref<!tpu.dma_semaphore, #tpu.memory_space<semaphore_mem>>)
      %dma_wait3A = arith.constant 0 : i32
      %dma_wait3A_54 = arith.constant 0 : i32
      %dma_wait3A_55 = tpu.memref_slice %arg8[%dma_wait3A, %dma_wait3A_54] : memref<125x128xf32, #tpu.memory_space<vmem>> -> memref<120x128xf32, #tpu.memory_space<vmem>>
      %dma_wait3A_56 = arith.constant 0 : i32
      %dma_wait3A_57 = tpu.memref_slice %arg10[%add3A_28, %dma_wait3A_56] : memref<10000x128xf32, #tpu.memory_space<vmem_shared>> -> memref<120x128xf32, #tpu.memory_space<vmem_shared>>
      %dma_wait3A_58 = arith.constant 0 : i32
      %dma_wait3A_59 = arith.constant 0 : i32
      %dma_wait3A_60 = tpu.memref_slice %arg8[%dma_wait3A_58, %dma_wait3A_59] : memref<125x128xf32, #tpu.memory_space<vmem>> -> memref<120x128xf32, #tpu.memory_space<vmem>>
      %dma_wait3A_61 = arith.constant 0 : i32
      %dma_wait3A_62 = tpu.memref_slice %arg10[%add3A_28, %dma_wait3A_61] : memref<10000x128xf32, #tpu.memory_space<vmem_shared>> -> memref<120x128xf32, #tpu.memory_space<vmem_shared>>
      tpu.wait_dma2 semaphore(%run_scoped3A : memref<!tpu.dma_semaphore, #tpu.memory_space<semaphore_mem>>) src(%dma_wait3A_62 : memref<120x128xf32, #tpu.memory_space<vmem_shared>>) dst(%dma_wait3A_60 : memref<120x128xf32, #tpu.memory_space<vmem>>)
      tpu.yield
    }) : () -> ()
    %add3A_29 = arith.constant 240 : i32
    %add3A_30 = arith.addi %mul3A_19, %add3A_29 : i32
    "tpu.region"() ({
      %run_scoped3A = tpu.sem_alloc : memref<!tpu.dma_semaphore, #tpu.memory_space<semaphore_mem>>
      %dma_start3A = arith.constant 0 : i32
      %dma_start3A_45 = arith.constant 0 : i32
      %dma_start3A_46 = tpu.memref_slice %arg8[%dma_start3A, %dma_start3A_45] : memref<125x128xf32, #tpu.memory_space<vmem>> -> memref<120x128xf32, #tpu.memory_space<vmem>>
      %dma_start3A_47 = arith.constant 0 : i32
      %dma_start3A_48 = tpu.memref_slice %arg5[%arg0, %add3A_30, %dma_start3A_47] : memref<2x10000x128xf32, #tpu.memory_space<hbm>> -> memref<1x120x128xf32, #tpu.memory_space<hbm>>
      %dma_start3A_49 = tpu.memref_squeeze %dma_start3A_48 : memref<1x120x128xf32, #tpu.memory_space<hbm>> -> memref<120x128xf32, #tpu.memory_space<hbm>>
      %dma_start3A_50 = arith.constant 0 : i32
      %dma_start3A_51 = tpu.memref_slice %arg5[%arg0, %add3A_30, %dma_start3A_50] : memref<2x10000x128xf32, #tpu.memory_space<hbm>> -> memref<1x120x128xf32, #tpu.memory_space<hbm>>
      %dma_start3A_52 = tpu.memref_squeeze %dma_start3A_51 : memref<1x120x128xf32, #tpu.memory_space<hbm>> -> memref<120x128xf32, #tpu.memory_space<hbm>>
      %dma_start3A_53 = arith.constant 0 : i32
      %dma_start3A_54 = arith.constant 0 : i32
      %dma_start3A_55 = tpu.memref_slice %arg8[%dma_start3A_53, %dma_start3A_54] : memref<125x128xf32, #tpu.memory_space<vmem>> -> memref<120x128xf32, #tpu.memory_space<vmem>>
      tpu.enqueue_dma source(%dma_start3A_55 : memref<120x128xf32, #tpu.memory_space<vmem>>) target(%dma_start3A_52 : memref<120x128xf32, #tpu.memory_space<hbm>>) target_semaphore(%run_scoped3A : memref<!tpu.dma_semaphore, #tpu.memory_space<semaphore_mem>>)
      %dma_wait3A = arith.constant 0 : i32
      %dma_wait3A_56 = arith.constant 0 : i32
      %dma_wait3A_57 = tpu.memref_slice %arg8[%dma_wait3A, %dma_wait3A_56] : memref<125x128xf32, #tpu.memory_space<vmem>> -> memref<120x128xf32, #tpu.memory_space<vmem>>
      %dma_wait3A_58 = arith.constant 0 : i32
      %dma_wait3A_59 = tpu.memref_slice %arg5[%arg0, %add3A_30, %dma_wait3A_58] : memref<2x10000x128xf32, #tpu.memory_space<hbm>> -> memref<1x120x128xf32, #tpu.memory_space<hbm>>
      %dma_wait3A_60 = tpu.memref_squeeze %dma_wait3A_59 : memref<1x120x128xf32, #tpu.memory_space<hbm>> -> memref<120x128xf32, #tpu.memory_space<hbm>>
      %dma_wait3A_61 = arith.constant 0 : i32
      %dma_wait3A_62 = tpu.memref_slice %arg5[%arg0, %add3A_30, %dma_wait3A_61] : memref<2x10000x128xf32, #tpu.memory_space<hbm>> -> memref<1x120x128xf32, #tpu.memory_space<hbm>>
      %dma_wait3A_63 = tpu.memref_squeeze %dma_wait3A_62 : memref<1x120x128xf32, #tpu.memory_space<hbm>> -> memref<120x128xf32, #tpu.memory_space<hbm>>
      %dma_wait3A_64 = arith.constant 0 : i32
      %dma_wait3A_65 = arith.constant 0 : i32
      %dma_wait3A_66 = tpu.memref_slice %arg8[%dma_wait3A_64, %dma_wait3A_65] : memref<125x128xf32, #tpu.memory_space<vmem>> -> memref<120x128xf32, #tpu.memory_space<vmem>>
      tpu.wait_dma2 semaphore(%run_scoped3A : memref<!tpu.dma_semaphore, #tpu.memory_space<semaphore_mem>>) src(%dma_wait3A_66 : memref<120x128xf32, #tpu.memory_space<vmem>>) dst(%dma_wait3A_63 : memref<120x128xf32, #tpu.memory_space<hbm>>)
      tpu.yield
    }) : () -> ()
    %add3A_31 = arith.constant 360 : i32
    %add3A_32 = arith.addi %mul3A_19, %add3A_31 : i32
    "tpu.region"() ({
      %run_scoped3A = tpu.sem_alloc : memref<!tpu.dma_semaphore, #tpu.memory_space<semaphore_mem>>
      %dma_start3A = arith.constant 0 : i32
      %dma_start3A_45 = arith.constant 0 : i32
      %dma_start3A_46 = tpu.memref_slice %arg8[%dma_start3A, %dma_start3A_45] : memref<125x128xf32, #tpu.memory_space<vmem>> -> memref<120x128xf32, #tpu.memory_space<vmem>>
      %dma_start3A_47 = arith.constant 0 : i32
      %dma_start3A_48 = tpu.memref_slice %arg10[%add3A_32, %dma_start3A_47] : memref<10000x128xf32, #tpu.memory_space<vmem_shared>> -> memref<120x128xf32, #tpu.memory_space<vmem_shared>>
      %dma_start3A_49 = arith.constant 0 : i32
      %dma_start3A_50 = arith.constant 0 : i32
      %dma_start3A_51 = tpu.memref_slice %arg8[%dma_start3A_49, %dma_start3A_50] : memref<125x128xf32, #tpu.memory_space<vmem>> -> memref<120x128xf32, #tpu.memory_space<vmem>>
      %dma_start3A_52 = arith.constant 0 : i32
      %dma_start3A_53 = tpu.memref_slice %arg10[%add3A_32, %dma_start3A_52] : memref<10000x128xf32, #tpu.memory_space<vmem_shared>> -> memref<120x128xf32, #tpu.memory_space<vmem_shared>>
      tpu.enqueue_dma source(%dma_start3A_53 : memref<120x128xf32, #tpu.memory_space<vmem_shared>>) target(%dma_start3A_51 : memref<120x128xf32, #tpu.memory_space<vmem>>) target_semaphore(%run_scoped3A : memref<!tpu.dma_semaphore, #tpu.memory_space<semaphore_mem>>)
      %dma_wait3A = arith.constant 0 : i32
      %dma_wait3A_54 = arith.constant 0 : i32
      %dma_wait3A_55 = tpu.memref_slice %arg8[%dma_wait3A, %dma_wait3A_54] : memref<125x128xf32, #tpu.memory_space<vmem>> -> memref<120x128xf32, #tpu.memory_space<vmem>>
      %dma_wait3A_56 = arith.constant 0 : i32
      %dma_wait3A_57 = tpu.memref_slice %arg10[%add3A_32, %dma_wait3A_56] : memref<10000x128xf32, #tpu.memory_space<vmem_shared>> -> memref<120x128xf32, #tpu.memory_space<vmem_shared>>
      %dma_wait3A_58 = arith.constant 0 : i32
      %dma_wait3A_59 = arith.constant 0 : i32
      %dma_wait3A_60 = tpu.memref_slice %arg8[%dma_wait3A_58, %dma_wait3A_59] : memref<125x128xf32, #tpu.memory_space<vmem>> -> memref<120x128xf32, #tpu.memory_space<vmem>>
      %dma_wait3A_61 = arith.constant 0 : i32
      %dma_wait3A_62 = tpu.memref_slice %arg10[%add3A_32, %dma_wait3A_61] : memref<10000x128xf32, #tpu.memory_space<vmem_shared>> -> memref<120x128xf32, #tpu.memory_space<vmem_shared>>
      tpu.wait_dma2 semaphore(%run_scoped3A : memref<!tpu.dma_semaphore, #tpu.memory_space<semaphore_mem>>) src(%dma_wait3A_62 : memref<120x128xf32, #tpu.memory_space<vmem_shared>>) dst(%dma_wait3A_60 : memref<120x128xf32, #tpu.memory_space<vmem>>)
      tpu.yield
    }) : () -> ()
    %add3A_33 = arith.constant 360 : i32
    %add3A_34 = arith.addi %mul3A_19, %add3A_33 : i32
    "tpu.region"() ({
      %run_scoped3A = tpu.sem_alloc : memref<!tpu.dma_semaphore, #tpu.memory_space<semaphore_mem>>
      %dma_start3A = arith.constant 0 : i32
      %dma_start3A_45 = arith.constant 0 : i32
      %dma_start3A_46 = tpu.memref_slice %arg8[%dma_start3A, %dma_start3A_45] : memref<125x128xf32, #tpu.memory_space<vmem>> -> memref<120x128xf32, #tpu.memory_space<vmem>>
      %dma_start3A_47 = arith.constant 0 : i32
      %dma_start3A_48 = tpu.memref_slice %arg5[%arg0, %add3A_34, %dma_start3A_47] : memref<2x10000x128xf32, #tpu.memory_space<hbm>> -> memref<1x120x128xf32, #tpu.memory_space<hbm>>
      %dma_start3A_49 = tpu.memref_squeeze %dma_start3A_48 : memref<1x120x128xf32, #tpu.memory_space<hbm>> -> memref<120x128xf32, #tpu.memory_space<hbm>>
      %dma_start3A_50 = arith.constant 0 : i32
      %dma_start3A_51 = tpu.memref_slice %arg5[%arg0, %add3A_34, %dma_start3A_50] : memref<2x10000x128xf32, #tpu.memory_space<hbm>> -> memref<1x120x128xf32, #tpu.memory_space<hbm>>
      %dma_start3A_52 = tpu.memref_squeeze %dma_start3A_51 : memref<1x120x128xf32, #tpu.memory_space<hbm>> -> memref<120x128xf32, #tpu.memory_space<hbm>>
      %dma_start3A_53 = arith.constant 0 : i32
      %dma_start3A_54 = arith.constant 0 : i32
      %dma_start3A_55 = tpu.memref_slice %arg8[%dma_start3A_53, %dma_start3A_54] : memref<125x128xf32, #tpu.memory_space<vmem>> -> memref<120x128xf32, #tpu.memory_space<vmem>>
      tpu.enqueue_dma source(%dma_start3A_55 : memref<120x128xf32, #tpu.memory_space<vmem>>) target(%dma_start3A_52 : memref<120x128xf32, #tpu.memory_space<hbm>>) target_semaphore(%run_scoped3A : memref<!tpu.dma_semaphore, #tpu.memory_space<semaphore_mem>>)
      %dma_wait3A = arith.constant 0 : i32
      %dma_wait3A_56 = arith.constant 0 : i32
      %dma_wait3A_57 = tpu.memref_slice %arg8[%dma_wait3A, %dma_wait3A_56] : memref<125x128xf32, #tpu.memory_space<vmem>> -> memref<120x128xf32, #tpu.memory_space<vmem>>
      %dma_wait3A_58 = arith.constant 0 : i32
      %dma_wait3A_59 = tpu.memref_slice %arg5[%arg0, %add3A_34, %dma_wait3A_58] : memref<2x10000x128xf32, #tpu.memory_space<hbm>> -> memref<1x120x128xf32, #tpu.memory_space<hbm>>
      %dma_wait3A_60 = tpu.memref_squeeze %dma_wait3A_59 : memref<1x120x128xf32, #tpu.memory_space<hbm>> -> memref<120x128xf32, #tpu.memory_space<hbm>>
      %dma_wait3A_61 = arith.constant 0 : i32
      %dma_wait3A_62 = tpu.memref_slice %arg5[%arg0, %add3A_34, %dma_wait3A_61] : memref<2x10000x128xf32, #tpu.memory_space<hbm>> -> memref<1x120x128xf32, #tpu.memory_space<hbm>>
      %dma_wait3A_63 = tpu.memref_squeeze %dma_wait3A_62 : memref<1x120x128xf32, #tpu.memory_space<hbm>> -> memref<120x128xf32, #tpu.memory_space<hbm>>
      %dma_wait3A_64 = arith.constant 0 : i32
      %dma_wait3A_65 = arith.constant 0 : i32
      %dma_wait3A_66 = tpu.memref_slice %arg8[%dma_wait3A_64, %dma_wait3A_65] : memref<125x128xf32, #tpu.memory_space<vmem>> -> memref<120x128xf32, #tpu.memory_space<vmem>>
      tpu.wait_dma2 semaphore(%run_scoped3A : memref<!tpu.dma_semaphore, #tpu.memory_space<semaphore_mem>>) src(%dma_wait3A_66 : memref<120x128xf32, #tpu.memory_space<vmem>>) dst(%dma_wait3A_63 : memref<120x128xf32, #tpu.memory_space<hbm>>)
      tpu.yield
    }) : () -> ()
    %add3A_35 = arith.constant 480 : i32
    %add3A_36 = arith.addi %mul3A_19, %add3A_35 : i32
    "tpu.region"() ({
      %run_scoped3A = tpu.sem_alloc : memref<!tpu.dma_semaphore, #tpu.memory_space<semaphore_mem>>
      %dma_start3A = arith.constant 0 : i32
      %dma_start3A_45 = arith.constant 0 : i32
      %dma_start3A_46 = tpu.memref_slice %arg8[%dma_start3A, %dma_start3A_45] : memref<125x128xf32, #tpu.memory_space<vmem>> -> memref<120x128xf32, #tpu.memory_space<vmem>>
      %dma_start3A_47 = arith.constant 0 : i32
      %dma_start3A_48 = tpu.memref_slice %arg10[%add3A_36, %dma_start3A_47] : memref<10000x128xf32, #tpu.memory_space<vmem_shared>> -> memref<120x128xf32, #tpu.memory_space<vmem_shared>>
      %dma_start3A_49 = arith.constant 0 : i32
      %dma_start3A_50 = arith.constant 0 : i32
      %dma_start3A_51 = tpu.memref_slice %arg8[%dma_start3A_49, %dma_start3A_50] : memref<125x128xf32, #tpu.memory_space<vmem>> -> memref<120x128xf32, #tpu.memory_space<vmem>>
      %dma_start3A_52 = arith.constant 0 : i32
      %dma_start3A_53 = tpu.memref_slice %arg10[%add3A_36, %dma_start3A_52] : memref<10000x128xf32, #tpu.memory_space<vmem_shared>> -> memref<120x128xf32, #tpu.memory_space<vmem_shared>>
      tpu.enqueue_dma source(%dma_start3A_53 : memref<120x128xf32, #tpu.memory_space<vmem_shared>>) target(%dma_start3A_51 : memref<120x128xf32, #tpu.memory_space<vmem>>) target_semaphore(%run_scoped3A : memref<!tpu.dma_semaphore, #tpu.memory_space<semaphore_mem>>)
      %dma_wait3A = arith.constant 0 : i32
      %dma_wait3A_54 = arith.constant 0 : i32
      %dma_wait3A_55 = tpu.memref_slice %arg8[%dma_wait3A, %dma_wait3A_54] : memref<125x128xf32, #tpu.memory_space<vmem>> -> memref<120x128xf32, #tpu.memory_space<vmem>>
      %dma_wait3A_56 = arith.constant 0 : i32
      %dma_wait3A_57 = tpu.memref_slice %arg10[%add3A_36, %dma_wait3A_56] : memref<10000x128xf32, #tpu.memory_space<vmem_shared>> -> memref<120x128xf32, #tpu.memory_space<vmem_shared>>
      %dma_wait3A_58 = arith.constant 0 : i32
      %dma_wait3A_59 = arith.constant 0 : i32
      %dma_wait3A_60 = tpu.memref_slice %arg8[%dma_wait3A_58, %dma_wait3A_59] : memref<125x128xf32, #tpu.memory_space<vmem>> -> memref<120x128xf32, #tpu.memory_space<vmem>>
      %dma_wait3A_61 = arith.constant 0 : i32
      %dma_wait3A_62 = tpu.memref_slice %arg10[%add3A_36, %dma_wait3A_61] : memref<10000x128xf32, #tpu.memory_space<vmem_shared>> -> memref<120x128xf32, #tpu.memory_space<vmem_shared>>
      tpu.wait_dma2 semaphore(%run_scoped3A : memref<!tpu.dma_semaphore, #tpu.memory_space<semaphore_mem>>) src(%dma_wait3A_62 : memref<120x128xf32, #tpu.memory_space<vmem_shared>>) dst(%dma_wait3A_60 : memref<120x128xf32, #tpu.memory_space<vmem>>)
      tpu.yield
    }) : () -> ()
    %add3A_37 = arith.constant 480 : i32
    %add3A_38 = arith.addi %mul3A_19, %add3A_37 : i32
    "tpu.region"() ({
      %run_scoped3A = tpu.sem_alloc : memref<!tpu.dma_semaphore, #tpu.memory_space<semaphore_mem>>
      %dma_start3A = arith.constant 0 : i32
      %dma_start3A_45 = arith.constant 0 : i32
      %dma_start3A_46 = tpu.memref_slice %arg8[%dma_start3A, %dma_start3A_45] : memref<125x128xf32, #tpu.memory_space<vmem>> -> memref<120x128xf32, #tpu.memory_space<vmem>>
      %dma_start3A_47 = arith.constant 0 : i32
      %dma_start3A_48 = tpu.memref_slice %arg5[%arg0, %add3A_38, %dma_start3A_47] : memref<2x10000x128xf32, #tpu.memory_space<hbm>> -> memref<1x120x128xf32, #tpu.memory_space<hbm>>
      %dma_start3A_49 = tpu.memref_squeeze %dma_start3A_48 : memref<1x120x128xf32, #tpu.memory_space<hbm>> -> memref<120x128xf32, #tpu.memory_space<hbm>>
      %dma_start3A_50 = arith.constant 0 : i32
      %dma_start3A_51 = tpu.memref_slice %arg5[%arg0, %add3A_38, %dma_start3A_50] : memref<2x10000x128xf32, #tpu.memory_space<hbm>> -> memref<1x120x128xf32, #tpu.memory_space<hbm>>
      %dma_start3A_52 = tpu.memref_squeeze %dma_start3A_51 : memref<1x120x128xf32, #tpu.memory_space<hbm>> -> memref<120x128xf32, #tpu.memory_space<hbm>>
      %dma_start3A_53 = arith.constant 0 : i32
      %dma_start3A_54 = arith.constant 0 : i32
      %dma_start3A_55 = tpu.memref_slice %arg8[%dma_start3A_53, %dma_start3A_54] : memref<125x128xf32, #tpu.memory_space<vmem>> -> memref<120x128xf32, #tpu.memory_space<vmem>>
      tpu.enqueue_dma source(%dma_start3A_55 : memref<120x128xf32, #tpu.memory_space<vmem>>) target(%dma_start3A_52 : memref<120x128xf32, #tpu.memory_space<hbm>>) target_semaphore(%run_scoped3A : memref<!tpu.dma_semaphore, #tpu.memory_space<semaphore_mem>>)
      %dma_wait3A = arith.constant 0 : i32
      %dma_wait3A_56 = arith.constant 0 : i32
      %dma_wait3A_57 = tpu.memref_slice %arg8[%dma_wait3A, %dma_wait3A_56] : memref<125x128xf32, #tpu.memory_space<vmem>> -> memref<120x128xf32, #tpu.memory_space<vmem>>
      %dma_wait3A_58 = arith.constant 0 : i32
      %dma_wait3A_59 = tpu.memref_slice %arg5[%arg0, %add3A_38, %dma_wait3A_58] : memref<2x10000x128xf32, #tpu.memory_space<hbm>> -> memref<1x120x128xf32, #tpu.memory_space<hbm>>
      %dma_wait3A_60 = tpu.memref_squeeze %dma_wait3A_59 : memref<1x120x128xf32, #tpu.memory_space<hbm>> -> memref<120x128xf32, #tpu.memory_space<hbm>>
      %dma_wait3A_61 = arith.constant 0 : i32
      %dma_wait3A_62 = tpu.memref_slice %arg5[%arg0, %add3A_38, %dma_wait3A_61] : memref<2x10000x128xf32, #tpu.memory_space<hbm>> -> memref<1x120x128xf32, #tpu.memory_space<hbm>>
      %dma_wait3A_63 = tpu.memref_squeeze %dma_wait3A_62 : memref<1x120x128xf32, #tpu.memory_space<hbm>> -> memref<120x128xf32, #tpu.memory_space<hbm>>
      %dma_wait3A_64 = arith.constant 0 : i32
      %dma_wait3A_65 = arith.constant 0 : i32
      %dma_wait3A_66 = tpu.memref_slice %arg8[%dma_wait3A_64, %dma_wait3A_65] : memref<125x128xf32, #tpu.memory_space<vmem>> -> memref<120x128xf32, #tpu.memory_space<vmem>>
      tpu.wait_dma2 semaphore(%run_scoped3A : memref<!tpu.dma_semaphore, #tpu.memory_space<semaphore_mem>>) src(%dma_wait3A_66 : memref<120x128xf32, #tpu.memory_space<vmem>>) dst(%dma_wait3A_63 : memref<120x128xf32, #tpu.memory_space<hbm>>)
      tpu.yield
    }) : () -> ()
    %lt3A = arith.constant 15 : i32
    %lt3A_39 = arith.cmpi slt, %arg1, %lt3A : i32
    %convert_element_type3A = arith.extui %lt3A_39 : i1 to i32
    %cond3A = arith.constant 0 : i32
    %cond3A_40 = arith.cmpi ne, %convert_element_type3A, %cond3A : i32
    scf.if %cond3A_40 {
      %add3A_45 = arith.constant 600 : i32
      %add3A_46 = arith.addi %mul3A_19, %add3A_45 : i32
      "tpu.region"() ({
        %run_scoped3A = tpu.sem_alloc : memref<!tpu.dma_semaphore, #tpu.memory_space<semaphore_mem>>
        %dma_start3A = arith.constant 0 : i32
        %dma_start3A_49 = arith.constant 0 : i32
        %dma_start3A_50 = tpu.memref_slice %arg8[%dma_start3A, %dma_start3A_49] : memref<125x128xf32, #tpu.memory_space<vmem>> -> memref<24x128xf32, #tpu.memory_space<vmem>>
        %dma_start3A_51 = arith.constant 0 : i32
        %dma_start3A_52 = tpu.memref_slice %arg10[%add3A_46, %dma_start3A_51] : memref<10000x128xf32, #tpu.memory_space<vmem_shared>> -> memref<24x128xf32, #tpu.memory_space<vmem_shared>>
        %dma_start3A_53 = arith.constant 0 : i32
        %dma_start3A_54 = arith.constant 0 : i32
        %dma_start3A_55 = tpu.memref_slice %arg8[%dma_start3A_53, %dma_start3A_54] : memref<125x128xf32, #tpu.memory_space<vmem>> -> memref<24x128xf32, #tpu.memory_space<vmem>>
        %dma_start3A_56 = arith.constant 0 : i32
        %dma_start3A_57 = tpu.memref_slice %arg10[%add3A_46, %dma_start3A_56] : memref<10000x128xf32, #tpu.memory_space<vmem_shared>> -> memref<24x128xf32, #tpu.memory_space<vmem_shared>>
        tpu.enqueue_dma source(%dma_start3A_57 : memref<24x128xf32, #tpu.memory_space<vmem_shared>>) target(%dma_start3A_55 : memref<24x128xf32, #tpu.memory_space<vmem>>) target_semaphore(%run_scoped3A : memref<!tpu.dma_semaphore, #tpu.memory_space<semaphore_mem>>)
        %dma_wait3A = arith.constant 0 : i32
        %dma_wait3A_58 = arith.constant 0 : i32
        %dma_wait3A_59 = tpu.memref_slice %arg8[%dma_wait3A, %dma_wait3A_58] : memref<125x128xf32, #tpu.memory_space<vmem>> -> memref<24x128xf32, #tpu.memory_space<vmem>>
        %dma_wait3A_60 = arith.constant 0 : i32
        %dma_wait3A_61 = tpu.memref_slice %arg10[%add3A_46, %dma_wait3A_60] : memref<10000x128xf32, #tpu.memory_space<vmem_shared>> -> memref<24x128xf32, #tpu.memory_space<vmem_shared>>
        %dma_wait3A_62 = arith.constant 0 : i32
        %dma_wait3A_63 = arith.constant 0 : i32
        %dma_wait3A_64 = tpu.memref_slice %arg8[%dma_wait3A_62, %dma_wait3A_63] : memref<125x128xf32, #tpu.memory_space<vmem>> -> memref<24x128xf32, #tpu.memory_space<vmem>>
        %dma_wait3A_65 = arith.constant 0 : i32
        %dma_wait3A_66 = tpu.memref_slice %arg10[%add3A_46, %dma_wait3A_65] : memref<10000x128xf32, #tpu.memory_space<vmem_shared>> -> memref<24x128xf32, #tpu.memory_space<vmem_shared>>
        tpu.wait_dma2 semaphore(%run_scoped3A : memref<!tpu.dma_semaphore, #tpu.memory_space<semaphore_mem>>) src(%dma_wait3A_66 : memref<24x128xf32, #tpu.memory_space<vmem_shared>>) dst(%dma_wait3A_64 : memref<24x128xf32, #tpu.memory_space<vmem>>)
        tpu.yield
      }) : () -> ()
      %add3A_47 = arith.constant 600 : i32
      %add3A_48 = arith.addi %mul3A_19, %add3A_47 : i32
      "tpu.region"() ({
        %run_scoped3A = tpu.sem_alloc : memref<!tpu.dma_semaphore, #tpu.memory_space<semaphore_mem>>
        %dma_start3A = arith.constant 0 : i32
        %dma_start3A_49 = arith.constant 0 : i32
        %dma_start3A_50 = tpu.memref_slice %arg8[%dma_start3A, %dma_start3A_49] : memref<125x128xf32, #tpu.memory_space<vmem>> -> memref<24x128xf32, #tpu.memory_space<vmem>>
        %dma_start3A_51 = arith.constant 0 : i32
        %dma_start3A_52 = tpu.memref_slice %arg5[%arg0, %add3A_48, %dma_start3A_51] : memref<2x10000x128xf32, #tpu.memory_space<hbm>> -> memref<1x24x128xf32, #tpu.memory_space<hbm>>
        %dma_start3A_53 = tpu.memref_squeeze %dma_start3A_52 : memref<1x24x128xf32, #tpu.memory_space<hbm>> -> memref<24x128xf32, #tpu.memory_space<hbm>>
        %dma_start3A_54 = arith.constant 0 : i32
        %dma_start3A_55 = tpu.memref_slice %arg5[%arg0, %add3A_48, %dma_start3A_54] : memref<2x10000x128xf32, #tpu.memory_space<hbm>> -> memref<1x24x128xf32, #tpu.memory_space<hbm>>
        %dma_start3A_56 = tpu.memref_squeeze %dma_start3A_55 : memref<1x24x128xf32, #tpu.memory_space<hbm>> -> memref<24x128xf32, #tpu.memory_space<hbm>>
        %dma_start3A_57 = arith.constant 0 : i32
        %dma_start3A_58 = arith.constant 0 : i32
        %dma_start3A_59 = tpu.memref_slice %arg8[%dma_start3A_57, %dma_start3A_58] : memref<125x128xf32, #tpu.memory_space<vmem>> -> memref<24x128xf32, #tpu.memory_space<vmem>>
        tpu.enqueue_dma source(%dma_start3A_59 : memref<24x128xf32, #tpu.memory_space<vmem>>) target(%dma_start3A_56 : memref<24x128xf32, #tpu.memory_space<hbm>>) target_semaphore(%run_scoped3A : memref<!tpu.dma_semaphore, #tpu.memory_space<semaphore_mem>>)
        %dma_wait3A = arith.constant 0 : i32
        %dma_wait3A_60 = arith.constant 0 : i32
        %dma_wait3A_61 = tpu.memref_slice %arg8[%dma_wait3A, %dma_wait3A_60] : memref<125x128xf32, #tpu.memory_space<vmem>> -> memref<24x128xf32, #tpu.memory_space<vmem>>
        %dma_wait3A_62 = arith.constant 0 : i32
        %dma_wait3A_63 = tpu.memref_slice %arg5[%arg0, %add3A_48, %dma_wait3A_62] : memref<2x10000x128xf32, #tpu.memory_space<hbm>> -> memref<1x24x128xf32, #tpu.memory_space<hbm>>
        %dma_wait3A_64 = tpu.memref_squeeze %dma_wait3A_63 : memref<1x24x128xf32, #tpu.memory_space<hbm>> -> memref<24x128xf32, #tpu.memory_space<hbm>>
        %dma_wait3A_65 = arith.constant 0 : i32
        %dma_wait3A_66 = tpu.memref_slice %arg5[%arg0, %add3A_48, %dma_wait3A_65] : memref<2x10000x128xf32, #tpu.memory_space<hbm>> -> memref<1x24x128xf32, #tpu.memory_space<hbm>>
        %dma_wait3A_67 = tpu.memref_squeeze %dma_wait3A_66 : memref<1x24x128xf32, #tpu.memory_space<hbm>> -> memref<24x128xf32, #tpu.memory_space<hbm>>
        %dma_wait3A_68 = arith.constant 0 : i32
        %dma_wait3A_69 = arith.constant 0 : i32
        %dma_wait3A_70 = tpu.memref_slice %arg8[%dma_wait3A_68, %dma_wait3A_69] : memref<125x128xf32, #tpu.memory_space<vmem>> -> memref<24x128xf32, #tpu.memory_space<vmem>>
        tpu.wait_dma2 semaphore(%run_scoped3A : memref<!tpu.dma_semaphore, #tpu.memory_space<semaphore_mem>>) src(%dma_wait3A_70 : memref<24x128xf32, #tpu.memory_space<vmem>>) dst(%dma_wait3A_67 : memref<24x128xf32, #tpu.memory_space<hbm>>)
        tpu.yield
      }) : () -> ()
    } else {
    }
    %eq3A = arith.constant 15 : i32
    %eq3A_41 = arith.cmpi eq, %arg1, %eq3A : i32
    %convert_element_type3A_42 = arith.extui %eq3A_41 : i1 to i32
    %cond3A_43 = arith.constant 0 : i32
    %cond3A_44 = arith.cmpi ne, %convert_element_type3A_42, %cond3A_43 : i32
    scf.if %cond3A_44 {
      %add3A_45 = arith.constant 600 : i32
      %add3A_46 = arith.addi %mul3A_19, %add3A_45 : i32
      "tpu.region"() ({
        %run_scoped3A = tpu.sem_alloc : memref<!tpu.dma_semaphore, #tpu.memory_space<semaphore_mem>>
        %dma_start3A = arith.constant 0 : i32
        %dma_start3A_49 = arith.constant 0 : i32
        %dma_start3A_50 = tpu.memref_slice %arg8[%dma_start3A, %dma_start3A_49] : memref<125x128xf32, #tpu.memory_space<vmem>> -> memref<40x128xf32, #tpu.memory_space<vmem>>
        %dma_start3A_51 = arith.constant 0 : i32
        %dma_start3A_52 = tpu.memref_slice %arg10[%add3A_46, %dma_start3A_51] : memref<10000x128xf32, #tpu.memory_space<vmem_shared>> -> memref<40x128xf32, #tpu.memory_space<vmem_shared>>
        %dma_start3A_53 = arith.constant 0 : i32
        %dma_start3A_54 = arith.constant 0 : i32
        %dma_start3A_55 = tpu.memref_slice %arg8[%dma_start3A_53, %dma_start3A_54] : memref<125x128xf32, #tpu.memory_space<vmem>> -> memref<40x128xf32, #tpu.memory_space<vmem>>
        %dma_start3A_56 = arith.constant 0 : i32
        %dma_start3A_57 = tpu.memref_slice %arg10[%add3A_46, %dma_start3A_56] : memref<10000x128xf32, #tpu.memory_space<vmem_shared>> -> memref<40x128xf32, #tpu.memory_space<vmem_shared>>
        tpu.enqueue_dma source(%dma_start3A_57 : memref<40x128xf32, #tpu.memory_space<vmem_shared>>) target(%dma_start3A_55 : memref<40x128xf32, #tpu.memory_space<vmem>>) target_semaphore(%run_scoped3A : memref<!tpu.dma_semaphore, #tpu.memory_space<semaphore_mem>>)
        %dma_wait3A = arith.constant 0 : i32
        %dma_wait3A_58 = arith.constant 0 : i32
        %dma_wait3A_59 = tpu.memref_slice %arg8[%dma_wait3A, %dma_wait3A_58] : memref<125x128xf32, #tpu.memory_space<vmem>> -> memref<40x128xf32, #tpu.memory_space<vmem>>
        %dma_wait3A_60 = arith.constant 0 : i32
        %dma_wait3A_61 = tpu.memref_slice %arg10[%add3A_46, %dma_wait3A_60] : memref<10000x128xf32, #tpu.memory_space<vmem_shared>> -> memref<40x128xf32, #tpu.memory_space<vmem_shared>>
        %dma_wait3A_62 = arith.constant 0 : i32
        %dma_wait3A_63 = arith.constant 0 : i32
        %dma_wait3A_64 = tpu.memref_slice %arg8[%dma_wait3A_62, %dma_wait3A_63] : memref<125x128xf32, #tpu.memory_space<vmem>> -> memref<40x128xf32, #tpu.memory_space<vmem>>
        %dma_wait3A_65 = arith.constant 0 : i32
        %dma_wait3A_66 = tpu.memref_slice %arg10[%add3A_46, %dma_wait3A_65] : memref<10000x128xf32, #tpu.memory_space<vmem_shared>> -> memref<40x128xf32, #tpu.memory_space<vmem_shared>>
        tpu.wait_dma2 semaphore(%run_scoped3A : memref<!tpu.dma_semaphore, #tpu.memory_space<semaphore_mem>>) src(%dma_wait3A_66 : memref<40x128xf32, #tpu.memory_space<vmem_shared>>) dst(%dma_wait3A_64 : memref<40x128xf32, #tpu.memory_space<vmem>>)
        tpu.yield
      }) : () -> ()
      %add3A_47 = arith.constant 600 : i32
      %add3A_48 = arith.addi %mul3A_19, %add3A_47 : i32
      "tpu.region"() ({
        %run_scoped3A = tpu.sem_alloc : memref<!tpu.dma_semaphore, #tpu.memory_space<semaphore_mem>>
        %dma_start3A = arith.constant 0 : i32
        %dma_start3A_49 = arith.constant 0 : i32
        %dma_start3A_50 = tpu.memref_slice %arg8[%dma_start3A, %dma_start3A_49] : memref<125x128xf32, #tpu.memory_space<vmem>> -> memref<40x128xf32, #tpu.memory_space<vmem>>
        %dma_start3A_51 = arith.constant 0 : i32
        %dma_start3A_52 = tpu.memref_slice %arg5[%arg0, %add3A_48, %dma_start3A_51] : memref<2x10000x128xf32, #tpu.memory_space<hbm>> -> memref<1x40x128xf32, #tpu.memory_space<hbm>>
        %dma_start3A_53 = tpu.memref_squeeze %dma_start3A_52 : memref<1x40x128xf32, #tpu.memory_space<hbm>> -> memref<40x128xf32, #tpu.memory_space<hbm>>
        %dma_start3A_54 = arith.constant 0 : i32
        %dma_start3A_55 = tpu.memref_slice %arg5[%arg0, %add3A_48, %dma_start3A_54] : memref<2x10000x128xf32, #tpu.memory_space<hbm>> -> memref<1x40x128xf32, #tpu.memory_space<hbm>>
        %dma_start3A_56 = tpu.memref_squeeze %dma_start3A_55 : memref<1x40x128xf32, #tpu.memory_space<hbm>> -> memref<40x128xf32, #tpu.memory_space<hbm>>
        %dma_start3A_57 = arith.constant 0 : i32
        %dma_start3A_58 = arith.constant 0 : i32
        %dma_start3A_59 = tpu.memref_slice %arg8[%dma_start3A_57, %dma_start3A_58] : memref<125x128xf32, #tpu.memory_space<vmem>> -> memref<40x128xf32, #tpu.memory_space<vmem>>
        tpu.enqueue_dma source(%dma_start3A_59 : memref<40x128xf32, #tpu.memory_space<vmem>>) target(%dma_start3A_56 : memref<40x128xf32, #tpu.memory_space<hbm>>) target_semaphore(%run_scoped3A : memref<!tpu.dma_semaphore, #tpu.memory_space<semaphore_mem>>)
        %dma_wait3A = arith.constant 0 : i32
        %dma_wait3A_60 = arith.constant 0 : i32
        %dma_wait3A_61 = tpu.memref_slice %arg8[%dma_wait3A, %dma_wait3A_60] : memref<125x128xf32, #tpu.memory_space<vmem>> -> memref<40x128xf32, #tpu.memory_space<vmem>>
        %dma_wait3A_62 = arith.constant 0 : i32
        %dma_wait3A_63 = tpu.memref_slice %arg5[%arg0, %add3A_48, %dma_wait3A_62] : memref<2x10000x128xf32, #tpu.memory_space<hbm>> -> memref<1x40x128xf32, #tpu.memory_space<hbm>>
        %dma_wait3A_64 = tpu.memref_squeeze %dma_wait3A_63 : memref<1x40x128xf32, #tpu.memory_space<hbm>> -> memref<40x128xf32, #tpu.memory_space<hbm>>
        %dma_wait3A_65 = arith.constant 0 : i32
        %dma_wait3A_66 = tpu.memref_slice %arg5[%arg0, %add3A_48, %dma_wait3A_65] : memref<2x10000x128xf32, #tpu.memory_space<hbm>> -> memref<1x40x128xf32, #tpu.memory_space<hbm>>
        %dma_wait3A_67 = tpu.memref_squeeze %dma_wait3A_66 : memref<1x40x128xf32, #tpu.memory_space<hbm>> -> memref<40x128xf32, #tpu.memory_space<hbm>>
        %dma_wait3A_68 = arith.constant 0 : i32
        %dma_wait3A_69 = arith.constant 0 : i32
        %dma_wait3A_70 = tpu.memref_slice %arg8[%dma_wait3A_68, %dma_wait3A_69] : memref<125x128xf32, #tpu.memory_space<vmem>> -> memref<40x128xf32, #tpu.memory_space<vmem>>
        tpu.wait_dma2 semaphore(%run_scoped3A : memref<!tpu.dma_semaphore, #tpu.memory_space<semaphore_mem>>) src(%dma_wait3A_70 : memref<40x128xf32, #tpu.memory_space<vmem>>) dst(%dma_wait3A_67 : memref<40x128xf32, #tpu.memory_space<hbm>>)
        tpu.yield
      }) : () -> ()
    } else {
    }
    return
  }
}

#map = affine_map<(d0, d1) -> (0, 0, 0)>
#map1 = affine_map<(d0, d1) -> (0, 0)>
module attributes {stable_mosaic.version = 14 : i64} {
  func.func @degk(%arg0: i32, %arg1: i32, %arg2: memref<32x80x125xi32, #tpu.memory_space<hbm>>, %arg3: memref<2x10000xf32, #tpu.memory_space<hbm>>, %arg4: memref<80x125xi32, #tpu.memory_space<vmem>>, %arg5: memref<128xf32, #tpu.memory_space<vmem>>, %arg6: memref<10000xf32, #tpu.memory_space<vmem>>, %arg7: memref<10000xf32, #tpu.memory_space<vmem_shared>>) attributes {dimension_semantics = [#tpu.dimension_semantics<core_parallel>, #tpu.dimension_semantics<subcore_parallel>], iteration_bounds = array<i64: 2, 16>, scalar_prefetch = 0 : i64, scratch_operands = 4 : i64, tpu.core_type = #tpu.core_type<sc_vector_subcore>, window_params = [{transform_indices = #map}, {transform_indices = #map1}]} {
    %mul3A = arith.constant 16 : i32
    %mul3A_0 = arith.muli %arg0, %mul3A : i32
    %add3A = arith.addi %mul3A_0, %arg1 : i32
    "tpu.region"() ({
      %run_scoped3A = tpu.sem_alloc : memref<!tpu.dma_semaphore, #tpu.memory_space<semaphore_mem>>
      %dma_start3A = arith.constant 0 : i32
      %dma_start3A_46 = arith.constant 0 : i32
      %dma_start3A_47 = tpu.memref_slice %arg2[%add3A, %dma_start3A, %dma_start3A_46] : memref<32x80x125xi32, #tpu.memory_space<hbm>> -> memref<1x80x125xi32, #tpu.memory_space<hbm>>
      %dma_start3A_48 = tpu.memref_squeeze %dma_start3A_47 : memref<1x80x125xi32, #tpu.memory_space<hbm>> -> memref<80x125xi32, #tpu.memory_space<hbm>>
      %dma_start3A_49 = arith.constant 0 : i32
      %dma_start3A_50 = arith.constant 0 : i32
      %dma_start3A_51 = tpu.memref_slice %arg2[%add3A, %dma_start3A_49, %dma_start3A_50] : memref<32x80x125xi32, #tpu.memory_space<hbm>> -> memref<1x80x125xi32, #tpu.memory_space<hbm>>
      %dma_start3A_52 = tpu.memref_squeeze %dma_start3A_51 : memref<1x80x125xi32, #tpu.memory_space<hbm>> -> memref<80x125xi32, #tpu.memory_space<hbm>>
      tpu.enqueue_dma source(%dma_start3A_52 : memref<80x125xi32, #tpu.memory_space<hbm>>) target(%arg4 : memref<80x125xi32, #tpu.memory_space<vmem>>) target_semaphore(%run_scoped3A : memref<!tpu.dma_semaphore, #tpu.memory_space<semaphore_mem>>)
      %dma_wait3A = arith.constant 0 : i32
      %dma_wait3A_53 = arith.constant 0 : i32
      %dma_wait3A_54 = tpu.memref_slice %arg2[%add3A, %dma_wait3A, %dma_wait3A_53] : memref<32x80x125xi32, #tpu.memory_space<hbm>> -> memref<1x80x125xi32, #tpu.memory_space<hbm>>
      %dma_wait3A_55 = tpu.memref_squeeze %dma_wait3A_54 : memref<1x80x125xi32, #tpu.memory_space<hbm>> -> memref<80x125xi32, #tpu.memory_space<hbm>>
      %dma_wait3A_56 = arith.constant 0 : i32
      %dma_wait3A_57 = arith.constant 0 : i32
      %dma_wait3A_58 = tpu.memref_slice %arg2[%add3A, %dma_wait3A_56, %dma_wait3A_57] : memref<32x80x125xi32, #tpu.memory_space<hbm>> -> memref<1x80x125xi32, #tpu.memory_space<hbm>>
      %dma_wait3A_59 = tpu.memref_squeeze %dma_wait3A_58 : memref<1x80x125xi32, #tpu.memory_space<hbm>> -> memref<80x125xi32, #tpu.memory_space<hbm>>
      tpu.wait_dma2 semaphore(%run_scoped3A : memref<!tpu.dma_semaphore, #tpu.memory_space<semaphore_mem>>) src(%dma_wait3A_59 : memref<80x125xi32, #tpu.memory_space<hbm>>) dst(%arg4 : memref<80x125xi32, #tpu.memory_space<vmem>>)
      tpu.yield
    }) : () -> ()
    %broadcast_in_dim3A = arith.constant 1.000000e+00 : f32
    %broadcast_in_dim3A_1 = vector.broadcast %broadcast_in_dim3A : f32 to vector<16xf32>
    %swap3A = arith.constant 0 : index
    %swap3A_2 = tpu.vector_load %arg5[%swap3A] {strides = array<i32>} : memref<128xf32, #tpu.memory_space<vmem>>, vector<16xf32>,
    %swap3A_3 = vector.shape_cast %swap3A_2 : vector<16xf32> to vector<16xf32>
    %swap3A_4 = vector.shape_cast %broadcast_in_dim3A_1 : vector<16xf32> to vector<16xf32>
    tpu.vector_store %arg5[%swap3A], %swap3A_4 {strides = array<i32>} : memref<128xf32, #tpu.memory_space<vmem>>, vector<16xf32>,
    %swap3A_5 = arith.constant 16 : index
    %swap3A_6 = tpu.vector_load %arg5[%swap3A_5] {strides = array<i32>} : memref<128xf32, #tpu.memory_space<vmem>>, vector<16xf32>,
    %swap3A_7 = vector.shape_cast %swap3A_6 : vector<16xf32> to vector<16xf32>
    %swap3A_8 = vector.shape_cast %broadcast_in_dim3A_1 : vector<16xf32> to vector<16xf32>
    tpu.vector_store %arg5[%swap3A_5], %swap3A_8 {strides = array<i32>} : memref<128xf32, #tpu.memory_space<vmem>>, vector<16xf32>,
    %swap3A_9 = arith.constant 32 : index
    %swap3A_10 = tpu.vector_load %arg5[%swap3A_9] {strides = array<i32>} : memref<128xf32, #tpu.memory_space<vmem>>, vector<16xf32>,
    %swap3A_11 = vector.shape_cast %swap3A_10 : vector<16xf32> to vector<16xf32>
    %swap3A_12 = vector.shape_cast %broadcast_in_dim3A_1 : vector<16xf32> to vector<16xf32>
    tpu.vector_store %arg5[%swap3A_9], %swap3A_12 {strides = array<i32>} : memref<128xf32, #tpu.memory_space<vmem>>, vector<16xf32>,
    %swap3A_13 = arith.constant 48 : index
    %swap3A_14 = tpu.vector_load %arg5[%swap3A_13] {strides = array<i32>} : memref<128xf32, #tpu.memory_space<vmem>>, vector<16xf32>,
    %swap3A_15 = vector.shape_cast %swap3A_14 : vector<16xf32> to vector<16xf32>
    %swap3A_16 = vector.shape_cast %broadcast_in_dim3A_1 : vector<16xf32> to vector<16xf32>
    tpu.vector_store %arg5[%swap3A_13], %swap3A_16 {strides = array<i32>} : memref<128xf32, #tpu.memory_space<vmem>>, vector<16xf32>,
    %swap3A_17 = arith.constant 64 : index
    %swap3A_18 = tpu.vector_load %arg5[%swap3A_17] {strides = array<i32>} : memref<128xf32, #tpu.memory_space<vmem>>, vector<16xf32>,
    %swap3A_19 = vector.shape_cast %swap3A_18 : vector<16xf32> to vector<16xf32>
    %swap3A_20 = vector.shape_cast %broadcast_in_dim3A_1 : vector<16xf32> to vector<16xf32>
    tpu.vector_store %arg5[%swap3A_17], %swap3A_20 {strides = array<i32>} : memref<128xf32, #tpu.memory_space<vmem>>, vector<16xf32>,
    %swap3A_21 = arith.constant 80 : index
    %swap3A_22 = tpu.vector_load %arg5[%swap3A_21] {strides = array<i32>} : memref<128xf32, #tpu.memory_space<vmem>>, vector<16xf32>,
    %swap3A_23 = vector.shape_cast %swap3A_22 : vector<16xf32> to vector<16xf32>
    %swap3A_24 = vector.shape_cast %broadcast_in_dim3A_1 : vector<16xf32> to vector<16xf32>
    tpu.vector_store %arg5[%swap3A_21], %swap3A_24 {strides = array<i32>} : memref<128xf32, #tpu.memory_space<vmem>>, vector<16xf32>,
    %swap3A_25 = arith.constant 96 : index
    %swap3A_26 = tpu.vector_load %arg5[%swap3A_25] {strides = array<i32>} : memref<128xf32, #tpu.memory_space<vmem>>, vector<16xf32>,
    %swap3A_27 = vector.shape_cast %swap3A_26 : vector<16xf32> to vector<16xf32>
    %swap3A_28 = vector.shape_cast %broadcast_in_dim3A_1 : vector<16xf32> to vector<16xf32>
    tpu.vector_store %arg5[%swap3A_25], %swap3A_28 {strides = array<i32>} : memref<128xf32, #tpu.memory_space<vmem>>, vector<16xf32>,
    %swap3A_29 = arith.constant 112 : index
    %swap3A_30 = tpu.vector_load %arg5[%swap3A_29] {strides = array<i32>} : memref<128xf32, #tpu.memory_space<vmem>>, vector<16xf32>,
    %swap3A_31 = vector.shape_cast %swap3A_30 : vector<16xf32> to vector<16xf32>
    %swap3A_32 = vector.shape_cast %broadcast_in_dim3A_1 : vector<16xf32> to vector<16xf32>
    tpu.vector_store %arg5[%swap3A_29], %swap3A_32 {strides = array<i32>} : memref<128xf32, #tpu.memory_space<vmem>>, vector<16xf32>,
    %eq3A = arith.constant 0 : i32
    %eq3A_33 = arith.cmpi eq, %arg1, %eq3A : i32
    %convert_element_type3A = arith.extui %eq3A_33 : i1 to i32
    %cond3A = arith.constant 0 : i32
    %cond3A_34 = arith.cmpi ne, %convert_element_type3A, %cond3A : i32
    scf.if %cond3A_34 {
      %broadcast_in_dim3A_46 = arith.constant 0.000000e+00 : f32
      %broadcast_in_dim3A_47 = vector.broadcast %broadcast_in_dim3A_46 : f32 to vector<16xf32>
      %scan3A_48 = arith.constant 0 : i32
      %scan3A_49 = arith.constant 0 : i32
      %scan3A_50 = arith.constant 625 : i32
      %scan3A_51 = arith.addi %scan3A_49, %scan3A_50 : i32
      %scan3A_52 = arith.constant 1 : i32
      scf.for %scan3A_54 = %scan3A_49 to %scan3A_51 step %scan3A_52  : i32 {
        %mul3A_55 = arith.constant 16 : i32
        %mul3A_56 = arith.muli %scan3A_54, %mul3A_55 : i32
        %swap3A_57 = arith.index_cast %mul3A_56 : i32 to index
        %swap3A_58 = tpu.vector_load %arg6[%swap3A_57] {strides = array<i32>} : memref<10000xf32, #tpu.memory_space<vmem>>, vector<16xf32>,
        %swap3A_59 = vector.shape_cast %swap3A_58 : vector<16xf32> to vector<16xf32>
        %swap3A_60 = vector.shape_cast %broadcast_in_dim3A_47 : vector<16xf32> to vector<16xf32>
        tpu.vector_store %arg6[%swap3A_57], %swap3A_60 {strides = array<i32>} : memref<10000xf32, #tpu.memory_space<vmem>>, vector<16xf32>,
      }
      %scan3A_53 = arith.constant 625 : i32
      "tpu.region"() ({
        %run_scoped3A = tpu.sem_alloc : memref<!tpu.dma_semaphore, #tpu.memory_space<semaphore_mem>>
        tpu.enqueue_dma source(%arg6 : memref<10000xf32, #tpu.memory_space<vmem>>) target(%arg7 : memref<10000xf32, #tpu.memory_space<vmem_shared>>) target_semaphore(%run_scoped3A : memref<!tpu.dma_semaphore, #tpu.memory_space<semaphore_mem>>)
        tpu.wait_dma2 semaphore(%run_scoped3A : memref<!tpu.dma_semaphore, #tpu.memory_space<semaphore_mem>>) src(%arg6 : memref<10000xf32, #tpu.memory_space<vmem>>) dst(%arg7 : memref<10000xf32, #tpu.memory_space<vmem_shared>>)
        tpu.yield
      }) : () -> ()
    } else {
    }
    %barrier3A = arith.constant 0 : index
    tpu.barrier barrier_id(%barrier3A)
    %scan3A = arith.constant 0 : i32
    %scan3A_35 = arith.constant 0 : i32
    %scan3A_36 = arith.constant 80 : i32
    %scan3A_37 = arith.addi %scan3A_35, %scan3A_36 : i32
    %scan3A_38 = arith.constant 1 : i32
    scf.for %scan3A_46 = %scan3A_35 to %scan3A_37 step %scan3A_38  : i32 {
      "tpu.region"() ({
        %run_scoped3A = tpu.sem_alloc : memref<!tpu.dma_semaphore, #tpu.memory_space<semaphore_mem>>
        %dma_start3A = arith.constant 0 : i32
        %dma_start3A_47 = tpu.memref_slice %arg5[%dma_start3A] : memref<128xf32, #tpu.memory_space<vmem>> -> memref<125xf32, #tpu.memory_space<vmem>>
        %dma_start3A_48 = arith.constant 0 : i32
        %dma_start3A_49 = tpu.memref_slice %arg4[%scan3A_46, %dma_start3A_48] : memref<80x125xi32, #tpu.memory_space<vmem>> -> memref<1x125xi32, #tpu.memory_space<vmem>>
        %dma_start3A_50 = tpu.memref_squeeze %dma_start3A_49 : memref<1x125xi32, #tpu.memory_space<vmem>> -> memref<125xi32, #tpu.memory_space<vmem>>
        %dma_start3A_51 = arith.constant 0 : i32
        %dma_start3A_52 = tpu.memref_slice %arg7[%dma_start3A_51] : memref<10000xf32, #tpu.memory_space<vmem_shared>> -> memref<10000xf32, #tpu.memory_space<vmem_shared>>
        tpu.enqueue_indirect_dma source(%dma_start3A_47 : memref<125xf32, #tpu.memory_space<vmem>>) target(%dma_start3A_52 : memref<10000xf32, #tpu.memory_space<vmem_shared>>) offsets(%dma_start3A_50 : memref<125xi32, #tpu.memory_space<vmem>>) semaphore(%run_scoped3A : memref<!tpu.dma_semaphore, #tpu.memory_space<semaphore_mem>>) {add = true}
        %dma_wait3A = arith.constant 0 : i32
        %dma_wait3A_53 = tpu.memref_slice %arg5[%dma_wait3A] : memref<128xf32, #tpu.memory_space<vmem>> -> memref<125xf32, #tpu.memory_space<vmem>>
        %dma_wait3A_54 = arith.constant 0 : i32
        %dma_wait3A_55 = tpu.memref_slice %arg4[%scan3A_46, %dma_wait3A_54] : memref<80x125xi32, #tpu.memory_space<vmem>> -> memref<1x125xi32, #tpu.memory_space<vmem>>
        %dma_wait3A_56 = tpu.memref_squeeze %dma_wait3A_55 : memref<1x125xi32, #tpu.memory_space<vmem>> -> memref<125xi32, #tpu.memory_space<vmem>>
        %dma_wait3A_57 = arith.constant 0 : i32
        %dma_wait3A_58 = tpu.memref_slice %arg7[%dma_wait3A_57] : memref<10000xf32, #tpu.memory_space<vmem_shared>> -> memref<10000xf32, #tpu.memory_space<vmem_shared>>
        tpu.wait_indirect_dma semaphore(%run_scoped3A : memref<!tpu.dma_semaphore, #tpu.memory_space<semaphore_mem>>) src(%dma_wait3A_53 : memref<125xf32, #tpu.memory_space<vmem>>) dst(%dma_wait3A_58 : memref<10000xf32, #tpu.memory_space<vmem_shared>>)
        tpu.yield
      }) : () -> ()
    }
    %scan3A_39 = arith.constant 80 : i32
    %barrier3A_40 = arith.constant 0 : index
    tpu.barrier barrier_id(%barrier3A_40)
    %eq3A_41 = arith.constant 0 : i32
    %eq3A_42 = arith.cmpi eq, %arg1, %eq3A_41 : i32
    %convert_element_type3A_43 = arith.extui %eq3A_42 : i1 to i32
    %cond3A_44 = arith.constant 0 : i32
    %cond3A_45 = arith.cmpi ne, %convert_element_type3A_43, %cond3A_44 : i32
    scf.if %cond3A_45 {
      "tpu.region"() ({
        %run_scoped3A = tpu.sem_alloc : memref<!tpu.dma_semaphore, #tpu.memory_space<semaphore_mem>>
        tpu.enqueue_dma source(%arg7 : memref<10000xf32, #tpu.memory_space<vmem_shared>>) target(%arg6 : memref<10000xf32, #tpu.memory_space<vmem>>) target_semaphore(%run_scoped3A : memref<!tpu.dma_semaphore, #tpu.memory_space<semaphore_mem>>)
        tpu.wait_dma2 semaphore(%run_scoped3A : memref<!tpu.dma_semaphore, #tpu.memory_space<semaphore_mem>>) src(%arg7 : memref<10000xf32, #tpu.memory_space<vmem_shared>>) dst(%arg6 : memref<10000xf32, #tpu.memory_space<vmem>>)
        tpu.yield
      }) : () -> ()
      "tpu.region"() ({
        %run_scoped3A = tpu.sem_alloc : memref<!tpu.dma_semaphore, #tpu.memory_space<semaphore_mem>>
        %dma_start3A = arith.constant 0 : i32
        %dma_start3A_46 = tpu.memref_slice %arg3[%arg0, %dma_start3A] : memref<2x10000xf32, #tpu.memory_space<hbm>> -> memref<1x10000xf32, #tpu.memory_space<hbm>>
        %dma_start3A_47 = tpu.memref_squeeze %dma_start3A_46 : memref<1x10000xf32, #tpu.memory_space<hbm>> -> memref<10000xf32, #tpu.memory_space<hbm>>
        %dma_start3A_48 = arith.constant 0 : i32
        %dma_start3A_49 = tpu.memref_slice %arg3[%arg0, %dma_start3A_48] : memref<2x10000xf32, #tpu.memory_space<hbm>> -> memref<1x10000xf32, #tpu.memory_space<hbm>>
        %dma_start3A_50 = tpu.memref_squeeze %dma_start3A_49 : memref<1x10000xf32, #tpu.memory_space<hbm>> -> memref<10000xf32, #tpu.memory_space<hbm>>
        tpu.enqueue_dma source(%arg6 : memref<10000xf32, #tpu.memory_space<vmem>>) target(%dma_start3A_50 : memref<10000xf32, #tpu.memory_space<hbm>>) target_semaphore(%run_scoped3A : memref<!tpu.dma_semaphore, #tpu.memory_space<semaphore_mem>>)
        %dma_wait3A = arith.constant 0 : i32
        %dma_wait3A_51 = tpu.memref_slice %arg3[%arg0, %dma_wait3A] : memref<2x10000xf32, #tpu.memory_space<hbm>> -> memref<1x10000xf32, #tpu.memory_space<hbm>>
        %dma_wait3A_52 = tpu.memref_squeeze %dma_wait3A_51 : memref<1x10000xf32, #tpu.memory_space<hbm>> -> memref<10000xf32, #tpu.memory_space<hbm>>
        %dma_wait3A_53 = arith.constant 0 : i32
        %dma_wait3A_54 = tpu.memref_slice %arg3[%arg0, %dma_wait3A_53] : memref<2x10000xf32, #tpu.memory_space<hbm>> -> memref<1x10000xf32, #tpu.memory_space<hbm>>
        %dma_wait3A_55 = tpu.memref_squeeze %dma_wait3A_54 : memref<1x10000xf32, #tpu.memory_space<hbm>> -> memref<10000xf32, #tpu.memory_space<hbm>>
        tpu.wait_dma2 semaphore(%run_scoped3A : memref<!tpu.dma_semaphore, #tpu.memory_space<semaphore_mem>>) src(%arg6 : memref<10000xf32, #tpu.memory_space<vmem>>) dst(%dma_wait3A_55 : memref<10000xf32, #tpu.memory_space<hbm>>)
        tpu.yield
      }) : () -> ()
    } else {
    }
    return
  }
}

module attributes {stable_mosaic.version = 14 : i64} {
  func.func @body(%arg0: i32, %arg1: i32, %arg2: memref<1x1000x128xf32, #tpu.memory_space<vmem>>, %arg3: memref<2x1000x1xf32, #tpu.memory_space<vmem>>, %arg4: memref<128x128xf32, #tpu.memory_space<vmem>>, %arg5: memref<1x1000x128xf32, #tpu.memory_space<vmem>>) attributes {dimension_semantics = [#tpu.dimension_semantics<arbitrary>, #tpu.dimension_semantics<arbitrary>], iteration_bounds = array<i64: 2, 10>, scalar_prefetch = 0 : i64, scratch_operands = 0 : i64, tpu.core_type = #tpu.core_type<tc>, window_params = [{transform_indices = @transform_0, window_bounds = array<i64: 1, 1000, 128>}, {transform_indices = @transform_1, window_bounds = array<i64: 2, 1000, 1>}, {pipeline_mode = #tpu.pipeline_mode<synchronous>, transform_indices = @transform_2, window_bounds = array<i64: 128, 128>}, {transform_indices = @transform_3, window_bounds = array<i64: 1, 1000, 128>}]} {
    %get3A = arith.constant 0 : index
    %get3A_0 = arith.constant 0 : index
    %get3A_1 = arith.constant 0 : index
    %get3A_2 = vector.load %arg3[%get3A, %get3A_0, %get3A_1] : memref<2x1000x1xf32, #tpu.memory_space<vmem>>, vector<2x1000x1xf32>
    %slice3A = vector.extract_strided_slice %get3A_2 {offsets = [0, 0, 0], sizes = [1, 1000, 1], strides = [1, 1, 1]} : vector<2x1000x1xf32> to vector<1x1000x1xf32>
    %squeeze3A = vector.shape_cast %slice3A : vector<1x1000x1xf32> to vector<1000x1xf32>
    %slice3A_3 = vector.extract_strided_slice %get3A_2 {offsets = [1, 0, 0], sizes = [1, 1000, 1], strides = [1, 1, 1]} : vector<2x1000x1xf32> to vector<1x1000x1xf32>
    %squeeze3A_4 = vector.shape_cast %slice3A_3 : vector<1x1000x1xf32> to vector<1000x1xf32>
    %add3A = arith.addf %squeeze3A, %squeeze3A_4 : vector<1000x1xf32>
    %add3A_5 = arith.constant 1.000000e+00 : f32
    %add3A_6 = vector.broadcast %add3A_5 : f32 to vector<1000x1xf32>
    %add3A_7 = arith.addf %add3A, %add3A_6 : vector<1000x1xf32>
    %rsqrt3A = math.rsqrt %add3A_7 : vector<1000x1xf32>
    %get3A_8 = arith.constant 0 : index
    %get3A_9 = arith.constant 0 : index
    %get3A_10 = arith.constant 0 : index
    %get3A_11 = vector.load %arg2[%get3A_8, %get3A_9, %get3A_10] : memref<1x1000x128xf32, #tpu.memory_space<vmem>>, vector<1x1000x128xf32>
    %get3A_12 = vector.shape_cast %get3A_11 : vector<1x1000x128xf32> to vector<1000x128xf32>
    %get3A_13 = arith.constant 0 : index
    %get3A_14 = arith.constant 0 : index
    %get3A_15 = vector.load %arg4[%get3A_13, %get3A_14] : memref<128x128xf32, #tpu.memory_space<vmem>>, vector<128x128xf32>
    %dot_general3A = arith.constant dense<0.000000e+00> : vector<1000x128xf32>
    %dot_general3A_16 = tpu.matmul %get3A_12, %get3A_15, %dot_general3A {dimension_numbers = #tpu.dot_dimension_numbers<[1], [0], [0], [1], [0, 0, 1, 1], [], []>, transpose_lhs_hint = false} : vector<1000x128xf32>, vector<128x128xf32>, vector<1000x128xf32> -> vector<1000x128xf32>
    %mul3A = vector.broadcast %rsqrt3A : vector<1000x1xf32> to vector<1000x128xf32>
    %mul3A_17 = arith.mulf %dot_general3A_16, %mul3A : vector<1000x128xf32>
    %swap3A = arith.constant 0 : index
    %swap3A_18 = arith.constant 0 : index
    %swap3A_19 = arith.constant 0 : index
    %swap3A_20 = vector.load %arg5[%swap3A, %swap3A_18, %swap3A_19] : memref<1x1000x128xf32, #tpu.memory_space<vmem>>, vector<1x1000x128xf32>
    %swap3A_21 = vector.shape_cast %swap3A_20 : vector<1x1000x128xf32> to vector<1000x128xf32>
    %swap3A_22 = vector.shape_cast %mul3A_17 : vector<1000x128xf32> to vector<1x1000x128xf32>
    tpu.vector_store %arg5[%swap3A, %swap3A_18, %swap3A_19], %swap3A_22 {strides = array<i32>} : memref<1x1000x128xf32, #tpu.memory_space<vmem>>, vector<1x1000x128xf32>,
    return
  }
  func.func @transform_0(%arg0: i32, %arg1: i32) -> (i32, i32, i32) {
    %c0_i32 = arith.constant 0 : i32
    %c0_i32_0 = arith.constant 0 : i32
    return %arg0, %arg1, %c0_i32 : i32, i32, i32
  }
  func.func @transform_1(%arg0: i32, %arg1: i32) -> (i32, i32, i32) {
    %c0_i32 = arith.constant 0 : i32
    %c0_i32_0 = arith.constant 0 : i32
    %c0_i32_1 = arith.constant 0 : i32
    return %c0_i32, %arg1, %c0_i32_0 : i32, i32, i32
  }
  func.func @transform_2(%arg0: i32, %arg1: i32) -> (i32, i32) {
    %c0_i32 = arith.constant 0 : i32
    %c0_i32_0 = arith.constant 0 : i32
    %c0_i32_1 = arith.constant 0 : i32
    return %c0_i32, %c0_i32_0 : i32, i32
  }
  func.func @transform_3(%arg0: i32, %arg1: i32) -> (i32, i32, i32) {
    %c0_i32 = arith.constant 0 : i32
    %c0_i32_0 = arith.constant 0 : i32
    return %arg0, %arg1, %c0_i32 : i32, i32, i32
  }
}

module attributes {stable_mosaic.version = 14 : i64} {
  func.func @body(%arg0: i32, %arg1: i32, %arg2: memref<1x1000x128xf32, #tpu.memory_space<vmem>>, %arg3: memref<1x1000x128xf32, #tpu.memory_space<vmem>>, %arg4: memref<2x1000x1xf32, #tpu.memory_space<vmem>>, %arg5: memref<128x128xf32, #tpu.memory_space<vmem>>, %arg6: memref<1x128xf32, #tpu.memory_space<vmem>>, %arg7: memref<1x1000x128xf32, #tpu.memory_space<vmem>>) attributes {dimension_semantics = [#tpu.dimension_semantics<arbitrary>, #tpu.dimension_semantics<arbitrary>], iteration_bounds = array<i64: 2, 10>, scalar_prefetch = 0 : i64, scratch_operands = 0 : i64, tpu.core_type = #tpu.core_type<tc>, window_params = [{transform_indices = @transform_0, window_bounds = array<i64: 1, 1000, 128>}, {transform_indices = @transform_1, window_bounds = array<i64: 1, 1000, 128>}, {transform_indices = @transform_2, window_bounds = array<i64: 2, 1000, 1>}, {pipeline_mode = #tpu.pipeline_mode<synchronous>, transform_indices = @transform_3, window_bounds = array<i64: 128, 128>}, {pipeline_mode = #tpu.pipeline_mode<synchronous>, transform_indices = @transform_4, window_bounds = array<i64: 1, 128>}, {transform_indices = @transform_5, window_bounds = array<i64: 1, 1000, 128>}]} {
    %get3A = arith.constant 0 : index
    %get3A_0 = arith.constant 0 : index
    %get3A_1 = arith.constant 0 : index
    %get3A_2 = vector.load %arg4[%get3A, %get3A_0, %get3A_1] : memref<2x1000x1xf32, #tpu.memory_space<vmem>>, vector<2x1000x1xf32>
    %slice3A = vector.extract_strided_slice %get3A_2 {offsets = [0, 0, 0], sizes = [1, 1000, 1], strides = [1, 1, 1]} : vector<2x1000x1xf32> to vector<1x1000x1xf32>
    %squeeze3A = vector.shape_cast %slice3A : vector<1x1000x1xf32> to vector<1000x1xf32>
    %slice3A_3 = vector.extract_strided_slice %get3A_2 {offsets = [1, 0, 0], sizes = [1, 1000, 1], strides = [1, 1, 1]} : vector<2x1000x1xf32> to vector<1x1000x1xf32>
    %squeeze3A_4 = vector.shape_cast %slice3A_3 : vector<1x1000x1xf32> to vector<1000x1xf32>
    %add3A = arith.addf %squeeze3A, %squeeze3A_4 : vector<1000x1xf32>
    %add3A_5 = arith.constant 1.000000e+00 : f32
    %add3A_6 = vector.broadcast %add3A_5 : f32 to vector<1000x1xf32>
    %add3A_7 = arith.addf %add3A, %add3A_6 : vector<1000x1xf32>
    %rsqrt3A = math.rsqrt %add3A_7 : vector<1000x1xf32>
    %get3A_8 = arith.constant 0 : index
    %get3A_9 = arith.constant 0 : index
    %get3A_10 = arith.constant 0 : index
    %get3A_11 = vector.load %arg2[%get3A_8, %get3A_9, %get3A_10] : memref<1x1000x128xf32, #tpu.memory_space<vmem>>, vector<1x1000x128xf32>
    %get3A_12 = vector.shape_cast %get3A_11 : vector<1x1000x128xf32> to vector<1000x128xf32>
    %get3A_13 = arith.constant 0 : index
    %get3A_14 = arith.constant 0 : index
    %get3A_15 = arith.constant 0 : index
    %get3A_16 = vector.load %arg3[%get3A_13, %get3A_14, %get3A_15] : memref<1x1000x128xf32, #tpu.memory_space<vmem>>, vector<1x1000x128xf32>
    %get3A_17 = vector.shape_cast %get3A_16 : vector<1x1000x128xf32> to vector<1000x128xf32>
    %add3A_18 = arith.addf %get3A_12, %get3A_17 : vector<1000x128xf32>
    %mul3A = vector.broadcast %rsqrt3A : vector<1000x1xf32> to vector<1000x128xf32>
    %mul3A_19 = arith.mulf %add3A_18, %mul3A : vector<1000x128xf32>
    %get3A_20 = arith.constant 0 : index
    %get3A_21 = arith.constant 0 : index
    %get3A_22 = vector.load %arg6[%get3A_20, %get3A_21] : memref<1x128xf32, #tpu.memory_space<vmem>>, vector<1x128xf32>
    %add3A_23 = vector.broadcast %get3A_22 : vector<1x128xf32> to vector<1000x128xf32>
    %add3A_24 = arith.addf %mul3A_19, %add3A_23 : vector<1000x128xf32>
    %max3A = arith.constant 0.000000e+00 : f32
    %max3A_25 = vector.broadcast %max3A : f32 to vector<1000x128xf32>
    %max3A_26 = arith.maximumf %add3A_24, %max3A_25 : vector<1000x128xf32>
    %get3A_27 = arith.constant 0 : index
    %get3A_28 = arith.constant 0 : index
    %get3A_29 = vector.load %arg5[%get3A_27, %get3A_28] : memref<128x128xf32, #tpu.memory_space<vmem>>, vector<128x128xf32>
    %dot_general3A = arith.constant dense<0.000000e+00> : vector<1000x128xf32>
    %dot_general3A_30 = tpu.matmul %max3A_26, %get3A_29, %dot_general3A {dimension_numbers = #tpu.dot_dimension_numbers<[1], [0], [0], [1], [0, 0, 1, 1], [], []>, transpose_lhs_hint = false} : vector<1000x128xf32>, vector<128x128xf32>, vector<1000x128xf32> -> vector<1000x128xf32>
    %mul3A_31 = vector.broadcast %rsqrt3A : vector<1000x1xf32> to vector<1000x128xf32>
    %mul3A_32 = arith.mulf %dot_general3A_30, %mul3A_31 : vector<1000x128xf32>
    %swap3A = arith.constant 0 : index
    %swap3A_33 = arith.constant 0 : index
    %swap3A_34 = arith.constant 0 : index
    %swap3A_35 = vector.load %arg7[%swap3A, %swap3A_33, %swap3A_34] : memref<1x1000x128xf32, #tpu.memory_space<vmem>>, vector<1x1000x128xf32>
    %swap3A_36 = vector.shape_cast %swap3A_35 : vector<1x1000x128xf32> to vector<1000x128xf32>
    %swap3A_37 = vector.shape_cast %mul3A_32 : vector<1000x128xf32> to vector<1x1000x128xf32>
    tpu.vector_store %arg7[%swap3A, %swap3A_33, %swap3A_34], %swap3A_37 {strides = array<i32>} : memref<1x1000x128xf32, #tpu.memory_space<vmem>>, vector<1x1000x128xf32>,
    return
  }
  func.func @transform_0(%arg0: i32, %arg1: i32) -> (i32, i32, i32) {
    %c0_i32 = arith.constant 0 : i32
    %c0_i32_0 = arith.constant 0 : i32
    return %arg0, %arg1, %c0_i32 : i32, i32, i32
  }
  func.func @transform_1(%arg0: i32, %arg1: i32) -> (i32, i32, i32) {
    %c0_i32 = arith.constant 0 : i32
    %c0_i32_0 = arith.constant 0 : i32
    return %arg0, %arg1, %c0_i32 : i32, i32, i32
  }
  func.func @transform_2(%arg0: i32, %arg1: i32) -> (i32, i32, i32) {
    %c0_i32 = arith.constant 0 : i32
    %c0_i32_0 = arith.constant 0 : i32
    %c0_i32_1 = arith.constant 0 : i32
    return %c0_i32, %arg1, %c0_i32_0 : i32, i32, i32
  }
  func.func @transform_3(%arg0: i32, %arg1: i32) -> (i32, i32) {
    %c0_i32 = arith.constant 0 : i32
    %c0_i32_0 = arith.constant 0 : i32
    %c0_i32_1 = arith.constant 0 : i32
    return %c0_i32, %c0_i32_0 : i32, i32
  }
  func.func @transform_4(%arg0: i32, %arg1: i32) -> (i32, i32) {
    %c0_i32 = arith.constant 0 : i32
    %c0_i32_0 = arith.constant 0 : i32
    %c0_i32_1 = arith.constant 0 : i32
    return %c0_i32, %c0_i32_0 : i32, i32
  }
  func.func @transform_5(%arg0: i32, %arg1: i32) -> (i32, i32, i32) {
    %c0_i32 = arith.constant 0 : i32
    %c0_i32_0 = arith.constant 0 : i32
    return %arg0, %arg1, %c0_i32 : i32, i32, i32
  }
}

module attributes {stable_mosaic.version = 14 : i64} {
  func.func @body(%arg0: memref<2x10000x128xf32, #tpu.memory_space<vmem>>, %arg1: memref<2x10000x128xf32, #tpu.memory_space<vmem>>, %arg2: memref<2x10000x1xf32, #tpu.memory_space<vmem>>, %arg3: memref<1x128xf32, #tpu.memory_space<vmem>>, %arg4: memref<128x128xf32, #tpu.memory_space<vmem>>, %arg5: memref<1x1xf32, #tpu.memory_space<vmem>>, %arg6: memref<10000x1xf32, #tpu.memory_space<vmem>>, %arg7: memref<10000x1xf32, #tpu.memory_space<vmem>>) attributes {dimension_semantics = [], scalar_prefetch = 0 : i64, scratch_operands = 0 : i64, tpu.core_type = #tpu.core_type<tc>} {
    %get3A = arith.constant 0 : index
    %get3A_0 = arith.constant 0 : index
    %get3A_1 = arith.constant 0 : index
    %get3A_2 = vector.load %arg2[%get3A, %get3A_0, %get3A_1] : memref<2x10000x1xf32, #tpu.memory_space<vmem>>, vector<2x10000x1xf32>
    %slice3A = vector.extract_strided_slice %get3A_2 {offsets = [0, 0, 0], sizes = [1, 10000, 1], strides = [1, 1, 1]} : vector<2x10000x1xf32> to vector<1x10000x1xf32>
    %squeeze3A = vector.shape_cast %slice3A : vector<1x10000x1xf32> to vector<10000x1xf32>
    %slice3A_3 = vector.extract_strided_slice %get3A_2 {offsets = [1, 0, 0], sizes = [1, 10000, 1], strides = [1, 1, 1]} : vector<2x10000x1xf32> to vector<1x10000x1xf32>
    %squeeze3A_4 = vector.shape_cast %slice3A_3 : vector<1x10000x1xf32> to vector<10000x1xf32>
    %add3A = arith.addf %squeeze3A, %squeeze3A_4 : vector<10000x1xf32>
    %add3A_5 = arith.constant 1.000000e+00 : f32
    %add3A_6 = vector.broadcast %add3A_5 : f32 to vector<10000x1xf32>
    %add3A_7 = arith.addf %add3A, %add3A_6 : vector<10000x1xf32>
    %rsqrt3A = math.rsqrt %add3A_7 : vector<10000x1xf32>
    %get3A_8 = arith.constant 0 : index
    %get3A_9 = arith.constant 0 : index
    %get3A_10 = vector.load %arg3[%get3A_8, %get3A_9] : memref<1x128xf32, #tpu.memory_space<vmem>>, vector<1x128xf32>
    %get3A_11 = arith.constant 0 : index
    %get3A_12 = arith.constant 0 : index
    %get3A_13 = arith.constant 0 : index
    %get3A_14 = vector.load %arg0[%get3A_11, %get3A_12, %get3A_13] : memref<2x10000x128xf32, #tpu.memory_space<vmem>>, vector<1x10000x128xf32>
    %get3A_15 = vector.shape_cast %get3A_14 : vector<1x10000x128xf32> to vector<10000x128xf32>
    %get3A_16 = arith.constant 0 : index
    %get3A_17 = arith.constant 0 : index
    %get3A_18 = arith.constant 0 : index
    %get3A_19 = vector.load %arg1[%get3A_16, %get3A_17, %get3A_18] : memref<2x10000x128xf32, #tpu.memory_space<vmem>>, vector<1x10000x128xf32>
    %get3A_20 = vector.shape_cast %get3A_19 : vector<1x10000x128xf32> to vector<10000x128xf32>
    %add3A_21 = arith.addf %get3A_15, %get3A_20 : vector<10000x128xf32>
    %mul3A = vector.broadcast %rsqrt3A : vector<10000x1xf32> to vector<10000x128xf32>
    %mul3A_22 = arith.mulf %add3A_21, %mul3A : vector<10000x128xf32>
    %add3A_23 = vector.broadcast %get3A_10 : vector<1x128xf32> to vector<10000x128xf32>
    %add3A_24 = arith.addf %mul3A_22, %add3A_23 : vector<10000x128xf32>
    %get3A_25 = arith.constant 1 : index
    %get3A_26 = arith.constant 0 : index
    %get3A_27 = arith.constant 0 : index
    %get3A_28 = vector.load %arg0[%get3A_25, %get3A_26, %get3A_27] : memref<2x10000x128xf32, #tpu.memory_space<vmem>>, vector<1x10000x128xf32>
    %get3A_29 = vector.shape_cast %get3A_28 : vector<1x10000x128xf32> to vector<10000x128xf32>
    %get3A_30 = arith.constant 1 : index
    %get3A_31 = arith.constant 0 : index
    %get3A_32 = arith.constant 0 : index
    %get3A_33 = vector.load %arg1[%get3A_30, %get3A_31, %get3A_32] : memref<2x10000x128xf32, #tpu.memory_space<vmem>>, vector<1x10000x128xf32>
    %get3A_34 = vector.shape_cast %get3A_33 : vector<1x10000x128xf32> to vector<10000x128xf32>
    %add3A_35 = arith.addf %get3A_29, %get3A_34 : vector<10000x128xf32>
    %mul3A_36 = vector.broadcast %rsqrt3A : vector<10000x1xf32> to vector<10000x128xf32>
    %mul3A_37 = arith.mulf %add3A_35, %mul3A_36 : vector<10000x128xf32>
    %add3A_38 = vector.broadcast %get3A_10 : vector<1x128xf32> to vector<10000x128xf32>
    %add3A_39 = arith.addf %mul3A_37, %add3A_38 : vector<10000x128xf32>
    %reduce_sum3A = arith.constant dense<0.000000e+00> : vector<128xf32>
    %reduce_sum3A_40 = vector.multi_reduction <add>, %add3A_24, %reduce_sum3A [0] : vector<10000x128xf32> to vector<128xf32>
    %broadcast_in_dim3A = vector.shape_cast %reduce_sum3A_40 : vector<128xf32> to vector<1x128xf32>
    %div3A = arith.constant 1.000000e+04 : f32
    %div3A_41 = vector.broadcast %div3A : f32 to vector<1x128xf32>
    %div3A_42 = arith.divf %broadcast_in_dim3A, %div3A_41 : vector<1x128xf32>
    %logistic3A = arith.negf %div3A_42 : vector<1x128xf32>
    %logistic3A_43 = math.exp %logistic3A : vector<1x128xf32>
    %logistic3A_44 = arith.constant 1.000000e+00 : f32
    %logistic3A_45 = vector.broadcast %logistic3A_44 : f32 to vector<1x128xf32>
    %logistic3A_46 = arith.addf %logistic3A_45, %logistic3A_43 : vector<1x128xf32>
    %logistic3A_47 = arith.divf %logistic3A_45, %logistic3A_46 : vector<1x128xf32>
    %get3A_48 = arith.constant 0 : index
    %get3A_49 = arith.constant 0 : index
    %get3A_50 = vector.load %arg4[%get3A_48, %get3A_49] : memref<128x128xf32, #tpu.memory_space<vmem>>, vector<128x128xf32>
    %dot_general3A = arith.constant dense<0.000000e+00> : vector<1x128xf32>
    %dot_general3A_51 = tpu.matmul %logistic3A_47, %get3A_50, %dot_general3A {dimension_numbers = #tpu.dot_dimension_numbers<[1], [0], [0], [1], [0, 0, 1, 1], [], []>, transpose_lhs_hint = false} : vector<1x128xf32>, vector<128x128xf32>, vector<1x128xf32> -> vector<1x128xf32>
    %get3A_52 = arith.constant 0 : index
    %get3A_53 = arith.constant 0 : index
    %get3A_54 = vector.load %arg5[%get3A_52, %get3A_53] : memref<1x1xf32, #tpu.memory_space<vmem>>, vector<1x1xf32>
    %convert_element_type3A = arith.truncf %dot_general3A_51 : vector<1x128xf32> to vector<1x128xbf16>
    %convert_element_type3A_55 = arith.extf %convert_element_type3A : vector<1x128xbf16> to vector<1x128xf32>
    %convert_element_type3A_56 = arith.truncf %add3A_24 : vector<10000x128xf32> to vector<10000x128xbf16>
    %convert_element_type3A_57 = arith.extf %convert_element_type3A_56 : vector<10000x128xbf16> to vector<10000x128xf32>
    %convert_element_type3A_58 = arith.truncf %add3A_39 : vector<10000x128xf32> to vector<10000x128xbf16>
    %convert_element_type3A_59 = arith.extf %convert_element_type3A_58 : vector<10000x128xbf16> to vector<10000x128xf32>
    %mul3A_60 = vector.broadcast %convert_element_type3A_55 : vector<1x128xf32> to vector<10000x128xf32>
    %mul3A_61 = arith.mulf %convert_element_type3A_57, %mul3A_60 : vector<10000x128xf32>
    %reduce_sum3A_62 = arith.constant dense<0.000000e+00> : vector<10000xf32>
    %reduce_sum3A_63 = vector.multi_reduction <add>, %mul3A_61, %reduce_sum3A_62 [1] : vector<10000x128xf32> to vector<10000xf32>
    %broadcast_in_dim3A_64 = vector.shape_cast %reduce_sum3A_63 : vector<10000xf32> to vector<10000x1xf32>
    %add3A_65 = vector.broadcast %get3A_54 : vector<1x1xf32> to vector<10000x1xf32>
    %add3A_66 = arith.addf %broadcast_in_dim3A_64, %add3A_65 : vector<10000x1xf32>
    %swap3A = arith.constant 0 : index
    %swap3A_67 = arith.constant 0 : index
    %swap3A_68 = vector.load %arg6[%swap3A, %swap3A_67] : memref<10000x1xf32, #tpu.memory_space<vmem>>, vector<10000x1xf32>
    tpu.vector_store %arg6[%swap3A, %swap3A_67], %add3A_66 {strides = array<i32>} : memref<10000x1xf32, #tpu.memory_space<vmem>>, vector<10000x1xf32>,
    %mul3A_69 = vector.broadcast %convert_element_type3A_55 : vector<1x128xf32> to vector<10000x128xf32>
    %mul3A_70 = arith.mulf %convert_element_type3A_59, %mul3A_69 : vector<10000x128xf32>
    %reduce_sum3A_71 = arith.constant dense<0.000000e+00> : vector<10000xf32>
    %reduce_sum3A_72 = vector.multi_reduction <add>, %mul3A_70, %reduce_sum3A_71 [1] : vector<10000x128xf32> to vector<10000xf32>
    %broadcast_in_dim3A_73 = vector.shape_cast %reduce_sum3A_72 : vector<10000xf32> to vector<10000x1xf32>
    %add3A_74 = vector.broadcast %get3A_54 : vector<1x1xf32> to vector<10000x1xf32>
    %add3A_75 = arith.addf %broadcast_in_dim3A_73, %add3A_74 : vector<10000x1xf32>
    %swap3A_76 = arith.constant 0 : index
    %swap3A_77 = arith.constant 0 : index
    %swap3A_78 = vector.load %arg7[%swap3A_76, %swap3A_77] : memref<10000x1xf32, #tpu.memory_space<vmem>>, vector<10000x1xf32>
    tpu.vector_store %arg7[%swap3A_76, %swap3A_77], %add3A_75 {strides = array<i32>} : memref<10000x1xf32, #tpu.memory_space<vmem>>, vector<10000x1xf32>,
    return
  }
}

</mosaic_0001>

<sc_bundles>
// kernel: gather_offload_async_start
scs
__scs_entry_jumppad:
0x0: {  	(pc) =	sbr.rel $0x88, $3  }
0x1: {  	(tag) =	ssettag $0x0;
	lr =	simm.s32 $0x1  }
0x2: {  	[smem:$0x3F99] =	sst lr;
	_ =	strace $0xD0000000  }
0x3: {  	_ = 	snop  }
0x4: {  	_ = 	snop  }
0x5: {  	_ = 	snop  }
0x6: {  	_ = 	snop  }
0x7: {  	_ = 	snop  }
__scs_overlays_trampoline_lowered:
0x8: {  	[smem:$0x3FA8] =	sst s0  }
0x9: {  	[smem:$0x3FA9] =	sst s1  }
0xa: {  	[smem:$0x3FAA] =	sst s2  }
0xb: {  	[smem:$0x3FAB] =	sst s3  }
0xc: {  	[smem:$0x3FAC] =	sst s4  }
0xd: {  	[smem:$0x3FAD] =	sst s5  }
0xe: {  	[smem:$0x3FAE] =	sst s6  }
0xf: {  	[smem:$0x3FAF] =	sst s7  }
0x10: {  	[smem:$0x3FB0] =	sst s8  }
0x11: {  	[smem:$0x3FB1] =	sst s9;
	s0 =	simm.s32 @!p0 $0x0  }
0x12: {  	s1 =	sld [smem:$0x3F97];
	s0 =	simm.s32 @p0 $0x1  }
0x13: {  	[smem:$0x3FB2] =	sst s0;
	s0 =	simm.s32 @!p1 $0x0  }
0x14: {  	s2 =	sld [smem:$0x3F96];
	s0 =	simm.s32 @p1 $0x1  }
0x15: {  	[smem:$0x3FB3] =	sst s0;
	s0 =	simm.s32 @!p2 $0x0  }
0x16: {  	s3 =	sld [smem:$0x3FDB];
	s0 =	simm.s32 @p2 $0x1  }
0x17: {  	s4 =	simm.s32 $0x1BF5;
	[smem:$0x3FB5] =	sst s0  }
0x18: {  	s0 =	sld [smem:$0x3F98];
	_ =	swait.ge [sflag:s4], $0x0  }
0x19: {  	s7 =	sld [smem:$0x3F99]  }
0x1a: {  	s8 =	sadd.s32 $0xFFFFE003, lr  }
0x1b: {  	s9 =	sadd.s32 $0xFFFFFEF7, lr;
	s5 =	simm.s32 $0xFFFFFFFF;
	p2 =	slt.u32 s8, $0xFFFFF086  }
0x1c: {  	p1 =	slt.u32 s9, $0xF7A;
	s5 =	simm.s32 @!p2 $0x0  }
0x1d: {  	s5 =	simm.s32 @p1 $0x1;
	p0 =	seq.s32 s7, s2  }
0x1e: {  	s7 =	smul.u32 @!p0 $0xF7A, s2;
	p2 =	seq.s32 @!p0 s5, $0x0  }
0x1f: {  	s9 =	smul.u32 $0xF7A, s1;
	s8 =	simm.s32 @!p0 $0x1BF5;
	p2 =	por !p2, p0  }
0x20: {  	[sflag:s8] =	ssyncset.s32 @!p0 $0xFFFFF086;
	s6 =	sadd.s32 @!p0 s3, s7;
	s7 =	simm.s32 @!p0 $0x108  }
0x21: {  	s3 =	sadd.s32 s3, s9;
	s6 =	sadd.s32 @!p0 $0x88, s6;
	s7 =	simm.s32 @p2 $0x1082  }
0x22: {  	[simem:s7], [sflag:s8] =	dma.local @!p0 [hbm:s6], $0xF7A  }
0x23: {  	s9 =	sor.u32 $0xD0000000, s2;
	s6 =	simm.s32 $0x108;
	_ =	swait.ge @!p0 [sflag:s8], $0x0  }
0x24: {  	s3 =	sadd.s32 $0x88, s3;
	s6 =	simm.s32 @!p1 $0x1082;
	[sflag:s4] =	ssyncset.s32 $0xFFFFF086  }
0x25: {  	[simem:s6], [sflag:s4] =	dma.local [hbm:s3], $0xF7A  }
0x26: {  	[smem:$0x3F99] =	sst s1;
	(tag) =	ssettag s2;
	_ =	strace s9  }
0x27: {  	s1 =	sld [smem:$0x3FA9]  }
0x28: {  	s2 =	sld [smem:$0x3FAA]  }
0x29: {  	s4 =	sld [smem:$0x3FAC]  }
0x2a: {  	p0 =	seq.s32 s5, $0x0;
	s5 =	sld [smem:$0x3FAD]  }
0x2b: {  	s6 =	sld [smem:$0x3FAE]  }
0x2c: {  	s7 =	sld [smem:$0x3FAF]  }
0x2d: {  	s3 =	simm.s32 $0x108;
	s8 =	sld [smem:$0x3FB0]  }
0x2e: {  	s3 =	simm.s32 @!p0 $0x1082;
	s9 =	sld [smem:$0x3FB1]  }
0x2f: {  	lr =	sadd.s32 s0, s3;
	s0 =	sld [smem:$0x3FA8]  }
0x30: {  	s3 =	sld [smem:$0x3FAB]  }
0x31: {  	[smem:$0x3FB4] =	sst s10  }
0x32: {  	s10 =	sld [smem:$0x3FB2];
	_ =	sdelay $0x3  }
0x33: {  	p0 =	seq.s32 s10, $0x1;
	s10 =	sld [smem:$0x3FB4];
	_ =	sdelay $0x3  }
0x34: {  	[smem:$0x3FB4] =	sst s10  }
0x35: {  	s10 =	sld [smem:$0x3FB3];
	_ =	sdelay $0x3  }
0x36: {  	p1 =	seq.s32 s10, $0x1;
	s10 =	sld [smem:$0x3FB4];
	_ =	sdelay $0x3  }
0x37: {  	[smem:$0x3FB4] =	sst s10  }
0x38: {  	s10 =	sld [smem:$0x3FB5]  }
0x39: {  	_ = 	snop;
	(pc) =	sbr.ind lr, $3  }
0x3a: {  	_ = 	snop  }
0x3b: {  	_ = 	snop  }
0x3c: {  	p2 =	seq.s32 s10, $0x1;
	s10 =	sld [smem:$0x3FB4]  }
0x3d: {  	_ =	shalt  }
0x3e: {  	_ =	shalt  }
0x3f: {  	_ =	shalt  }
0x40: {  	_ =	shalt  }
0x41: {  	_ =	shalt  }
0x42: {  	_ =	shalt  }
0x43: {  	_ =	shalt  }
0x44: {  	_ =	shalt  }
0x45: {  	_ =	shalt  }
0x46: {  	_ =	shalt  }
0x47: {  	_ =	shalt  }
0x48: {  	_ =	shalt  }
0x49: {  	_ =	shalt  }
0x4a: {  	_ =	shalt  }
0x4b: {  	_ =	shalt  }
0x4c: {  	_ =	shalt  }
0x4d: {  	_ =	shalt  }
0x4e: {  	_ =	shalt  }
0x4f: {  	_ =	shalt  }
0x50: {  	_ =	shalt  }
0x51: {  	_ =	shalt  }
0x52: {  	_ =	shalt  }
0x53: {  	_ =	shalt  }
0x54: {  	_ =	shalt  }
0x55: {  	_ =	shalt  }
0x56: {  	_ =	shalt  }
0x57: {  	_ =	shalt  }
0x58: {  	_ =	shalt  }
0x59: {  	_ =	shalt  }
0x5a: {  	_ =	shalt  }
0x5b: {  	_ =	shalt  }
0x5c: {  	_ =	shalt  }
0x5d: {  	_ =	shalt  }
0x5e: {  	_ =	shalt  }
0x5f: {  	_ =	shalt  }
0x60: {  	_ =	shalt  }
0x61: {  	_ =	shalt  }
0x62: {  	_ =	shalt  }
0x63: {  	_ =	shalt  }
0x64: {  	_ =	shalt  }
0x65: {  	_ =	shalt  }
0x66: {  	_ =	shalt  }
0x67: {  	_ =	shalt  }
0x68: {  	_ =	shalt  }
0x69: {  	_ =	shalt  }
0x6a: {  	_ =	shalt  }
0x6b: {  	_ =	shalt  }
0x6c: {  	_ =	shalt  }
0x6d: {  	_ =	shalt  }
0x6e: {  	_ =	shalt  }
0x6f: {  	_ =	shalt  }
0x70: {  	_ =	shalt  }
0x71: {  	_ =	shalt  }
0x72: {  	_ =	shalt  }
0x73: {  	_ =	shalt  }
0x74: {  	_ =	shalt  }
0x75: {  	_ =	shalt  }
0x76: {  	_ =	shalt  }
0x77: {  	_ =	shalt  }
0x78: {  	_ =	shalt  }
0x79: {  	_ =	shalt  }
0x7a: {  	_ =	shalt  }
0x7b: {  	_ =	shalt  }
0x7c: {  	_ =	shalt  }
0x7d: {  	_ =	shalt  }
0x7e: {  	_ =	shalt  }
0x7f: {  	_ =	shalt  }
0x80: {  	_ =	shalt  }
0x81: {  	_ =	shalt  }
0x82: {  	_ =	shalt  }
0x83: {  	_ =	shalt  }
0x84: {  	_ =	shalt  }
0x85: {  	_ =	shalt  }
0x86: {  	_ =	shalt  }
0x87: {  	_ =	shalt  }
.Lfunc_end0:
.L_simem_size_0:
called_computation_lowered:
.L_overlay_start_0:
0x88: {  	s0 =	sld [smem:$0x3FD9]  }
0x89: {  	s1 =	sld [smem:$0x3FFE];
	_ =	sdelay $0x3  }
0x8a: {  	s0 =	sadd.s32 s1, s0  }
0x8b: {  	[smem:$0x3FC0] =	sst s0  }
0x8c: {  	_ = 	snop  }
0x8d: {  	s0 =	sld [smem:$0x3FC9];
	(tm) =	ssettm $0x1  }
0x8e: {  	s16 =	sld [smem:$0x3FFB];
	_ =	sdelay $0x3  }
0x8f: {  	_ =	strace s16  }
0x90: {  	s1 =	sld [smem:$0x3FFC];
	_ =	sdelay $0x3  }
0x91: {  	_ =	strace s1  }
0x92: {  	s1 =	sld [smem:$0x3FFD];
	_ =	sdelay $0x3  }
0x93: {  	_ =	strace s1  }
0x94: {  	_ =	strace $0x8FFFFFFF  }
0x95: {  	s17 =	sld [smem:$0x3FDB];
	_ =	sdelay $0x1  }
0x96: {  	s2 =	simm.s32 $_scs_section_size  }
0x97: {  	s3 =	simm.s32 $_size__tile_overlayer_lowered;
	s4 =	simm.s32 $_tile_overlayer_lowered  }
0x98: {  	s20 =	simm.s32 $0x1BFF;
	s19 =	sshll.u32 s4, $0x1;
	s1 =	sadd.s32 s2, s17  }
0x99: {  	s5 =	simm.s32 $0x0;
	s18 =	sshll.u32 s3, $0x1;
	s3 =	sadd.s32 s19, s1  }
0x9a: {  	[timem:s5], [sflag:s20] =	dma.local [hbm:s3], s18  }
0x9b: {  	_ =	swait.ge [sflag:s20], s18  }
0x9c: {  	s2 =	ssub.s32 $0x0, s18;
	[sflag:s20] =	ssyncset.done $0x0  }
0x9d: {  	[sflag:s20] =	ssyncadd.s32 s2;
	_ =	sdelay $0x1  }
0x9e: {  	s21 =	simm.s32 $0x1B8B  }
0x9f: {  	_ =	swait.ge [sflag:s21], $0x1  }
0xa0: {  	[sflag:s21] =	ssyncset.done $0x0  }
0xa1: {  	s23 =	simm.s32 $0x1B8E;
	s22 =	sld [smem:$0x3FFE];
	[sflag:s21] =	ssyncadd.s32 $0xFFFFFFFF  }
0xa2: {  	s24 =	simm.s32 $execute0_lowered;
	[smem:$0x3FD2] =	sst s23  }
0xa3: {  	s3 =	sshll.u32 s24, $0x1;
	_ =	strace $0x80000046;
	[dreg:$0x1] =	wrdreg $0xFFFFFFFF  }
0xa4: {  	s25 =	simm.s32 $_size_execute0_lowered;
	s1 =	sadd.s32 s1, s3;
	[dreg:$0x0] =	wrdreg $0x0  }
0xa5: {  	s3 =	sshll.u32 s25, $0x1;
	[dreg:$0x2] =	wrdreg s1  }
0xa6: {  	[dreg:$0x3] =	wrdreg s3  }
0xa7: {  	[dreg:$0x4] =	wrdreg $0xC0  }
0xa8: {  	_ =	task [dreg:s5], $0x5FFFF  }
0xa9: {  	[dreg:$0x1] =	wrdreg $0xFFFFFFFF  }
0xaa: {  	[dreg:$0x0] =	wrdreg $0x60  }
0xab: {  	[dreg:$0x2] =	wrdreg s0  }
0xac: {  	[dreg:$0x3] =	wrdreg s22  }
0xad: {  	[dreg:$0x4] =	wrdreg $0x9  }
0xae: {  	_ =	task.clear_ibuf [dreg:s5], $0x5FFFF;
	_ =	strace $0x90000046  }
0xaf: {  	s26 =	simm.s32 $0x9;
	_ =	strace $0x80000048  }
0xb0: {  	_ =	swait.ge [sflag:s26], $0x1  }
0xb1: {  	[sflag:s26] =	ssyncadd.s32 $0xFFFFFFFF  }
0xb2: {  	_ =	strace $0x90000048  }
0xb3: {  	_ =	sfence  }
0xb4: {  	s28 =	sld [smem:$0x0];
	_ =	sdelay $0x1  }
0xb5: {  	s29 =	srdreg.scid  }
0xb6: {  	s30 =	sshll.u32 s29, $0xD;
	s31 =	sshrl.u32 s29, $0x2  }
0xb7: {  	s2 =	sand.u32 $0x4000, s30;
	s1 =	sand.u32 $0x1, s29;
	s0 =	sadd.s32 s31, s28  }
0xb8: {  	s1 =	sor.u32 s2, s1;
	s0 =	sshll.u32 s0, $0x11  }
0xb9: {  	s0 =	sor.u32 s0, s1  }
0xba: {  	s0 =	sadd.s32 $0x8F2B, s0  }
0xbb: {  	[sflag:s0] =	ssyncadd.remote.s32 $0x1  }
0xbc: {  	_ =	sfence.sel $0xFFFF  }
0xbd: {  	[dreg:$0x0] =	wrdreg $0xFFFFFFFF;
	(pc) =	sbr.abs _section_cstart, $3  }
0xbe: {  	[dreg:$0x1] =	wrdreg $0xFFFFFFFF  }
0xbf: {  	_ =	task.clear_ibuf [dreg:s5], $0x2FFFF;
	_ =	strace $0x9FFFFFFF  }
0xc0: {  	(tm) =	ssettm $0x7FFFFFFF  }
0xc1: {  	_ =	shalt  }
tec
execute0_lowered:
.L_overlay_start_1:
0x0: {  	(tag) =	ssettag $0x1  }
0x1: {  	s0 =	stileid.u32  }
0x2: {  	s1 =	smin.u32 s0, $0x9  }
0x3: {  	s1 =	sadd.s32 s0, s1  }
0x4: {  	s2 =	simm.s32 $0x320;
	p0 =	slt.u32 s0, $0x9;
	s1 =	smul.u32 $0x190, s1  }
0x5: {  	s2 =	simm.s32 @!p0 $0x190  }
0x6: {  	s2 =	sadd.s32 s2, s1  }
0x7: {  	s3 =	smin.u32 s2, $0x2710  }
0x8: {  	s7 =	ssub.s32 s3, s1  }
0x9: {  	p0 =	sgt.s32 s7, $0x0  }
0xa: {  	s7 =	simm.s32 @!p0 $0x0  }
0xb: {  	s31 =	sand.u32 $0xFFF0, s7  }
0xc: {  	s2 =	sshrl.u32 s31, $0x4  }
0xd: {  	s4 =	rddreg [dreg:$0x0];
	s2 =	smul.u32 $0xA3E, s2  }
0xe: {  	s9 =	rddreg [dreg:$0x1];
	s6 =	simm.s32 $0x1  }
0xf: {  	s11 =	simm.s32 $0x3;
	s13 =	simm.s32 $0x0;
	s8 =	sshrl.u32 s2, $0x10  }
0x10: {  	s12 =	simm.s32 $0x0;
	s5 =	sadd.s32 $0xA00, s9;
	s10 =	smul.u32 $0x190, s8  }
.Ltmp0:
0x11: {  	s9 =	sadd.s32 $0x1000, s9;
	s2 =	rddreg [dreg:$0x2];
	(pc) =	sbr.rel .LBB2_1-.Ltmp0, $4  }
0x12: {  	_ =	strace $0x80000047;
	p0 =	sne.s32 s7, s10;
	s10 =	simm.s32 $0x1  }
0x13: {  	[sflag:s6] =	ssyncpa.u1 $0x0;
	s7 =	simm.s32 $0x2;
	s10 =	simm.s32 @!p0 $0x0  }
0x14: {  	[sflag:s7] =	ssyncpa.u1 $0x0;
	p0 =	por $0x0, $0x0;
	s8 =	sadd.s32 s8, s10  }
0x15: {  	vm0 =	vmmov $0xff;
	vm1 =	vcmask $0x3F20;
	[sflag:s11] =	ssyncpa.u1 $0x0;
	s11 =	smov.u32 s1;
	s10 =	sadd.s32 $0x1, s8  }
.LBB2_6:
0x16: {  	[hbm:s17] =	stream.linear.scatter [tilespmem:s14], [sflag:$0x3], $0x400, $0x38;
	[tilespmem:$0x19320] =	vst v63  }
.LBB2_7:
0x17: {  	s13 =	sadd.s32 $0x190, s11  }
0x18: {  	s15 =	smov.u32 s1;
	p2 =	slt.s32 s13, s3  }
0x19: {  	s15 =	smov.u32 @p2 s13;
	p2 =	sne.s32 s12, s10  }
.Ltmp1:
0x1a: {  	p1 =	slt.u32 s12, $0x2;
	(pc) =	sbr.rel @!p2 .LBB2_8-.Ltmp1, $4  }
0x1b: {  	s14 =	simm.s32 @!p1 $0x3  }
0x1c: {  	s16 =	sadd.s32 $0x1, s12;
	_ =	swait.ge @!p1 [sflag:s14], $0xC800  }
0x1d: {  	p0 =	por !p0, !p0;
	s13 =	smov.u32 s11;
	[sflag:s14] =	ssyncset.done @!p1 $0x0  }
0x1e: {  	s12 =	smov.u32 s16;
	s11 =	smov.u32 s15;
	[sflag:s14] =	ssyncadd.s32 @!p1 $0xFFFF3800  }
.LBB2_1:
0x1f: {  	p1 =	sge.u32 s12, s8  }
0x20: {  	s14 =	sxor.u32 @!p1 $0xFFFFFFFF, s12  }
0x21: {  	s14 =	sand.u32 @!p1 $0x1, s14  }
0x22: {  	s14 =	smul.u32 @!p1 $0x640, s14  }
0x23: {  	s31 =	sadd.s32 $0xFFFFFFFF, s12;
	s15 =	sshrl.u32 @!p1 s11, $0x3  }
0x24: {  	s16 =	sand.u32 @!p1 $0x7, s11;
	s15 =	sadd.s32 @!p1 s5, s15;
	s14 =	sshrl.u32 @!p1 s14, $0x2  }
0x25: {  	[tilespmem:s14], [sflag:$0x2] =	stream.linear.gather @!p1 [hbm4b:s15+s16], $0x190, $0x38;
	[tilespmem:$0x19320] =	vst v63  }
0x26: {  	p1 =	sge.u32 s31, s8  }
.Ltmp2:
0x27: {  	_ = 	snop;
	(pc) =	sbr.rel @p1 .LBB2_7-.Ltmp2, $1  }
0x28: {  	_ =	sdelay $0x3  }
0x29: {  	s14 =	simm.s32 $0x1  }
0x2a: {  	s14 =	simm.s32 @!p0 $0x0  }
0x2b: {  	s15 =	smul.u32 $0x640, s14  }
0x2c: {  	_ =	swait.ge [sflag:s7], $0x190  }
0x2d: {  	[sflag:s7] =	ssyncset.done $0x0;
	s16 =	sshrl.u32 s15, $0x2  }
0x2e: {  	[sflag:s7] =	ssyncadd.s32 $0xFFFFFE70;
	s15 =	sadd.s32 $0x0, s16  }
0x2f: {  	v0 =	vld.msk [tilespmem:s15+$0x0 ss:$0x1], $0xffff;
	_ =	sdelay $0x4  }
0x30: {  	vm2 =	vgt.s32 v0, $0x0  }
0x31: {  	v0 =	vnsel vm2, $0x0, v0  }
0x32: {  	v0 =	vmin.u32 v0, $0x270F  }
0x33: {  	v0 =	vshll.u32 v0, $0x4  }
0x34: {  	s14 =	smul.u32 $0x32000, s14;
	_ =	sdelay $0x1  }
0x35: {  	s14 =	sshrl.u32 s14, $0x2  }
0x36: {  	s14 =	sor.u32 $0x320, s14  }
0x37: {  	[tilespmem:s14], [sflag:$0x1] =	stream.indirect_vreg.gather [hbm:s4], $0x80, v0, vm0, $0x38;
	[tilespmem:$0x19320] =	vst v63  }
0x38: {  	s17 =	sadd.s32 $0x10, s16;
	s15 =	sadd.s32 $0x400, s14  }
0x39: {  	[tilespmem:s15], [sflag:$0x1] =	stream.indirect_vreg.gather [hbm:s4], $0x80, v0, vm1, $0x38;
	[tilespmem:$0x19320] =	vst v63  }
0x3a: {  	s18 =	simm.s32 $0x80;
	v0 =	vld.msk [tilespmem:s17+$0x0 ss:$0x1], $0xffff;
	s17 =	smov.u32 s14  }
.LBB2_3:
0x3b: {  	p1 =	sne.s32 s18, $0x600;
	_ =	sdelay $0x4  }
0x3c: {  	vm2 =	vgt.s32 v0, $0x0  }
0x3d: {  	v0 =	vnsel vm2, $0x0, v0  }
0x3e: {  	v0 =	vmin.u32 v0, $0x270F  }
0x3f: {  	v0 =	vshll.u32 v0, $0x4;
	_ =	sdelay $0x3  }
.Ltmp3:
0x40: {  	s19 =	sshra.s32 s18, $0x2;
	s17 =	sadd.s32 $0x800, s17;
	(pc) =	sbr.rel @p1 .LBB2_3-.Ltmp3, $4  }
0x41: {  	[tilespmem:s17], [sflag:$0x1] =	stream.indirect_vreg.gather [hbm:s4], $0x80, v0, vm0, $0x38;
	[tilespmem:$0x19320] =	vst v63  }
0x42: {  	s19 =	sadd.s32 s19, s16;
	s20 =	sadd.s32 $0x400, s17  }
0x43: {  	[tilespmem:s20], [sflag:$0x1] =	stream.indirect_vreg.gather [hbm:s4], $0x80, v0, vm1, $0x38;
	[tilespmem:$0x19320] =	vst v63  }
0x44: {  	s18 =	sadd.s32 $0x40, s18;
	v0 =	vld.msk [tilespmem:s19+$0x0 ss:$0x1], $0xffff  }
0x45: {  	_ =	sdelay $0x3  }
0x46: {  	vm2 =	vgt.s32 v0, $0x0  }
0x47: {  	v0 =	vnsel vm2, $0x0, v0  }
0x48: {  	v0 =	vmin.u32 v0, $0x270F  }
0x49: {  	v0 =	vshll.u32 v0, $0x4;
	_ =	sdelay $0x3  }
0x4a: {  	s16 =	sadd.s32 $0x800, s17  }
0x4b: {  	[tilespmem:s16], [sflag:$0x1] =	stream.indirect_vreg.gather [hbm:s4], $0x80, v0, vm0, $0x38;
	[tilespmem:$0x19320] =	vst v63  }
0x4c: {  	s16 =	sadd.s32 $0x400, s16  }
0x4d: {  	[tilespmem:s16], [sflag:$0x1] =	stream.indirect_vreg.gather [hbm:s4], $0x80, v0, vm1, $0x38;
	[tilespmem:$0x19320] =	vst v63  }
0x4e: {  	s13 =	sshll.u32 s13, $0x4;
	_ =	swait.ge [sflag:s6], $0xC800  }
0x4f: {  	s13 =	sadd.s32 s13, s9;
	[sflag:s6] =	ssyncset.done $0x0  }
0x50: {  	s17 =	sadd.s32 $0x0, s13;
	s16 =	simm.s32 $0x80;
	[sflag:s6] =	ssyncadd.s32 $0xFFFF3800  }
.LBB2_5:
0x51: {  	[hbm:s17] =	stream.linear.scatter [tilespmem:s14], [sflag:$0x3], $0x400, $0x38;
	[tilespmem:$0x19320] =	vst v63  }
0x52: {  	s17 =	smov.u32 s16;
	s14 =	smov.u32 s15;
	p1 =	sne.s32 s16, $0x1880  }
.Ltmp4:
0x53: {  	s16 =	sadd.s32 $0x80, s16;
	(pc) =	sbr.rel @p1 .LBB2_5-.Ltmp4, $2  }
0x54: {  	_ =	sdelay $0x2  }
0x55: {  	s15 =	sadd.s32 $0x400, s15;
	s17 =	sadd.s32 s17, s13  }
.Ltmp5:
0x56: {  	_ = 	snop;
	(pc) =	sbr.rel .LBB2_6-.Ltmp5, $1  }
0x57: {  	_ =	sdelay $0x3  }
.LBB2_8:
0x58: {  	_ =	sfence.sel $0x180000  }
0x59: {  	s1 =	simm.s32 $0x2;
	[bflag:$0x0] =	sbarrier.arrive $0xFFFF  }
0x5a: {  	s30 =	simm.s32 $0x3;
	[sflag:s1] =	ssyncpa.u1 $0x1  }
0x5b: {  	s31 =	simm.s32 $0x1;
	[sflag:s30] =	ssyncpa.u1 $0x1  }
0x5c: {  	[sflag:s31] =	ssyncpa.u1 $0x1  }
0x5d: {  	p0 =	sne.s32 s0, $0x0;
	_ =	strace $0x90000047  }
0x5e: {  	s0 =	sadd.s32 @!p0 $0x100000, s2;
	[bflag:$0x2] =	sbarrier.arrive $0xFFFF  }
0x5f: {  	[sflag:s0] =	ssyncadd.tile.s32 @!p0 $0x1;
	_ =	shalt  }
.Lfunc_end2:
_tile_overlayer_lowered:
.L_overlay_start_2:
0x60: {  	(tag) =	ssettag $0x2  }
0x61: {  	s0 =	rddreg [dreg:$0x0];
	s2 =	stileid.u32  }
0x62: {  	s1 =	rddreg [dreg:$0x1];
	p0 =	sne.s32 s2, $0x0  }
0x63: {  	s3 =	rddreg [dreg:$0x2];
	[bflag:$0x3] =	sbarrier.arrive $0xFFFF;
	s2 =	simm.s32 @!p0 $0x1C01  }
0x64: {  	[timem:s3], [sflag:s2] =	dma.local @!p0 [hbm:s0], s1  }
0x65: {  	s0 =	simm.s32 @!p0 $0x1  }
0x66: {  	_ =	swait.ge @!p0 [sflag:s0], s1  }
0x67: {  	s1 =	ssub.s32 @!p0 $0x0, s1;
	[sflag:s0] =	ssyncset.done @!p0 $0x0  }
0x68: {  	[sflag:s0] =	ssyncadd.s32 @!p0 s1  }
0x69: {  	[bflag:$0x3] =	sbarrier.arrive $0xFFFF  }
0x6a: {  	_ =	shalt  }

// kernel: kernel.11.cloned.1.call-start
scs
__scs_entry_jumppad:
0x0: {  	(pc) =	sbr.rel $0x88, $3  }
0x1: {  	(tag) =	ssettag $0x0;
	lr =	simm.s32 $0x1  }
0x2: {  	[smem:$0x3F99] =	sst lr;
	_ =	strace $0xD0000000  }
0x3: {  	_ = 	snop  }
0x4: {  	_ = 	snop  }
0x5: {  	_ = 	snop  }
0x6: {  	_ = 	snop  }
0x7: {  	_ = 	snop  }
__scs_overlays_trampoline_lowered:
0x8: {  	[smem:$0x3FA8] =	sst s0  }
0x9: {  	[smem:$0x3FA9] =	sst s1  }
0xa: {  	[smem:$0x3FAA] =	sst s2  }
0xb: {  	[smem:$0x3FAB] =	sst s3  }
0xc: {  	[smem:$0x3FAC] =	sst s4  }
0xd: {  	[smem:$0x3FAD] =	sst s5  }
0xe: {  	[smem:$0x3FAE] =	sst s6  }
0xf: {  	[smem:$0x3FAF] =	sst s7  }
0x10: {  	[smem:$0x3FB0] =	sst s8  }
0x11: {  	[smem:$0x3FB1] =	sst s9;
	s0 =	simm.s32 @!p0 $0x0  }
0x12: {  	s1 =	sld [smem:$0x3F97];
	s0 =	simm.s32 @p0 $0x1  }
0x13: {  	[smem:$0x3FB2] =	sst s0;
	s0 =	simm.s32 @!p1 $0x0  }
0x14: {  	s2 =	sld [smem:$0x3F96];
	s0 =	simm.s32 @p1 $0x1  }
0x15: {  	[smem:$0x3FB3] =	sst s0;
	s0 =	simm.s32 @!p2 $0x0  }
0x16: {  	s3 =	sld [smem:$0x3FDB];
	s0 =	simm.s32 @p2 $0x1  }
0x17: {  	s4 =	simm.s32 $0x1BF5;
	[smem:$0x3FB5] =	sst s0  }
0x18: {  	s0 =	sld [smem:$0x3F98];
	_ =	swait.ge [sflag:s4], $0x0  }
0x19: {  	s7 =	sld [smem:$0x3F99]  }
0x1a: {  	s8 =	sadd.s32 $0xFFFFE003, lr  }
0x1b: {  	s9 =	sadd.s32 $0xFFFFFEF7, lr;
	s5 =	simm.s32 $0xFFFFFFFF;
	p2 =	slt.u32 s8, $0xFFFFF086  }
0x1c: {  	p1 =	slt.u32 s9, $0xF7A;
	s5 =	simm.s32 @!p2 $0x0  }
0x1d: {  	s5 =	simm.s32 @p1 $0x1;
	p0 =	seq.s32 s7, s2  }
0x1e: {  	s7 =	smul.u32 @!p0 $0xF7A, s2;
	p2 =	seq.s32 @!p0 s5, $0x0  }
0x1f: {  	s9 =	smul.u32 $0xF7A, s1;
	s8 =	simm.s32 @!p0 $0x1BF5;
	p2 =	por !p2, p0  }
0x20: {  	[sflag:s8] =	ssyncset.s32 @!p0 $0xFFFFF086;
	s6 =	sadd.s32 @!p0 s3, s7;
	s7 =	simm.s32 @!p0 $0x108  }
0x21: {  	s3 =	sadd.s32 s3, s9;
	s6 =	sadd.s32 @!p0 $0x88, s6;
	s7 =	simm.s32 @p2 $0x1082  }
0x22: {  	[simem:s7], [sflag:s8] =	dma.local @!p0 [hbm:s6], $0xF7A  }
0x23: {  	s9 =	sor.u32 $0xD0000000, s2;
	s6 =	simm.s32 $0x108;
	_ =	swait.ge @!p0 [sflag:s8], $0x0  }
0x24: {  	s3 =	sadd.s32 $0x88, s3;
	s6 =	simm.s32 @!p1 $0x1082;
	[sflag:s4] =	ssyncset.s32 $0xFFFFF086  }
0x25: {  	[simem:s6], [sflag:s4] =	dma.local [hbm:s3], $0xF7A  }
0x26: {  	[smem:$0x3F99] =	sst s1;
	(tag) =	ssettag s2;
	_ =	strace s9  }
0x27: {  	s1 =	sld [smem:$0x3FA9]  }
0x28: {  	s2 =	sld [smem:$0x3FAA]  }
0x29: {  	s4 =	sld [smem:$0x3FAC]  }
0x2a: {  	p0 =	seq.s32 s5, $0x0;
	s5 =	sld [smem:$0x3FAD]  }
0x2b: {  	s6 =	sld [smem:$0x3FAE]  }
0x2c: {  	s7 =	sld [smem:$0x3FAF]  }
0x2d: {  	s3 =	simm.s32 $0x108;
	s8 =	sld [smem:$0x3FB0]  }
0x2e: {  	s3 =	simm.s32 @!p0 $0x1082;
	s9 =	sld [smem:$0x3FB1]  }
0x2f: {  	lr =	sadd.s32 s0, s3;
	s0 =	sld [smem:$0x3FA8]  }
0x30: {  	s3 =	sld [smem:$0x3FAB]  }
0x31: {  	[smem:$0x3FB4] =	sst s10  }
0x32: {  	s10 =	sld [smem:$0x3FB2];
	_ =	sdelay $0x3  }
0x33: {  	p0 =	seq.s32 s10, $0x1;
	s10 =	sld [smem:$0x3FB4];
	_ =	sdelay $0x3  }
0x34: {  	[smem:$0x3FB4] =	sst s10  }
0x35: {  	s10 =	sld [smem:$0x3FB3];
	_ =	sdelay $0x3  }
0x36: {  	p1 =	seq.s32 s10, $0x1;
	s10 =	sld [smem:$0x3FB4];
	_ =	sdelay $0x3  }
0x37: {  	[smem:$0x3FB4] =	sst s10  }
0x38: {  	s10 =	sld [smem:$0x3FB5]  }
0x39: {  	_ = 	snop;
	(pc) =	sbr.ind lr, $3  }
0x3a: {  	_ = 	snop  }
0x3b: {  	_ = 	snop  }
0x3c: {  	p2 =	seq.s32 s10, $0x1;
	s10 =	sld [smem:$0x3FB4]  }
0x3d: {  	_ =	shalt  }
0x3e: {  	_ =	shalt  }
0x3f: {  	_ =	shalt  }
0x40: {  	_ =	shalt  }
0x41: {  	_ =	shalt  }
0x42: {  	_ =	shalt  }
0x43: {  	_ =	shalt  }
0x44: {  	_ =	shalt  }
0x45: {  	_ =	shalt  }
0x46: {  	_ =	shalt  }
0x47: {  	_ =	shalt  }
0x48: {  	_ =	shalt  }
0x49: {  	_ =	shalt  }
0x4a: {  	_ =	shalt  }
0x4b: {  	_ =	shalt  }
0x4c: {  	_ =	shalt  }
0x4d: {  	_ =	shalt  }
0x4e: {  	_ =	shalt  }
0x4f: {  	_ =	shalt  }
0x50: {  	_ =	shalt  }
0x51: {  	_ =	shalt  }
0x52: {  	_ =	shalt  }
0x53: {  	_ =	shalt  }
0x54: {  	_ =	shalt  }
0x55: {  	_ =	shalt  }
0x56: {  	_ =	shalt  }
0x57: {  	_ =	shalt  }
0x58: {  	_ =	shalt  }
0x59: {  	_ =	shalt  }
0x5a: {  	_ =	shalt  }
0x5b: {  	_ =	shalt  }
0x5c: {  	_ =	shalt  }
0x5d: {  	_ =	shalt  }
0x5e: {  	_ =	shalt  }
0x5f: {  	_ =	shalt  }
0x60: {  	_ =	shalt  }
0x61: {  	_ =	shalt  }
0x62: {  	_ =	shalt  }
0x63: {  	_ =	shalt  }
0x64: {  	_ =	shalt  }
0x65: {  	_ =	shalt  }
0x66: {  	_ =	shalt  }
0x67: {  	_ =	shalt  }
0x68: {  	_ =	shalt  }
0x69: {  	_ =	shalt  }
0x6a: {  	_ =	shalt  }
0x6b: {  	_ =	shalt  }
0x6c: {  	_ =	shalt  }
0x6d: {  	_ =	shalt  }
0x6e: {  	_ =	shalt  }
0x6f: {  	_ =	shalt  }
0x70: {  	_ =	shalt  }
0x71: {  	_ =	shalt  }
0x72: {  	_ =	shalt  }
0x73: {  	_ =	shalt  }
0x74: {  	_ =	shalt  }
0x75: {  	_ =	shalt  }
0x76: {  	_ =	shalt  }
0x77: {  	_ =	shalt  }
0x78: {  	_ =	shalt  }
0x79: {  	_ =	shalt  }
0x7a: {  	_ =	shalt  }
0x7b: {  	_ =	shalt  }
0x7c: {  	_ =	shalt  }
0x7d: {  	_ =	shalt  }
0x7e: {  	_ =	shalt  }
0x7f: {  	_ =	shalt  }
0x80: {  	_ =	shalt  }
0x81: {  	_ =	shalt  }
0x82: {  	_ =	shalt  }
0x83: {  	_ =	shalt  }
0x84: {  	_ =	shalt  }
0x85: {  	_ =	shalt  }
0x86: {  	_ =	shalt  }
0x87: {  	_ =	shalt  }
.Lfunc_end0:
.L_simem_size_0:
called_computation.2_lowered:
.L_overlay_start_0:
0x88: {  	s2 =	sld [smem:$0x3FD9]  }
0x89: {  	s3 =	sld [smem:$0x3FFE];
	_ =	sdelay $0x1  }
0x8a: {  	s1 =	srdreg.scid  }
0x8b: {  	s0 =	sand.u32 $0x1, s1  }
0x8c: {  	s16 =	sshll.u32 s0, $0xA;
	s2 =	sadd.s32 s3, s2  }
0x8d: {  	s2 =	sadd.s32 s2, s16  }
0x8e: {  	[smem:$0x3FC0] =	sst s2  }
0x8f: {  	_ = 	snop  }
0x90: {  	(tm) =	ssettm $0x1  }
0x91: {  	s17 =	sld [smem:$0x3FFB];
	_ =	sdelay $0x3  }
0x92: {  	_ =	strace s17  }
0x93: {  	s2 =	sld [smem:$0x3FFC];
	_ =	sdelay $0x3  }
0x94: {  	_ =	strace s2  }
0x95: {  	s2 =	sld [smem:$0x3FFD];
	_ =	sdelay $0x3  }
0x96: {  	_ =	strace s2  }
0x97: {  	_ =	strace $0x8FFFFFFF  }
0x98: {  	s18 =	sld [smem:$0x3FDB];
	_ =	sdelay $0x1  }
0x99: {  	s19 =	simm.s32 $_scs_section_size  }
0x9a: {  	s4 =	simm.s32 $_size__tile_overlayer_lowered;
	s5 =	simm.s32 $_tile_overlayer_lowered  }
0x9b: {  	s22 =	simm.s32 $0x1BFF;
	s21 =	sshll.u32 s5, $0x1;
	s2 =	sadd.s32 s19, s18  }
0x9c: {  	s6 =	simm.s32 $0x0;
	s20 =	sshll.u32 s4, $0x1;
	s4 =	sadd.s32 s21, s2  }
0x9d: {  	[timem:s6], [sflag:s22] =	dma.local [hbm:s4], s20  }
0x9e: {  	_ =	swait.ge [sflag:s22], s20  }
0x9f: {  	s3 =	ssub.s32 $0x0, s20;
	[sflag:s22] =	ssyncset.done $0x0  }
0xa0: {  	[sflag:s22] =	ssyncadd.s32 s3;
	_ =	sdelay $0x1  }
0xa1: {  	s23 =	simm.s32 $0x1B8B  }
0xa2: {  	_ =	swait.ge [sflag:s23], $0x1  }
0xa3: {  	[sflag:s23] =	ssyncset.done $0x0  }
0xa4: {  	s25 =	simm.s32 $0x1B8E;
	s24 =	sld [smem:$0x3FFE];
	[sflag:s23] =	ssyncadd.s32 $0xFFFFFFFF  }
0xa5: {  	s26 =	simm.s32 $execute0_lowered;
	[smem:$0x3FD2] =	sst s25  }
0xa6: {  	s4 =	sshll.u32 s26, $0x1;
	_ =	strace $0x8000004C;
	[dreg:$0x1] =	wrdreg $0xFFFFFFFF  }
0xa7: {  	s28 =	simm.s32 $_size_execute0_lowered;
	s2 =	sadd.s32 s2, s4;
	[dreg:$0x0] =	wrdreg $0x0  }
0xa8: {  	s4 =	sshll.u32 s28, $0x1;
	[dreg:$0x2] =	wrdreg s2  }
0xa9: {  	[dreg:$0x3] =	wrdreg s4  }
0xaa: {  	[dreg:$0x4] =	wrdreg $0xC0  }
0xab: {  	_ =	task [dreg:s6], $0x5FFFF  }
0xac: {  	[dreg:$0x1] =	wrdreg $0xFFFFFFFF  }
0xad: {  	[dreg:$0x0] =	wrdreg $0x60  }
0xae: {  	[dreg:$0x2] =	wrdreg s24  }
0xaf: {  	[dreg:$0x3] =	wrdreg $0x90000  }
0xb0: {  	[dreg:$0x4] =	wrdreg $0x9  }
0xb1: {  	_ =	task.clear_ibuf [dreg:s6], $0x5FFFF;
	_ =	strace $0x9000004C  }
0xb2: {  	s29 =	simm.s32 $0x9;
	_ =	strace $0x8000004E  }
0xb3: {  	_ =	swait.ge [sflag:s29], $0x1  }
0xb4: {  	[sflag:s29] =	ssyncadd.s32 $0xFFFFFFFF  }
0xb5: {  	_ =	strace $0x9000004E  }
0xb6: {  	_ =	sfence  }
0xb7: {  	s30 =	sld [smem:$0x0];
	_ =	sdelay $0x2  }
0xb8: {  	s31 =	sshll.u32 s1, $0xD;
	s1 =	sshrl.u32 s1, $0x2  }
0xb9: {  	s3 =	sand.u32 $0x4000, s31;
	s1 =	sadd.s32 s1, s30  }
0xba: {  	s0 =	sor.u32 s3, s0;
	s1 =	sshll.u32 s1, $0x11  }
0xbb: {  	s0 =	sor.u32 s1, s0  }
0xbc: {  	s0 =	sadd.s32 $0x8F2B, s0  }
0xbd: {  	[sflag:s0] =	ssyncadd.remote.s32 $0x1  }
0xbe: {  	_ =	sfence.sel $0xFFFF  }
0xbf: {  	[dreg:$0x0] =	wrdreg $0xFFFFFFFF;
	(pc) =	sbr.abs _section_cstart, $3  }
0xc0: {  	[dreg:$0x1] =	wrdreg $0xFFFFFFFF  }
0xc1: {  	_ =	task.clear_ibuf [dreg:s6], $0x2FFFF;
	_ =	strace $0x9FFFFFFF  }
0xc2: {  	(tm) =	ssettm $0x7FFFFFFF  }
0xc3: {  	_ =	shalt  }
tec
execute0_lowered:
.L_overlay_start_1:
0x0: {  	(tag) =	ssettag $0x1  }
0x1: {  	s0 =	srdreg.scid  }
0x2: {  	s1 =	rddreg [dreg:$0x0];
	s13 =	stileid.u32  }
0x3: {  	s2 =	rddreg [dreg:$0x1];
	s3 =	simm.s32 $0x0;
	s5 =	smul.u32 $0x5000, s13  }
0x4: {  	s28 =	simm.s32 $0x800;
	s29 =	simm.s32 $0x7D;
	s6 =	smul.u32 $0xA00, s13  }
0x5: {  	s30 =	simm.s32 $0x5000;
	s31 =	simm.s32 $0x1;
	s8 =	smul.u32 $0x13800, s13  }
0x6: {  	s0 =	sand.u32 $0x1, s0;
	[smem:$0x7FF] =	sst s3;
	s10 =	smul.u32 $0x4E000, s13  }
0x7: {  	p0 =	seq.s32 s13, $0xF;
	s4 =	smul.u32 $0x50000, s0;
	_ =	strace $0x8000004D  }
0x8: {  	s7 =	smul.u32 $0x138800, s0;
	s0 =	ssub.s32 $0x2, s0;
	s6 =	sadd.s32 s6, s1  }
0x9: {  	s9 =	sshrl.u32 s0, $0x1;
	s11 =	sadd.s32 $0x3C00, s8;
	s10 =	sshrl.u32 s10, $0x2  }
0xa: {  	s15 =	sadd.s32 $0xB400, s8;
	s17 =	sadd.s32 $0xF000, s8;
	s4 =	sadd.s32 s4, s5  }
0xb: {  	s0 =	ssub.s32 s0, s9;
	s25 =	sadd.s32 s8, s7;
	s12 =	sadd.s32 s7, s11  }
0xc: {  	s10 =	sadd.s32 s10, s2;
	s11 =	sadd.s32 s11, s2;
	s16 =	sadd.s32 s7, s15  }
0xd: {  	s19 =	sadd.s32 s7, s17;
	s21 =	sadd.s32 s17, s2;
	s23 =	sadd.s32 $0x32C00, s6  }
0xe: {  	s6 =	simm.s32 $0x480;
	s5 =	sshrl.u32 s4, $0x3;
	[dreg:$0x12] =	wrdreg s10  }
0xf: {  	s4 =	sadd.s32 $0x9EE00, s1;
	s9 =	sshrl.u32 s25, $0x3;
	[dreg:$0x14] =	wrdreg s11  }
0x10: {  	s26 =	sshrl.u32 s12, $0x3;
	s12 =	sadd.s32 $0x7800, s8;
	[dreg:$0x1a] =	wrdreg s21  }
0x11: {  	s18 =	sshrl.u32 s16, $0x3;
	s10 =	sadd.s32 s15, s2;
	[dreg:$0x4] =	wrdreg s23  }
0x12: {  	s20 =	sshrl.u32 s19, $0x3;
	s25 =	simm.s32 $0x80;
	[dreg:$0x18] =	wrdreg s10  }
0x13: {  	s8 =	sadd.s32 $0x12C00, s8;
	s11 =	simm.s32 $0x180;
	[dreg:$0x5] =	wrdreg s25  }
0x14: {  	s15 =	simm.s32 $0x200;
	s0 =	smax.u32 s0, $0x1;
	[dreg:$0x8] =	wrdreg s11  }
0x15: {  	s16 =	simm.s32 $0x980;
	s19 =	simm.s32 $0xA00;
	[smem:$0x7F8] =	sst s0  }
0x16: {  	s21 =	simm.s32 $0x300;
	s23 =	simm.s32 $0xA80;
	[dreg:$0xa] =	wrdreg s15  }
0x17: {  	s5 =	sadd.s32 s5, s1;
	s1 =	sadd.s32 $0xED000, s1;
	[dreg:$0xb] =	wrdreg s16  }
0x18: {  	s14 =	sadd.s32 s12, s2;
	s22 =	sadd.s32 s8, s2;
	[dreg:$0xd] =	wrdreg s19  }
0x19: {  	s8 =	sadd.s32 s7, s8;
	s10 =	simm.s32 $0x880;
	[dreg:$0xe] =	wrdreg s21  }
0x1a: {  	[dreg:$0xf] =	wrdreg s23;
	s25 =	simm.s32 $0x380;
	s0 =	simm.s32 $0x400  }
0x1b: {  	s11 =	simm.s32 $0xD00;
	s15 =	simm.s32 $0xE00;
	[dreg:$0x16] =	wrdreg s14  }
0x1c: {  	s16 =	simm.s32 $0x700;
	s19 =	simm.s32 $0xF00;
	[dreg:$0x1c] =	wrdreg s22  }
0x1d: {  	s21 =	simm.s32 $0xF80;
	s23 =	simm.s32 $0x0;
	[dreg:$0x7] =	wrdreg s10  }
0x1e: {  	s9 =	sadd.s32 s1, s9;
	s5 =	sadd.s32 $0x3CC00, s5;
	[dreg:$0x10] =	wrdreg s25  }
0x1f: {  	s8 =	sshrl.u32 s8, $0x3;
	s14 =	smul.u32 $0x4E200, s13;
	[dreg:$0x13] =	wrdreg s9  }
0x20: {  	s25 =	simm.s32 $0x1000;
	s9 =	sadd.s32 s1, s26;
	[dreg:$0x3] =	wrdreg s5  }
0x21: {  	s10 =	simm.s32 $0x580;
	s24 =	sadd.s32 s1, s8;
	[dreg:$0x15] =	wrdreg s9  }
0x22: {  	s13 =	simm.s32 $0xD80;
	s26 =	sadd.s32 $0x137400, s2;
	[dreg:$0x1d] =	wrdreg s24  }
0x23: {  	s8 =	simm.s32 $0x100;
	s9 =	sadd.s32 s7, s12;
	[dreg:$0x1e] =	wrdreg s26  }
0x24: {  	[dreg:$0x6] =	wrdreg s8;
	s12 =	simm.s32 $0x900;
	s9 =	sshrl.u32 s9, $0x3  }
0x25: {  	s5 =	simm.s32 $0xB80;
	[dreg:$0x9] =	wrdreg s12;
	s9 =	sadd.s32 s1, s9  }
0x26: {  	s17 =	sshrl.u32 s14, $0x2;
	[dreg:$0x17] =	wrdreg s9;
	s9 =	sadd.s32 s1, s18  }
0x27: {  	s26 =	simm.s32 $0xB00;
	[dreg:$0x19] =	wrdreg s9;
	s9 =	sadd.s32 s1, s20  }
0x28: {  	s8 =	simm.s32 $0x500;
	[dreg:$0x1b] =	wrdreg s9;
	s9 =	sshrl.u32 s7, $0x3  }
0x29: {  	[dreg:$0x11] =	wrdreg s26;
	s18 =	simm.s32 $0x280;
	s1 =	sadd.s32 s1, s9  }
0x2a: {  	s14 =	simm.s32 $0x680;
	[dreg:$0xc] =	wrdreg s18;
	s1 =	sadd.s32 $0x26E80, s1  }
0x2b: {  	s26 =	simm.s32 $0x3;
	[dreg:$0x1f] =	wrdreg s1;
	s1 =	sadd.s32 s17, s2  }
0x2c: {  	s12 =	simm.s32 $0x600;
	s20 =	sadd.s32 $0x3E80, s1;
	[smem:$0x7FC] =	sst s1  }
0x2d: {  	s18 =	simm.s32 $0x780;
	s22 =	sadd.s32 $0x7D00, s1;
	[smem:$0x7F9] =	sst s20  }
0x2e: {  	s7 =	simm.s32 $0xC00;
	s24 =	sadd.s32 $0xBB80, s1;
	[smem:$0x7FA] =	sst s22  }
0x2f: {  	s9 =	simm.s32 $0xC80;
	s1 =	sadd.s32 $0xFA00, s1;
	[smem:$0x7FB] =	sst s24  }
0x30: {  	v0 =	vimm.f32 $0.0e+00;
	s17 =	simm.s32 $0xE80;
	[smem:$0x7FD] =	sst s1;
	s1 =	simm.s32 $0x2  }
.LBB2_1:
0x31: {  	[smem:$0x7F7] =	sst s23;
	s23 =	simm.s32 $0x0;
	s24 =	simm.s32 $0x200  }
.LBB2_2:
0x32: {  	p1 =	sne.s32 s24, $0xF800;
	[tilespmem:s23+$0x1070] =	vst v0  }
0x33: {  	[tilespmem:s23+$0x1000] =	vst v0  }
0x34: {  	[tilespmem:s23+$0x1010] =	vst v0  }
.Ltmp0:
0x35: {  	[tilespmem:s23+$0x1020] =	vst v0;
	(pc) =	sbr.rel @p1 .LBB2_2-.Ltmp0, $4  }
0x36: {  	[tilespmem:s23+$0x1030] =	vst v0  }
0x37: {  	[tilespmem:s23+$0x1040] =	vst v0  }
0x38: {  	[tilespmem:s23+$0x1050] =	vst v0  }
0x39: {  	[tilespmem:s23+$0x1060] =	vst v0;
	s23 =	sshra.s32 s24, $0x2;
	s24 =	sadd.s32 $0x200, s24  }
0x3a: {  	[tilespmem:s23+$0x1070] =	vst v0  }
0x3b: {  	[tilespmem:s23+$0x1000] =	vst v0  }
0x3c: {  	[tilespmem:s23+$0x1010] =	vst v0  }
0x3d: {  	[tilespmem:s23+$0x1020] =	vst v0  }
0x3e: {  	[tilespmem:s23+$0x1030] =	vst v0  }
0x3f: {  	[tilespmem:s23+$0x1040] =	vst v0;
	s20 =	sld [smem:$0x7FC]  }
0x40: {  	[tilespmem:s23+$0x1050] =	vst v0  }
0x41: {  	[tilespmem:s23+$0x1060] =	vst v0  }
0x42: {  	[spmem:s20] =	stream.linear.scatter [tilespmem:s25], [sflag:$0x3], $0x3E80, $0x38;
	[tilespmem:$0x1C880] =	vst v63  }
0x43: {  	_ =	swait.ge [sflag:s26], $0x3E80  }
0x44: {  	s24 =	sld [smem:$0x7F9]  }
0x45: {  	[sflag:s26] =	ssyncset.done $0x0  }
0x46: {  	[sflag:s26] =	ssyncadd.s32 $0xFFFFC180  }
0x47: {  	[spmem:s24] =	stream.linear.scatter [tilespmem:s25], [sflag:$0x3], $0x3E80, $0x38;
	[tilespmem:$0x1C880] =	vst v63  }
0x48: {  	_ =	swait.ge [sflag:s26], $0x3E80  }
0x49: {  	s22 =	sld [smem:$0x7FA]  }
0x4a: {  	[sflag:s26] =	ssyncset.done $0x0  }
0x4b: {  	[sflag:s26] =	ssyncadd.s32 $0xFFFFC180  }
0x4c: {  	[spmem:s22] =	stream.linear.scatter [tilespmem:s25], [sflag:$0x3], $0x3E80, $0x38;
	[tilespmem:$0x1C880] =	vst v63  }
0x4d: {  	_ =	swait.ge [sflag:s26], $0x3E80  }
0x4e: {  	s23 =	sld [smem:$0x7FB]  }
0x4f: {  	[sflag:s26] =	ssyncset.done $0x0  }
0x50: {  	[sflag:s26] =	ssyncadd.s32 $0xFFFFC180  }
0x51: {  	[spmem:s23] =	stream.linear.scatter [tilespmem:s25], [sflag:$0x3], $0x3E80, $0x38;
	[tilespmem:$0x1C880] =	vst v63  }
0x52: {  	_ =	swait.ge [sflag:s26], $0x3E80  }
0x53: {  	s24 =	sld [smem:$0x7FD]  }
0x54: {  	[sflag:s26] =	ssyncset.done $0x0  }
0x55: {  	[sflag:s26] =	ssyncadd.s32 $0xFFFFC180  }
0x56: {  	[spmem:s24] =	stream.linear.scatter [tilespmem:s25], [sflag:$0x3], $0x3E80, $0x38;
	[tilespmem:$0x1C880] =	vst v63  }
0x57: {  	_ =	swait.ge [sflag:s26], $0x3E80  }
0x58: {  	[sflag:s26] =	ssyncset.done $0x0  }
0x59: {  	[sflag:s26] =	ssyncadd.s32 $0xFFFFC180  }
0x5a: {  	[bflag:$0x0] =	sbarrier.arrive $0xFFFF  }
0x5b: {  	s22 =	rddreg [dreg:$0x3]  }
0x5c: {  	s20 =	sadd.s32 $0x0, s22  }
0x5d: {  	[tilespmem:s3], [sflag:$0x3] =	stream.linear.gather [hbm4b:s20+s3], $0x800, $0x38;
	[tilespmem:$0x1C880] =	vst v63  }
0x5e: {  	_ =	swait.ge [sflag:s26], $0x800  }
0x5f: {  	s23 =	rddreg [dreg:$0x4];
	[sflag:s26] =	ssyncset.done $0x0  }
0x60: {  	[sflag:s26] =	ssyncadd.s32 $0xFFFFF800;
	s20 =	sadd.s32 $0x0, s23  }
0x61: {  	[tilespmem:s28], [sflag:$0x3] =	stream.linear.gather [hbm4b:s20+s3], $0x800, $0x38;
	[tilespmem:$0x1C880] =	vst v63  }
0x62: {  	_ =	swait.ge [sflag:s26], $0x800  }
0x63: {  	[sflag:s26] =	ssyncset.done $0x0  }
0x64: {  	[sflag:s26] =	ssyncadd.s32 $0xFFFFF800  }
0x65: {  	[tilespmem:s25], [sflag:$0x1] =	stream.indirect.gather [hbm4b:s4+s29], $0x80, s3, s29, $0xb8;
	[tilespmem:$0x1C880] =	vst v63  }
0x66: {  	s24 =	rddreg [dreg:$0x5]  }
0x67: {  	[tilespmem:s30], [sflag:$0x2] =	stream.indirect.gather [hbm4b:s4+s29], $0x80, s24, s29, $0xb8;
	[tilespmem:$0x1C880] =	vst v63  }
0x68: {  	_ =	swait.ge [sflag:s31], $0x3E80  }
0x69: {  	[sflag:s31] =	ssyncset.done $0x0  }
0x6a: {  	[sflag:s31] =	ssyncadd.s32 $0xFFFFC180  }
0x6b: {  	[spmem:s2] =	stream.indirect.scatter.add.f32 [tilespmem:s25], [sflag:$0x3], $0x80, s28, s29, $0xb8;
	[tilespmem:$0x1C880] =	vst v63  }
0x6c: {  	_ =	swait.ge [sflag:s26], $0x3E80  }
0x6d: {  	[sflag:s26] =	ssyncset.done $0x0  }
0x6e: {  	s22 =	rddreg [dreg:$0x6];
	[sflag:s26] =	ssyncadd.s32 $0xFFFFC180  }
0x6f: {  	[tilespmem:s25], [sflag:$0x1] =	stream.indirect.gather [hbm4b:s4+s29], $0x80, s22, s29, $0xb8;
	[tilespmem:$0x1C880] =	vst v63  }
0x70: {  	_ =	swait.ge [sflag:s1], $0x3E80  }
0x71: {  	[sflag:s1] =	ssyncset.done $0x0  }
0x72: {  	s23 =	rddreg [dreg:$0x7];
	[sflag:s1] =	ssyncadd.s32 $0xFFFFC180  }
0x73: {  	[spmem:s2] =	stream.indirect.scatter.add.f32 [tilespmem:s30], [sflag:$0x3], $0x80, s23, s29, $0xb8;
	[tilespmem:$0x1C880] =	vst v63  }
0x74: {  	_ =	swait.ge [sflag:s26], $0x3E80  }
0x75: {  	[sflag:s26] =	ssyncset.done $0x0  }
0x76: {  	s24 =	rddreg [dreg:$0x8];
	[sflag:s26] =	ssyncadd.s32 $0xFFFFC180  }
0x77: {  	[tilespmem:s30], [sflag:$0x2] =	stream.indirect.gather [hbm4b:s4+s29], $0x80, s24, s29, $0xb8;
	[tilespmem:$0x1C880] =	vst v63  }
0x78: {  	_ =	swait.ge [sflag:s31], $0x3E80  }
0x79: {  	[sflag:s31] =	ssyncset.done $0x0  }
0x7a: {  	s22 =	rddreg [dreg:$0x9];
	[sflag:s31] =	ssyncadd.s32 $0xFFFFC180  }
0x7b: {  	[spmem:s2] =	stream.indirect.scatter.add.f32 [tilespmem:s25], [sflag:$0x3], $0x80, s22, s29, $0xb8;
	[tilespmem:$0x1C880] =	vst v63  }
0x7c: {  	_ =	swait.ge [sflag:s26], $0x3E80  }
0x7d: {  	[sflag:s26] =	ssyncset.done $0x0  }
0x7e: {  	s23 =	rddreg [dreg:$0xa];
	[sflag:s26] =	ssyncadd.s32 $0xFFFFC180  }
0x7f: {  	[tilespmem:s25], [sflag:$0x1] =	stream.indirect.gather [hbm4b:s4+s29], $0x80, s23, s29, $0xb8;
	[tilespmem:$0x1C880] =	vst v63  }
0x80: {  	_ =	swait.ge [sflag:s1], $0x3E80  }
0x81: {  	[sflag:s1] =	ssyncset.done $0x0  }
0x82: {  	s24 =	rddreg [dreg:$0xb];
	[sflag:s1] =	ssyncadd.s32 $0xFFFFC180  }
0x83: {  	[spmem:s2] =	stream.indirect.scatter.add.f32 [tilespmem:s30], [sflag:$0x3], $0x80, s24, s29, $0xb8;
	[tilespmem:$0x1C880] =	vst v63  }
0x84: {  	_ =	swait.ge [sflag:s26], $0x3E80  }
0x85: {  	[sflag:s26] =	ssyncset.done $0x0  }
0x86: {  	s22 =	rddreg [dreg:$0xc];
	[sflag:s26] =	ssyncadd.s32 $0xFFFFC180  }
0x87: {  	[tilespmem:s30], [sflag:$0x2] =	stream.indirect.gather [hbm4b:s4+s29], $0x80, s22, s29, $0xb8;
	[tilespmem:$0x1C880] =	vst v63  }
0x88: {  	_ =	swait.ge [sflag:s31], $0x3E80  }
0x89: {  	[sflag:s31] =	ssyncset.done $0x0  }
0x8a: {  	s23 =	rddreg [dreg:$0xd];
	[sflag:s31] =	ssyncadd.s32 $0xFFFFC180  }
0x8b: {  	[spmem:s2] =	stream.indirect.scatter.add.f32 [tilespmem:s25], [sflag:$0x3], $0x80, s23, s29, $0xb8;
	[tilespmem:$0x1C880] =	vst v63  }
0x8c: {  	_ =	swait.ge [sflag:s26], $0x3E80  }
0x8d: {  	[sflag:s26] =	ssyncset.done $0x0  }
0x8e: {  	s24 =	rddreg [dreg:$0xe];
	[sflag:s26] =	ssyncadd.s32 $0xFFFFC180  }
0x8f: {  	[tilespmem:s25], [sflag:$0x1] =	stream.indirect.gather [hbm4b:s4+s29], $0x80, s24, s29, $0xb8;
	[tilespmem:$0x1C880] =	vst v63  }
0x90: {  	_ =	swait.ge [sflag:s1], $0x3E80  }
0x91: {  	[sflag:s1] =	ssyncset.done $0x0  }
0x92: {  	s22 =	rddreg [dreg:$0xf];
	[sflag:s1] =	ssyncadd.s32 $0xFFFFC180  }
0x93: {  	[spmem:s2] =	stream.indirect.scatter.add.f32 [tilespmem:s30], [sflag:$0x3], $0x80, s22, s29, $0xb8;
	[tilespmem:$0x1C880] =	vst v63  }
0x94: {  	_ =	swait.ge [sflag:s26], $0x3E80  }
0x95: {  	[sflag:s26] =	ssyncset.done $0x0  }
0x96: {  	s23 =	rddreg [dreg:$0x10];
	[sflag:s26] =	ssyncadd.s32 $0xFFFFC180  }
0x97: {  	[tilespmem:s30], [sflag:$0x2] =	stream.indirect.gather [hbm4b:s4+s29], $0x80, s23, s29, $0xb8;
	[tilespmem:$0x1C880] =	vst v63  }
0x98: {  	_ =	swait.ge [sflag:s31], $0x3E80  }
0x99: {  	[sflag:s31] =	ssyncset.done $0x0  }
0x9a: {  	s24 =	rddreg [dreg:$0x11];
	[sflag:s31] =	ssyncadd.s32 $0xFFFFC180  }
0x9b: {  	[spmem:s2] =	stream.indirect.scatter.add.f32 [tilespmem:s25], [sflag:$0x3], $0x80, s24, s29, $0xb8;
	[tilespmem:$0x1C880] =	vst v63  }
0x9c: {  	_ =	swait.ge [sflag:s26], $0x3E80  }
0x9d: {  	[sflag:s26] =	ssyncset.done $0x0  }
0x9e: {  	[sflag:s26] =	ssyncadd.s32 $0xFFFFC180  }
0x9f: {  	[tilespmem:s25], [sflag:$0x1] =	stream.indirect.gather [hbm4b:s4+s29], $0x80, s0, s29, $0xb8;
	[tilespmem:$0x1C880] =	vst v63  }
0xa0: {  	_ =	swait.ge [sflag:s1], $0x3E80  }
0xa1: {  	[sflag:s1] =	ssyncset.done $0x0  }
0xa2: {  	[sflag:s1] =	ssyncadd.s32 $0xFFFFC180  }
0xa3: {  	[spmem:s2] =	stream.indirect.scatter.add.f32 [tilespmem:s30], [sflag:$0x3], $0x80, s5, s29, $0xb8;
	[tilespmem:$0x1C880] =	vst v63  }
0xa4: {  	_ =	swait.ge [sflag:s26], $0x3E80  }
0xa5: {  	[sflag:s26] =	ssyncset.done $0x0  }
0xa6: {  	[sflag:s26] =	ssyncadd.s32 $0xFFFFC180  }
0xa7: {  	[tilespmem:s30], [sflag:$0x2] =	stream.indirect.gather [hbm4b:s4+s29], $0x80, s6, s29, $0xb8;
	[tilespmem:$0x1C880] =	vst v63  }
0xa8: {  	_ =	swait.ge [sflag:s31], $0x3E80  }
0xa9: {  	[sflag:s31] =	ssyncset.done $0x0  }
0xaa: {  	[sflag:s31] =	ssyncadd.s32 $0xFFFFC180  }
0xab: {  	[spmem:s2] =	stream.indirect.scatter.add.f32 [tilespmem:s25], [sflag:$0x3], $0x80, s7, s29, $0xb8;
	[tilespmem:$0x1C880] =	vst v63  }
0xac: {  	_ =	swait.ge [sflag:s26], $0x3E80  }
0xad: {  	[sflag:s26] =	ssyncset.done $0x0  }
0xae: {  	[sflag:s26] =	ssyncadd.s32 $0xFFFFC180  }
0xaf: {  	[tilespmem:s25], [sflag:$0x1] =	stream.indirect.gather [hbm4b:s4+s29], $0x80, s8, s29, $0xb8;
	[tilespmem:$0x1C880] =	vst v63  }
0xb0: {  	_ =	swait.ge [sflag:s1], $0x3E80  }
0xb1: {  	[sflag:s1] =	ssyncset.done $0x0  }
0xb2: {  	[sflag:s1] =	ssyncadd.s32 $0xFFFFC180  }
0xb3: {  	[spmem:s2] =	stream.indirect.scatter.add.f32 [tilespmem:s30], [sflag:$0x3], $0x80, s9, s29, $0xb8;
	[tilespmem:$0x1C880] =	vst v63  }
0xb4: {  	_ =	swait.ge [sflag:s26], $0x3E80  }
0xb5: {  	[sflag:s26] =	ssyncset.done $0x0  }
0xb6: {  	[sflag:s26] =	ssyncadd.s32 $0xFFFFC180  }
0xb7: {  	[tilespmem:s30], [sflag:$0x2] =	stream.indirect.gather [hbm4b:s4+s29], $0x80, s10, s29, $0xb8;
	[tilespmem:$0x1C880] =	vst v63  }
0xb8: {  	_ =	swait.ge [sflag:s31], $0x3E80  }
0xb9: {  	[sflag:s31] =	ssyncset.done $0x0  }
0xba: {  	[sflag:s31] =	ssyncadd.s32 $0xFFFFC180  }
0xbb: {  	[spmem:s2] =	stream.indirect.scatter.add.f32 [tilespmem:s25], [sflag:$0x3], $0x80, s11, s29, $0xb8;
	[tilespmem:$0x1C880] =	vst v63  }
0xbc: {  	_ =	swait.ge [sflag:s26], $0x3E80  }
0xbd: {  	[sflag:s26] =	ssyncset.done $0x0  }
0xbe: {  	[sflag:s26] =	ssyncadd.s32 $0xFFFFC180  }
0xbf: {  	[tilespmem:s25], [sflag:$0x1] =	stream.indirect.gather [hbm4b:s4+s29], $0x80, s12, s29, $0xb8;
	[tilespmem:$0x1C880] =	vst v63  }
0xc0: {  	_ =	swait.ge [sflag:s1], $0x3E80  }
0xc1: {  	[sflag:s1] =	ssyncset.done $0x0  }
0xc2: {  	[sflag:s1] =	ssyncadd.s32 $0xFFFFC180  }
0xc3: {  	[spmem:s2] =	stream.indirect.scatter.add.f32 [tilespmem:s30], [sflag:$0x3], $0x80, s13, s29, $0xb8;
	[tilespmem:$0x1C880] =	vst v63  }
0xc4: {  	_ =	swait.ge [sflag:s26], $0x3E80  }
0xc5: {  	[sflag:s26] =	ssyncset.done $0x0  }
0xc6: {  	[sflag:s26] =	ssyncadd.s32 $0xFFFFC180  }
0xc7: {  	[tilespmem:s30], [sflag:$0x2] =	stream.indirect.gather [hbm4b:s4+s29], $0x80, s14, s29, $0xb8;
	[tilespmem:$0x1C880] =	vst v63  }
0xc8: {  	_ =	swait.ge [sflag:s31], $0x3E80  }
0xc9: {  	[sflag:s31] =	ssyncset.done $0x0  }
0xca: {  	[sflag:s31] =	ssyncadd.s32 $0xFFFFC180  }
0xcb: {  	[spmem:s2] =	stream.indirect.scatter.add.f32 [tilespmem:s25], [sflag:$0x3], $0x80, s15, s29, $0xb8;
	[tilespmem:$0x1C880] =	vst v63  }
0xcc: {  	_ =	swait.ge [sflag:s26], $0x3E80  }
0xcd: {  	[sflag:s26] =	ssyncset.done $0x0  }
0xce: {  	[sflag:s26] =	ssyncadd.s32 $0xFFFFC180  }
0xcf: {  	[tilespmem:s25], [sflag:$0x1] =	stream.indirect.gather [hbm4b:s4+s29], $0x80, s16, s29, $0xb8;
	[tilespmem:$0x1C880] =	vst v63  }
0xd0: {  	_ =	swait.ge [sflag:s1], $0x3E80  }
0xd1: {  	[sflag:s1] =	ssyncset.done $0x0  }
0xd2: {  	[sflag:s1] =	ssyncadd.s32 $0xFFFFC180  }
0xd3: {  	[spmem:s2] =	stream.indirect.scatter.add.f32 [tilespmem:s30], [sflag:$0x3], $0x80, s17, s29, $0xb8;
	[tilespmem:$0x1C880] =	vst v63  }
0xd4: {  	_ =	swait.ge [sflag:s26], $0x3E80  }
0xd5: {  	[sflag:s26] =	ssyncset.done $0x0  }
0xd6: {  	[sflag:s26] =	ssyncadd.s32 $0xFFFFC180  }
0xd7: {  	[tilespmem:s30], [sflag:$0x2] =	stream.indirect.gather [hbm4b:s4+s29], $0x80, s18, s29, $0xb8;
	[tilespmem:$0x1C880] =	vst v63  }
0xd8: {  	_ =	swait.ge [sflag:s31], $0x3E80  }
0xd9: {  	[sflag:s31] =	ssyncset.done $0x0  }
0xda: {  	[sflag:s31] =	ssyncadd.s32 $0xFFFFC180  }
0xdb: {  	[spmem:s2] =	stream.indirect.scatter.add.f32 [tilespmem:s25], [sflag:$0x3], $0x80, s19, s29, $0xb8;
	[tilespmem:$0x1C880] =	vst v63  }
0xdc: {  	_ =	swait.ge [sflag:s26], $0x3E80  }
0xdd: {  	[sflag:s26] =	ssyncset.done $0x0  }
0xde: {  	[sflag:s26] =	ssyncadd.s32 $0xFFFFC180  }
0xdf: {  	_ =	swait.ge [sflag:s1], $0x3E80  }
0xe0: {  	[sflag:s1] =	ssyncset.done $0x0  }
0xe1: {  	[sflag:s1] =	ssyncadd.s32 $0xFFFFC180  }
0xe2: {  	[spmem:s2] =	stream.indirect.scatter.add.f32 [tilespmem:s30], [sflag:$0x3], $0x80, s21, s29, $0xb8;
	[tilespmem:$0x1C880] =	vst v63  }
0xe3: {  	s23 =	simm.s32 $0x100;
	_ =	swait.ge [sflag:s26], $0x3E80  }
0xe4: {  	s24 =	simm.s32 $0x200;
	s20 =	rddreg [dreg:$0x3];
	[sflag:s26] =	ssyncset.done $0x0  }
.LBB2_4:
0xe5: {  	[sflag:s26] =	ssyncadd.s32 $0xFFFFC180;
	s20 =	sadd.s32 s23, s20  }
0xe6: {  	[tilespmem:s3], [sflag:$0x3] =	stream.linear.gather [hbm4b:s20+s3], $0x800, $0x38;
	[tilespmem:$0x1C880] =	vst v63  }
0xe7: {  	_ =	swait.ge [sflag:s26], $0x800  }
0xe8: {  	s20 =	rddreg [dreg:$0x4];
	[sflag:s26] =	ssyncset.done $0x0  }
0xe9: {  	[sflag:s26] =	ssyncadd.s32 $0xFFFFF800;
	s20 =	sadd.s32 s23, s20  }
0xea: {  	[tilespmem:s28], [sflag:$0x3] =	stream.linear.gather [hbm4b:s20+s3], $0x800, $0x38;
	[tilespmem:$0x1C880] =	vst v63  }
0xeb: {  	_ =	swait.ge [sflag:s26], $0x800  }
0xec: {  	[sflag:s26] =	ssyncset.done $0x0  }
0xed: {  	s22 =	smov.u32 s24;
	[sflag:s26] =	ssyncadd.s32 $0xFFFFF800  }
0xee: {  	[tilespmem:s25], [sflag:$0x1] =	stream.indirect.gather [hbm4b:s4+s29], $0x80, s3, s29, $0xb8;
	[tilespmem:$0x1C880] =	vst v63  }
0xef: {  	s23 =	smov.u32 s22;
	s22 =	rddreg [dreg:$0x5]  }
0xf0: {  	[tilespmem:s30], [sflag:$0x2] =	stream.indirect.gather [hbm4b:s4+s29], $0x80, s22, s29, $0xb8;
	[tilespmem:$0x1C880] =	vst v63  }
0xf1: {  	_ =	swait.ge [sflag:s31], $0x3E80  }
0xf2: {  	[sflag:s31] =	ssyncset.done $0x0  }
0xf3: {  	[sflag:s31] =	ssyncadd.s32 $0xFFFFC180  }
0xf4: {  	[spmem:s2] =	stream.indirect.scatter.add.f32 [tilespmem:s25], [sflag:$0x3], $0x80, s28, s29, $0xb8;
	[tilespmem:$0x1C880] =	vst v63  }
0xf5: {  	_ =	swait.ge [sflag:s26], $0x3E80  }
0xf6: {  	[sflag:s26] =	ssyncset.done $0x0  }
0xf7: {  	s22 =	rddreg [dreg:$0x6];
	[sflag:s26] =	ssyncadd.s32 $0xFFFFC180  }
0xf8: {  	[tilespmem:s25], [sflag:$0x1] =	stream.indirect.gather [hbm4b:s4+s29], $0x80, s22, s29, $0xb8;
	[tilespmem:$0x1C880] =	vst v63  }
0xf9: {  	_ =	swait.ge [sflag:s1], $0x3E80  }
0xfa: {  	[sflag:s1] =	ssyncset.done $0x0  }
0xfb: {  	s22 =	rddreg [dreg:$0x7];
	[sflag:s1] =	ssyncadd.s32 $0xFFFFC180  }
0xfc: {  	[spmem:s2] =	stream.indirect.scatter.add.f32 [tilespmem:s30], [sflag:$0x3], $0x80, s22, s29, $0xb8;
	[tilespmem:$0x1C880] =	vst v63  }
0xfd: {  	_ =	swait.ge [sflag:s26], $0x3E80  }
0xfe: {  	[sflag:s26] =	ssyncset.done $0x0  }
0xff: {  	s22 =	rddreg [dreg:$0x8];
	[sflag:s26] =	ssyncadd.s32 $0xFFFFC180  }
0x100: {  	[tilespmem:s30], [sflag:$0x2] =	stream.indirect.gather [hbm4b:s4+s29], $0x80, s22, s29, $0xb8;
	[tilespmem:$0x1C880] =	vst v63  }
0x101: {  	_ =	swait.ge [sflag:s31], $0x3E80  }
0x102: {  	[sflag:s31] =	ssyncset.done $0x0  }
0x103: {  	s22 =	rddreg [dreg:$0x9];
	[sflag:s31] =	ssyncadd.s32 $0xFFFFC180  }
0x104: {  	[spmem:s2] =	stream.indirect.scatter.add.f32 [tilespmem:s25], [sflag:$0x3], $0x80, s22, s29, $0xb8;
	[tilespmem:$0x1C880] =	vst v63  }
0x105: {  	_ =	swait.ge [sflag:s26], $0x3E80  }
0x106: {  	[sflag:s26] =	ssyncset.done $0x0  }
0x107: {  	s22 =	rddreg [dreg:$0xa];
	[sflag:s26] =	ssyncadd.s32 $0xFFFFC180  }
0x108: {  	[tilespmem:s25], [sflag:$0x1] =	stream.indirect.gather [hbm4b:s4+s29], $0x80, s22, s29, $0xb8;
	[tilespmem:$0x1C880] =	vst v63  }
0x109: {  	_ =	swait.ge [sflag:s1], $0x3E80  }
0x10a: {  	[sflag:s1] =	ssyncset.done $0x0  }
0x10b: {  	s22 =	rddreg [dreg:$0xb];
	[sflag:s1] =	ssyncadd.s32 $0xFFFFC180  }
0x10c: {  	[spmem:s2] =	stream.indirect.scatter.add.f32 [tilespmem:s30], [sflag:$0x3], $0x80, s22, s29, $0xb8;
	[tilespmem:$0x1C880] =	vst v63  }
0x10d: {  	_ =	swait.ge [sflag:s26], $0x3E80  }
0x10e: {  	[sflag:s26] =	ssyncset.done $0x0  }
0x10f: {  	s22 =	rddreg [dreg:$0xc];
	[sflag:s26] =	ssyncadd.s32 $0xFFFFC180  }
0x110: {  	[tilespmem:s30], [sflag:$0x2] =	stream.indirect.gather [hbm4b:s4+s29], $0x80, s22, s29, $0xb8;
	[tilespmem:$0x1C880] =	vst v63  }
0x111: {  	_ =	swait.ge [sflag:s31], $0x3E80  }
0x112: {  	[sflag:s31] =	ssyncset.done $0x0  }
0x113: {  	s22 =	rddreg [dreg:$0xd];
	[sflag:s31] =	ssyncadd.s32 $0xFFFFC180  }
0x114: {  	[spmem:s2] =	stream.indirect.scatter.add.f32 [tilespmem:s25], [sflag:$0x3], $0x80, s22, s29, $0xb8;
	[tilespmem:$0x1C880] =	vst v63  }
0x115: {  	_ =	swait.ge [sflag:s26], $0x3E80  }
0x116: {  	[sflag:s26] =	ssyncset.done $0x0  }
0x117: {  	s22 =	rddreg [dreg:$0xe];
	[sflag:s26] =	ssyncadd.s32 $0xFFFFC180  }
0x118: {  	[tilespmem:s25], [sflag:$0x1] =	stream.indirect.gather [hbm4b:s4+s29], $0x80, s22, s29, $0xb8;
	[tilespmem:$0x1C880] =	vst v63  }
0x119: {  	_ =	swait.ge [sflag:s1], $0x3E80  }
0x11a: {  	[sflag:s1] =	ssyncset.done $0x0  }
0x11b: {  	s22 =	rddreg [dreg:$0xf];
	[sflag:s1] =	ssyncadd.s32 $0xFFFFC180  }
0x11c: {  	[spmem:s2] =	stream.indirect.scatter.add.f32 [tilespmem:s30], [sflag:$0x3], $0x80, s22, s29, $0xb8;
	[tilespmem:$0x1C880] =	vst v63  }
0x11d: {  	_ =	swait.ge [sflag:s26], $0x3E80  }
0x11e: {  	[sflag:s26] =	ssyncset.done $0x0  }
0x11f: {  	s22 =	rddreg [dreg:$0x10];
	[sflag:s26] =	ssyncadd.s32 $0xFFFFC180  }
0x120: {  	[tilespmem:s30], [sflag:$0x2] =	stream.indirect.gather [hbm4b:s4+s29], $0x80, s22, s29, $0xb8;
	[tilespmem:$0x1C880] =	vst v63  }
0x121: {  	_ =	swait.ge [sflag:s31], $0x3E80  }
0x122: {  	[sflag:s31] =	ssyncset.done $0x0  }
0x123: {  	s22 =	rddreg [dreg:$0x11];
	[sflag:s31] =	ssyncadd.s32 $0xFFFFC180  }
0x124: {  	[spmem:s2] =	stream.indirect.scatter.add.f32 [tilespmem:s25], [sflag:$0x3], $0x80, s22, s29, $0xb8;
	[tilespmem:$0x1C880] =	vst v63  }
0x125: {  	_ =	swait.ge [sflag:s26], $0x3E80  }
0x126: {  	[sflag:s26] =	ssyncset.done $0x0  }
0x127: {  	[sflag:s26] =	ssyncadd.s32 $0xFFFFC180  }
0x128: {  	[tilespmem:s25], [sflag:$0x1] =	stream.indirect.gather [hbm4b:s4+s29], $0x80, s0, s29, $0xb8;
	[tilespmem:$0x1C880] =	vst v63  }
0x129: {  	_ =	swait.ge [sflag:s1], $0x3E80  }
0x12a: {  	[sflag:s1] =	ssyncset.done $0x0  }
0x12b: {  	[sflag:s1] =	ssyncadd.s32 $0xFFFFC180  }
0x12c: {  	[spmem:s2] =	stream.indirect.scatter.add.f32 [tilespmem:s30], [sflag:$0x3], $0x80, s5, s29, $0xb8;
	[tilespmem:$0x1C880] =	vst v63  }
0x12d: {  	_ =	swait.ge [sflag:s26], $0x3E80  }
0x12e: {  	[sflag:s26] =	ssyncset.done $0x0  }
0x12f: {  	[sflag:s26] =	ssyncadd.s32 $0xFFFFC180  }
0x130: {  	[tilespmem:s30], [sflag:$0x2] =	stream.indirect.gather [hbm4b:s4+s29], $0x80, s6, s29, $0xb8;
	[tilespmem:$0x1C880] =	vst v63  }
0x131: {  	_ =	swait.ge [sflag:s31], $0x3E80  }
0x132: {  	[sflag:s31] =	ssyncset.done $0x0  }
0x133: {  	[sflag:s31] =	ssyncadd.s32 $0xFFFFC180  }
0x134: {  	[spmem:s2] =	stream.indirect.scatter.add.f32 [tilespmem:s25], [sflag:$0x3], $0x80, s7, s29, $0xb8;
	[tilespmem:$0x1C880] =	vst v63  }
0x135: {  	_ =	swait.ge [sflag:s26], $0x3E80  }
0x136: {  	[sflag:s26] =	ssyncset.done $0x0  }
0x137: {  	[sflag:s26] =	ssyncadd.s32 $0xFFFFC180  }
0x138: {  	[tilespmem:s25], [sflag:$0x1] =	stream.indirect.gather [hbm4b:s4+s29], $0x80, s8, s29, $0xb8;
	[tilespmem:$0x1C880] =	vst v63  }
0x139: {  	_ =	swait.ge [sflag:s1], $0x3E80  }
0x13a: {  	[sflag:s1] =	ssyncset.done $0x0  }
0x13b: {  	[sflag:s1] =	ssyncadd.s32 $0xFFFFC180  }
0x13c: {  	[spmem:s2] =	stream.indirect.scatter.add.f32 [tilespmem:s30], [sflag:$0x3], $0x80, s9, s29, $0xb8;
	[tilespmem:$0x1C880] =	vst v63  }
0x13d: {  	_ =	swait.ge [sflag:s26], $0x3E80  }
0x13e: {  	[sflag:s26] =	ssyncset.done $0x0  }
0x13f: {  	[sflag:s26] =	ssyncadd.s32 $0xFFFFC180  }
0x140: {  	[tilespmem:s30], [sflag:$0x2] =	stream.indirect.gather [hbm4b:s4+s29], $0x80, s10, s29, $0xb8;
	[tilespmem:$0x1C880] =	vst v63  }
0x141: {  	_ =	swait.ge [sflag:s31], $0x3E80  }
0x142: {  	[sflag:s31] =	ssyncset.done $0x0  }
0x143: {  	[sflag:s31] =	ssyncadd.s32 $0xFFFFC180  }
0x144: {  	[spmem:s2] =	stream.indirect.scatter.add.f32 [tilespmem:s25], [sflag:$0x3], $0x80, s11, s29, $0xb8;
	[tilespmem:$0x1C880] =	vst v63  }
0x145: {  	_ =	swait.ge [sflag:s26], $0x3E80  }
0x146: {  	[sflag:s26] =	ssyncset.done $0x0  }
0x147: {  	[sflag:s26] =	ssyncadd.s32 $0xFFFFC180  }
0x148: {  	[tilespmem:s25], [sflag:$0x1] =	stream.indirect.gather [hbm4b:s4+s29], $0x80, s12, s29, $0xb8;
	[tilespmem:$0x1C880] =	vst v63  }
0x149: {  	_ =	swait.ge [sflag:s1], $0x3E80  }
0x14a: {  	[sflag:s1] =	ssyncset.done $0x0  }
0x14b: {  	[sflag:s1] =	ssyncadd.s32 $0xFFFFC180  }
0x14c: {  	[spmem:s2] =	stream.indirect.scatter.add.f32 [tilespmem:s30], [sflag:$0x3], $0x80, s13, s29, $0xb8;
	[tilespmem:$0x1C880] =	vst v63  }
0x14d: {  	_ =	swait.ge [sflag:s26], $0x3E80  }
0x14e: {  	[sflag:s26] =	ssyncset.done $0x0  }
0x14f: {  	[sflag:s26] =	ssyncadd.s32 $0xFFFFC180  }
0x150: {  	[tilespmem:s30], [sflag:$0x2] =	stream.indirect.gather [hbm4b:s4+s29], $0x80, s14, s29, $0xb8;
	[tilespmem:$0x1C880] =	vst v63  }
0x151: {  	_ =	swait.ge [sflag:s31], $0x3E80  }
0x152: {  	[sflag:s31] =	ssyncset.done $0x0  }
0x153: {  	[sflag:s31] =	ssyncadd.s32 $0xFFFFC180  }
0x154: {  	[spmem:s2] =	stream.indirect.scatter.add.f32 [tilespmem:s25], [sflag:$0x3], $0x80, s15, s29, $0xb8;
	[tilespmem:$0x1C880] =	vst v63  }
0x155: {  	_ =	swait.ge [sflag:s26], $0x3E80  }
0x156: {  	[sflag:s26] =	ssyncset.done $0x0  }
0x157: {  	[sflag:s26] =	ssyncadd.s32 $0xFFFFC180  }
0x158: {  	[tilespmem:s25], [sflag:$0x1] =	stream.indirect.gather [hbm4b:s4+s29], $0x80, s16, s29, $0xb8;
	[tilespmem:$0x1C880] =	vst v63  }
0x159: {  	_ =	swait.ge [sflag:s1], $0x3E80  }
0x15a: {  	[sflag:s1] =	ssyncset.done $0x0  }
0x15b: {  	[sflag:s1] =	ssyncadd.s32 $0xFFFFC180  }
0x15c: {  	[spmem:s2] =	stream.indirect.scatter.add.f32 [tilespmem:s30], [sflag:$0x3], $0x80, s17, s29, $0xb8;
	[tilespmem:$0x1C880] =	vst v63  }
0x15d: {  	_ =	swait.ge [sflag:s26], $0x3E80  }
0x15e: {  	[sflag:s26] =	ssyncset.done $0x0  }
0x15f: {  	[sflag:s26] =	ssyncadd.s32 $0xFFFFC180  }
0x160: {  	[tilespmem:s30], [sflag:$0x2] =	stream.indirect.gather [hbm4b:s4+s29], $0x80, s18, s29, $0xb8;
	[tilespmem:$0x1C880] =	vst v63  }
0x161: {  	_ =	swait.ge [sflag:s31], $0x3E80  }
0x162: {  	[sflag:s31] =	ssyncset.done $0x0  }
0x163: {  	[sflag:s31] =	ssyncadd.s32 $0xFFFFC180  }
0x164: {  	[spmem:s2] =	stream.indirect.scatter.add.f32 [tilespmem:s25], [sflag:$0x3], $0x80, s19, s29, $0xb8;
	[tilespmem:$0x1C880] =	vst v63  }
0x165: {  	_ =	swait.ge [sflag:s26], $0x3E80  }
0x166: {  	[sflag:s26] =	ssyncset.done $0x0  }
0x167: {  	[sflag:s26] =	ssyncadd.s32 $0xFFFFC180  }
0x168: {  	p1 =	sne.s32 s24, $0x900;
	_ =	swait.ge [sflag:s1], $0x3E80  }
.Ltmp1:
0x169: {  	[sflag:s1] =	ssyncset.done $0x0;
	(pc) =	sbr.rel @p1 .LBB2_4-.Ltmp1, $4  }
0x16a: {  	[sflag:s1] =	ssyncadd.s32 $0xFFFFC180  }
0x16b: {  	[spmem:s2] =	stream.indirect.scatter.add.f32 [tilespmem:s30], [sflag:$0x3], $0x80, s21, s29, $0xb8;
	[tilespmem:$0x1C880] =	vst v63  }
0x16c: {  	_ =	swait.ge [sflag:s26], $0x3E80  }
0x16d: {  	s24 =	sadd.s32 $0x100, s24;
	s20 =	rddreg [dreg:$0x3];
	[sflag:s26] =	ssyncset.done $0x0  }
0x16e: {  	[sflag:s26] =	ssyncadd.s32 $0xFFFFC180;
	s20 =	sadd.s32 s23, s20  }
0x16f: {  	[tilespmem:s3], [sflag:$0x3] =	stream.linear.gather [hbm4b:s20+s3], $0x800, $0x38;
	[tilespmem:$0x1C880] =	vst v63  }
0x170: {  	_ =	swait.ge [sflag:s26], $0x800  }
0x171: {  	s22 =	rddreg [dreg:$0x4];
	[sflag:s26] =	ssyncset.done $0x0  }
0x172: {  	[sflag:s26] =	ssyncadd.s32 $0xFFFFF800;
	s20 =	sadd.s32 s23, s22  }
0x173: {  	[tilespmem:s28], [sflag:$0x3] =	stream.linear.gather [hbm4b:s20+s3], $0x800, $0x38;
	[tilespmem:$0x1C880] =	vst v63  }
0x174: {  	_ =	swait.ge [sflag:s26], $0x800  }
0x175: {  	[sflag:s26] =	ssyncset.done $0x0  }
0x176: {  	[sflag:s26] =	ssyncadd.s32 $0xFFFFF800  }
0x177: {  	[tilespmem:s25], [sflag:$0x1] =	stream.indirect.gather [hbm4b:s4+s29], $0x80, s3, s29, $0xb8;
	[tilespmem:$0x1C880] =	vst v63  }
0x178: {  	s23 =	rddreg [dreg:$0x5]  }
0x179: {  	[tilespmem:s30], [sflag:$0x2] =	stream.indirect.gather [hbm4b:s4+s29], $0x80, s23, s29, $0xb8;
	[tilespmem:$0x1C880] =	vst v63  }
0x17a: {  	_ =	swait.ge [sflag:s31], $0x3E80  }
0x17b: {  	[sflag:s31] =	ssyncset.done $0x0  }
0x17c: {  	[sflag:s31] =	ssyncadd.s32 $0xFFFFC180  }
0x17d: {  	[spmem:s2] =	stream.indirect.scatter.add.f32 [tilespmem:s25], [sflag:$0x3], $0x80, s28, s29, $0xb8;
	[tilespmem:$0x1C880] =	vst v63  }
0x17e: {  	_ =	swait.ge [sflag:s26], $0x3E80  }
0x17f: {  	[sflag:s26] =	ssyncset.done $0x0  }
0x180: {  	s24 =	rddreg [dreg:$0x6];
	[sflag:s26] =	ssyncadd.s32 $0xFFFFC180  }
0x181: {  	[tilespmem:s25], [sflag:$0x1] =	stream.indirect.gather [hbm4b:s4+s29], $0x80, s24, s29, $0xb8;
	[tilespmem:$0x1C880] =	vst v63  }
0x182: {  	_ =	swait.ge [sflag:s1], $0x3E80  }
0x183: {  	[sflag:s1] =	ssyncset.done $0x0  }
0x184: {  	s22 =	rddreg [dreg:$0x7];
	[sflag:s1] =	ssyncadd.s32 $0xFFFFC180  }
0x185: {  	[spmem:s2] =	stream.indirect.scatter.add.f32 [tilespmem:s30], [sflag:$0x3], $0x80, s22, s29, $0xb8;
	[tilespmem:$0x1C880] =	vst v63  }
0x186: {  	_ =	swait.ge [sflag:s26], $0x3E80  }
0x187: {  	[sflag:s26] =	ssyncset.done $0x0  }
0x188: {  	s23 =	rddreg [dreg:$0x8];
	[sflag:s26] =	ssyncadd.s32 $0xFFFFC180  }
0x189: {  	[tilespmem:s30], [sflag:$0x2] =	stream.indirect.gather [hbm4b:s4+s29], $0x80, s23, s29, $0xb8;
	[tilespmem:$0x1C880] =	vst v63  }
0x18a: {  	_ =	swait.ge [sflag:s31], $0x3E80  }
0x18b: {  	[sflag:s31] =	ssyncset.done $0x0  }
0x18c: {  	s24 =	rddreg [dreg:$0x9];
	[sflag:s31] =	ssyncadd.s32 $0xFFFFC180  }
0x18d: {  	[spmem:s2] =	stream.indirect.scatter.add.f32 [tilespmem:s25], [sflag:$0x3], $0x80, s24, s29, $0xb8;
	[tilespmem:$0x1C880] =	vst v63  }
0x18e: {  	_ =	swait.ge [sflag:s26], $0x3E80  }
0x18f: {  	[sflag:s26] =	ssyncset.done $0x0  }
0x190: {  	s22 =	rddreg [dreg:$0xa];
	[sflag:s26] =	ssyncadd.s32 $0xFFFFC180  }
0x191: {  	[tilespmem:s25], [sflag:$0x1] =	stream.indirect.gather [hbm4b:s4+s29], $0x80, s22, s29, $0xb8;
	[tilespmem:$0x1C880] =	vst v63  }
0x192: {  	_ =	swait.ge [sflag:s1], $0x3E80  }
0x193: {  	[sflag:s1] =	ssyncset.done $0x0  }
0x194: {  	s23 =	rddreg [dreg:$0xb];
	[sflag:s1] =	ssyncadd.s32 $0xFFFFC180  }
0x195: {  	[spmem:s2] =	stream.indirect.scatter.add.f32 [tilespmem:s30], [sflag:$0x3], $0x80, s23, s29, $0xb8;
	[tilespmem:$0x1C880] =	vst v63  }
0x196: {  	_ =	swait.ge [sflag:s26], $0x3E80  }
0x197: {  	[sflag:s26] =	ssyncset.done $0x0  }
0x198: {  	s24 =	rddreg [dreg:$0xc];
	[sflag:s26] =	ssyncadd.s32 $0xFFFFC180  }
0x199: {  	[tilespmem:s30], [sflag:$0x2] =	stream.indirect.gather [hbm4b:s4+s29], $0x80, s24, s29, $0xb8;
	[tilespmem:$0x1C880] =	vst v63  }
0x19a: {  	_ =	swait.ge [sflag:s31], $0x3E80  }
0x19b: {  	[sflag:s31] =	ssyncset.done $0x0  }
0x19c: {  	s22 =	rddreg [dreg:$0xd];
	[sflag:s31] =	ssyncadd.s32 $0xFFFFC180  }
0x19d: {  	[spmem:s2] =	stream.indirect.scatter.add.f32 [tilespmem:s25], [sflag:$0x3], $0x80, s22, s29, $0xb8;
	[tilespmem:$0x1C880] =	vst v63  }
0x19e: {  	_ =	swait.ge [sflag:s26], $0x3E80  }
0x19f: {  	[sflag:s26] =	ssyncset.done $0x0  }
0x1a0: {  	s23 =	rddreg [dreg:$0xe];
	[sflag:s26] =	ssyncadd.s32 $0xFFFFC180  }
0x1a1: {  	[tilespmem:s25], [sflag:$0x1] =	stream.indirect.gather [hbm4b:s4+s29], $0x80, s23, s29, $0xb8;
	[tilespmem:$0x1C880] =	vst v63  }
0x1a2: {  	_ =	swait.ge [sflag:s1], $0x3E80  }
0x1a3: {  	[sflag:s1] =	ssyncset.done $0x0  }
0x1a4: {  	s24 =	rddreg [dreg:$0xf];
	[sflag:s1] =	ssyncadd.s32 $0xFFFFC180  }
0x1a5: {  	[spmem:s2] =	stream.indirect.scatter.add.f32 [tilespmem:s30], [sflag:$0x3], $0x80, s24, s29, $0xb8;
	[tilespmem:$0x1C880] =	vst v63  }
0x1a6: {  	_ =	swait.ge [sflag:s26], $0x3E80  }
0x1a7: {  	[sflag:s26] =	ssyncset.done $0x0  }
0x1a8: {  	s22 =	rddreg [dreg:$0x10];
	[sflag:s26] =	ssyncadd.s32 $0xFFFFC180  }
0x1a9: {  	[tilespmem:s30], [sflag:$0x2] =	stream.indirect.gather [hbm4b:s4+s29], $0x80, s22, s29, $0xb8;
	[tilespmem:$0x1C880] =	vst v63  }
0x1aa: {  	_ =	swait.ge [sflag:s31], $0x3E80  }
0x1ab: {  	[sflag:s31] =	ssyncset.done $0x0  }
0x1ac: {  	s23 =	rddreg [dreg:$0x11];
	[sflag:s31] =	ssyncadd.s32 $0xFFFFC180  }
0x1ad: {  	[spmem:s2] =	stream.indirect.scatter.add.f32 [tilespmem:s25], [sflag:$0x3], $0x80, s23, s29, $0xb8;
	[tilespmem:$0x1C880] =	vst v63  }
0x1ae: {  	_ =	swait.ge [sflag:s26], $0x3E80  }
0x1af: {  	[sflag:s26] =	ssyncset.done $0x0  }
0x1b0: {  	[sflag:s26] =	ssyncadd.s32 $0xFFFFC180  }
0x1b1: {  	[tilespmem:s25], [sflag:$0x1] =	stream.indirect.gather [hbm4b:s4+s29], $0x80, s0, s29, $0xb8;
	[tilespmem:$0x1C880] =	vst v63  }
0x1b2: {  	_ =	swait.ge [sflag:s1], $0x3E80  }
0x1b3: {  	[sflag:s1] =	ssyncset.done $0x0  }
0x1b4: {  	[sflag:s1] =	ssyncadd.s32 $0xFFFFC180  }
0x1b5: {  	[spmem:s2] =	stream.indirect.scatter.add.f32 [tilespmem:s30], [sflag:$0x3], $0x80, s5, s29, $0xb8;
	[tilespmem:$0x1C880] =	vst v63  }
0x1b6: {  	_ =	swait.ge [sflag:s26], $0x3E80  }
0x1b7: {  	[sflag:s26] =	ssyncset.done $0x0  }
0x1b8: {  	[sflag:s26] =	ssyncadd.s32 $0xFFFFC180  }
0x1b9: {  	[tilespmem:s30], [sflag:$0x2] =	stream.indirect.gather [hbm4b:s4+s29], $0x80, s6, s29, $0xb8;
	[tilespmem:$0x1C880] =	vst v63  }
0x1ba: {  	_ =	swait.ge [sflag:s31], $0x3E80  }
0x1bb: {  	[sflag:s31] =	ssyncset.done $0x0  }
0x1bc: {  	[sflag:s31] =	ssyncadd.s32 $0xFFFFC180  }
0x1bd: {  	[spmem:s2] =	stream.indirect.scatter.add.f32 [tilespmem:s25], [sflag:$0x3], $0x80, s7, s29, $0xb8;
	[tilespmem:$0x1C880] =	vst v63  }
0x1be: {  	_ =	swait.ge [sflag:s26], $0x3E80  }
0x1bf: {  	[sflag:s26] =	ssyncset.done $0x0  }
0x1c0: {  	[sflag:s26] =	ssyncadd.s32 $0xFFFFC180  }
0x1c1: {  	[tilespmem:s25], [sflag:$0x1] =	stream.indirect.gather [hbm4b:s4+s29], $0x80, s8, s29, $0xb8;
	[tilespmem:$0x1C880] =	vst v63  }
0x1c2: {  	_ =	swait.ge [sflag:s1], $0x3E80  }
0x1c3: {  	[sflag:s1] =	ssyncset.done $0x0  }
0x1c4: {  	[sflag:s1] =	ssyncadd.s32 $0xFFFFC180  }
0x1c5: {  	[spmem:s2] =	stream.indirect.scatter.add.f32 [tilespmem:s30], [sflag:$0x3], $0x80, s9, s29, $0xb8;
	[tilespmem:$0x1C880] =	vst v63  }
0x1c6: {  	_ =	swait.ge [sflag:s26], $0x3E80  }
0x1c7: {  	[sflag:s26] =	ssyncset.done $0x0  }
0x1c8: {  	[sflag:s26] =	ssyncadd.s32 $0xFFFFC180  }
0x1c9: {  	[tilespmem:s30], [sflag:$0x2] =	stream.indirect.gather [hbm4b:s4+s29], $0x80, s10, s29, $0xb8;
	[tilespmem:$0x1C880] =	vst v63  }
0x1ca: {  	_ =	swait.ge [sflag:s31], $0x3E80  }
0x1cb: {  	[sflag:s31] =	ssyncset.done $0x0  }
0x1cc: {  	[sflag:s31] =	ssyncadd.s32 $0xFFFFC180  }
0x1cd: {  	[spmem:s2] =	stream.indirect.scatter.add.f32 [tilespmem:s25], [sflag:$0x3], $0x80, s11, s29, $0xb8;
	[tilespmem:$0x1C880] =	vst v63  }
0x1ce: {  	_ =	swait.ge [sflag:s26], $0x3E80  }
0x1cf: {  	[sflag:s26] =	ssyncset.done $0x0  }
0x1d0: {  	[sflag:s26] =	ssyncadd.s32 $0xFFFFC180  }
0x1d1: {  	[tilespmem:s25], [sflag:$0x1] =	stream.indirect.gather [hbm4b:s4+s29], $0x80, s12, s29, $0xb8;
	[tilespmem:$0x1C880] =	vst v63  }
0x1d2: {  	_ =	swait.ge [sflag:s1], $0x3E80  }
0x1d3: {  	[sflag:s1] =	ssyncset.done $0x0  }
0x1d4: {  	[sflag:s1] =	ssyncadd.s32 $0xFFFFC180  }
0x1d5: {  	[spmem:s2] =	stream.indirect.scatter.add.f32 [tilespmem:s30], [sflag:$0x3], $0x80, s13, s29, $0xb8;
	[tilespmem:$0x1C880] =	vst v63  }
0x1d6: {  	_ =	swait.ge [sflag:s26], $0x3E80  }
0x1d7: {  	[sflag:s26] =	ssyncset.done $0x0  }
0x1d8: {  	[sflag:s26] =	ssyncadd.s32 $0xFFFFC180  }
0x1d9: {  	[tilespmem:s30], [sflag:$0x2] =	stream.indirect.gather [hbm4b:s4+s29], $0x80, s14, s29, $0xb8;
	[tilespmem:$0x1C880] =	vst v63  }
0x1da: {  	_ =	swait.ge [sflag:s31], $0x3E80  }
0x1db: {  	[sflag:s31] =	ssyncset.done $0x0  }
0x1dc: {  	[sflag:s31] =	ssyncadd.s32 $0xFFFFC180  }
0x1dd: {  	[spmem:s2] =	stream.indirect.scatter.add.f32 [tilespmem:s25], [sflag:$0x3], $0x80, s15, s29, $0xb8;
	[tilespmem:$0x1C880] =	vst v63  }
0x1de: {  	_ =	swait.ge [sflag:s26], $0x3E80  }
0x1df: {  	[sflag:s26] =	ssyncset.done $0x0  }
0x1e0: {  	[sflag:s26] =	ssyncadd.s32 $0xFFFFC180  }
0x1e1: {  	[tilespmem:s25], [sflag:$0x1] =	stream.indirect.gather [hbm4b:s4+s29], $0x80, s16, s29, $0xb8;
	[tilespmem:$0x1C880] =	vst v63  }
0x1e2: {  	_ =	swait.ge [sflag:s1], $0x3E80  }
0x1e3: {  	[sflag:s1] =	ssyncset.done $0x0  }
0x1e4: {  	[sflag:s1] =	ssyncadd.s32 $0xFFFFC180  }
0x1e5: {  	[spmem:s2] =	stream.indirect.scatter.add.f32 [tilespmem:s30], [sflag:$0x3], $0x80, s17, s29, $0xb8;
	[tilespmem:$0x1C880] =	vst v63  }
0x1e6: {  	_ =	swait.ge [sflag:s26], $0x3E80  }
0x1e7: {  	[sflag:s26] =	ssyncset.done $0x0  }
0x1e8: {  	[sflag:s26] =	ssyncadd.s32 $0xFFFFC180  }
0x1e9: {  	[tilespmem:s30], [sflag:$0x2] =	stream.indirect.gather [hbm4b:s4+s29], $0x80, s18, s29, $0xb8;
	[tilespmem:$0x1C880] =	vst v63  }
0x1ea: {  	_ =	swait.ge [sflag:s31], $0x3E80  }
0x1eb: {  	[sflag:s31] =	ssyncset.done $0x0  }
0x1ec: {  	[sflag:s31] =	ssyncadd.s32 $0xFFFFC180  }
0x1ed: {  	[spmem:s2] =	stream.indirect.scatter.add.f32 [tilespmem:s25], [sflag:$0x3], $0x80, s19, s29, $0xb8;
	[tilespmem:$0x1C880] =	vst v63  }
0x1ee: {  	_ =	swait.ge [sflag:s26], $0x3E80  }
0x1ef: {  	[sflag:s26] =	ssyncset.done $0x0  }
0x1f0: {  	[sflag:s26] =	ssyncadd.s32 $0xFFFFC180  }
0x1f1: {  	_ =	swait.ge [sflag:s1], $0x3E80  }
0x1f2: {  	[sflag:s1] =	ssyncset.done $0x0  }
0x1f3: {  	[sflag:s1] =	ssyncadd.s32 $0xFFFFC180  }
0x1f4: {  	[spmem:s2] =	stream.indirect.scatter.add.f32 [tilespmem:s30], [sflag:$0x3], $0x80, s21, s29, $0xb8;
	[tilespmem:$0x1C880] =	vst v63  }
0x1f5: {  	_ =	swait.ge [sflag:s26], $0x3E80  }
0x1f6: {  	[sflag:s26] =	ssyncset.done $0x0  }
0x1f7: {  	[sflag:s26] =	ssyncadd.s32 $0xFFFFC180  }
0x1f8: {  	[bflag:$0x0] =	sbarrier.arrive $0xFFFF  }
0x1f9: {  	s24 =	rddreg [dreg:$0x12]  }
0x1fa: {  	[tilespmem:s25], [sflag:$0x3] =	stream.linear.gather [spmem:s24], $0x3C00, $0x38;
	[tilespmem:$0x1C880] =	vst v63  }
0x1fb: {  	_ =	swait.ge [sflag:s26], $0x3C00  }
0x1fc: {  	[sflag:s26] =	ssyncset.done $0x0  }
0x1fd: {  	s22 =	rddreg [dreg:$0x13];
	[sflag:s26] =	ssyncadd.s32 $0xFFFFC400  }
0x1fe: {  	[hbm4b:s22+s3] =	stream.linear.scatter [tilespmem:s25], [sflag:$0x3], $0x3C00, $0x38;
	[tilespmem:$0x1C880] =	vst v63  }
0x1ff: {  	_ =	swait.ge [sflag:s26], $0x3C00  }
0x200: {  	[sflag:s26] =	ssyncset.done $0x0  }
0x201: {  	s23 =	rddreg [dreg:$0x14];
	[sflag:s26] =	ssyncadd.s32 $0xFFFFC400  }
0x202: {  	[tilespmem:s25], [sflag:$0x3] =	stream.linear.gather [spmem:s23], $0x3C00, $0x38;
	[tilespmem:$0x1C880] =	vst v63  }
0x203: {  	_ =	swait.ge [sflag:s26], $0x3C00  }
0x204: {  	[sflag:s26] =	ssyncset.done $0x0  }
0x205: {  	s24 =	rddreg [dreg:$0x15];
	[sflag:s26] =	ssyncadd.s32 $0xFFFFC400  }
0x206: {  	[hbm4b:s24+s3] =	stream.linear.scatter [tilespmem:s25], [sflag:$0x3], $0x3C00, $0x38;
	[tilespmem:$0x1C880] =	vst v63  }
0x207: {  	_ =	swait.ge [sflag:s26], $0x3C00  }
0x208: {  	[sflag:s26] =	ssyncset.done $0x0  }
0x209: {  	s22 =	rddreg [dreg:$0x16];
	[sflag:s26] =	ssyncadd.s32 $0xFFFFC400  }
0x20a: {  	[tilespmem:s25], [sflag:$0x3] =	stream.linear.gather [spmem:s22], $0x3C00, $0x38;
	[tilespmem:$0x1C880] =	vst v63  }
0x20b: {  	_ =	swait.ge [sflag:s26], $0x3C00  }
0x20c: {  	[sflag:s26] =	ssyncset.done $0x0  }
0x20d: {  	s23 =	rddreg [dreg:$0x17];
	[sflag:s26] =	ssyncadd.s32 $0xFFFFC400  }
0x20e: {  	[hbm4b:s23+s3] =	stream.linear.scatter [tilespmem:s25], [sflag:$0x3], $0x3C00, $0x38;
	[tilespmem:$0x1C880] =	vst v63  }
0x20f: {  	_ =	swait.ge [sflag:s26], $0x3C00  }
0x210: {  	[sflag:s26] =	ssyncset.done $0x0  }
0x211: {  	s24 =	rddreg [dreg:$0x18];
	[sflag:s26] =	ssyncadd.s32 $0xFFFFC400  }
0x212: {  	[tilespmem:s25], [sflag:$0x3] =	stream.linear.gather [spmem:s24], $0x3C00, $0x38;
	[tilespmem:$0x1C880] =	vst v63  }
0x213: {  	_ =	swait.ge [sflag:s26], $0x3C00  }
0x214: {  	[sflag:s26] =	ssyncset.done $0x0  }
0x215: {  	s22 =	rddreg [dreg:$0x19];
	[sflag:s26] =	ssyncadd.s32 $0xFFFFC400  }
0x216: {  	[hbm4b:s22+s3] =	stream.linear.scatter [tilespmem:s25], [sflag:$0x3], $0x3C00, $0x38;
	[tilespmem:$0x1C880] =	vst v63  }
0x217: {  	_ =	swait.ge [sflag:s26], $0x3C00  }
0x218: {  	[sflag:s26] =	ssyncset.done $0x0  }
0x219: {  	s23 =	rddreg [dreg:$0x1a];
	[sflag:s26] =	ssyncadd.s32 $0xFFFFC400  }
0x21a: {  	[tilespmem:s25], [sflag:$0x3] =	stream.linear.gather [spmem:s23], $0x3C00, $0x38;
	[tilespmem:$0x1C880] =	vst v63  }
0x21b: {  	_ =	swait.ge [sflag:s26], $0x3C00  }
0x21c: {  	[sflag:s26] =	ssyncset.done $0x0  }
0x21d: {  	s24 =	rddreg [dreg:$0x1b];
	[sflag:s26] =	ssyncadd.s32 $0xFFFFC400  }
0x21e: {  	[hbm4b:s24+s3] =	stream.linear.scatter [tilespmem:s25], [sflag:$0x3], $0x3C00, $0x38;
	[tilespmem:$0x1C880] =	vst v63  }
0x21f: {  	_ =	swait.ge [sflag:s26], $0x3C00  }
0x220: {  	[sflag:s26] =	ssyncset.done $0x0  }
0x221: {  	s20 =	simm.s32 @p0 $0x1000;
	s22 =	rddreg [dreg:$0x1e];
	[sflag:s26] =	ssyncadd.s32 $0xFFFFC400  }
0x222: {  	[tilespmem:s20], [sflag:$0x3] =	stream.linear.gather @p0 [spmem:s22], $0x1400, $0x38;
	[tilespmem:$0x1C880] =	vst v63  }
0x223: {  	s22 =	simm.s32 @p0 $0x3  }
0x224: {  	_ =	swait.ge @p0 [sflag:s22], $0x1400  }
0x225: {  	[sflag:s22] =	ssyncset.done @p0 $0x0  }
0x226: {  	s23 =	simm.s32 @p0 $0x0;
	s24 =	rddreg [dreg:$0x1f];
	[sflag:s22] =	ssyncadd.s32 @p0 $0xFFFFEC00  }
0x227: {  	[hbm4b:s24+s23] =	stream.linear.scatter @p0 [tilespmem:s20], [sflag:$0x3], $0x1400, $0x38;
	[tilespmem:$0x1C880] =	vst v63  }
0x228: {  	_ =	swait.ge @p0 [sflag:s22], $0x1400  }
0x229: {  	[sflag:s22] =	ssyncset.done @p0 $0x0  }
0x22a: {  	s20 =	simm.s32 @!p0 $0x1000;
	[sflag:s22] =	ssyncadd.s32 @p0 $0xFFFFEC00;
	s22 =	rddreg [dreg:$0x1c]  }
0x22b: {  	[tilespmem:s20], [sflag:$0x3] =	stream.linear.gather @!p0 [spmem:s22], $0xC00, $0x38;
	[tilespmem:$0x1C880] =	vst v63  }
0x22c: {  	s22 =	simm.s32 @!p0 $0x3  }
0x22d: {  	_ =	swait.ge @!p0 [sflag:s22], $0xC00  }
0x22e: {  	[sflag:s22] =	ssyncset.done @!p0 $0x0  }
0x22f: {  	s23 =	simm.s32 @!p0 $0x0;
	s24 =	rddreg [dreg:$0x1d];
	[sflag:s22] =	ssyncadd.s32 @!p0 $0xFFFFF400  }
0x230: {  	[hbm4b:s24+s23] =	stream.linear.scatter @!p0 [tilespmem:s20], [sflag:$0x3], $0xC00, $0x38;
	[tilespmem:$0x1C880] =	vst v63  }
0x231: {  	_ =	swait.ge @!p0 [sflag:s22], $0xC00  }
0x232: {  	s20 =	sld [smem:$0x7F7]  }
0x233: {  	s24 =	sld [smem:$0x7F8];
	_ =	sdelay $0x1  }
0x234: {  	s23 =	sadd.s32 $0x1, s20  }
0x235: {  	p1 =	sne.s32 s23, s24  }
.Ltmp2:
0x236: {  	_ = 	snop;
	(pc) =	sbr.rel @p1 .LBB2_1-.Ltmp2, $3  }
0x237: {  	_ =	sdelay $0x1  }
0x238: {  	[sflag:s22] =	ssyncset.done @!p0 $0x0  }
0x239: {  	[sflag:s22] =	ssyncadd.s32 @!p0 $0xFFFFF400  }
0x23a: {  	_ =	sfence.sel $0x180000  }
0x23b: {  	[bflag:$0x0] =	sbarrier.arrive $0xFFFF  }
0x23c: {  	_ =	strace $0x9000004D  }
0x23d: {  	s0 =	stileid.u32;
	[bflag:$0x2] =	sbarrier.arrive $0xFFFF  }
0x23e: {  	p0 =	sne.s32 s0, $0x0;
	s0 =	rddreg [dreg:$0x2]  }
0x23f: {  	s0 =	sadd.s32 @!p0 $0x100000, s0  }
0x240: {  	[sflag:s0] =	ssyncadd.tile.s32 @!p0 $0x1;
	_ =	shalt  }
.Lfunc_end2:
_tile_overlayer_lowered:
.L_overlay_start_2:
0x241: {  	(tag) =	ssettag $0x2  }
0x242: {  	s0 =	rddreg [dreg:$0x0];
	s2 =	stileid.u32  }
0x243: {  	s1 =	rddreg [dreg:$0x1];
	p0 =	sne.s32 s2, $0x0  }
0x244: {  	s3 =	rddreg [dreg:$0x2];
	[bflag:$0x3] =	sbarrier.arrive $0xFFFF;
	s2 =	simm.s32 @!p0 $0x1C03  }
0x245: {  	[timem:s3], [sflag:s2] =	dma.local @!p0 [hbm:s0], s1  }
0x246: {  	s0 =	simm.s32 @!p0 $0x3  }
0x247: {  	_ =	swait.ge @!p0 [sflag:s0], s1  }
0x248: {  	s1 =	ssub.s32 @!p0 $0x0, s1;
	[sflag:s0] =	ssyncset.done @!p0 $0x0  }
0x249: {  	[sflag:s0] =	ssyncadd.s32 @!p0 s1  }
0x24a: {  	[bflag:$0x3] =	sbarrier.arrive $0xFFFF  }
0x24b: {  	_ =	shalt  }

// kernel: kernel.14.cloned.1.call-start
scs
__scs_entry_jumppad:
0x0: {  	(pc) =	sbr.rel $0x88, $3  }
0x1: {  	(tag) =	ssettag $0x0;
	lr =	simm.s32 $0x1  }
0x2: {  	[smem:$0x3F99] =	sst lr;
	_ =	strace $0xD0000000  }
0x3: {  	_ = 	snop  }
0x4: {  	_ = 	snop  }
0x5: {  	_ = 	snop  }
0x6: {  	_ = 	snop  }
0x7: {  	_ = 	snop  }
__scs_overlays_trampoline_lowered:
0x8: {  	[smem:$0x3FA8] =	sst s0  }
0x9: {  	[smem:$0x3FA9] =	sst s1  }
0xa: {  	[smem:$0x3FAA] =	sst s2  }
0xb: {  	[smem:$0x3FAB] =	sst s3  }
0xc: {  	[smem:$0x3FAC] =	sst s4  }
0xd: {  	[smem:$0x3FAD] =	sst s5  }
0xe: {  	[smem:$0x3FAE] =	sst s6  }
0xf: {  	[smem:$0x3FAF] =	sst s7  }
0x10: {  	[smem:$0x3FB0] =	sst s8  }
0x11: {  	[smem:$0x3FB1] =	sst s9;
	s0 =	simm.s32 @!p0 $0x0  }
0x12: {  	s1 =	sld [smem:$0x3F97];
	s0 =	simm.s32 @p0 $0x1  }
0x13: {  	[smem:$0x3FB2] =	sst s0;
	s0 =	simm.s32 @!p1 $0x0  }
0x14: {  	s2 =	sld [smem:$0x3F96];
	s0 =	simm.s32 @p1 $0x1  }
0x15: {  	[smem:$0x3FB3] =	sst s0;
	s0 =	simm.s32 @!p2 $0x0  }
0x16: {  	s3 =	sld [smem:$0x3FDB];
	s0 =	simm.s32 @p2 $0x1  }
0x17: {  	s4 =	simm.s32 $0x1BF5;
	[smem:$0x3FB5] =	sst s0  }
0x18: {  	s0 =	sld [smem:$0x3F98];
	_ =	swait.ge [sflag:s4], $0x0  }
0x19: {  	s7 =	sld [smem:$0x3F99]  }
0x1a: {  	s8 =	sadd.s32 $0xFFFFE003, lr  }
0x1b: {  	s9 =	sadd.s32 $0xFFFFFEF7, lr;
	s5 =	simm.s32 $0xFFFFFFFF;
	p2 =	slt.u32 s8, $0xFFFFF086  }
0x1c: {  	p1 =	slt.u32 s9, $0xF7A;
	s5 =	simm.s32 @!p2 $0x0  }
0x1d: {  	s5 =	simm.s32 @p1 $0x1;
	p0 =	seq.s32 s7, s2  }
0x1e: {  	s7 =	smul.u32 @!p0 $0xF7A, s2;
	p2 =	seq.s32 @!p0 s5, $0x0  }
0x1f: {  	s9 =	smul.u32 $0xF7A, s1;
	s8 =	simm.s32 @!p0 $0x1BF5;
	p2 =	por !p2, p0  }
0x20: {  	[sflag:s8] =	ssyncset.s32 @!p0 $0xFFFFF086;
	s6 =	sadd.s32 @!p0 s3, s7;
	s7 =	simm.s32 @!p0 $0x108  }
0x21: {  	s3 =	sadd.s32 s3, s9;
	s6 =	sadd.s32 @!p0 $0x88, s6;
	s7 =	simm.s32 @p2 $0x1082  }
0x22: {  	[simem:s7], [sflag:s8] =	dma.local @!p0 [hbm:s6], $0xF7A  }
0x23: {  	s9 =	sor.u32 $0xD0000000, s2;
	s6 =	simm.s32 $0x108;
	_ =	swait.ge @!p0 [sflag:s8], $0x0  }
0x24: {  	s3 =	sadd.s32 $0x88, s3;
	s6 =	simm.s32 @!p1 $0x1082;
	[sflag:s4] =	ssyncset.s32 $0xFFFFF086  }
0x25: {  	[simem:s6], [sflag:s4] =	dma.local [hbm:s3], $0xF7A  }
0x26: {  	[smem:$0x3F99] =	sst s1;
	(tag) =	ssettag s2;
	_ =	strace s9  }
0x27: {  	s1 =	sld [smem:$0x3FA9]  }
0x28: {  	s2 =	sld [smem:$0x3FAA]  }
0x29: {  	s4 =	sld [smem:$0x3FAC]  }
0x2a: {  	p0 =	seq.s32 s5, $0x0;
	s5 =	sld [smem:$0x3FAD]  }
0x2b: {  	s6 =	sld [smem:$0x3FAE]  }
0x2c: {  	s7 =	sld [smem:$0x3FAF]  }
0x2d: {  	s3 =	simm.s32 $0x108;
	s8 =	sld [smem:$0x3FB0]  }
0x2e: {  	s3 =	simm.s32 @!p0 $0x1082;
	s9 =	sld [smem:$0x3FB1]  }
0x2f: {  	lr =	sadd.s32 s0, s3;
	s0 =	sld [smem:$0x3FA8]  }
0x30: {  	s3 =	sld [smem:$0x3FAB]  }
0x31: {  	[smem:$0x3FB4] =	sst s10  }
0x32: {  	s10 =	sld [smem:$0x3FB2];
	_ =	sdelay $0x3  }
0x33: {  	p0 =	seq.s32 s10, $0x1;
	s10 =	sld [smem:$0x3FB4];
	_ =	sdelay $0x3  }
0x34: {  	[smem:$0x3FB4] =	sst s10  }
0x35: {  	s10 =	sld [smem:$0x3FB3];
	_ =	sdelay $0x3  }
0x36: {  	p1 =	seq.s32 s10, $0x1;
	s10 =	sld [smem:$0x3FB4];
	_ =	sdelay $0x3  }
0x37: {  	[smem:$0x3FB4] =	sst s10  }
0x38: {  	s10 =	sld [smem:$0x3FB5]  }
0x39: {  	_ = 	snop;
	(pc) =	sbr.ind lr, $3  }
0x3a: {  	_ = 	snop  }
0x3b: {  	_ = 	snop  }
0x3c: {  	p2 =	seq.s32 s10, $0x1;
	s10 =	sld [smem:$0x3FB4]  }
0x3d: {  	_ =	shalt  }
0x3e: {  	_ =	shalt  }
0x3f: {  	_ =	shalt  }
0x40: {  	_ =	shalt  }
0x41: {  	_ =	shalt  }
0x42: {  	_ =	shalt  }
0x43: {  	_ =	shalt  }
0x44: {  	_ =	shalt  }
0x45: {  	_ =	shalt  }
0x46: {  	_ =	shalt  }
0x47: {  	_ =	shalt  }
0x48: {  	_ =	shalt  }
0x49: {  	_ =	shalt  }
0x4a: {  	_ =	shalt  }
0x4b: {  	_ =	shalt  }
0x4c: {  	_ =	shalt  }
0x4d: {  	_ =	shalt  }
0x4e: {  	_ =	shalt  }
0x4f: {  	_ =	shalt  }
0x50: {  	_ =	shalt  }
0x51: {  	_ =	shalt  }
0x52: {  	_ =	shalt  }
0x53: {  	_ =	shalt  }
0x54: {  	_ =	shalt  }
0x55: {  	_ =	shalt  }
0x56: {  	_ =	shalt  }
0x57: {  	_ =	shalt  }
0x58: {  	_ =	shalt  }
0x59: {  	_ =	shalt  }
0x5a: {  	_ =	shalt  }
0x5b: {  	_ =	shalt  }
0x5c: {  	_ =	shalt  }
0x5d: {  	_ =	shalt  }
0x5e: {  	_ =	shalt  }
0x5f: {  	_ =	shalt  }
0x60: {  	_ =	shalt  }
0x61: {  	_ =	shalt  }
0x62: {  	_ =	shalt  }
0x63: {  	_ =	shalt  }
0x64: {  	_ =	shalt  }
0x65: {  	_ =	shalt  }
0x66: {  	_ =	shalt  }
0x67: {  	_ =	shalt  }
0x68: {  	_ =	shalt  }
0x69: {  	_ =	shalt  }
0x6a: {  	_ =	shalt  }
0x6b: {  	_ =	shalt  }
0x6c: {  	_ =	shalt  }
0x6d: {  	_ =	shalt  }
0x6e: {  	_ =	shalt  }
0x6f: {  	_ =	shalt  }
0x70: {  	_ =	shalt  }
0x71: {  	_ =	shalt  }
0x72: {  	_ =	shalt  }
0x73: {  	_ =	shalt  }
0x74: {  	_ =	shalt  }
0x75: {  	_ =	shalt  }
0x76: {  	_ =	shalt  }
0x77: {  	_ =	shalt  }
0x78: {  	_ =	shalt  }
0x79: {  	_ =	shalt  }
0x7a: {  	_ =	shalt  }
0x7b: {  	_ =	shalt  }
0x7c: {  	_ =	shalt  }
0x7d: {  	_ =	shalt  }
0x7e: {  	_ =	shalt  }
0x7f: {  	_ =	shalt  }
0x80: {  	_ =	shalt  }
0x81: {  	_ =	shalt  }
0x82: {  	_ =	shalt  }
0x83: {  	_ =	shalt  }
0x84: {  	_ =	shalt  }
0x85: {  	_ =	shalt  }
0x86: {  	_ =	shalt  }
0x87: {  	_ =	shalt  }
.Lfunc_end0:
.L_simem_size_0:
called_computation.3_lowered:
.L_overlay_start_0:
0x88: {  	s2 =	sld [smem:$0x3FD9]  }
0x89: {  	s3 =	sld [smem:$0x3FFE];
	_ =	sdelay $0x1  }
0x8a: {  	s1 =	srdreg.scid  }
0x8b: {  	s0 =	sand.u32 $0x1, s1  }
0x8c: {  	s16 =	sshll.u32 s0, $0xA;
	s2 =	sadd.s32 s3, s2  }
0x8d: {  	s2 =	sadd.s32 s2, s16  }
0x8e: {  	[smem:$0x3FC0] =	sst s2  }
0x8f: {  	_ = 	snop  }
0x90: {  	(tm) =	ssettm $0x1  }
0x91: {  	s17 =	sld [smem:$0x3FFB];
	_ =	sdelay $0x3  }
0x92: {  	_ =	strace s17  }
0x93: {  	s2 =	sld [smem:$0x3FFC];
	_ =	sdelay $0x3  }
0x94: {  	_ =	strace s2  }
0x95: {  	s2 =	sld [smem:$0x3FFD];
	_ =	sdelay $0x3  }
0x96: {  	_ =	strace s2  }
0x97: {  	_ =	strace $0x8FFFFFFF  }
0x98: {  	s18 =	sld [smem:$0x3FDB];
	_ =	sdelay $0x1  }
0x99: {  	s19 =	simm.s32 $_scs_section_size  }
0x9a: {  	s4 =	simm.s32 $_size__tile_overlayer_lowered;
	s5 =	simm.s32 $_tile_overlayer_lowered  }
0x9b: {  	s22 =	simm.s32 $0x1BFF;
	s21 =	sshll.u32 s5, $0x1;
	s2 =	sadd.s32 s19, s18  }
0x9c: {  	s6 =	simm.s32 $0x0;
	s20 =	sshll.u32 s4, $0x1;
	s4 =	sadd.s32 s21, s2  }
0x9d: {  	[timem:s6], [sflag:s22] =	dma.local [hbm:s4], s20  }
0x9e: {  	_ =	swait.ge [sflag:s22], s20  }
0x9f: {  	s3 =	ssub.s32 $0x0, s20;
	[sflag:s22] =	ssyncset.done $0x0  }
0xa0: {  	[sflag:s22] =	ssyncadd.s32 s3;
	_ =	sdelay $0x1  }
0xa1: {  	s23 =	simm.s32 $0x1B8B  }
0xa2: {  	_ =	swait.ge [sflag:s23], $0x1  }
0xa3: {  	[sflag:s23] =	ssyncset.done $0x0  }
0xa4: {  	s25 =	simm.s32 $0x1B8E;
	s24 =	sld [smem:$0x3FFE];
	[sflag:s23] =	ssyncadd.s32 $0xFFFFFFFF  }
0xa5: {  	s26 =	simm.s32 $execute0_lowered;
	[smem:$0x3FD2] =	sst s25  }
0xa6: {  	s4 =	sshll.u32 s26, $0x1;
	_ =	strace $0x8000004F;
	[dreg:$0x1] =	wrdreg $0xFFFFFFFF  }
0xa7: {  	s28 =	simm.s32 $_size_execute0_lowered;
	s2 =	sadd.s32 s2, s4;
	[dreg:$0x0] =	wrdreg $0x0  }
0xa8: {  	s4 =	sshll.u32 s28, $0x1;
	[dreg:$0x2] =	wrdreg s2  }
0xa9: {  	[dreg:$0x3] =	wrdreg s4  }
0xaa: {  	[dreg:$0x4] =	wrdreg $0xC0  }
0xab: {  	_ =	task [dreg:s6], $0x5FFFF  }
0xac: {  	[dreg:$0x1] =	wrdreg $0xFFFFFFFF  }
0xad: {  	[dreg:$0x0] =	wrdreg $0x60  }
0xae: {  	[dreg:$0x2] =	wrdreg s24  }
0xaf: {  	[dreg:$0x3] =	wrdreg $0x90000  }
0xb0: {  	[dreg:$0x4] =	wrdreg $0x9  }
0xb1: {  	_ =	task.clear_ibuf [dreg:s6], $0x5FFFF;
	_ =	strace $0x9000004F  }
0xb2: {  	s29 =	simm.s32 $0x9;
	_ =	strace $0x80000051  }
0xb3: {  	_ =	swait.ge [sflag:s29], $0x1  }
0xb4: {  	[sflag:s29] =	ssyncadd.s32 $0xFFFFFFFF  }
0xb5: {  	_ =	strace $0x90000051  }
0xb6: {  	_ =	sfence  }
0xb7: {  	s30 =	sld [smem:$0x0];
	_ =	sdelay $0x2  }
0xb8: {  	s31 =	sshll.u32 s1, $0xD;
	s1 =	sshrl.u32 s1, $0x2  }
0xb9: {  	s3 =	sand.u32 $0x4000, s31;
	s1 =	sadd.s32 s1, s30  }
0xba: {  	s0 =	sor.u32 s3, s0;
	s1 =	sshll.u32 s1, $0x11  }
0xbb: {  	s0 =	sor.u32 s1, s0  }
0xbc: {  	s0 =	sadd.s32 $0x8F2B, s0  }
0xbd: {  	[sflag:s0] =	ssyncadd.remote.s32 $0x1  }
0xbe: {  	_ =	sfence.sel $0xFFFF  }
0xbf: {  	[dreg:$0x0] =	wrdreg $0xFFFFFFFF;
	(pc) =	sbr.abs _section_cstart, $3  }
0xc0: {  	[dreg:$0x1] =	wrdreg $0xFFFFFFFF  }
0xc1: {  	_ =	task.clear_ibuf [dreg:s6], $0x2FFFF;
	_ =	strace $0x9FFFFFFF  }
0xc2: {  	(tm) =	ssettm $0x7FFFFFFF  }
0xc3: {  	_ =	shalt  }
tec
execute0_lowered:
.L_overlay_start_1:
0x0: {  	(tag) =	ssettag $0x1  }
0x1: {  	s0 =	srdreg.scid  }
0x2: {  	s1 =	rddreg [dreg:$0x0];
	s13 =	stileid.u32  }
0x3: {  	s2 =	rddreg [dreg:$0x1];
	s3 =	simm.s32 $0x0;
	s5 =	smul.u32 $0x5000, s13  }
0x4: {  	s28 =	simm.s32 $0x800;
	s29 =	simm.s32 $0x7D;
	s6 =	smul.u32 $0xA00, s13  }
0x5: {  	s30 =	simm.s32 $0x5000;
	s31 =	simm.s32 $0x1;
	s8 =	smul.u32 $0x13800, s13  }
0x6: {  	s0 =	sand.u32 $0x1, s0;
	[smem:$0x7FF] =	sst s3;
	s10 =	smul.u32 $0x4E000, s13  }
0x7: {  	p0 =	seq.s32 s13, $0xF;
	s4 =	smul.u32 $0x50000, s0;
	_ =	strace $0x80000050  }
0x8: {  	s7 =	smul.u32 $0x138800, s0;
	s0 =	ssub.s32 $0x2, s0;
	s6 =	sadd.s32 s6, s1  }
0x9: {  	s9 =	sshrl.u32 s0, $0x1;
	s11 =	sadd.s32 $0x3C00, s8;
	s10 =	sshrl.u32 s10, $0x2  }
0xa: {  	s15 =	sadd.s32 $0xB400, s8;
	s17 =	sadd.s32 $0xF000, s8;
	s4 =	sadd.s32 s4, s5  }
0xb: {  	s0 =	ssub.s32 s0, s9;
	s25 =	sadd.s32 s8, s7;
	s12 =	sadd.s32 s7, s11  }
0xc: {  	s10 =	sadd.s32 s10, s2;
	s11 =	sadd.s32 s11, s2;
	s16 =	sadd.s32 s7, s15  }
0xd: {  	s19 =	sadd.s32 s7, s17;
	s21 =	sadd.s32 s17, s2;
	s23 =	sadd.s32 $0x32C00, s6  }
0xe: {  	s6 =	simm.s32 $0x480;
	s5 =	sshrl.u32 s4, $0x3;
	[dreg:$0x12] =	wrdreg s10  }
0xf: {  	s4 =	sadd.s32 $0x9EE00, s1;
	s9 =	sshrl.u32 s25, $0x3;
	[dreg:$0x14] =	wrdreg s11  }
0x10: {  	s26 =	sshrl.u32 s12, $0x3;
	s12 =	sadd.s32 $0x7800, s8;
	[dreg:$0x1a] =	wrdreg s21  }
0x11: {  	s18 =	sshrl.u32 s16, $0x3;
	s10 =	sadd.s32 s15, s2;
	[dreg:$0x4] =	wrdreg s23  }
0x12: {  	s20 =	sshrl.u32 s19, $0x3;
	s25 =	simm.s32 $0x80;
	[dreg:$0x18] =	wrdreg s10  }
0x13: {  	s8 =	sadd.s32 $0x12C00, s8;
	s11 =	simm.s32 $0x180;
	[dreg:$0x5] =	wrdreg s25  }
0x14: {  	s15 =	simm.s32 $0x200;
	s0 =	smax.u32 s0, $0x1;
	[dreg:$0x8] =	wrdreg s11  }
0x15: {  	s16 =	simm.s32 $0x980;
	s19 =	simm.s32 $0xA00;
	[smem:$0x7F8] =	sst s0  }
0x16: {  	s21 =	simm.s32 $0x300;
	s23 =	simm.s32 $0xA80;
	[dreg:$0xa] =	wrdreg s15  }
0x17: {  	s5 =	sadd.s32 s5, s1;
	s1 =	sadd.s32 $0xED000, s1;
	[dreg:$0xb] =	wrdreg s16  }
0x18: {  	s14 =	sadd.s32 s12, s2;
	s22 =	sadd.s32 s8, s2;
	[dreg:$0xd] =	wrdreg s19  }
0x19: {  	s8 =	sadd.s32 s7, s8;
	s10 =	simm.s32 $0x880;
	[dreg:$0xe] =	wrdreg s21  }
0x1a: {  	[dreg:$0xf] =	wrdreg s23;
	s25 =	simm.s32 $0x380;
	s0 =	simm.s32 $0x400  }
0x1b: {  	s11 =	simm.s32 $0xD00;
	s15 =	simm.s32 $0xE00;
	[dreg:$0x16] =	wrdreg s14  }
0x1c: {  	s16 =	simm.s32 $0x700;
	s19 =	simm.s32 $0xF00;
	[dreg:$0x1c] =	wrdreg s22  }
0x1d: {  	s21 =	simm.s32 $0xF80;
	s23 =	simm.s32 $0x0;
	[dreg:$0x7] =	wrdreg s10  }
0x1e: {  	s9 =	sadd.s32 s1, s9;
	s5 =	sadd.s32 $0x3CC00, s5;
	[dreg:$0x10] =	wrdreg s25  }
0x1f: {  	s8 =	sshrl.u32 s8, $0x3;
	s14 =	smul.u32 $0x4E200, s13;
	[dreg:$0x13] =	wrdreg s9  }
0x20: {  	s25 =	simm.s32 $0x1000;
	s9 =	sadd.s32 s1, s26;
	[dreg:$0x3] =	wrdreg s5  }
0x21: {  	s10 =	simm.s32 $0x580;
	s24 =	sadd.s32 s1, s8;
	[dreg:$0x15] =	wrdreg s9  }
0x22: {  	s13 =	simm.s32 $0xD80;
	s26 =	sadd.s32 $0x137400, s2;
	[dreg:$0x1d] =	wrdreg s24  }
0x23: {  	s8 =	simm.s32 $0x100;
	s9 =	sadd.s32 s7, s12;
	[dreg:$0x1e] =	wrdreg s26  }
0x24: {  	[dreg:$0x6] =	wrdreg s8;
	s12 =	simm.s32 $0x900;
	s9 =	sshrl.u32 s9, $0x3  }
0x25: {  	s5 =	simm.s32 $0xB80;
	[dreg:$0x9] =	wrdreg s12;
	s9 =	sadd.s32 s1, s9  }
0x26: {  	s17 =	sshrl.u32 s14, $0x2;
	[dreg:$0x17] =	wrdreg s9;
	s9 =	sadd.s32 s1, s18  }
0x27: {  	s26 =	simm.s32 $0xB00;
	[dreg:$0x19] =	wrdreg s9;
	s9 =	sadd.s32 s1, s20  }
0x28: {  	s8 =	simm.s32 $0x500;
	[dreg:$0x1b] =	wrdreg s9;
	s9 =	sshrl.u32 s7, $0x3  }
0x29: {  	[dreg:$0x11] =	wrdreg s26;
	s18 =	simm.s32 $0x280;
	s1 =	sadd.s32 s1, s9  }
0x2a: {  	s14 =	simm.s32 $0x680;
	[dreg:$0xc] =	wrdreg s18;
	s1 =	sadd.s32 $0x26E80, s1  }
0x2b: {  	s26 =	simm.s32 $0x3;
	[dreg:$0x1f] =	wrdreg s1;
	s1 =	sadd.s32 s17, s2  }
0x2c: {  	s12 =	simm.s32 $0x600;
	s20 =	sadd.s32 $0x3E80, s1;
	[smem:$0x7FC] =	sst s1  }
0x2d: {  	s18 =	simm.s32 $0x780;
	s22 =	sadd.s32 $0x7D00, s1;
	[smem:$0x7F9] =	sst s20  }
0x2e: {  	s7 =	simm.s32 $0xC00;
	s24 =	sadd.s32 $0xBB80, s1;
	[smem:$0x7FA] =	sst s22  }
0x2f: {  	s9 =	simm.s32 $0xC80;
	s1 =	sadd.s32 $0xFA00, s1;
	[smem:$0x7FB] =	sst s24  }
0x30: {  	v0 =	vimm.f32 $0.0e+00;
	s17 =	simm.s32 $0xE80;
	[smem:$0x7FD] =	sst s1;
	s1 =	simm.s32 $0x2  }
.LBB2_1:
0x31: {  	[smem:$0x7F7] =	sst s23;
	s23 =	simm.s32 $0x0;
	s24 =	simm.s32 $0x200  }
.LBB2_2:
0x32: {  	p1 =	sne.s32 s24, $0xF800;
	[tilespmem:s23+$0x1070] =	vst v0  }
0x33: {  	[tilespmem:s23+$0x1000] =	vst v0  }
0x34: {  	[tilespmem:s23+$0x1010] =	vst v0  }
.Ltmp0:
0x35: {  	[tilespmem:s23+$0x1020] =	vst v0;
	(pc) =	sbr.rel @p1 .LBB2_2-.Ltmp0, $4  }
0x36: {  	[tilespmem:s23+$0x1030] =	vst v0  }
0x37: {  	[tilespmem:s23+$0x1040] =	vst v0  }
0x38: {  	[tilespmem:s23+$0x1050] =	vst v0  }
0x39: {  	[tilespmem:s23+$0x1060] =	vst v0;
	s23 =	sshra.s32 s24, $0x2;
	s24 =	sadd.s32 $0x200, s24  }
0x3a: {  	[tilespmem:s23+$0x1070] =	vst v0  }
0x3b: {  	[tilespmem:s23+$0x1000] =	vst v0  }
0x3c: {  	[tilespmem:s23+$0x1010] =	vst v0  }
0x3d: {  	[tilespmem:s23+$0x1020] =	vst v0  }
0x3e: {  	[tilespmem:s23+$0x1030] =	vst v0  }
0x3f: {  	[tilespmem:s23+$0x1040] =	vst v0;
	s20 =	sld [smem:$0x7FC]  }
0x40: {  	[tilespmem:s23+$0x1050] =	vst v0  }
0x41: {  	[tilespmem:s23+$0x1060] =	vst v0  }
0x42: {  	[spmem:s20] =	stream.linear.scatter [tilespmem:s25], [sflag:$0x3], $0x3E80, $0x38;
	[tilespmem:$0x1C880] =	vst v63  }
0x43: {  	_ =	swait.ge [sflag:s26], $0x3E80  }
0x44: {  	s24 =	sld [smem:$0x7F9]  }
0x45: {  	[sflag:s26] =	ssyncset.done $0x0  }
0x46: {  	[sflag:s26] =	ssyncadd.s32 $0xFFFFC180  }
0x47: {  	[spmem:s24] =	stream.linear.scatter [tilespmem:s25], [sflag:$0x3], $0x3E80, $0x38;
	[tilespmem:$0x1C880] =	vst v63  }
0x48: {  	_ =	swait.ge [sflag:s26], $0x3E80  }
0x49: {  	s22 =	sld [smem:$0x7FA]  }
0x4a: {  	[sflag:s26] =	ssyncset.done $0x0  }
0x4b: {  	[sflag:s26] =	ssyncadd.s32 $0xFFFFC180  }
0x4c: {  	[spmem:s22] =	stream.linear.scatter [tilespmem:s25], [sflag:$0x3], $0x3E80, $0x38;
	[tilespmem:$0x1C880] =	vst v63  }
0x4d: {  	_ =	swait.ge [sflag:s26], $0x3E80  }
0x4e: {  	s23 =	sld [smem:$0x7FB]  }
0x4f: {  	[sflag:s26] =	ssyncset.done $0x0  }
0x50: {  	[sflag:s26] =	ssyncadd.s32 $0xFFFFC180  }
0x51: {  	[spmem:s23] =	stream.linear.scatter [tilespmem:s25], [sflag:$0x3], $0x3E80, $0x38;
	[tilespmem:$0x1C880] =	vst v63  }
0x52: {  	_ =	swait.ge [sflag:s26], $0x3E80  }
0x53: {  	s24 =	sld [smem:$0x7FD]  }
0x54: {  	[sflag:s26] =	ssyncset.done $0x0  }
0x55: {  	[sflag:s26] =	ssyncadd.s32 $0xFFFFC180  }
0x56: {  	[spmem:s24] =	stream.linear.scatter [tilespmem:s25], [sflag:$0x3], $0x3E80, $0x38;
	[tilespmem:$0x1C880] =	vst v63  }
0x57: {  	_ =	swait.ge [sflag:s26], $0x3E80  }
0x58: {  	[sflag:s26] =	ssyncset.done $0x0  }
0x59: {  	[sflag:s26] =	ssyncadd.s32 $0xFFFFC180  }
0x5a: {  	[bflag:$0x0] =	sbarrier.arrive $0xFFFF  }
0x5b: {  	s22 =	rddreg [dreg:$0x3]  }
0x5c: {  	s20 =	sadd.s32 $0x0, s22  }
0x5d: {  	[tilespmem:s3], [sflag:$0x3] =	stream.linear.gather [hbm4b:s20+s3], $0x800, $0x38;
	[tilespmem:$0x1C880] =	vst v63  }
0x5e: {  	_ =	swait.ge [sflag:s26], $0x800  }
0x5f: {  	s23 =	rddreg [dreg:$0x4];
	[sflag:s26] =	ssyncset.done $0x0  }
0x60: {  	[sflag:s26] =	ssyncadd.s32 $0xFFFFF800;
	s20 =	sadd.s32 $0x0, s23  }
0x61: {  	[tilespmem:s28], [sflag:$0x3] =	stream.linear.gather [hbm4b:s20+s3], $0x800, $0x38;
	[tilespmem:$0x1C880] =	vst v63  }
0x62: {  	_ =	swait.ge [sflag:s26], $0x800  }
0x63: {  	[sflag:s26] =	ssyncset.done $0x0  }
0x64: {  	[sflag:s26] =	ssyncadd.s32 $0xFFFFF800  }
0x65: {  	[tilespmem:s25], [sflag:$0x1] =	stream.indirect.gather [hbm4b:s4+s29], $0x80, s3, s29, $0xb8;
	[tilespmem:$0x1C880] =	vst v63  }
0x66: {  	s24 =	rddreg [dreg:$0x5]  }
0x67: {  	[tilespmem:s30], [sflag:$0x2] =	stream.indirect.gather [hbm4b:s4+s29], $0x80, s24, s29, $0xb8;
	[tilespmem:$0x1C880] =	vst v63  }
0x68: {  	_ =	swait.ge [sflag:s31], $0x3E80  }
0x69: {  	[sflag:s31] =	ssyncset.done $0x0  }
0x6a: {  	[sflag:s31] =	ssyncadd.s32 $0xFFFFC180  }
0x6b: {  	[spmem:s2] =	stream.indirect.scatter.add.f32 [tilespmem:s25], [sflag:$0x3], $0x80, s28, s29, $0xb8;
	[tilespmem:$0x1C880] =	vst v63  }
0x6c: {  	_ =	swait.ge [sflag:s26], $0x3E80  }
0x6d: {  	[sflag:s26] =	ssyncset.done $0x0  }
0x6e: {  	s22 =	rddreg [dreg:$0x6];
	[sflag:s26] =	ssyncadd.s32 $0xFFFFC180  }
0x6f: {  	[tilespmem:s25], [sflag:$0x1] =	stream.indirect.gather [hbm4b:s4+s29], $0x80, s22, s29, $0xb8;
	[tilespmem:$0x1C880] =	vst v63  }
0x70: {  	_ =	swait.ge [sflag:s1], $0x3E80  }
0x71: {  	[sflag:s1] =	ssyncset.done $0x0  }
0x72: {  	s23 =	rddreg [dreg:$0x7];
	[sflag:s1] =	ssyncadd.s32 $0xFFFFC180  }
0x73: {  	[spmem:s2] =	stream.indirect.scatter.add.f32 [tilespmem:s30], [sflag:$0x3], $0x80, s23, s29, $0xb8;
	[tilespmem:$0x1C880] =	vst v63  }
0x74: {  	_ =	swait.ge [sflag:s26], $0x3E80  }
0x75: {  	[sflag:s26] =	ssyncset.done $0x0  }
0x76: {  	s24 =	rddreg [dreg:$0x8];
	[sflag:s26] =	ssyncadd.s32 $0xFFFFC180  }
0x77: {  	[tilespmem:s30], [sflag:$0x2] =	stream.indirect.gather [hbm4b:s4+s29], $0x80, s24, s29, $0xb8;
	[tilespmem:$0x1C880] =	vst v63  }
0x78: {  	_ =	swait.ge [sflag:s31], $0x3E80  }
0x79: {  	[sflag:s31] =	ssyncset.done $0x0  }
0x7a: {  	s22 =	rddreg [dreg:$0x9];
	[sflag:s31] =	ssyncadd.s32 $0xFFFFC180  }
0x7b: {  	[spmem:s2] =	stream.indirect.scatter.add.f32 [tilespmem:s25], [sflag:$0x3], $0x80, s22, s29, $0xb8;
	[tilespmem:$0x1C880] =	vst v63  }
0x7c: {  	_ =	swait.ge [sflag:s26], $0x3E80  }
0x7d: {  	[sflag:s26] =	ssyncset.done $0x0  }
0x7e: {  	s23 =	rddreg [dreg:$0xa];
	[sflag:s26] =	ssyncadd.s32 $0xFFFFC180  }
0x7f: {  	[tilespmem:s25], [sflag:$0x1] =	stream.indirect.gather [hbm4b:s4+s29], $0x80, s23, s29, $0xb8;
	[tilespmem:$0x1C880] =	vst v63  }
0x80: {  	_ =	swait.ge [sflag:s1], $0x3E80  }
0x81: {  	[sflag:s1] =	ssyncset.done $0x0  }
0x82: {  	s24 =	rddreg [dreg:$0xb];
	[sflag:s1] =	ssyncadd.s32 $0xFFFFC180  }
0x83: {  	[spmem:s2] =	stream.indirect.scatter.add.f32 [tilespmem:s30], [sflag:$0x3], $0x80, s24, s29, $0xb8;
	[tilespmem:$0x1C880] =	vst v63  }
0x84: {  	_ =	swait.ge [sflag:s26], $0x3E80  }
0x85: {  	[sflag:s26] =	ssyncset.done $0x0  }
0x86: {  	s22 =	rddreg [dreg:$0xc];
	[sflag:s26] =	ssyncadd.s32 $0xFFFFC180  }
0x87: {  	[tilespmem:s30], [sflag:$0x2] =	stream.indirect.gather [hbm4b:s4+s29], $0x80, s22, s29, $0xb8;
	[tilespmem:$0x1C880] =	vst v63  }
0x88: {  	_ =	swait.ge [sflag:s31], $0x3E80  }
0x89: {  	[sflag:s31] =	ssyncset.done $0x0  }
0x8a: {  	s23 =	rddreg [dreg:$0xd];
	[sflag:s31] =	ssyncadd.s32 $0xFFFFC180  }
0x8b: {  	[spmem:s2] =	stream.indirect.scatter.add.f32 [tilespmem:s25], [sflag:$0x3], $0x80, s23, s29, $0xb8;
	[tilespmem:$0x1C880] =	vst v63  }
0x8c: {  	_ =	swait.ge [sflag:s26], $0x3E80  }
0x8d: {  	[sflag:s26] =	ssyncset.done $0x0  }
0x8e: {  	s24 =	rddreg [dreg:$0xe];
	[sflag:s26] =	ssyncadd.s32 $0xFFFFC180  }
0x8f: {  	[tilespmem:s25], [sflag:$0x1] =	stream.indirect.gather [hbm4b:s4+s29], $0x80, s24, s29, $0xb8;
	[tilespmem:$0x1C880] =	vst v63  }
0x90: {  	_ =	swait.ge [sflag:s1], $0x3E80  }
0x91: {  	[sflag:s1] =	ssyncset.done $0x0  }
0x92: {  	s22 =	rddreg [dreg:$0xf];
	[sflag:s1] =	ssyncadd.s32 $0xFFFFC180  }
0x93: {  	[spmem:s2] =	stream.indirect.scatter.add.f32 [tilespmem:s30], [sflag:$0x3], $0x80, s22, s29, $0xb8;
	[tilespmem:$0x1C880] =	vst v63  }
0x94: {  	_ =	swait.ge [sflag:s26], $0x3E80  }
0x95: {  	[sflag:s26] =	ssyncset.done $0x0  }
0x96: {  	s23 =	rddreg [dreg:$0x10];
	[sflag:s26] =	ssyncadd.s32 $0xFFFFC180  }
0x97: {  	[tilespmem:s30], [sflag:$0x2] =	stream.indirect.gather [hbm4b:s4+s29], $0x80, s23, s29, $0xb8;
	[tilespmem:$0x1C880] =	vst v63  }
0x98: {  	_ =	swait.ge [sflag:s31], $0x3E80  }
0x99: {  	[sflag:s31] =	ssyncset.done $0x0  }
0x9a: {  	s24 =	rddreg [dreg:$0x11];
	[sflag:s31] =	ssyncadd.s32 $0xFFFFC180  }
0x9b: {  	[spmem:s2] =	stream.indirect.scatter.add.f32 [tilespmem:s25], [sflag:$0x3], $0x80, s24, s29, $0xb8;
	[tilespmem:$0x1C880] =	vst v63  }
0x9c: {  	_ =	swait.ge [sflag:s26], $0x3E80  }
0x9d: {  	[sflag:s26] =	ssyncset.done $0x0  }
0x9e: {  	[sflag:s26] =	ssyncadd.s32 $0xFFFFC180  }
0x9f: {  	[tilespmem:s25], [sflag:$0x1] =	stream.indirect.gather [hbm4b:s4+s29], $0x80, s0, s29, $0xb8;
	[tilespmem:$0x1C880] =	vst v63  }
0xa0: {  	_ =	swait.ge [sflag:s1], $0x3E80  }
0xa1: {  	[sflag:s1] =	ssyncset.done $0x0  }
0xa2: {  	[sflag:s1] =	ssyncadd.s32 $0xFFFFC180  }
0xa3: {  	[spmem:s2] =	stream.indirect.scatter.add.f32 [tilespmem:s30], [sflag:$0x3], $0x80, s5, s29, $0xb8;
	[tilespmem:$0x1C880] =	vst v63  }
0xa4: {  	_ =	swait.ge [sflag:s26], $0x3E80  }
0xa5: {  	[sflag:s26] =	ssyncset.done $0x0  }
0xa6: {  	[sflag:s26] =	ssyncadd.s32 $0xFFFFC180  }
0xa7: {  	[tilespmem:s30], [sflag:$0x2] =	stream.indirect.gather [hbm4b:s4+s29], $0x80, s6, s29, $0xb8;
	[tilespmem:$0x1C880] =	vst v63  }
0xa8: {  	_ =	swait.ge [sflag:s31], $0x3E80  }
0xa9: {  	[sflag:s31] =	ssyncset.done $0x0  }
0xaa: {  	[sflag:s31] =	ssyncadd.s32 $0xFFFFC180  }
0xab: {  	[spmem:s2] =	stream.indirect.scatter.add.f32 [tilespmem:s25], [sflag:$0x3], $0x80, s7, s29, $0xb8;
	[tilespmem:$0x1C880] =	vst v63  }
0xac: {  	_ =	swait.ge [sflag:s26], $0x3E80  }
0xad: {  	[sflag:s26] =	ssyncset.done $0x0  }
0xae: {  	[sflag:s26] =	ssyncadd.s32 $0xFFFFC180  }
0xaf: {  	[tilespmem:s25], [sflag:$0x1] =	stream.indirect.gather [hbm4b:s4+s29], $0x80, s8, s29, $0xb8;
	[tilespmem:$0x1C880] =	vst v63  }
0xb0: {  	_ =	swait.ge [sflag:s1], $0x3E80  }
0xb1: {  	[sflag:s1] =	ssyncset.done $0x0  }
0xb2: {  	[sflag:s1] =	ssyncadd.s32 $0xFFFFC180  }
0xb3: {  	[spmem:s2] =	stream.indirect.scatter.add.f32 [tilespmem:s30], [sflag:$0x3], $0x80, s9, s29, $0xb8;
	[tilespmem:$0x1C880] =	vst v63  }
0xb4: {  	_ =	swait.ge [sflag:s26], $0x3E80  }
0xb5: {  	[sflag:s26] =	ssyncset.done $0x0  }
0xb6: {  	[sflag:s26] =	ssyncadd.s32 $0xFFFFC180  }
0xb7: {  	[tilespmem:s30], [sflag:$0x2] =	stream.indirect.gather [hbm4b:s4+s29], $0x80, s10, s29, $0xb8;
	[tilespmem:$0x1C880] =	vst v63  }
0xb8: {  	_ =	swait.ge [sflag:s31], $0x3E80  }
0xb9: {  	[sflag:s31] =	ssyncset.done $0x0  }
0xba: {  	[sflag:s31] =	ssyncadd.s32 $0xFFFFC180  }
0xbb: {  	[spmem:s2] =	stream.indirect.scatter.add.f32 [tilespmem:s25], [sflag:$0x3], $0x80, s11, s29, $0xb8;
	[tilespmem:$0x1C880] =	vst v63  }
0xbc: {  	_ =	swait.ge [sflag:s26], $0x3E80  }
0xbd: {  	[sflag:s26] =	ssyncset.done $0x0  }
0xbe: {  	[sflag:s26] =	ssyncadd.s32 $0xFFFFC180  }
0xbf: {  	[tilespmem:s25], [sflag:$0x1] =	stream.indirect.gather [hbm4b:s4+s29], $0x80, s12, s29, $0xb8;
	[tilespmem:$0x1C880] =	vst v63  }
0xc0: {  	_ =	swait.ge [sflag:s1], $0x3E80  }
0xc1: {  	[sflag:s1] =	ssyncset.done $0x0  }
0xc2: {  	[sflag:s1] =	ssyncadd.s32 $0xFFFFC180  }
0xc3: {  	[spmem:s2] =	stream.indirect.scatter.add.f32 [tilespmem:s30], [sflag:$0x3], $0x80, s13, s29, $0xb8;
	[tilespmem:$0x1C880] =	vst v63  }
0xc4: {  	_ =	swait.ge [sflag:s26], $0x3E80  }
0xc5: {  	[sflag:s26] =	ssyncset.done $0x0  }
0xc6: {  	[sflag:s26] =	ssyncadd.s32 $0xFFFFC180  }
0xc7: {  	[tilespmem:s30], [sflag:$0x2] =	stream.indirect.gather [hbm4b:s4+s29], $0x80, s14, s29, $0xb8;
	[tilespmem:$0x1C880] =	vst v63  }
0xc8: {  	_ =	swait.ge [sflag:s31], $0x3E80  }
0xc9: {  	[sflag:s31] =	ssyncset.done $0x0  }
0xca: {  	[sflag:s31] =	ssyncadd.s32 $0xFFFFC180  }
0xcb: {  	[spmem:s2] =	stream.indirect.scatter.add.f32 [tilespmem:s25], [sflag:$0x3], $0x80, s15, s29, $0xb8;
	[tilespmem:$0x1C880] =	vst v63  }
0xcc: {  	_ =	swait.ge [sflag:s26], $0x3E80  }
0xcd: {  	[sflag:s26] =	ssyncset.done $0x0  }
0xce: {  	[sflag:s26] =	ssyncadd.s32 $0xFFFFC180  }
0xcf: {  	[tilespmem:s25], [sflag:$0x1] =	stream.indirect.gather [hbm4b:s4+s29], $0x80, s16, s29, $0xb8;
	[tilespmem:$0x1C880] =	vst v63  }
0xd0: {  	_ =	swait.ge [sflag:s1], $0x3E80  }
0xd1: {  	[sflag:s1] =	ssyncset.done $0x0  }
0xd2: {  	[sflag:s1] =	ssyncadd.s32 $0xFFFFC180  }
0xd3: {  	[spmem:s2] =	stream.indirect.scatter.add.f32 [tilespmem:s30], [sflag:$0x3], $0x80, s17, s29, $0xb8;
	[tilespmem:$0x1C880] =	vst v63  }
0xd4: {  	_ =	swait.ge [sflag:s26], $0x3E80  }
0xd5: {  	[sflag:s26] =	ssyncset.done $0x0  }
0xd6: {  	[sflag:s26] =	ssyncadd.s32 $0xFFFFC180  }
0xd7: {  	[tilespmem:s30], [sflag:$0x2] =	stream.indirect.gather [hbm4b:s4+s29], $0x80, s18, s29, $0xb8;
	[tilespmem:$0x1C880] =	vst v63  }
0xd8: {  	_ =	swait.ge [sflag:s31], $0x3E80  }
0xd9: {  	[sflag:s31] =	ssyncset.done $0x0  }
0xda: {  	[sflag:s31] =	ssyncadd.s32 $0xFFFFC180  }
0xdb: {  	[spmem:s2] =	stream.indirect.scatter.add.f32 [tilespmem:s25], [sflag:$0x3], $0x80, s19, s29, $0xb8;
	[tilespmem:$0x1C880] =	vst v63  }
0xdc: {  	_ =	swait.ge [sflag:s26], $0x3E80  }
0xdd: {  	[sflag:s26] =	ssyncset.done $0x0  }
0xde: {  	[sflag:s26] =	ssyncadd.s32 $0xFFFFC180  }
0xdf: {  	_ =	swait.ge [sflag:s1], $0x3E80  }
0xe0: {  	[sflag:s1] =	ssyncset.done $0x0  }
0xe1: {  	[sflag:s1] =	ssyncadd.s32 $0xFFFFC180  }
0xe2: {  	[spmem:s2] =	stream.indirect.scatter.add.f32 [tilespmem:s30], [sflag:$0x3], $0x80, s21, s29, $0xb8;
	[tilespmem:$0x1C880] =	vst v63  }
0xe3: {  	s23 =	simm.s32 $0x100;
	_ =	swait.ge [sflag:s26], $0x3E80  }
0xe4: {  	s24 =	simm.s32 $0x200;
	s20 =	rddreg [dreg:$0x3];
	[sflag:s26] =	ssyncset.done $0x0  }
.LBB2_4:
0xe5: {  	[sflag:s26] =	ssyncadd.s32 $0xFFFFC180;
	s20 =	sadd.s32 s23, s20  }
0xe6: {  	[tilespmem:s3], [sflag:$0x3] =	stream.linear.gather [hbm4b:s20+s3], $0x800, $0x38;
	[tilespmem:$0x1C880] =	vst v63  }
0xe7: {  	_ =	swait.ge [sflag:s26], $0x800  }
0xe8: {  	s20 =	rddreg [dreg:$0x4];
	[sflag:s26] =	ssyncset.done $0x0  }
0xe9: {  	[sflag:s26] =	ssyncadd.s32 $0xFFFFF800;
	s20 =	sadd.s32 s23, s20  }
0xea: {  	[tilespmem:s28], [sflag:$0x3] =	stream.linear.gather [hbm4b:s20+s3], $0x800, $0x38;
	[tilespmem:$0x1C880] =	vst v63  }
0xeb: {  	_ =	swait.ge [sflag:s26], $0x800  }
0xec: {  	[sflag:s26] =	ssyncset.done $0x0  }
0xed: {  	s22 =	smov.u32 s24;
	[sflag:s26] =	ssyncadd.s32 $0xFFFFF800  }
0xee: {  	[tilespmem:s25], [sflag:$0x1] =	stream.indirect.gather [hbm4b:s4+s29], $0x80, s3, s29, $0xb8;
	[tilespmem:$0x1C880] =	vst v63  }
0xef: {  	s23 =	smov.u32 s22;
	s22 =	rddreg [dreg:$0x5]  }
0xf0: {  	[tilespmem:s30], [sflag:$0x2] =	stream.indirect.gather [hbm4b:s4+s29], $0x80, s22, s29, $0xb8;
	[tilespmem:$0x1C880] =	vst v63  }
0xf1: {  	_ =	swait.ge [sflag:s31], $0x3E80  }
0xf2: {  	[sflag:s31] =	ssyncset.done $0x0  }
0xf3: {  	[sflag:s31] =	ssyncadd.s32 $0xFFFFC180  }
0xf4: {  	[spmem:s2] =	stream.indirect.scatter.add.f32 [tilespmem:s25], [sflag:$0x3], $0x80, s28, s29, $0xb8;
	[tilespmem:$0x1C880] =	vst v63  }
0xf5: {  	_ =	swait.ge [sflag:s26], $0x3E80  }
0xf6: {  	[sflag:s26] =	ssyncset.done $0x0  }
0xf7: {  	s22 =	rddreg [dreg:$0x6];
	[sflag:s26] =	ssyncadd.s32 $0xFFFFC180  }
0xf8: {  	[tilespmem:s25], [sflag:$0x1] =	stream.indirect.gather [hbm4b:s4+s29], $0x80, s22, s29, $0xb8;
	[tilespmem:$0x1C880] =	vst v63  }
0xf9: {  	_ =	swait.ge [sflag:s1], $0x3E80  }
0xfa: {  	[sflag:s1] =	ssyncset.done $0x0  }
0xfb: {  	s22 =	rddreg [dreg:$0x7];
	[sflag:s1] =	ssyncadd.s32 $0xFFFFC180  }
0xfc: {  	[spmem:s2] =	stream.indirect.scatter.add.f32 [tilespmem:s30], [sflag:$0x3], $0x80, s22, s29, $0xb8;
	[tilespmem:$0x1C880] =	vst v63  }
0xfd: {  	_ =	swait.ge [sflag:s26], $0x3E80  }
0xfe: {  	[sflag:s26] =	ssyncset.done $0x0  }
0xff: {  	s22 =	rddreg [dreg:$0x8];
	[sflag:s26] =	ssyncadd.s32 $0xFFFFC180  }
0x100: {  	[tilespmem:s30], [sflag:$0x2] =	stream.indirect.gather [hbm4b:s4+s29], $0x80, s22, s29, $0xb8;
	[tilespmem:$0x1C880] =	vst v63  }
0x101: {  	_ =	swait.ge [sflag:s31], $0x3E80  }
0x102: {  	[sflag:s31] =	ssyncset.done $0x0  }
0x103: {  	s22 =	rddreg [dreg:$0x9];
	[sflag:s31] =	ssyncadd.s32 $0xFFFFC180  }
0x104: {  	[spmem:s2] =	stream.indirect.scatter.add.f32 [tilespmem:s25], [sflag:$0x3], $0x80, s22, s29, $0xb8;
	[tilespmem:$0x1C880] =	vst v63  }
0x105: {  	_ =	swait.ge [sflag:s26], $0x3E80  }
0x106: {  	[sflag:s26] =	ssyncset.done $0x0  }
0x107: {  	s22 =	rddreg [dreg:$0xa];
	[sflag:s26] =	ssyncadd.s32 $0xFFFFC180  }
0x108: {  	[tilespmem:s25], [sflag:$0x1] =	stream.indirect.gather [hbm4b:s4+s29], $0x80, s22, s29, $0xb8;
	[tilespmem:$0x1C880] =	vst v63  }
0x109: {  	_ =	swait.ge [sflag:s1], $0x3E80  }
0x10a: {  	[sflag:s1] =	ssyncset.done $0x0  }
0x10b: {  	s22 =	rddreg [dreg:$0xb];
	[sflag:s1] =	ssyncadd.s32 $0xFFFFC180  }
0x10c: {  	[spmem:s2] =	stream.indirect.scatter.add.f32 [tilespmem:s30], [sflag:$0x3], $0x80, s22, s29, $0xb8;
	[tilespmem:$0x1C880] =	vst v63  }
0x10d: {  	_ =	swait.ge [sflag:s26], $0x3E80  }
0x10e: {  	[sflag:s26] =	ssyncset.done $0x0  }
0x10f: {  	s22 =	rddreg [dreg:$0xc];
	[sflag:s26] =	ssyncadd.s32 $0xFFFFC180  }
0x110: {  	[tilespmem:s30], [sflag:$0x2] =	stream.indirect.gather [hbm4b:s4+s29], $0x80, s22, s29, $0xb8;
	[tilespmem:$0x1C880] =	vst v63  }
0x111: {  	_ =	swait.ge [sflag:s31], $0x3E80  }
0x112: {  	[sflag:s31] =	ssyncset.done $0x0  }
0x113: {  	s22 =	rddreg [dreg:$0xd];
	[sflag:s31] =	ssyncadd.s32 $0xFFFFC180  }
0x114: {  	[spmem:s2] =	stream.indirect.scatter.add.f32 [tilespmem:s25], [sflag:$0x3], $0x80, s22, s29, $0xb8;
	[tilespmem:$0x1C880] =	vst v63  }
0x115: {  	_ =	swait.ge [sflag:s26], $0x3E80  }
0x116: {  	[sflag:s26] =	ssyncset.done $0x0  }
0x117: {  	s22 =	rddreg [dreg:$0xe];
	[sflag:s26] =	ssyncadd.s32 $0xFFFFC180  }
0x118: {  	[tilespmem:s25], [sflag:$0x1] =	stream.indirect.gather [hbm4b:s4+s29], $0x80, s22, s29, $0xb8;
	[tilespmem:$0x1C880] =	vst v63  }
0x119: {  	_ =	swait.ge [sflag:s1], $0x3E80  }
0x11a: {  	[sflag:s1] =	ssyncset.done $0x0  }
0x11b: {  	s22 =	rddreg [dreg:$0xf];
	[sflag:s1] =	ssyncadd.s32 $0xFFFFC180  }
0x11c: {  	[spmem:s2] =	stream.indirect.scatter.add.f32 [tilespmem:s30], [sflag:$0x3], $0x80, s22, s29, $0xb8;
	[tilespmem:$0x1C880] =	vst v63  }
0x11d: {  	_ =	swait.ge [sflag:s26], $0x3E80  }
0x11e: {  	[sflag:s26] =	ssyncset.done $0x0  }
0x11f: {  	s22 =	rddreg [dreg:$0x10];
	[sflag:s26] =	ssyncadd.s32 $0xFFFFC180  }
0x120: {  	[tilespmem:s30], [sflag:$0x2] =	stream.indirect.gather [hbm4b:s4+s29], $0x80, s22, s29, $0xb8;
	[tilespmem:$0x1C880] =	vst v63  }
0x121: {  	_ =	swait.ge [sflag:s31], $0x3E80  }
0x122: {  	[sflag:s31] =	ssyncset.done $0x0  }
0x123: {  	s22 =	rddreg [dreg:$0x11];
	[sflag:s31] =	ssyncadd.s32 $0xFFFFC180  }
0x124: {  	[spmem:s2] =	stream.indirect.scatter.add.f32 [tilespmem:s25], [sflag:$0x3], $0x80, s22, s29, $0xb8;
	[tilespmem:$0x1C880] =	vst v63  }
0x125: {  	_ =	swait.ge [sflag:s26], $0x3E80  }
0x126: {  	[sflag:s26] =	ssyncset.done $0x0  }
0x127: {  	[sflag:s26] =	ssyncadd.s32 $0xFFFFC180  }
0x128: {  	[tilespmem:s25], [sflag:$0x1] =	stream.indirect.gather [hbm4b:s4+s29], $0x80, s0, s29, $0xb8;
	[tilespmem:$0x1C880] =	vst v63  }
0x129: {  	_ =	swait.ge [sflag:s1], $0x3E80  }
0x12a: {  	[sflag:s1] =	ssyncset.done $0x0  }
0x12b: {  	[sflag:s1] =	ssyncadd.s32 $0xFFFFC180  }
0x12c: {  	[spmem:s2] =	stream.indirect.scatter.add.f32 [tilespmem:s30], [sflag:$0x3], $0x80, s5, s29, $0xb8;
	[tilespmem:$0x1C880] =	vst v63  }
0x12d: {  	_ =	swait.ge [sflag:s26], $0x3E80  }
0x12e: {  	[sflag:s26] =	ssyncset.done $0x0  }
0x12f: {  	[sflag:s26] =	ssyncadd.s32 $0xFFFFC180  }
0x130: {  	[tilespmem:s30], [sflag:$0x2] =	stream.indirect.gather [hbm4b:s4+s29], $0x80, s6, s29, $0xb8;
	[tilespmem:$0x1C880] =	vst v63  }
0x131: {  	_ =	swait.ge [sflag:s31], $0x3E80  }
0x132: {  	[sflag:s31] =	ssyncset.done $0x0  }
0x133: {  	[sflag:s31] =	ssyncadd.s32 $0xFFFFC180  }
0x134: {  	[spmem:s2] =	stream.indirect.scatter.add.f32 [tilespmem:s25], [sflag:$0x3], $0x80, s7, s29, $0xb8;
	[tilespmem:$0x1C880] =	vst v63  }
0x135: {  	_ =	swait.ge [sflag:s26], $0x3E80  }
0x136: {  	[sflag:s26] =	ssyncset.done $0x0  }
0x137: {  	[sflag:s26] =	ssyncadd.s32 $0xFFFFC180  }
0x138: {  	[tilespmem:s25], [sflag:$0x1] =	stream.indirect.gather [hbm4b:s4+s29], $0x80, s8, s29, $0xb8;
	[tilespmem:$0x1C880] =	vst v63  }
0x139: {  	_ =	swait.ge [sflag:s1], $0x3E80  }
0x13a: {  	[sflag:s1] =	ssyncset.done $0x0  }
0x13b: {  	[sflag:s1] =	ssyncadd.s32 $0xFFFFC180  }
0x13c: {  	[spmem:s2] =	stream.indirect.scatter.add.f32 [tilespmem:s30], [sflag:$0x3], $0x80, s9, s29, $0xb8;
	[tilespmem:$0x1C880] =	vst v63  }
0x13d: {  	_ =	swait.ge [sflag:s26], $0x3E80  }
0x13e: {  	[sflag:s26] =	ssyncset.done $0x0  }
0x13f: {  	[sflag:s26] =	ssyncadd.s32 $0xFFFFC180  }
0x140: {  	[tilespmem:s30], [sflag:$0x2] =	stream.indirect.gather [hbm4b:s4+s29], $0x80, s10, s29, $0xb8;
	[tilespmem:$0x1C880] =	vst v63  }
0x141: {  	_ =	swait.ge [sflag:s31], $0x3E80  }
0x142: {  	[sflag:s31] =	ssyncset.done $0x0  }
0x143: {  	[sflag:s31] =	ssyncadd.s32 $0xFFFFC180  }
0x144: {  	[spmem:s2] =	stream.indirect.scatter.add.f32 [tilespmem:s25], [sflag:$0x3], $0x80, s11, s29, $0xb8;
	[tilespmem:$0x1C880] =	vst v63  }
0x145: {  	_ =	swait.ge [sflag:s26], $0x3E80  }
0x146: {  	[sflag:s26] =	ssyncset.done $0x0  }
0x147: {  	[sflag:s26] =	ssyncadd.s32 $0xFFFFC180  }
0x148: {  	[tilespmem:s25], [sflag:$0x1] =	stream.indirect.gather [hbm4b:s4+s29], $0x80, s12, s29, $0xb8;
	[tilespmem:$0x1C880] =	vst v63  }
0x149: {  	_ =	swait.ge [sflag:s1], $0x3E80  }
0x14a: {  	[sflag:s1] =	ssyncset.done $0x0  }
0x14b: {  	[sflag:s1] =	ssyncadd.s32 $0xFFFFC180  }
0x14c: {  	[spmem:s2] =	stream.indirect.scatter.add.f32 [tilespmem:s30], [sflag:$0x3], $0x80, s13, s29, $0xb8;
	[tilespmem:$0x1C880] =	vst v63  }
0x14d: {  	_ =	swait.ge [sflag:s26], $0x3E80  }
0x14e: {  	[sflag:s26] =	ssyncset.done $0x0  }
0x14f: {  	[sflag:s26] =	ssyncadd.s32 $0xFFFFC180  }
0x150: {  	[tilespmem:s30], [sflag:$0x2] =	stream.indirect.gather [hbm4b:s4+s29], $0x80, s14, s29, $0xb8;
	[tilespmem:$0x1C880] =	vst v63  }
0x151: {  	_ =	swait.ge [sflag:s31], $0x3E80  }
0x152: {  	[sflag:s31] =	ssyncset.done $0x0  }
0x153: {  	[sflag:s31] =	ssyncadd.s32 $0xFFFFC180  }
0x154: {  	[spmem:s2] =	stream.indirect.scatter.add.f32 [tilespmem:s25], [sflag:$0x3], $0x80, s15, s29, $0xb8;
	[tilespmem:$0x1C880] =	vst v63  }
0x155: {  	_ =	swait.ge [sflag:s26], $0x3E80  }
0x156: {  	[sflag:s26] =	ssyncset.done $0x0  }
0x157: {  	[sflag:s26] =	ssyncadd.s32 $0xFFFFC180  }
0x158: {  	[tilespmem:s25], [sflag:$0x1] =	stream.indirect.gather [hbm4b:s4+s29], $0x80, s16, s29, $0xb8;
	[tilespmem:$0x1C880] =	vst v63  }
0x159: {  	_ =	swait.ge [sflag:s1], $0x3E80  }
0x15a: {  	[sflag:s1] =	ssyncset.done $0x0  }
0x15b: {  	[sflag:s1] =	ssyncadd.s32 $0xFFFFC180  }
0x15c: {  	[spmem:s2] =	stream.indirect.scatter.add.f32 [tilespmem:s30], [sflag:$0x3], $0x80, s17, s29, $0xb8;
	[tilespmem:$0x1C880] =	vst v63  }
0x15d: {  	_ =	swait.ge [sflag:s26], $0x3E80  }
0x15e: {  	[sflag:s26] =	ssyncset.done $0x0  }
0x15f: {  	[sflag:s26] =	ssyncadd.s32 $0xFFFFC180  }
0x160: {  	[tilespmem:s30], [sflag:$0x2] =	stream.indirect.gather [hbm4b:s4+s29], $0x80, s18, s29, $0xb8;
	[tilespmem:$0x1C880] =	vst v63  }
0x161: {  	_ =	swait.ge [sflag:s31], $0x3E80  }
0x162: {  	[sflag:s31] =	ssyncset.done $0x0  }
0x163: {  	[sflag:s31] =	ssyncadd.s32 $0xFFFFC180  }
0x164: {  	[spmem:s2] =	stream.indirect.scatter.add.f32 [tilespmem:s25], [sflag:$0x3], $0x80, s19, s29, $0xb8;
	[tilespmem:$0x1C880] =	vst v63  }
0x165: {  	_ =	swait.ge [sflag:s26], $0x3E80  }
0x166: {  	[sflag:s26] =	ssyncset.done $0x0  }
0x167: {  	[sflag:s26] =	ssyncadd.s32 $0xFFFFC180  }
0x168: {  	p1 =	sne.s32 s24, $0x900;
	_ =	swait.ge [sflag:s1], $0x3E80  }
.Ltmp1:
0x169: {  	[sflag:s1] =	ssyncset.done $0x0;
	(pc) =	sbr.rel @p1 .LBB2_4-.Ltmp1, $4  }
0x16a: {  	[sflag:s1] =	ssyncadd.s32 $0xFFFFC180  }
0x16b: {  	[spmem:s2] =	stream.indirect.scatter.add.f32 [tilespmem:s30], [sflag:$0x3], $0x80, s21, s29, $0xb8;
	[tilespmem:$0x1C880] =	vst v63  }
0x16c: {  	_ =	swait.ge [sflag:s26], $0x3E80  }
0x16d: {  	s24 =	sadd.s32 $0x100, s24;
	s20 =	rddreg [dreg:$0x3];
	[sflag:s26] =	ssyncset.done $0x0  }
0x16e: {  	[sflag:s26] =	ssyncadd.s32 $0xFFFFC180;
	s20 =	sadd.s32 s23, s20  }
0x16f: {  	[tilespmem:s3], [sflag:$0x3] =	stream.linear.gather [hbm4b:s20+s3], $0x800, $0x38;
	[tilespmem:$0x1C880] =	vst v63  }
0x170: {  	_ =	swait.ge [sflag:s26], $0x800  }
0x171: {  	s22 =	rddreg [dreg:$0x4];
	[sflag:s26] =	ssyncset.done $0x0  }
0x172: {  	[sflag:s26] =	ssyncadd.s32 $0xFFFFF800;
	s20 =	sadd.s32 s23, s22  }
0x173: {  	[tilespmem:s28], [sflag:$0x3] =	stream.linear.gather [hbm4b:s20+s3], $0x800, $0x38;
	[tilespmem:$0x1C880] =	vst v63  }
0x174: {  	_ =	swait.ge [sflag:s26], $0x800  }
0x175: {  	[sflag:s26] =	ssyncset.done $0x0  }
0x176: {  	[sflag:s26] =	ssyncadd.s32 $0xFFFFF800  }
0x177: {  	[tilespmem:s25], [sflag:$0x1] =	stream.indirect.gather [hbm4b:s4+s29], $0x80, s3, s29, $0xb8;
	[tilespmem:$0x1C880] =	vst v63  }
0x178: {  	s23 =	rddreg [dreg:$0x5]  }
0x179: {  	[tilespmem:s30], [sflag:$0x2] =	stream.indirect.gather [hbm4b:s4+s29], $0x80, s23, s29, $0xb8;
	[tilespmem:$0x1C880] =	vst v63  }
0x17a: {  	_ =	swait.ge [sflag:s31], $0x3E80  }
0x17b: {  	[sflag:s31] =	ssyncset.done $0x0  }
0x17c: {  	[sflag:s31] =	ssyncadd.s32 $0xFFFFC180  }
0x17d: {  	[spmem:s2] =	stream.indirect.scatter.add.f32 [tilespmem:s25], [sflag:$0x3], $0x80, s28, s29, $0xb8;
	[tilespmem:$0x1C880] =	vst v63  }
0x17e: {  	_ =	swait.ge [sflag:s26], $0x3E80  }
0x17f: {  	[sflag:s26] =	ssyncset.done $0x0  }
0x180: {  	s24 =	rddreg [dreg:$0x6];
	[sflag:s26] =	ssyncadd.s32 $0xFFFFC180  }
0x181: {  	[tilespmem:s25], [sflag:$0x1] =	stream.indirect.gather [hbm4b:s4+s29], $0x80, s24, s29, $0xb8;
	[tilespmem:$0x1C880] =	vst v63  }
0x182: {  	_ =	swait.ge [sflag:s1], $0x3E80  }
0x183: {  	[sflag:s1] =	ssyncset.done $0x0  }
0x184: {  	s22 =	rddreg [dreg:$0x7];
	[sflag:s1] =	ssyncadd.s32 $0xFFFFC180  }
0x185: {  	[spmem:s2] =	stream.indirect.scatter.add.f32 [tilespmem:s30], [sflag:$0x3], $0x80, s22, s29, $0xb8;
	[tilespmem:$0x1C880] =	vst v63  }
0x186: {  	_ =	swait.ge [sflag:s26], $0x3E80  }
0x187: {  	[sflag:s26] =	ssyncset.done $0x0  }
0x188: {  	s23 =	rddreg [dreg:$0x8];
	[sflag:s26] =	ssyncadd.s32 $0xFFFFC180  }
0x189: {  	[tilespmem:s30], [sflag:$0x2] =	stream.indirect.gather [hbm4b:s4+s29], $0x80, s23, s29, $0xb8;
	[tilespmem:$0x1C880] =	vst v63  }
0x18a: {  	_ =	swait.ge [sflag:s31], $0x3E80  }
0x18b: {  	[sflag:s31] =	ssyncset.done $0x0  }
0x18c: {  	s24 =	rddreg [dreg:$0x9];
	[sflag:s31] =	ssyncadd.s32 $0xFFFFC180  }
0x18d: {  	[spmem:s2] =	stream.indirect.scatter.add.f32 [tilespmem:s25], [sflag:$0x3], $0x80, s24, s29, $0xb8;
	[tilespmem:$0x1C880] =	vst v63  }
0x18e: {  	_ =	swait.ge [sflag:s26], $0x3E80  }
0x18f: {  	[sflag:s26] =	ssyncset.done $0x0  }
0x190: {  	s22 =	rddreg [dreg:$0xa];
	[sflag:s26] =	ssyncadd.s32 $0xFFFFC180  }
0x191: {  	[tilespmem:s25], [sflag:$0x1] =	stream.indirect.gather [hbm4b:s4+s29], $0x80, s22, s29, $0xb8;
	[tilespmem:$0x1C880] =	vst v63  }
0x192: {  	_ =	swait.ge [sflag:s1], $0x3E80  }
0x193: {  	[sflag:s1] =	ssyncset.done $0x0  }
0x194: {  	s23 =	rddreg [dreg:$0xb];
	[sflag:s1] =	ssyncadd.s32 $0xFFFFC180  }
0x195: {  	[spmem:s2] =	stream.indirect.scatter.add.f32 [tilespmem:s30], [sflag:$0x3], $0x80, s23, s29, $0xb8;
	[tilespmem:$0x1C880] =	vst v63  }
0x196: {  	_ =	swait.ge [sflag:s26], $0x3E80  }
0x197: {  	[sflag:s26] =	ssyncset.done $0x0  }
0x198: {  	s24 =	rddreg [dreg:$0xc];
	[sflag:s26] =	ssyncadd.s32 $0xFFFFC180  }
0x199: {  	[tilespmem:s30], [sflag:$0x2] =	stream.indirect.gather [hbm4b:s4+s29], $0x80, s24, s29, $0xb8;
	[tilespmem:$0x1C880] =	vst v63  }
0x19a: {  	_ =	swait.ge [sflag:s31], $0x3E80  }
0x19b: {  	[sflag:s31] =	ssyncset.done $0x0  }
0x19c: {  	s22 =	rddreg [dreg:$0xd];
	[sflag:s31] =	ssyncadd.s32 $0xFFFFC180  }
0x19d: {  	[spmem:s2] =	stream.indirect.scatter.add.f32 [tilespmem:s25], [sflag:$0x3], $0x80, s22, s29, $0xb8;
	[tilespmem:$0x1C880] =	vst v63  }
0x19e: {  	_ =	swait.ge [sflag:s26], $0x3E80  }
0x19f: {  	[sflag:s26] =	ssyncset.done $0x0  }
0x1a0: {  	s23 =	rddreg [dreg:$0xe];
	[sflag:s26] =	ssyncadd.s32 $0xFFFFC180  }
0x1a1: {  	[tilespmem:s25], [sflag:$0x1] =	stream.indirect.gather [hbm4b:s4+s29], $0x80, s23, s29, $0xb8;
	[tilespmem:$0x1C880] =	vst v63  }
0x1a2: {  	_ =	swait.ge [sflag:s1], $0x3E80  }
0x1a3: {  	[sflag:s1] =	ssyncset.done $0x0  }
0x1a4: {  	s24 =	rddreg [dreg:$0xf];
	[sflag:s1] =	ssyncadd.s32 $0xFFFFC180  }
0x1a5: {  	[spmem:s2] =	stream.indirect.scatter.add.f32 [tilespmem:s30], [sflag:$0x3], $0x80, s24, s29, $0xb8;
	[tilespmem:$0x1C880] =	vst v63  }
0x1a6: {  	_ =	swait.ge [sflag:s26], $0x3E80  }
0x1a7: {  	[sflag:s26] =	ssyncset.done $0x0  }
0x1a8: {  	s22 =	rddreg [dreg:$0x10];
	[sflag:s26] =	ssyncadd.s32 $0xFFFFC180  }
0x1a9: {  	[tilespmem:s30], [sflag:$0x2] =	stream.indirect.gather [hbm4b:s4+s29], $0x80, s22, s29, $0xb8;
	[tilespmem:$0x1C880] =	vst v63  }
0x1aa: {  	_ =	swait.ge [sflag:s31], $0x3E80  }
0x1ab: {  	[sflag:s31] =	ssyncset.done $0x0  }
0x1ac: {  	s23 =	rddreg [dreg:$0x11];
	[sflag:s31] =	ssyncadd.s32 $0xFFFFC180  }
0x1ad: {  	[spmem:s2] =	stream.indirect.scatter.add.f32 [tilespmem:s25], [sflag:$0x3], $0x80, s23, s29, $0xb8;
	[tilespmem:$0x1C880] =	vst v63  }
0x1ae: {  	_ =	swait.ge [sflag:s26], $0x3E80  }
0x1af: {  	[sflag:s26] =	ssyncset.done $0x0  }
0x1b0: {  	[sflag:s26] =	ssyncadd.s32 $0xFFFFC180  }
0x1b1: {  	[tilespmem:s25], [sflag:$0x1] =	stream.indirect.gather [hbm4b:s4+s29], $0x80, s0, s29, $0xb8;
	[tilespmem:$0x1C880] =	vst v63  }
0x1b2: {  	_ =	swait.ge [sflag:s1], $0x3E80  }
0x1b3: {  	[sflag:s1] =	ssyncset.done $0x0  }
0x1b4: {  	[sflag:s1] =	ssyncadd.s32 $0xFFFFC180  }
0x1b5: {  	[spmem:s2] =	stream.indirect.scatter.add.f32 [tilespmem:s30], [sflag:$0x3], $0x80, s5, s29, $0xb8;
	[tilespmem:$0x1C880] =	vst v63  }
0x1b6: {  	_ =	swait.ge [sflag:s26], $0x3E80  }
0x1b7: {  	[sflag:s26] =	ssyncset.done $0x0  }
0x1b8: {  	[sflag:s26] =	ssyncadd.s32 $0xFFFFC180  }
0x1b9: {  	[tilespmem:s30], [sflag:$0x2] =	stream.indirect.gather [hbm4b:s4+s29], $0x80, s6, s29, $0xb8;
	[tilespmem:$0x1C880] =	vst v63  }
0x1ba: {  	_ =	swait.ge [sflag:s31], $0x3E80  }
0x1bb: {  	[sflag:s31] =	ssyncset.done $0x0  }
0x1bc: {  	[sflag:s31] =	ssyncadd.s32 $0xFFFFC180  }
0x1bd: {  	[spmem:s2] =	stream.indirect.scatter.add.f32 [tilespmem:s25], [sflag:$0x3], $0x80, s7, s29, $0xb8;
	[tilespmem:$0x1C880] =	vst v63  }
0x1be: {  	_ =	swait.ge [sflag:s26], $0x3E80  }
0x1bf: {  	[sflag:s26] =	ssyncset.done $0x0  }
0x1c0: {  	[sflag:s26] =	ssyncadd.s32 $0xFFFFC180  }
0x1c1: {  	[tilespmem:s25], [sflag:$0x1] =	stream.indirect.gather [hbm4b:s4+s29], $0x80, s8, s29, $0xb8;
	[tilespmem:$0x1C880] =	vst v63  }
0x1c2: {  	_ =	swait.ge [sflag:s1], $0x3E80  }
0x1c3: {  	[sflag:s1] =	ssyncset.done $0x0  }
0x1c4: {  	[sflag:s1] =	ssyncadd.s32 $0xFFFFC180  }
0x1c5: {  	[spmem:s2] =	stream.indirect.scatter.add.f32 [tilespmem:s30], [sflag:$0x3], $0x80, s9, s29, $0xb8;
	[tilespmem:$0x1C880] =	vst v63  }
0x1c6: {  	_ =	swait.ge [sflag:s26], $0x3E80  }
0x1c7: {  	[sflag:s26] =	ssyncset.done $0x0  }
0x1c8: {  	[sflag:s26] =	ssyncadd.s32 $0xFFFFC180  }
0x1c9: {  	[tilespmem:s30], [sflag:$0x2] =	stream.indirect.gather [hbm4b:s4+s29], $0x80, s10, s29, $0xb8;
	[tilespmem:$0x1C880] =	vst v63  }
0x1ca: {  	_ =	swait.ge [sflag:s31], $0x3E80  }
0x1cb: {  	[sflag:s31] =	ssyncset.done $0x0  }
0x1cc: {  	[sflag:s31] =	ssyncadd.s32 $0xFFFFC180  }
0x1cd: {  	[spmem:s2] =	stream.indirect.scatter.add.f32 [tilespmem:s25], [sflag:$0x3], $0x80, s11, s29, $0xb8;
	[tilespmem:$0x1C880] =	vst v63  }
0x1ce: {  	_ =	swait.ge [sflag:s26], $0x3E80  }
0x1cf: {  	[sflag:s26] =	ssyncset.done $0x0  }
0x1d0: {  	[sflag:s26] =	ssyncadd.s32 $0xFFFFC180  }
0x1d1: {  	[tilespmem:s25], [sflag:$0x1] =	stream.indirect.gather [hbm4b:s4+s29], $0x80, s12, s29, $0xb8;
	[tilespmem:$0x1C880] =	vst v63  }
0x1d2: {  	_ =	swait.ge [sflag:s1], $0x3E80  }
0x1d3: {  	[sflag:s1] =	ssyncset.done $0x0  }
0x1d4: {  	[sflag:s1] =	ssyncadd.s32 $0xFFFFC180  }
0x1d5: {  	[spmem:s2] =	stream.indirect.scatter.add.f32 [tilespmem:s30], [sflag:$0x3], $0x80, s13, s29, $0xb8;
	[tilespmem:$0x1C880] =	vst v63  }
0x1d6: {  	_ =	swait.ge [sflag:s26], $0x3E80  }
0x1d7: {  	[sflag:s26] =	ssyncset.done $0x0  }
0x1d8: {  	[sflag:s26] =	ssyncadd.s32 $0xFFFFC180  }
0x1d9: {  	[tilespmem:s30], [sflag:$0x2] =	stream.indirect.gather [hbm4b:s4+s29], $0x80, s14, s29, $0xb8;
	[tilespmem:$0x1C880] =	vst v63  }
0x1da: {  	_ =	swait.ge [sflag:s31], $0x3E80  }
0x1db: {  	[sflag:s31] =	ssyncset.done $0x0  }
0x1dc: {  	[sflag:s31] =	ssyncadd.s32 $0xFFFFC180  }
0x1dd: {  	[spmem:s2] =	stream.indirect.scatter.add.f32 [tilespmem:s25], [sflag:$0x3], $0x80, s15, s29, $0xb8;
	[tilespmem:$0x1C880] =	vst v63  }
0x1de: {  	_ =	swait.ge [sflag:s26], $0x3E80  }
0x1df: {  	[sflag:s26] =	ssyncset.done $0x0  }
0x1e0: {  	[sflag:s26] =	ssyncadd.s32 $0xFFFFC180  }
0x1e1: {  	[tilespmem:s25], [sflag:$0x1] =	stream.indirect.gather [hbm4b:s4+s29], $0x80, s16, s29, $0xb8;
	[tilespmem:$0x1C880] =	vst v63  }
0x1e2: {  	_ =	swait.ge [sflag:s1], $0x3E80  }
0x1e3: {  	[sflag:s1] =	ssyncset.done $0x0  }
0x1e4: {  	[sflag:s1] =	ssyncadd.s32 $0xFFFFC180  }
0x1e5: {  	[spmem:s2] =	stream.indirect.scatter.add.f32 [tilespmem:s30], [sflag:$0x3], $0x80, s17, s29, $0xb8;
	[tilespmem:$0x1C880] =	vst v63  }
0x1e6: {  	_ =	swait.ge [sflag:s26], $0x3E80  }
0x1e7: {  	[sflag:s26] =	ssyncset.done $0x0  }
0x1e8: {  	[sflag:s26] =	ssyncadd.s32 $0xFFFFC180  }
0x1e9: {  	[tilespmem:s30], [sflag:$0x2] =	stream.indirect.gather [hbm4b:s4+s29], $0x80, s18, s29, $0xb8;
	[tilespmem:$0x1C880] =	vst v63  }
0x1ea: {  	_ =	swait.ge [sflag:s31], $0x3E80  }
0x1eb: {  	[sflag:s31] =	ssyncset.done $0x0  }
0x1ec: {  	[sflag:s31] =	ssyncadd.s32 $0xFFFFC180  }
0x1ed: {  	[spmem:s2] =	stream.indirect.scatter.add.f32 [tilespmem:s25], [sflag:$0x3], $0x80, s19, s29, $0xb8;
	[tilespmem:$0x1C880] =	vst v63  }
0x1ee: {  	_ =	swait.ge [sflag:s26], $0x3E80  }
0x1ef: {  	[sflag:s26] =	ssyncset.done $0x0  }
0x1f0: {  	[sflag:s26] =	ssyncadd.s32 $0xFFFFC180  }
0x1f1: {  	_ =	swait.ge [sflag:s1], $0x3E80  }
0x1f2: {  	[sflag:s1] =	ssyncset.done $0x0  }
0x1f3: {  	[sflag:s1] =	ssyncadd.s32 $0xFFFFC180  }
0x1f4: {  	[spmem:s2] =	stream.indirect.scatter.add.f32 [tilespmem:s30], [sflag:$0x3], $0x80, s21, s29, $0xb8;
	[tilespmem:$0x1C880] =	vst v63  }
0x1f5: {  	_ =	swait.ge [sflag:s26], $0x3E80  }
0x1f6: {  	[sflag:s26] =	ssyncset.done $0x0  }
0x1f7: {  	[sflag:s26] =	ssyncadd.s32 $0xFFFFC180  }
0x1f8: {  	[bflag:$0x0] =	sbarrier.arrive $0xFFFF  }
0x1f9: {  	s24 =	rddreg [dreg:$0x12]  }
0x1fa: {  	[tilespmem:s25], [sflag:$0x3] =	stream.linear.gather [spmem:s24], $0x3C00, $0x38;
	[tilespmem:$0x1C880] =	vst v63  }
0x1fb: {  	_ =	swait.ge [sflag:s26], $0x3C00  }
0x1fc: {  	[sflag:s26] =	ssyncset.done $0x0  }
0x1fd: {  	s22 =	rddreg [dreg:$0x13];
	[sflag:s26] =	ssyncadd.s32 $0xFFFFC400  }
0x1fe: {  	[hbm4b:s22+s3] =	stream.linear.scatter [tilespmem:s25], [sflag:$0x3], $0x3C00, $0x38;
	[tilespmem:$0x1C880] =	vst v63  }
0x1ff: {  	_ =	swait.ge [sflag:s26], $0x3C00  }
0x200: {  	[sflag:s26] =	ssyncset.done $0x0  }
0x201: {  	s23 =	rddreg [dreg:$0x14];
	[sflag:s26] =	ssyncadd.s32 $0xFFFFC400  }
0x202: {  	[tilespmem:s25], [sflag:$0x3] =	stream.linear.gather [spmem:s23], $0x3C00, $0x38;
	[tilespmem:$0x1C880] =	vst v63  }
0x203: {  	_ =	swait.ge [sflag:s26], $0x3C00  }
0x204: {  	[sflag:s26] =	ssyncset.done $0x0  }
0x205: {  	s24 =	rddreg [dreg:$0x15];
	[sflag:s26] =	ssyncadd.s32 $0xFFFFC400  }
0x206: {  	[hbm4b:s24+s3] =	stream.linear.scatter [tilespmem:s25], [sflag:$0x3], $0x3C00, $0x38;
	[tilespmem:$0x1C880] =	vst v63  }
0x207: {  	_ =	swait.ge [sflag:s26], $0x3C00  }
0x208: {  	[sflag:s26] =	ssyncset.done $0x0  }
0x209: {  	s22 =	rddreg [dreg:$0x16];
	[sflag:s26] =	ssyncadd.s32 $0xFFFFC400  }
0x20a: {  	[tilespmem:s25], [sflag:$0x3] =	stream.linear.gather [spmem:s22], $0x3C00, $0x38;
	[tilespmem:$0x1C880] =	vst v63  }
0x20b: {  	_ =	swait.ge [sflag:s26], $0x3C00  }
0x20c: {  	[sflag:s26] =	ssyncset.done $0x0  }
0x20d: {  	s23 =	rddreg [dreg:$0x17];
	[sflag:s26] =	ssyncadd.s32 $0xFFFFC400  }
0x20e: {  	[hbm4b:s23+s3] =	stream.linear.scatter [tilespmem:s25], [sflag:$0x3], $0x3C00, $0x38;
	[tilespmem:$0x1C880] =	vst v63  }
0x20f: {  	_ =	swait.ge [sflag:s26], $0x3C00  }
0x210: {  	[sflag:s26] =	ssyncset.done $0x0  }
0x211: {  	s24 =	rddreg [dreg:$0x18];
	[sflag:s26] =	ssyncadd.s32 $0xFFFFC400  }
0x212: {  	[tilespmem:s25], [sflag:$0x3] =	stream.linear.gather [spmem:s24], $0x3C00, $0x38;
	[tilespmem:$0x1C880] =	vst v63  }
0x213: {  	_ =	swait.ge [sflag:s26], $0x3C00  }
0x214: {  	[sflag:s26] =	ssyncset.done $0x0  }
0x215: {  	s22 =	rddreg [dreg:$0x19];
	[sflag:s26] =	ssyncadd.s32 $0xFFFFC400  }
0x216: {  	[hbm4b:s22+s3] =	stream.linear.scatter [tilespmem:s25], [sflag:$0x3], $0x3C00, $0x38;
	[tilespmem:$0x1C880] =	vst v63  }
0x217: {  	_ =	swait.ge [sflag:s26], $0x3C00  }
0x218: {  	[sflag:s26] =	ssyncset.done $0x0  }
0x219: {  	s23 =	rddreg [dreg:$0x1a];
	[sflag:s26] =	ssyncadd.s32 $0xFFFFC400  }
0x21a: {  	[tilespmem:s25], [sflag:$0x3] =	stream.linear.gather [spmem:s23], $0x3C00, $0x38;
	[tilespmem:$0x1C880] =	vst v63  }
0x21b: {  	_ =	swait.ge [sflag:s26], $0x3C00  }
0x21c: {  	[sflag:s26] =	ssyncset.done $0x0  }
0x21d: {  	s24 =	rddreg [dreg:$0x1b];
	[sflag:s26] =	ssyncadd.s32 $0xFFFFC400  }
0x21e: {  	[hbm4b:s24+s3] =	stream.linear.scatter [tilespmem:s25], [sflag:$0x3], $0x3C00, $0x38;
	[tilespmem:$0x1C880] =	vst v63  }
0x21f: {  	_ =	swait.ge [sflag:s26], $0x3C00  }
0x220: {  	[sflag:s26] =	ssyncset.done $0x0  }
0x221: {  	s20 =	simm.s32 @p0 $0x1000;
	s22 =	rddreg [dreg:$0x1e];
	[sflag:s26] =	ssyncadd.s32 $0xFFFFC400  }
0x222: {  	[tilespmem:s20], [sflag:$0x3] =	stream.linear.gather @p0 [spmem:s22], $0x1400, $0x38;
	[tilespmem:$0x1C880] =	vst v63  }
0x223: {  	s22 =	simm.s32 @p0 $0x3  }
0x224: {  	_ =	swait.ge @p0 [sflag:s22], $0x1400  }
0x225: {  	[sflag:s22] =	ssyncset.done @p0 $0x0  }
0x226: {  	s23 =	simm.s32 @p0 $0x0;
	s24 =	rddreg [dreg:$0x1f];
	[sflag:s22] =	ssyncadd.s32 @p0 $0xFFFFEC00  }
0x227: {  	[hbm4b:s24+s23] =	stream.linear.scatter @p0 [tilespmem:s20], [sflag:$0x3], $0x1400, $0x38;
	[tilespmem:$0x1C880] =	vst v63  }
0x228: {  	_ =	swait.ge @p0 [sflag:s22], $0x1400  }
0x229: {  	[sflag:s22] =	ssyncset.done @p0 $0x0  }
0x22a: {  	s20 =	simm.s32 @!p0 $0x1000;
	[sflag:s22] =	ssyncadd.s32 @p0 $0xFFFFEC00;
	s22 =	rddreg [dreg:$0x1c]  }
0x22b: {  	[tilespmem:s20], [sflag:$0x3] =	stream.linear.gather @!p0 [spmem:s22], $0xC00, $0x38;
	[tilespmem:$0x1C880] =	vst v63  }
0x22c: {  	s22 =	simm.s32 @!p0 $0x3  }
0x22d: {  	_ =	swait.ge @!p0 [sflag:s22], $0xC00  }
0x22e: {  	[sflag:s22] =	ssyncset.done @!p0 $0x0  }
0x22f: {  	s23 =	simm.s32 @!p0 $0x0;
	s24 =	rddreg [dreg:$0x1d];
	[sflag:s22] =	ssyncadd.s32 @!p0 $0xFFFFF400  }
0x230: {  	[hbm4b:s24+s23] =	stream.linear.scatter @!p0 [tilespmem:s20], [sflag:$0x3], $0xC00, $0x38;
	[tilespmem:$0x1C880] =	vst v63  }
0x231: {  	_ =	swait.ge @!p0 [sflag:s22], $0xC00  }
0x232: {  	s20 =	sld [smem:$0x7F7]  }
0x233: {  	s24 =	sld [smem:$0x7F8];
	_ =	sdelay $0x1  }
0x234: {  	s23 =	sadd.s32 $0x1, s20  }
0x235: {  	p1 =	sne.s32 s23, s24  }
.Ltmp2:
0x236: {  	_ = 	snop;
	(pc) =	sbr.rel @p1 .LBB2_1-.Ltmp2, $3  }
0x237: {  	_ =	sdelay $0x1  }
0x238: {  	[sflag:s22] =	ssyncset.done @!p0 $0x0  }
0x239: {  	[sflag:s22] =	ssyncadd.s32 @!p0 $0xFFFFF400  }
0x23a: {  	_ =	sfence.sel $0x180000  }
0x23b: {  	[bflag:$0x0] =	sbarrier.arrive $0xFFFF  }
0x23c: {  	_ =	strace $0x90000050  }
0x23d: {  	s0 =	stileid.u32;
	[bflag:$0x2] =	sbarrier.arrive $0xFFFF  }
0x23e: {  	p0 =	sne.s32 s0, $0x0;
	s0 =	rddreg [dreg:$0x2]  }
0x23f: {  	s0 =	sadd.s32 @!p0 $0x100000, s0  }
0x240: {  	[sflag:s0] =	ssyncadd.tile.s32 @!p0 $0x1;
	_ =	shalt  }
.Lfunc_end2:
_tile_overlayer_lowered:
.L_overlay_start_2:
0x241: {  	(tag) =	ssettag $0x2  }
0x242: {  	s0 =	rddreg [dreg:$0x0];
	s2 =	stileid.u32  }
0x243: {  	s1 =	rddreg [dreg:$0x1];
	p0 =	sne.s32 s2, $0x0  }
0x244: {  	s3 =	rddreg [dreg:$0x2];
	[bflag:$0x3] =	sbarrier.arrive $0xFFFF;
	s2 =	simm.s32 @!p0 $0x1C03  }
0x245: {  	[timem:s3], [sflag:s2] =	dma.local @!p0 [hbm:s0], s1  }
0x246: {  	s0 =	simm.s32 @!p0 $0x3  }
0x247: {  	_ =	swait.ge @!p0 [sflag:s0], s1  }
0x248: {  	s1 =	ssub.s32 @!p0 $0x0, s1;
	[sflag:s0] =	ssyncset.done @!p0 $0x0  }
0x249: {  	[sflag:s0] =	ssyncadd.s32 @!p0 s1  }
0x24a: {  	[bflag:$0x3] =	sbarrier.arrive $0xFFFF  }
0x24b: {  	_ =	shalt  }

// kernel: kernel.8.cloned.1.call-start
scs
__scs_entry_jumppad:
0x0: {  	(pc) =	sbr.rel $0x88, $3  }
0x1: {  	(tag) =	ssettag $0x0;
	lr =	simm.s32 $0x1  }
0x2: {  	[smem:$0x3F99] =	sst lr;
	_ =	strace $0xD0000000  }
0x3: {  	_ = 	snop  }
0x4: {  	_ = 	snop  }
0x5: {  	_ = 	snop  }
0x6: {  	_ = 	snop  }
0x7: {  	_ = 	snop  }
__scs_overlays_trampoline_lowered:
0x8: {  	[smem:$0x3FA8] =	sst s0  }
0x9: {  	[smem:$0x3FA9] =	sst s1  }
0xa: {  	[smem:$0x3FAA] =	sst s2  }
0xb: {  	[smem:$0x3FAB] =	sst s3  }
0xc: {  	[smem:$0x3FAC] =	sst s4  }
0xd: {  	[smem:$0x3FAD] =	sst s5  }
0xe: {  	[smem:$0x3FAE] =	sst s6  }
0xf: {  	[smem:$0x3FAF] =	sst s7  }
0x10: {  	[smem:$0x3FB0] =	sst s8  }
0x11: {  	[smem:$0x3FB1] =	sst s9;
	s0 =	simm.s32 @!p0 $0x0  }
0x12: {  	s1 =	sld [smem:$0x3F97];
	s0 =	simm.s32 @p0 $0x1  }
0x13: {  	[smem:$0x3FB2] =	sst s0;
	s0 =	simm.s32 @!p1 $0x0  }
0x14: {  	s2 =	sld [smem:$0x3F96];
	s0 =	simm.s32 @p1 $0x1  }
0x15: {  	[smem:$0x3FB3] =	sst s0;
	s0 =	simm.s32 @!p2 $0x0  }
0x16: {  	s3 =	sld [smem:$0x3FDB];
	s0 =	simm.s32 @p2 $0x1  }
0x17: {  	s4 =	simm.s32 $0x1BF5;
	[smem:$0x3FB5] =	sst s0  }
0x18: {  	s0 =	sld [smem:$0x3F98];
	_ =	swait.ge [sflag:s4], $0x0  }
0x19: {  	s7 =	sld [smem:$0x3F99]  }
0x1a: {  	s8 =	sadd.s32 $0xFFFFE003, lr  }
0x1b: {  	s9 =	sadd.s32 $0xFFFFFEF7, lr;
	s5 =	simm.s32 $0xFFFFFFFF;
	p2 =	slt.u32 s8, $0xFFFFF086  }
0x1c: {  	p1 =	slt.u32 s9, $0xF7A;
	s5 =	simm.s32 @!p2 $0x0  }
0x1d: {  	s5 =	simm.s32 @p1 $0x1;
	p0 =	seq.s32 s7, s2  }
0x1e: {  	s7 =	smul.u32 @!p0 $0xF7A, s2;
	p2 =	seq.s32 @!p0 s5, $0x0  }
0x1f: {  	s9 =	smul.u32 $0xF7A, s1;
	s8 =	simm.s32 @!p0 $0x1BF5;
	p2 =	por !p2, p0  }
0x20: {  	[sflag:s8] =	ssyncset.s32 @!p0 $0xFFFFF086;
	s6 =	sadd.s32 @!p0 s3, s7;
	s7 =	simm.s32 @!p0 $0x108  }
0x21: {  	s3 =	sadd.s32 s3, s9;
	s6 =	sadd.s32 @!p0 $0x88, s6;
	s7 =	simm.s32 @p2 $0x1082  }
0x22: {  	[simem:s7], [sflag:s8] =	dma.local @!p0 [hbm:s6], $0xF7A  }
0x23: {  	s9 =	sor.u32 $0xD0000000, s2;
	s6 =	simm.s32 $0x108;
	_ =	swait.ge @!p0 [sflag:s8], $0x0  }
0x24: {  	s3 =	sadd.s32 $0x88, s3;
	s6 =	simm.s32 @!p1 $0x1082;
	[sflag:s4] =	ssyncset.s32 $0xFFFFF086  }
0x25: {  	[simem:s6], [sflag:s4] =	dma.local [hbm:s3], $0xF7A  }
0x26: {  	[smem:$0x3F99] =	sst s1;
	(tag) =	ssettag s2;
	_ =	strace s9  }
0x27: {  	s1 =	sld [smem:$0x3FA9]  }
0x28: {  	s2 =	sld [smem:$0x3FAA]  }
0x29: {  	s4 =	sld [smem:$0x3FAC]  }
0x2a: {  	p0 =	seq.s32 s5, $0x0;
	s5 =	sld [smem:$0x3FAD]  }
0x2b: {  	s6 =	sld [smem:$0x3FAE]  }
0x2c: {  	s7 =	sld [smem:$0x3FAF]  }
0x2d: {  	s3 =	simm.s32 $0x108;
	s8 =	sld [smem:$0x3FB0]  }
0x2e: {  	s3 =	simm.s32 @!p0 $0x1082;
	s9 =	sld [smem:$0x3FB1]  }
0x2f: {  	lr =	sadd.s32 s0, s3;
	s0 =	sld [smem:$0x3FA8]  }
0x30: {  	s3 =	sld [smem:$0x3FAB]  }
0x31: {  	[smem:$0x3FB4] =	sst s10  }
0x32: {  	s10 =	sld [smem:$0x3FB2];
	_ =	sdelay $0x3  }
0x33: {  	p0 =	seq.s32 s10, $0x1;
	s10 =	sld [smem:$0x3FB4];
	_ =	sdelay $0x3  }
0x34: {  	[smem:$0x3FB4] =	sst s10  }
0x35: {  	s10 =	sld [smem:$0x3FB3];
	_ =	sdelay $0x3  }
0x36: {  	p1 =	seq.s32 s10, $0x1;
	s10 =	sld [smem:$0x3FB4];
	_ =	sdelay $0x3  }
0x37: {  	[smem:$0x3FB4] =	sst s10  }
0x38: {  	s10 =	sld [smem:$0x3FB5]  }
0x39: {  	_ = 	snop;
	(pc) =	sbr.ind lr, $3  }
0x3a: {  	_ = 	snop  }
0x3b: {  	_ = 	snop  }
0x3c: {  	p2 =	seq.s32 s10, $0x1;
	s10 =	sld [smem:$0x3FB4]  }
0x3d: {  	_ =	shalt  }
0x3e: {  	_ =	shalt  }
0x3f: {  	_ =	shalt  }
0x40: {  	_ =	shalt  }
0x41: {  	_ =	shalt  }
0x42: {  	_ =	shalt  }
0x43: {  	_ =	shalt  }
0x44: {  	_ =	shalt  }
0x45: {  	_ =	shalt  }
0x46: {  	_ =	shalt  }
0x47: {  	_ =	shalt  }
0x48: {  	_ =	shalt  }
0x49: {  	_ =	shalt  }
0x4a: {  	_ =	shalt  }
0x4b: {  	_ =	shalt  }
0x4c: {  	_ =	shalt  }
0x4d: {  	_ =	shalt  }
0x4e: {  	_ =	shalt  }
0x4f: {  	_ =	shalt  }
0x50: {  	_ =	shalt  }
0x51: {  	_ =	shalt  }
0x52: {  	_ =	shalt  }
0x53: {  	_ =	shalt  }
0x54: {  	_ =	shalt  }
0x55: {  	_ =	shalt  }
0x56: {  	_ =	shalt  }
0x57: {  	_ =	shalt  }
0x58: {  	_ =	shalt  }
0x59: {  	_ =	shalt  }
0x5a: {  	_ =	shalt  }
0x5b: {  	_ =	shalt  }
0x5c: {  	_ =	shalt  }
0x5d: {  	_ =	shalt  }
0x5e: {  	_ =	shalt  }
0x5f: {  	_ =	shalt  }
0x60: {  	_ =	shalt  }
0x61: {  	_ =	shalt  }
0x62: {  	_ =	shalt  }
0x63: {  	_ =	shalt  }
0x64: {  	_ =	shalt  }
0x65: {  	_ =	shalt  }
0x66: {  	_ =	shalt  }
0x67: {  	_ =	shalt  }
0x68: {  	_ =	shalt  }
0x69: {  	_ =	shalt  }
0x6a: {  	_ =	shalt  }
0x6b: {  	_ =	shalt  }
0x6c: {  	_ =	shalt  }
0x6d: {  	_ =	shalt  }
0x6e: {  	_ =	shalt  }
0x6f: {  	_ =	shalt  }
0x70: {  	_ =	shalt  }
0x71: {  	_ =	shalt  }
0x72: {  	_ =	shalt  }
0x73: {  	_ =	shalt  }
0x74: {  	_ =	shalt  }
0x75: {  	_ =	shalt  }
0x76: {  	_ =	shalt  }
0x77: {  	_ =	shalt  }
0x78: {  	_ =	shalt  }
0x79: {  	_ =	shalt  }
0x7a: {  	_ =	shalt  }
0x7b: {  	_ =	shalt  }
0x7c: {  	_ =	shalt  }
0x7d: {  	_ =	shalt  }
0x7e: {  	_ =	shalt  }
0x7f: {  	_ =	shalt  }
0x80: {  	_ =	shalt  }
0x81: {  	_ =	shalt  }
0x82: {  	_ =	shalt  }
0x83: {  	_ =	shalt  }
0x84: {  	_ =	shalt  }
0x85: {  	_ =	shalt  }
0x86: {  	_ =	shalt  }
0x87: {  	_ =	shalt  }
.Lfunc_end0:
.L_simem_size_0:
called_computation.1_lowered:
.L_overlay_start_0:
0x88: {  	s2 =	sld [smem:$0x3FD9]  }
0x89: {  	s3 =	sld [smem:$0x3FFE];
	_ =	sdelay $0x1  }
0x8a: {  	s1 =	srdreg.scid  }
0x8b: {  	s0 =	sand.u32 $0x1, s1  }
0x8c: {  	s17 =	sshll.u32 s0, $0xA;
	s2 =	sadd.s32 s3, s2  }
0x8d: {  	s2 =	sadd.s32 s2, s17  }
0x8e: {  	[smem:$0x3FC0] =	sst s2  }
0x8f: {  	_ = 	snop  }
0x90: {  	(tm) =	ssettm $0x1  }
0x91: {  	s18 =	sld [smem:$0x3FFB];
	_ =	sdelay $0x3  }
0x92: {  	_ =	strace s18  }
0x93: {  	s2 =	sld [smem:$0x3FFC];
	_ =	sdelay $0x3  }
0x94: {  	_ =	strace s2  }
0x95: {  	s2 =	sld [smem:$0x3FFD];
	_ =	sdelay $0x3  }
0x96: {  	_ =	strace s2  }
0x97: {  	_ =	strace $0x8FFFFFFF  }
0x98: {  	s19 =	sld [smem:$0x3FDB];
	_ =	sdelay $0x1  }
0x99: {  	s20 =	simm.s32 $_scs_section_size  }
0x9a: {  	s4 =	simm.s32 $_size__tile_overlayer_lowered;
	s5 =	simm.s32 $_tile_overlayer_lowered  }
0x9b: {  	s6 =	simm.s32 $0x1BFF;
	s21 =	sshll.u32 s5, $0x1;
	s3 =	sadd.s32 s20, s19  }
0x9c: {  	s22 =	simm.s32 $0x0;
	s4 =	sshll.u32 s4, $0x1;
	s5 =	sadd.s32 s21, s3  }
0x9d: {  	[timem:s22], [sflag:s6] =	dma.local [hbm:s5], s4  }
0x9e: {  	_ =	swait.ge [sflag:s6], s4  }
0x9f: {  	s4 =	ssub.s32 $0x0, s4;
	[sflag:s6] =	ssyncset.done $0x0  }
0xa0: {  	[sflag:s6] =	ssyncadd.s32 s4;
	_ =	sdelay $0x1  }
0xa1: {  	s23 =	simm.s32 $0x1B8B  }
0xa2: {  	_ =	swait.ge [sflag:s23], $0x1  }
0xa3: {  	[sflag:s23] =	ssyncset.done $0x0  }
0xa4: {  	[sflag:s23] =	ssyncadd.s32 $0xFFFFFFFF  }
0xa5: {  	s4 =	sld [smem:$0x0]  }
0xa6: {  	s5 =	sand.u32 $0xFFFFFFFE, s1  }
0xa7: {  	p0 =	sne.s32 s1, s5  }
0xa8: {  	s5 =	sshll.u32 @p0 s5, $0xE  }
0xa9: {  	s5 =	sadd.s32 @p0 $0x11B8D, s5;
	s6 =	sshll.u32 @p0 s4, $0x11  }
0xaa: {  	s5 =	sor.u32 @p0 s6, s5  }
0xab: {  	[sflag:s5] =	ssyncadd.remote.s32 @p0 $0x1;
	_ =	sdelay $0x1  }
0xac: {  	s5 =	simm.s32 @p0 $0x1B8D  }
0xad: {  	_ =	swait.eq @p0 [sflag:s5], $0x1  }
0xae: {  	[sflag:s5] =	ssyncadd.s32 @p0 $0xFFFFFFFF  }
0xaf: {  	s6 =	sshll.u32 @!p0 s1, $0xE  }
0xb0: {  	s6 =	sor.u32 @!p0 $0x4000, s6;
	s5 =	simm.s32 @!p0 $0x1B8D  }
0xb1: {  	s4 =	sshll.u32 @!p0 s4, $0x11;
	s6 =	sadd.s32 @!p0 $0x11B8D, s6;
	_ =	swait.eq @!p0 [sflag:s5], $0x1  }
0xb2: {  	s4 =	sor.u32 @!p0 s4, s6;
	[sflag:s5] =	ssyncadd.s32 @!p0 $0xFFFFFFFF  }
0xb3: {  	s25 =	simm.s32 $0x1B8E;
	s24 =	sld [smem:$0x3FFE];
	[sflag:s4] =	ssyncadd.remote.s32 @!p0 $0x1  }
0xb4: {  	s26 =	simm.s32 $execute0_lowered;
	[smem:$0x3FD2] =	sst s25  }
0xb5: {  	s5 =	sshll.u32 s26, $0x1;
	_ =	strace $0x80000049;
	[dreg:$0x1] =	wrdreg $0xFFFFFFFF  }
0xb6: {  	s28 =	simm.s32 $_size_execute0_lowered;
	s3 =	sadd.s32 s3, s5;
	[dreg:$0x0] =	wrdreg $0x0  }
0xb7: {  	s5 =	sshll.u32 s28, $0x1;
	[dreg:$0x2] =	wrdreg s3  }
0xb8: {  	[dreg:$0x3] =	wrdreg s5  }
0xb9: {  	[dreg:$0x4] =	wrdreg $0xC0  }
0xba: {  	_ =	task [dreg:s22], $0x5FFFF  }
0xbb: {  	[dreg:$0x1] =	wrdreg $0xFFFFFFFF  }
0xbc: {  	[dreg:$0x0] =	wrdreg $0x60  }
0xbd: {  	[dreg:$0x2] =	wrdreg s24  }
0xbe: {  	[dreg:$0x3] =	wrdreg $0x50000  }
0xbf: {  	[dreg:$0x4] =	wrdreg $0xA  }
0xc0: {  	_ =	task.clear_ibuf [dreg:s22], $0x5FFFF;
	_ =	strace $0x90000049  }
0xc1: {  	s29 =	simm.s32 $0xA;
	_ =	strace $0x8000004B  }
0xc2: {  	_ =	swait.ge [sflag:s29], $0x1  }
0xc3: {  	[sflag:s29] =	ssyncadd.s32 $0xFFFFFFFF  }
0xc4: {  	_ =	strace $0x9000004B  }
0xc5: {  	_ =	sfence  }
0xc6: {  	s30 =	sld [smem:$0x0];
	_ =	sdelay $0x2  }
0xc7: {  	s31 =	sshll.u32 s1, $0xD;
	s1 =	sshrl.u32 s1, $0x2  }
0xc8: {  	s4 =	sand.u32 $0x4000, s31;
	s1 =	sadd.s32 s1, s30  }
0xc9: {  	s0 =	sor.u32 s4, s0;
	s1 =	sshll.u32 s1, $0x11  }
0xca: {  	s0 =	sor.u32 s1, s0  }
0xcb: {  	s0 =	sadd.s32 $0x8F2B, s0  }
0xcc: {  	[sflag:s0] =	ssyncadd.remote.s32 $0x1  }
0xcd: {  	_ =	sfence.sel $0xFFFF  }
0xce: {  	[dreg:$0x0] =	wrdreg $0xFFFFFFFF;
	(pc) =	sbr.abs _section_cstart, $3  }
0xcf: {  	[dreg:$0x1] =	wrdreg $0xFFFFFFFF  }
0xd0: {  	_ =	task.clear_ibuf [dreg:s22], $0x2FFFF;
	_ =	strace $0x9FFFFFFF  }
0xd1: {  	(tm) =	ssettm $0x7FFFFFFF  }
tec
execute0_lowered:
.L_overlay_start_1:
0x0: {  	(tag) =	ssettag $0x1  }
0x1: {  	s0 =	srdreg.scid;
	s3 =	rddreg [dreg:$0x0]  }
0x2: {  	s1 =	rddreg [dreg:$0x1];
	s6 =	stileid.u32;
	s2 =	simm.s32 $0x0  }
0x3: {  	s9 =	simm.s32 $0x2800;
	s4 =	sand.u32 $0x1, s0;
	s0 =	rddreg [dreg:$0x2]  }
0x4: {  	s10 =	simm.s32 $0x0;
	[smem:$0x7FF] =	sst s2;
	s5 =	sshll.u32 s4, $0x4  }
0x5: {  	p0 =	sne.s32 s6, $0x0;
	s4 =	ssub.s32 $0x2, s4;
	s7 =	sor.u32 s6, s5  }
0x6: {  	_ =	strace $0x8000004A;
	s8 =	sshrl.u32 s4, $0x1;
	s7 =	smul.u32 $0x500, s7  }
0x7: {  	s5 =	sadd.s32 s5, s3;
	s6 =	simm.s32 $0x1;
	s8 =	ssub.s32 s4, s8  }
0x8: {  	s4 =	sadd.s32 $0x32200, s5;
	s5 =	smax.u32 s8, $0x1;
	s7 =	sadd.s32 s7, s3  }
0x9: {  	v0 =	vimm.f32 $1.000000000e+00;
	v1 =	vimm.f32 $0.0e+00;
	s8 =	simm.s32 $0x7D;
	s3 =	sadd.s32 $0x28200, s7;
	s7 =	simm.s32 $0x2880  }
.LBB2_1:
0xa: {  	[tilespmem:s2], [sflag:$0x1] =	stream.linear.gather [hbm4b:s3+s2], $0x2800, $0x38;
	[tilespmem:$0x5278] =	vst v63  }
0xb: {  	_ =	swait.ge [sflag:s6], $0x2800  }
0xc: {  	[sflag:s6] =	ssyncset.done $0x0  }
0xd: {  	[sflag:s6] =	ssyncadd.s32 $0xFFFFD800  }
0xe: {  	[tilespmem:$0x2800] =	vst v0  }
0xf: {  	[tilespmem:$0x2810] =	vst v0  }
0x10: {  	[tilespmem:$0x2820] =	vst v0  }
.Ltmp0:
0x11: {  	[tilespmem:$0x2830] =	vst v0;
	(pc) =	sbr.rel @p0 .LBB2_5-.Ltmp0, $4  }
0x12: {  	[tilespmem:$0x2840] =	vst v0  }
0x13: {  	[tilespmem:$0x2850] =	vst v0  }
0x14: {  	[tilespmem:$0x2860] =	vst v0  }
0x15: {  	[tilespmem:$0x2870] =	vst v0  }
0x16: {  	s11 =	simm.s32 $0x40;
	s12 =	simm.s32 $0x0  }
.LBB2_3:
0x17: {  	p1 =	sne.s32 s11, $0x9C00;
	[tilespmem:s12+$0x2880] =	vst v1;
	s12 =	smov.u32 s11;
	s11 =	sadd.s32 $0x40, s11  }
.Ltmp1:
0x18: {  	(pc) =	sbr.rel @p1 .LBB2_3-.Ltmp1, $2  }
0x19: {  	_ =	sdelay $0x2  }
0x1a: {  	s12 =	sshra.s32 s12, $0x2  }
0x1b: {  	[tilespmem:s12+$0x2880] =	vst v1  }
0x1c: {  	[spmem:s1] =	stream.linear.scatter [tilespmem:s7], [sflag:$0x1], $0x2780, $0x38;
	[tilespmem:$0x5278] =	vst v63  }
0x1d: {  	_ =	swait.ge [sflag:s6], $0x2780  }
0x1e: {  	[sflag:s6] =	ssyncset.done $0x0  }
0x1f: {  	[sflag:s6] =	ssyncadd.s32 $0xFFFFD880  }
.LBB2_5:
0x20: {  	[bflag:$0x0] =	sbarrier.arrive $0xFFFF;
	s11 =	simm.s32 $0x0  }
0x21: {  	[spmem:s1] =	stream.indirect.scatter.add.f32 [tilespmem:s9], [sflag:$0x1], $0x1, s11, s8, $0xb8;
	[tilespmem:$0x5278] =	vst v63  }
0x22: {  	_ =	swait.ge [sflag:s6], $0x7D  }
0x23: {  	s11 =	simm.s32 $0x200;
	[sflag:s6] =	ssyncset.done $0x0  }
.LBB2_6:
0x24: {  	s12 =	sshra.s32 s11, $0x2;
	[sflag:s6] =	ssyncadd.s32 $0xFFFFFF83;
	p1 =	sne.s32 s11, $0x9E00  }
0x25: {  	[spmem:s1] =	stream.indirect.scatter.add.f32 [tilespmem:s9], [sflag:$0x1], $0x1, s12, s8, $0xb8;
	[tilespmem:$0x5278] =	vst v63  }
.Ltmp2:
0x26: {  	_ = 	snop;
	(pc) =	sbr.rel @p1 .LBB2_6-.Ltmp2, $4  }
0x27: {  	_ = 	snop  }
0x28: {  	s11 =	sadd.s32 $0x200, s11  }
0x29: {  	_ =	swait.ge [sflag:s6], $0x7D  }
0x2a: {  	[sflag:s6] =	ssyncset.done $0x0  }
0x2b: {  	[sflag:s6] =	ssyncadd.s32 $0xFFFFFF83  }
0x2c: {  	s11 =	simm.s32 @!p0 $0x2880;
	s12 =	simm.s32 @!p0 $0x1;
	[bflag:$0x0] =	sbarrier.arrive $0xFFFF  }
0x2d: {  	[tilespmem:s11], [sflag:$0x1] =	stream.linear.gather @!p0 [spmem:s1], $0x2780, $0x38;
	[tilespmem:$0x5278] =	vst v63  }
0x2e: {  	s10 =	sadd.s32 $0x1, s10;
	_ =	swait.ge @!p0 [sflag:s12], $0x2780  }
0x2f: {  	s13 =	simm.s32 @!p0 $0x80;
	p1 =	sne.s32 s10, s5;
	[sflag:s12] =	ssyncset.done @!p0 $0x0  }
.Ltmp3:
0x30: {  	s14 =	simm.s32 @!p0 $0x100;
	[sflag:s12] =	ssyncadd.s32 @!p0 $0xFFFFD880;
	(pc) =	sbr.rel @p1 .LBB2_1-.Ltmp3, $4  }
0x31: {  	[hbm4b:s4+s13] =	stream.strided.scatter @!p0 [tilespmem:s11], [sflag:$0x1], $0x2780, s14, s13, $0x38;
	[tilespmem:$0x5278] =	vst v63  }
0x32: {  	_ =	swait.ge @!p0 [sflag:s12], $0x2780  }
0x33: {  	[sflag:s12] =	ssyncset.done @!p0 $0x0  }
0x34: {  	[sflag:s12] =	ssyncadd.s32 @!p0 $0xFFFFD880  }
0x35: {  	_ =	sfence.sel $0x180000  }
0x36: {  	[bflag:$0x0] =	sbarrier.arrive $0xFFFF  }
0x37: {  	_ =	strace $0x9000004A  }
0x38: {  	s0 =	sadd.s32 @!p0 $0x100000, s0;
	[bflag:$0x2] =	sbarrier.arrive $0xFFFF  }
0x39: {  	[sflag:s0] =	ssyncadd.tile.s32 @!p0 $0x1;
	_ =	shalt  }
.Lfunc_end2:
_tile_overlayer_lowered:
.L_overlay_start_2:
0x3a: {  	(tag) =	ssettag $0x2  }
0x3b: {  	s0 =	rddreg [dreg:$0x0];
	s2 =	stileid.u32  }
0x3c: {  	s1 =	rddreg [dreg:$0x1];
	p0 =	sne.s32 s2, $0x0  }
0x3d: {  	s3 =	rddreg [dreg:$0x2];
	[bflag:$0x3] =	sbarrier.arrive $0xFFFF;
	s2 =	simm.s32 @!p0 $0x1C01  }
0x3e: {  	[timem:s3], [sflag:s2] =	dma.local @!p0 [hbm:s0], s1  }
0x3f: {  	s0 =	simm.s32 @!p0 $0x1  }
0x40: {  	_ =	swait.ge @!p0 [sflag:s0], s1  }
0x41: {  	s1 =	ssub.s32 @!p0 $0x0, s1;
	[sflag:s0] =	ssyncset.done @!p0 $0x0  }
0x42: {  	[sflag:s0] =	ssyncadd.s32 @!p0 s1  }
0x43: {  	[bflag:$0x3] =	sbarrier.arrive $0xFFFF  }
0x44: {  	_ =	shalt  }

</sc_bundles>
